<compile_context>
chip_gen: v7x
topology: tpu7x:2x2x1
jax: 0.10.2.dev20260603
libtpu: 0.0.44.dev20260713+nightly
codegen_flags: <defaults>
</compile_context>

<pallas_src>
import functools

import jax
import jax.numpy as jnp
from jax import lax
from jax.experimental import pallas as pl
from jax.experimental.pallas import tpu as pltpu
from jax.experimental.pallas import tpu_sc as plsc

_H2 = 0.03 * 0.03
_B = 8
_N = 1024
_LANES = 16
_NWORK = 32
_SC_ROWS = 640
_TC_ROWS = _N - _SC_ROWS
_TC_TILE = 128
_ROWS_PER_W = _B * _SC_ROWS // _NWORK
_RG = 4
_NCHUNK = _N // _LANES


def _sc_body(pts, out, pv, ov):
    cid = lax.axis_index("c")
    sid = lax.axis_index("s")
    wid = sid * 2 + cid
    b = wid // 4
    base = (wid % 4) * _ROWS_PER_W

    pltpu.sync_copy(pts.at[b], pv)

    keep = lax.iota(jnp.int32, _LANES) < 5

    def group(g, acc):
        row0 = base + g * _LANES
        qxv = pv[pl.ds(row0, _LANES)]
        qyv = pv[pl.ds(_N + row0, _LANES)]
        qzv = pv[pl.ds(2 * _N + row0, _LANES)]
        for sub in range(_LANES // _RG):
            qs = []
            for j in range(_RG):
                lane = sub * _RG + j
                qs.append((jnp.full((_LANES,), qxv[lane]),
                           jnp.full((_LANES,), qyv[lane]),
                           jnp.full((_LANES,), qzv[lane])))
            inf16 = jnp.full((_LANES,), jnp.inf, jnp.float32)

            def chunk(c, tops):
                off = c * (2 * _LANES)
                vx1 = pv[pl.ds(off, _LANES)]
                vy1 = pv[pl.ds(_N + off, _LANES)]
                vz1 = pv[pl.ds(2 * _N + off, _LANES)]
                vx2 = pv[pl.ds(off + _LANES, _LANES)]
                vy2 = pv[pl.ds(_N + off + _LANES, _LANES)]
                vz2 = pv[pl.ds(2 * _N + off + _LANES, _LANES)]
                new = []
                for j in range(_RG):
                    qx, qy, qz = qs[j]
                    dx1 = vx1 - qx
                    dy1 = vy1 - qy
                    dz1 = vz1 - qz
                    d1 = dx1 * dx1 + dy1 * dy1 + dz1 * dz1
                    dx2 = vx2 - qx
                    dy2 = vy2 - qy
                    dz2 = vz2 - qz
                    d2 = dx2 * dx2 + dy2 * dy2 + dz2 * dz2
                    s1 = lax.sort(d1, dimension=0, is_stable=False)
                    s2d, _ = plsc.sort_key_val(d2, d2, descending=True)
                    p = jnp.minimum(s1, s2d)
                    pd, _ = plsc.sort_key_val(p, p, descending=True)
                    merged = jnp.minimum(tops[j], pd)
                    new.append(lax.sort(merged, dimension=0, is_stable=False))
                return tuple(new)

            tops = lax.fori_loop(0, _NCHUNK // 2, chunk, (inf16,) * _RG,
                                 unroll=2)
            for j in range(_RG):
                s5 = tops[j]
                contrib = -s5 * jnp.exp(-s5 / _H2)
                acc = acc + jnp.where(keep, contrib, 0.0)
        return acc

    acc = lax.fori_loop(0, _ROWS_PER_W // _LANES, group,
                        jnp.zeros((_LANES,), jnp.float32))
    ov[...] = acc
    pltpu.sync_copy(ov, out.at[wid])


_repulsion_sc = functools.partial(
    pl.kernel,
    mesh=plsc.VectorSubcoreMesh(core_axis_name="c", subcore_axis_name="s"),
    compiler_params=pltpu.CompilerParams(needs_layout_passes=False),
    out_type=jax.ShapeDtypeStruct((_NWORK, _LANES), jnp.float32),
    scratch_types=[
        pltpu.VMEM((3 * _N,), jnp.float32),
        pltpu.VMEM((_LANES,), jnp.float32),
    ],
)(_sc_body)


def _tc_body(qx_ref, qy_ref, qz_ref, px_ref, py_ref, pz_ref, out_ref):
    t = pl.program_id(1)
    qx = qx_ref[0, 0].reshape(_TC_TILE, 1)
    qy = qy_ref[0, 0].reshape(_TC_TILE, 1)
    qz = qz_ref[0, 0].reshape(_TC_TILE, 1)
    px = px_ref[0]
    py = py_ref[0]
    pz = pz_ref[0]
    d = (qx - px) ** 2 + (qy - py) ** 2 + (qz - pz) ** 2
    ci = lax.broadcasted_iota(jnp.int32, (_TC_TILE, _N), 1)
    ri = lax.broadcasted_iota(jnp.int32, (_TC_TILE, _N), 0)
    diag = ci == ri + (_SC_ROWS + t * _TC_TILE)
    d = jnp.where(diag, jnp.inf, d)
    got = jnp.zeros((_TC_TILE, 1), jnp.float32)
    part = jnp.zeros((), jnp.float32)
    for _ in range(4):
        mv = jnp.min(d, axis=1, keepdims=True)
        hit = d == mv
        cnt = jnp.sum(hit.astype(jnp.float32), axis=1, keepdims=True)
        take = jnp.clip(4.0 - got, 0.0, cnt)
        part = part + jnp.sum(take * (-mv * jnp.exp(-mv / _H2)))
        got = got + take
        d = jnp.where(hit, jnp.inf, d)

    @pl.when((pl.program_id(0) == 0) & (pl.program_id(1) == 0))
    def _():
        out_ref[...] = jnp.zeros((1, 1), jnp.float32)

    out_ref[...] += part.reshape(1, 1)


def _tc_q_spec(coord):
    return pl.BlockSpec(
        (1, 1, _TC_TILE),
        lambda b, t, c=coord:
            (b * (3 * _N // _TC_TILE) + (c * _N + _SC_ROWS) // _TC_TILE + t,
             0, 0))


def _tc_p_spec(coord):
    return pl.BlockSpec((1, 1, _N), lambda b, t, c=coord: (b * 3 + c, 0, 0))


_repulsion_tc = pl.pallas_call(
    _tc_body,
    grid=(_B, _TC_ROWS // _TC_TILE),
    in_specs=[_tc_q_spec(0), _tc_q_spec(1), _tc_q_spec(2),
              _tc_p_spec(0), _tc_p_spec(1), _tc_p_spec(2)],
    out_specs=pl.BlockSpec((1, 1), lambda b, t: (0, 0)),
    out_shape=jax.ShapeDtypeStruct((1, 1), jnp.float32),
)


def kernel(pc):
    pts = jnp.transpose(pc, (0, 2, 1)).reshape(_B, 3 * _N)
    partials = _repulsion_sc(pts)
    ptsq = pts.reshape(_B * 3 * _N // _TC_TILE, 1, _TC_TILE)
    ptsp = pts.reshape(_B * 3, 1, _N)
    tc_part = _repulsion_tc(ptsq, ptsq, ptsq, ptsp, ptsp, ptsp)
    return jnp.sum(partials) + tc_part[0, 0]

# --- scband reference (transcript-rebuilt; emitter-appended) ---
"""Pipeline reference for scband-repulsion-loss-1580547972159 (READ-ONLY COPY).

The authoritative reference and input builder live on the scoring server;
editing this copy changes nothing except your own understanding.
"""

import jax, jax.numpy as jnp
import numpy as np

KNN = 4
H = 0.03
OFFSET = 1


def setup_inputs(seed: int = 0) -> dict:
    key = jax.random.key(seed)
    pc = jax.random.normal(key, (8, 1024, 3), dtype=jnp.float32)
    return {"pc": pc}


def reference(pc):
    # pos == query == pc; dist[b, m, n] = ||pos[b, n] - query[b, m]||^2
    pos_e = pc[:, None, :, :]    # (B, 1, N, F)
    query_e = pc[:, :, None, :]  # (B, M, 1, F)
    dist = jnp.sum((pos_e - query_e) ** 2, axis=3)  # (B, M, N)
    knn_idx = jnp.argsort(dist, axis=2)[:, :, OFFSET:KNN + OFFSET]  # (B, M, k)
    knn_dist = jnp.take_along_axis(dist, knn_idx, axis=2)           # (B, M, k)
    weight = jnp.exp(-knn_dist / H ** 2)
    loss = jnp.sum(-knn_dist * weight)
    return loss

if __name__ == "__main__":
    import jax
    _d = setup_inputs()
    print(jax.jit(kernel)(*tuple(_d.values())))

</pallas_src>

<mosaic_0001>
#map = affine_map<(d0, d1) -> (0, 0)>
module attributes {stable_mosaic.version = 14 : i64} {
  func.func @_sc_body(%arg0: i32, %arg1: i32, %arg2: memref<8x3072xf32, #tpu.memory_space<hbm>>, %arg3: memref<32x16xf32, #tpu.memory_space<hbm>>, %arg4: memref<3072xf32, #tpu.memory_space<vmem>>, %arg5: memref<16xf32, #tpu.memory_space<vmem>>) attributes {dimension_semantics = [#tpu.dimension_semantics<core_parallel>, #tpu.dimension_semantics<subcore_parallel>], iteration_bounds = array<i64: 2, 16>, scalar_prefetch = 0 : i64, scratch_operands = 2 : i64, tpu.core_type = #tpu.core_type<sc_vector_subcore>, window_params = [{transform_indices = #map}, {transform_indices = #map}]} {
    %mul3A = arith.constant 2 : i32
    %mul3A_0 = arith.muli %arg1, %mul3A : i32
    %add3A = arith.addi %mul3A_0, %arg0 : i32
    %jit3A = arith.constant 4 : i32
    %div3A = arith.divsi %add3A, %jit3A : i32
    %sign3A = arith.constant 0 : i32
    %sign3A_1 = arith.cmpi sgt, %add3A, %sign3A : i32
    %sign3A_2 = arith.extui %sign3A_1 : i1 to i32
    %sign3A_3 = arith.constant 0 : i32
    %sign3A_4 = arith.cmpi slt, %add3A, %sign3A_3 : i32
    %sign3A_5 = arith.extui %sign3A_4 : i1 to i32
    %sign3A_6 = arith.subi %sign3A_2, %sign3A_5 : i32
    %sign3A_7 = arith.constant 0 : i32
    %sign3A_8 = arith.cmpi sgt, %jit3A, %sign3A_7 : i32
    %sign3A_9 = arith.extui %sign3A_8 : i1 to i32
    %sign3A_10 = arith.constant 0 : i32
    %sign3A_11 = arith.cmpi slt, %jit3A, %sign3A_10 : i32
    %sign3A_12 = arith.extui %sign3A_11 : i1 to i32
    %sign3A_13 = arith.subi %sign3A_9, %sign3A_12 : i32
    %ne3A = arith.cmpi ne, %sign3A_6, %sign3A_13 : i32
    %rem3A = arith.remsi %add3A, %jit3A : i32
    %ne3A_14 = arith.constant 0 : i32
    %ne3A_15 = arith.cmpi ne, %rem3A, %ne3A_14 : i32
    %and3A = arith.andi %ne3A, %ne3A_15 : i1
    %sub3A = arith.constant 1 : i32
    %sub3A_16 = arith.subi %div3A, %sub3A : i32
    %select_n3A = arith.select %and3A, %sub3A_16, %div3A : i32
    %jit3A_17 = arith.constant 4 : i32
    %eq3A = arith.constant 0 : i32
    %eq3A_18 = arith.cmpi eq, %jit3A_17, %eq3A : i32
    %jit3A_19 = arith.constant 1 : i32
    %select_n3A_20 = arith.select %eq3A_18, %jit3A_19, %jit3A_17 : i32
    %rem3A_21 = arith.remsi %add3A, %select_n3A_20 : i32
    %ne3A_22 = arith.constant 0 : i32
    %ne3A_23 = arith.cmpi ne, %rem3A_21, %ne3A_22 : i32
    %lt3A = arith.constant 0 : i32
    %lt3A_24 = arith.cmpi slt, %rem3A_21, %lt3A : i32
    %lt3A_25 = arith.constant 0 : i32
    %lt3A_26 = arith.cmpi slt, %select_n3A_20, %lt3A_25 : i32
    %ne3A_27 = arith.xori %lt3A_24, %lt3A_26 : i1
    %and3A_28 = arith.andi %ne3A_27, %ne3A_23 : i1
    %add3A_29 = arith.addi %rem3A_21, %select_n3A_20 : i32
    %select_n3A_30 = arith.select %and3A_28, %add3A_29, %rem3A_21 : i32
    %mul3A_31 = arith.constant 160 : i32
    %mul3A_32 = arith.muli %select_n3A_30, %mul3A_31 : i32
    "tpu.region"() ({
      %run_scoped3A = tpu.sem_alloc : memref<!tpu.dma_semaphore, #tpu.memory_space<semaphore_mem>>
      %dma_start3A = arith.constant 0 : i32
      %dma_start3A_43 = tpu.memref_slice %arg2[%select_n3A, %dma_start3A] : memref<8x3072xf32, #tpu.memory_space<hbm>> -> memref<1x3072xf32, #tpu.memory_space<hbm>>
      %dma_start3A_44 = tpu.memref_squeeze %dma_start3A_43 : memref<1x3072xf32, #tpu.memory_space<hbm>> -> memref<3072xf32, #tpu.memory_space<hbm>>
      %dma_start3A_45 = arith.constant 0 : i32
      %dma_start3A_46 = tpu.memref_slice %arg2[%select_n3A, %dma_start3A_45] : memref<8x3072xf32, #tpu.memory_space<hbm>> -> memref<1x3072xf32, #tpu.memory_space<hbm>>
      %dma_start3A_47 = tpu.memref_squeeze %dma_start3A_46 : memref<1x3072xf32, #tpu.memory_space<hbm>> -> memref<3072xf32, #tpu.memory_space<hbm>>
      tpu.enqueue_dma source(%dma_start3A_47 : memref<3072xf32, #tpu.memory_space<hbm>>) target(%arg4 : memref<3072xf32, #tpu.memory_space<vmem>>) target_semaphore(%run_scoped3A : memref<!tpu.dma_semaphore, #tpu.memory_space<semaphore_mem>>)
      %dma_wait3A = arith.constant 0 : i32
      %dma_wait3A_48 = tpu.memref_slice %arg2[%select_n3A, %dma_wait3A] : memref<8x3072xf32, #tpu.memory_space<hbm>> -> memref<1x3072xf32, #tpu.memory_space<hbm>>
      %dma_wait3A_49 = tpu.memref_squeeze %dma_wait3A_48 : memref<1x3072xf32, #tpu.memory_space<hbm>> -> memref<3072xf32, #tpu.memory_space<hbm>>
      %dma_wait3A_50 = arith.constant 0 : i32
      %dma_wait3A_51 = tpu.memref_slice %arg2[%select_n3A, %dma_wait3A_50] : memref<8x3072xf32, #tpu.memory_space<hbm>> -> memref<1x3072xf32, #tpu.memory_space<hbm>>
      %dma_wait3A_52 = tpu.memref_squeeze %dma_wait3A_51 : memref<1x3072xf32, #tpu.memory_space<hbm>> -> memref<3072xf32, #tpu.memory_space<hbm>>
      tpu.wait_dma2 semaphore(%run_scoped3A : memref<!tpu.dma_semaphore, #tpu.memory_space<semaphore_mem>>) src(%dma_wait3A_52 : memref<3072xf32, #tpu.memory_space<hbm>>) dst(%arg4 : memref<3072xf32, #tpu.memory_space<vmem>>)
      tpu.yield
    }) : () -> ()
    %iota3A = tpu.iota {dimensions = array<i32: 0>} : vector<16xi32>
    %lt3A_33 = arith.constant 5 : i32
    %lt3A_34 = vector.broadcast %lt3A_33 : i32 to vector<16xi32>
    %lt3A_35 = arith.cmpi slt, %iota3A, %lt3A_34 : vector<16xi32>
    %broadcast_in_dim3A = arith.constant 0.000000e+00 : f32
    %broadcast_in_dim3A_36 = vector.broadcast %broadcast_in_dim3A : f32 to vector<16xf32>
    %scan3A = arith.constant 0 : i32
    %scan3A_37 = arith.constant 10 : i32
    %scan3A_38 = arith.addi %scan3A, %scan3A_37 : i32
    %scan3A_39 = arith.constant 1 : i32
    %scan3A_40 = scf.for %scan3A_43 = %scan3A to %scan3A_38 step %scan3A_39 iter_args(%scan3A_44 = %broadcast_in_dim3A_36) -> (vector<16xf32>)  : i32 {
      %mul3A_45 = arith.constant 16 : i32
      %mul3A_46 = arith.muli %scan3A_43, %mul3A_45 : i32
      %add3A_47 = arith.addi %mul3A_32, %mul3A_46 : i32
      %get3A = arith.index_cast %add3A_47 : i32 to index
      %get3A_48 = tpu.vector_load %arg4[%get3A] {strides = array<i32>} : memref<3072xf32, #tpu.memory_space<vmem>>, vector<16xf32>,
      %add3A_49 = arith.constant 1024 : i32
      %add3A_50 = arith.addi %add3A_49, %add3A_47 : i32
      %get3A_51 = arith.index_cast %add3A_50 : i32 to index
      %get3A_52 = tpu.vector_load %arg4[%get3A_51] {strides = array<i32>} : memref<3072xf32, #tpu.memory_space<vmem>>, vector<16xf32>,
      %add3A_53 = arith.constant 2048 : i32
      %add3A_54 = arith.addi %add3A_53, %add3A_47 : i32
      %get3A_55 = arith.index_cast %add3A_54 : i32 to index
      %get3A_56 = tpu.vector_load %arg4[%get3A_55] {strides = array<i32>} : memref<3072xf32, #tpu.memory_space<vmem>>, vector<16xf32>,
      %slice3A = vector.extract_strided_slice %get3A_48 {offsets = [0], sizes = [1], strides = [1]} : vector<16xf32> to vector<1xf32>
      %squeeze3A = vector.extract %slice3A[0] : f32 from vector<1xf32>
      %broadcast_in_dim3A_57 = vector.broadcast %squeeze3A : f32 to vector<16xf32>
      %slice3A_58 = vector.extract_strided_slice %get3A_52 {offsets = [0], sizes = [1], strides = [1]} : vector<16xf32> to vector<1xf32>
      %squeeze3A_59 = vector.extract %slice3A_58[0] : f32 from vector<1xf32>
      %broadcast_in_dim3A_60 = vector.broadcast %squeeze3A_59 : f32 to vector<16xf32>
      %slice3A_61 = vector.extract_strided_slice %get3A_56 {offsets = [0], sizes = [1], strides = [1]} : vector<16xf32> to vector<1xf32>
      %squeeze3A_62 = vector.extract %slice3A_61[0] : f32 from vector<1xf32>
      %broadcast_in_dim3A_63 = vector.broadcast %squeeze3A_62 : f32 to vector<16xf32>
      %slice3A_64 = vector.extract_strided_slice %get3A_48 {offsets = [1], sizes = [1], strides = [1]} : vector<16xf32> to vector<1xf32>
      %squeeze3A_65 = vector.extract %slice3A_64[0] : f32 from vector<1xf32>
      %broadcast_in_dim3A_66 = vector.broadcast %squeeze3A_65 : f32 to vector<16xf32>
      %slice3A_67 = vector.extract_strided_slice %get3A_52 {offsets = [1], sizes = [1], strides = [1]} : vector<16xf32> to vector<1xf32>
      %squeeze3A_68 = vector.extract %slice3A_67[0] : f32 from vector<1xf32>
      %broadcast_in_dim3A_69 = vector.broadcast %squeeze3A_68 : f32 to vector<16xf32>
      %slice3A_70 = vector.extract_strided_slice %get3A_56 {offsets = [1], sizes = [1], strides = [1]} : vector<16xf32> to vector<1xf32>
      %squeeze3A_71 = vector.extract %slice3A_70[0] : f32 from vector<1xf32>
      %broadcast_in_dim3A_72 = vector.broadcast %squeeze3A_71 : f32 to vector<16xf32>
      %slice3A_73 = vector.extract_strided_slice %get3A_48 {offsets = [2], sizes = [1], strides = [1]} : vector<16xf32> to vector<1xf32>
      %squeeze3A_74 = vector.extract %slice3A_73[0] : f32 from vector<1xf32>
      %broadcast_in_dim3A_75 = vector.broadcast %squeeze3A_74 : f32 to vector<16xf32>
      %slice3A_76 = vector.extract_strided_slice %get3A_52 {offsets = [2], sizes = [1], strides = [1]} : vector<16xf32> to vector<1xf32>
      %squeeze3A_77 = vector.extract %slice3A_76[0] : f32 from vector<1xf32>
      %broadcast_in_dim3A_78 = vector.broadcast %squeeze3A_77 : f32 to vector<16xf32>
      %slice3A_79 = vector.extract_strided_slice %get3A_56 {offsets = [2], sizes = [1], strides = [1]} : vector<16xf32> to vector<1xf32>
      %squeeze3A_80 = vector.extract %slice3A_79[0] : f32 from vector<1xf32>
      %broadcast_in_dim3A_81 = vector.broadcast %squeeze3A_80 : f32 to vector<16xf32>
      %slice3A_82 = vector.extract_strided_slice %get3A_48 {offsets = [3], sizes = [1], strides = [1]} : vector<16xf32> to vector<1xf32>
      %squeeze3A_83 = vector.extract %slice3A_82[0] : f32 from vector<1xf32>
      %broadcast_in_dim3A_84 = vector.broadcast %squeeze3A_83 : f32 to vector<16xf32>
      %slice3A_85 = vector.extract_strided_slice %get3A_52 {offsets = [3], sizes = [1], strides = [1]} : vector<16xf32> to vector<1xf32>
      %squeeze3A_86 = vector.extract %slice3A_85[0] : f32 from vector<1xf32>
      %broadcast_in_dim3A_87 = vector.broadcast %squeeze3A_86 : f32 to vector<16xf32>
      %slice3A_88 = vector.extract_strided_slice %get3A_56 {offsets = [3], sizes = [1], strides = [1]} : vector<16xf32> to vector<1xf32>
      %squeeze3A_89 = vector.extract %slice3A_88[0] : f32 from vector<1xf32>
      %broadcast_in_dim3A_90 = vector.broadcast %squeeze3A_89 : f32 to vector<16xf32>
      %broadcast_in_dim3A_91 = arith.constant 0x7F800000 : f32
      %broadcast_in_dim3A_92 = vector.broadcast %broadcast_in_dim3A_91 : f32 to vector<16xf32>
      %scan3A_93 = arith.constant 0 : i32
      %scan3A_94 = arith.constant 32 : i32
      %scan3A_95 = arith.addi %scan3A_93, %scan3A_94 : i32
      %scan3A_96 = arith.constant 2 : i32
      %scan3A_97:4 = scf.for %scan3A_469 = %scan3A_93 to %scan3A_95 step %scan3A_96 iter_args(%scan3A_470 = %broadcast_in_dim3A_92, %scan3A_471 = %broadcast_in_dim3A_92, %scan3A_472 = %broadcast_in_dim3A_92, %scan3A_473 = %broadcast_in_dim3A_92) -> (vector<16xf32>, vector<16xf32>, vector<16xf32>, vector<16xf32>)  : i32 {
        %mul3A_474 = arith.constant 32 : i32
        %mul3A_475 = arith.muli %scan3A_469, %mul3A_474 : i32
        %get3A_476 = arith.index_cast %mul3A_475 : i32 to index
        %get3A_477 = tpu.vector_load %arg4[%get3A_476] {strides = array<i32>} : memref<3072xf32, #tpu.memory_space<vmem>>, vector<16xf32>,
        %add3A_478 = arith.constant 1024 : i32
        %add3A_479 = arith.addi %add3A_478, %mul3A_475 : i32
        %get3A_480 = arith.index_cast %add3A_479 : i32 to index
        %get3A_481 = tpu.vector_load %arg4[%get3A_480] {strides = array<i32>} : memref<3072xf32, #tpu.memory_space<vmem>>, vector<16xf32>,
        %add3A_482 = arith.constant 2048 : i32
        %add3A_483 = arith.addi %add3A_482, %mul3A_475 : i32
        %get3A_484 = arith.index_cast %add3A_483 : i32 to index
        %get3A_485 = tpu.vector_load %arg4[%get3A_484] {strides = array<i32>} : memref<3072xf32, #tpu.memory_space<vmem>>, vector<16xf32>,
        %add3A_486 = arith.constant 16 : i32
        %add3A_487 = arith.addi %mul3A_475, %add3A_486 : i32
        %get3A_488 = arith.index_cast %add3A_487 : i32 to index
        %get3A_489 = tpu.vector_load %arg4[%get3A_488] {strides = array<i32>} : memref<3072xf32, #tpu.memory_space<vmem>>, vector<16xf32>,
        %add3A_490 = arith.constant 1024 : i32
        %add3A_491 = arith.addi %add3A_490, %mul3A_475 : i32
        %add3A_492 = arith.constant 16 : i32
        %add3A_493 = arith.addi %add3A_491, %add3A_492 : i32
        %get3A_494 = arith.index_cast %add3A_493 : i32 to index
        %get3A_495 = tpu.vector_load %arg4[%get3A_494] {strides = array<i32>} : memref<3072xf32, #tpu.memory_space<vmem>>, vector<16xf32>,
        %add3A_496 = arith.constant 2048 : i32
        %add3A_497 = arith.addi %add3A_496, %mul3A_475 : i32
        %add3A_498 = arith.constant 16 : i32
        %add3A_499 = arith.addi %add3A_497, %add3A_498 : i32
        %get3A_500 = arith.index_cast %add3A_499 : i32 to index
        %get3A_501 = tpu.vector_load %arg4[%get3A_500] {strides = array<i32>} : memref<3072xf32, #tpu.memory_space<vmem>>, vector<16xf32>,
        %sub3A_502 = arith.subf %get3A_477, %broadcast_in_dim3A_57 : vector<16xf32>
        %sub3A_503 = arith.subf %get3A_481, %broadcast_in_dim3A_60 : vector<16xf32>
        %sub3A_504 = arith.subf %get3A_485, %broadcast_in_dim3A_63 : vector<16xf32>
        %mul3A_505 = arith.mulf %sub3A_502, %sub3A_502 : vector<16xf32>
        %mul3A_506 = arith.mulf %sub3A_503, %sub3A_503 : vector<16xf32>
        %add3A_507 = arith.addf %mul3A_505, %mul3A_506 : vector<16xf32>
        %mul3A_508 = arith.mulf %sub3A_504, %sub3A_504 : vector<16xf32>
        %add3A_509 = arith.addf %add3A_507, %mul3A_508 : vector<16xf32>
        %sub3A_510 = arith.subf %get3A_489, %broadcast_in_dim3A_57 : vector<16xf32>
        %sub3A_511 = arith.subf %get3A_495, %broadcast_in_dim3A_60 : vector<16xf32>
        %sub3A_512 = arith.subf %get3A_501, %broadcast_in_dim3A_63 : vector<16xf32>
        %mul3A_513 = arith.mulf %sub3A_510, %sub3A_510 : vector<16xf32>
        %mul3A_514 = arith.mulf %sub3A_511, %sub3A_511 : vector<16xf32>
        %add3A_515 = arith.addf %mul3A_513, %mul3A_514 : vector<16xf32>
        %mul3A_516 = arith.mulf %sub3A_512, %sub3A_512 : vector<16xf32>
        %add3A_517 = arith.addf %add3A_515, %mul3A_516 : vector<16xf32>
        %sort3A = arith.constant dense<true> : vector<16xi1>
        %sort3A_518, %sort3A_519, %sort3A_520 = tpu.sort %add3A_509, %add3A_509 masked %sort3A : (vector<16xf32>, vector<16xf32>, vector<16xi1>) -> (vector<16xi1>, vector<16xf32>, vector<16xf32>)
        %masked_sort3A = arith.constant dense<true> : vector<16xi1>
        %masked_sort3A_521, %masked_sort3A_522, %masked_sort3A_523 = tpu.sort %add3A_517, %add3A_517 masked %masked_sort3A {descending = true} : (vector<16xf32>, vector<16xf32>, vector<16xi1>) -> (vector<16xi1>, vector<16xf32>, vector<16xf32>)
        %min3A = arith.minimumf %sort3A_519, %masked_sort3A_522 : vector<16xf32>
        %masked_sort3A_524 = arith.constant dense<true> : vector<16xi1>
        %masked_sort3A_525, %masked_sort3A_526, %masked_sort3A_527 = tpu.sort %min3A, %min3A masked %masked_sort3A_524 {descending = true} : (vector<16xf32>, vector<16xf32>, vector<16xi1>) -> (vector<16xi1>, vector<16xf32>, vector<16xf32>)
        %min3A_528 = arith.minimumf %scan3A_470, %masked_sort3A_526 : vector<16xf32>
        %sort3A_529 = arith.constant dense<true> : vector<16xi1>
        %sort3A_530, %sort3A_531, %sort3A_532 = tpu.sort %min3A_528, %min3A_528 masked %sort3A_529 : (vector<16xf32>, vector<16xf32>, vector<16xi1>) -> (vector<16xi1>, vector<16xf32>, vector<16xf32>)
        %sub3A_533 = arith.subf %get3A_477, %broadcast_in_dim3A_66 : vector<16xf32>
        %sub3A_534 = arith.subf %get3A_481, %broadcast_in_dim3A_69 : vector<16xf32>
        %sub3A_535 = arith.subf %get3A_485, %broadcast_in_dim3A_72 : vector<16xf32>
        %mul3A_536 = arith.mulf %sub3A_533, %sub3A_533 : vector<16xf32>
        %mul3A_537 = arith.mulf %sub3A_534, %sub3A_534 : vector<16xf32>
        %add3A_538 = arith.addf %mul3A_536, %mul3A_537 : vector<16xf32>
        %mul3A_539 = arith.mulf %sub3A_535, %sub3A_535 : vector<16xf32>
        %add3A_540 = arith.addf %add3A_538, %mul3A_539 : vector<16xf32>
        %sub3A_541 = arith.subf %get3A_489, %broadcast_in_dim3A_66 : vector<16xf32>
        %sub3A_542 = arith.subf %get3A_495, %broadcast_in_dim3A_69 : vector<16xf32>
        %sub3A_543 = arith.subf %get3A_501, %broadcast_in_dim3A_72 : vector<16xf32>
        %mul3A_544 = arith.mulf %sub3A_541, %sub3A_541 : vector<16xf32>
        %mul3A_545 = arith.mulf %sub3A_542, %sub3A_542 : vector<16xf32>
        %add3A_546 = arith.addf %mul3A_544, %mul3A_545 : vector<16xf32>
        %mul3A_547 = arith.mulf %sub3A_543, %sub3A_543 : vector<16xf32>
        %add3A_548 = arith.addf %add3A_546, %mul3A_547 : vector<16xf32>
        %sort3A_549 = arith.constant dense<true> : vector<16xi1>
        %sort3A_550, %sort3A_551, %sort3A_552 = tpu.sort %add3A_540, %add3A_540 masked %sort3A_549 : (vector<16xf32>, vector<16xf32>, vector<16xi1>) -> (vector<16xi1>, vector<16xf32>, vector<16xf32>)
        %masked_sort3A_553 = arith.constant dense<true> : vector<16xi1>
        %masked_sort3A_554, %masked_sort3A_555, %masked_sort3A_556 = tpu.sort %add3A_548, %add3A_548 masked %masked_sort3A_553 {descending = true} : (vector<16xf32>, vector<16xf32>, vector<16xi1>) -> (vector<16xi1>, vector<16xf32>, vector<16xf32>)
        %min3A_557 = arith.minimumf %sort3A_551, %masked_sort3A_555 : vector<16xf32>
        %masked_sort3A_558 = arith.constant dense<true> : vector<16xi1>
        %masked_sort3A_559, %masked_sort3A_560, %masked_sort3A_561 = tpu.sort %min3A_557, %min3A_557 masked %masked_sort3A_558 {descending = true} : (vector<16xf32>, vector<16xf32>, vector<16xi1>) -> (vector<16xi1>, vector<16xf32>, vector<16xf32>)
        %min3A_562 = arith.minimumf %scan3A_471, %masked_sort3A_560 : vector<16xf32>
        %sort3A_563 = arith.constant dense<true> : vector<16xi1>
        %sort3A_564, %sort3A_565, %sort3A_566 = tpu.sort %min3A_562, %min3A_562 masked %sort3A_563 : (vector<16xf32>, vector<16xf32>, vector<16xi1>) -> (vector<16xi1>, vector<16xf32>, vector<16xf32>)
        %sub3A_567 = arith.subf %get3A_477, %broadcast_in_dim3A_75 : vector<16xf32>
        %sub3A_568 = arith.subf %get3A_481, %broadcast_in_dim3A_78 : vector<16xf32>
        %sub3A_569 = arith.subf %get3A_485, %broadcast_in_dim3A_81 : vector<16xf32>
        %mul3A_570 = arith.mulf %sub3A_567, %sub3A_567 : vector<16xf32>
        %mul3A_571 = arith.mulf %sub3A_568, %sub3A_568 : vector<16xf32>
        %add3A_572 = arith.addf %mul3A_570, %mul3A_571 : vector<16xf32>
        %mul3A_573 = arith.mulf %sub3A_569, %sub3A_569 : vector<16xf32>
        %add3A_574 = arith.addf %add3A_572, %mul3A_573 : vector<16xf32>
        %sub3A_575 = arith.subf %get3A_489, %broadcast_in_dim3A_75 : vector<16xf32>
        %sub3A_576 = arith.subf %get3A_495, %broadcast_in_dim3A_78 : vector<16xf32>
        %sub3A_577 = arith.subf %get3A_501, %broadcast_in_dim3A_81 : vector<16xf32>
        %mul3A_578 = arith.mulf %sub3A_575, %sub3A_575 : vector<16xf32>
        %mul3A_579 = arith.mulf %sub3A_576, %sub3A_576 : vector<16xf32>
        %add3A_580 = arith.addf %mul3A_578, %mul3A_579 : vector<16xf32>
        %mul3A_581 = arith.mulf %sub3A_577, %sub3A_577 : vector<16xf32>
        %add3A_582 = arith.addf %add3A_580, %mul3A_581 : vector<16xf32>
        %sort3A_583 = arith.constant dense<true> : vector<16xi1>
        %sort3A_584, %sort3A_585, %sort3A_586 = tpu.sort %add3A_574, %add3A_574 masked %sort3A_583 : (vector<16xf32>, vector<16xf32>, vector<16xi1>) -> (vector<16xi1>, vector<16xf32>, vector<16xf32>)
        %masked_sort3A_587 = arith.constant dense<true> : vector<16xi1>
        %masked_sort3A_588, %masked_sort3A_589, %masked_sort3A_590 = tpu.sort %add3A_582, %add3A_582 masked %masked_sort3A_587 {descending = true} : (vector<16xf32>, vector<16xf32>, vector<16xi1>) -> (vector<16xi1>, vector<16xf32>, vector<16xf32>)
        %min3A_591 = arith.minimumf %sort3A_585, %masked_sort3A_589 : vector<16xf32>
        %masked_sort3A_592 = arith.constant dense<true> : vector<16xi1>
        %masked_sort3A_593, %masked_sort3A_594, %masked_sort3A_595 = tpu.sort %min3A_591, %min3A_591 masked %masked_sort3A_592 {descending = true} : (vector<16xf32>, vector<16xf32>, vector<16xi1>) -> (vector<16xi1>, vector<16xf32>, vector<16xf32>)
        %min3A_596 = arith.minimumf %scan3A_472, %masked_sort3A_594 : vector<16xf32>
        %sort3A_597 = arith.constant dense<true> : vector<16xi1>
        %sort3A_598, %sort3A_599, %sort3A_600 = tpu.sort %min3A_596, %min3A_596 masked %sort3A_597 : (vector<16xf32>, vector<16xf32>, vector<16xi1>) -> (vector<16xi1>, vector<16xf32>, vector<16xf32>)
        %sub3A_601 = arith.subf %get3A_477, %broadcast_in_dim3A_84 : vector<16xf32>
        %sub3A_602 = arith.subf %get3A_481, %broadcast_in_dim3A_87 : vector<16xf32>
        %sub3A_603 = arith.subf %get3A_485, %broadcast_in_dim3A_90 : vector<16xf32>
        %mul3A_604 = arith.mulf %sub3A_601, %sub3A_601 : vector<16xf32>
        %mul3A_605 = arith.mulf %sub3A_602, %sub3A_602 : vector<16xf32>
        %add3A_606 = arith.addf %mul3A_604, %mul3A_605 : vector<16xf32>
        %mul3A_607 = arith.mulf %sub3A_603, %sub3A_603 : vector<16xf32>
        %add3A_608 = arith.addf %add3A_606, %mul3A_607 : vector<16xf32>
        %sub3A_609 = arith.subf %get3A_489, %broadcast_in_dim3A_84 : vector<16xf32>
        %sub3A_610 = arith.subf %get3A_495, %broadcast_in_dim3A_87 : vector<16xf32>
        %sub3A_611 = arith.subf %get3A_501, %broadcast_in_dim3A_90 : vector<16xf32>
        %mul3A_612 = arith.mulf %sub3A_609, %sub3A_609 : vector<16xf32>
        %mul3A_613 = arith.mulf %sub3A_610, %sub3A_610 : vector<16xf32>
        %add3A_614 = arith.addf %mul3A_612, %mul3A_613 : vector<16xf32>
        %mul3A_615 = arith.mulf %sub3A_611, %sub3A_611 : vector<16xf32>
        %add3A_616 = arith.addf %add3A_614, %mul3A_615 : vector<16xf32>
        %sort3A_617 = arith.constant dense<true> : vector<16xi1>
        %sort3A_618, %sort3A_619, %sort3A_620 = tpu.sort %add3A_608, %add3A_608 masked %sort3A_617 : (vector<16xf32>, vector<16xf32>, vector<16xi1>) -> (vector<16xi1>, vector<16xf32>, vector<16xf32>)
        %masked_sort3A_621 = arith.constant dense<true> : vector<16xi1>
        %masked_sort3A_622, %masked_sort3A_623, %masked_sort3A_624 = tpu.sort %add3A_616, %add3A_616 masked %masked_sort3A_621 {descending = true} : (vector<16xf32>, vector<16xf32>, vector<16xi1>) -> (vector<16xi1>, vector<16xf32>, vector<16xf32>)
        %min3A_625 = arith.minimumf %sort3A_619, %masked_sort3A_623 : vector<16xf32>
        %masked_sort3A_626 = arith.constant dense<true> : vector<16xi1>
        %masked_sort3A_627, %masked_sort3A_628, %masked_sort3A_629 = tpu.sort %min3A_625, %min3A_625 masked %masked_sort3A_626 {descending = true} : (vector<16xf32>, vector<16xf32>, vector<16xi1>) -> (vector<16xi1>, vector<16xf32>, vector<16xf32>)
        %min3A_630 = arith.minimumf %scan3A_473, %masked_sort3A_628 : vector<16xf32>
        %sort3A_631 = arith.constant dense<true> : vector<16xi1>
        %sort3A_632, %sort3A_633, %sort3A_634 = tpu.sort %min3A_630, %min3A_630 masked %sort3A_631 : (vector<16xf32>, vector<16xf32>, vector<16xi1>) -> (vector<16xi1>, vector<16xf32>, vector<16xf32>)
        %scan3A_635 = arith.constant 1 : i32
        %scan3A_636 = arith.addi %scan3A_469, %scan3A_635 : i32
        %mul3A_637 = arith.constant 32 : i32
        %mul3A_638 = arith.muli %scan3A_636, %mul3A_637 : i32
        %get3A_639 = arith.index_cast %mul3A_638 : i32 to index
        %get3A_640 = tpu.vector_load %arg4[%get3A_639] {strides = array<i32>} : memref<3072xf32, #tpu.memory_space<vmem>>, vector<16xf32>,
        %add3A_641 = arith.constant 1024 : i32
        %add3A_642 = arith.addi %add3A_641, %mul3A_638 : i32
        %get3A_643 = arith.index_cast %add3A_642 : i32 to index
        %get3A_644 = tpu.vector_load %arg4[%get3A_643] {strides = array<i32>} : memref<3072xf32, #tpu.memory_space<vmem>>, vector<16xf32>,
        %add3A_645 = arith.constant 2048 : i32
        %add3A_646 = arith.addi %add3A_645, %mul3A_638 : i32
        %get3A_647 = arith.index_cast %add3A_646 : i32 to index
        %get3A_648 = tpu.vector_load %arg4[%get3A_647] {strides = array<i32>} : memref<3072xf32, #tpu.memory_space<vmem>>, vector<16xf32>,
        %add3A_649 = arith.constant 16 : i32
        %add3A_650 = arith.addi %mul3A_638, %add3A_649 : i32
        %get3A_651 = arith.index_cast %add3A_650 : i32 to index
        %get3A_652 = tpu.vector_load %arg4[%get3A_651] {strides = array<i32>} : memref<3072xf32, #tpu.memory_space<vmem>>, vector<16xf32>,
        %add3A_653 = arith.constant 1024 : i32
        %add3A_654 = arith.addi %add3A_653, %mul3A_638 : i32
        %add3A_655 = arith.constant 16 : i32
        %add3A_656 = arith.addi %add3A_654, %add3A_655 : i32
        %get3A_657 = arith.index_cast %add3A_656 : i32 to index
        %get3A_658 = tpu.vector_load %arg4[%get3A_657] {strides = array<i32>} : memref<3072xf32, #tpu.memory_space<vmem>>, vector<16xf32>,
        %add3A_659 = arith.constant 2048 : i32
        %add3A_660 = arith.addi %add3A_659, %mul3A_638 : i32
        %add3A_661 = arith.constant 16 : i32
        %add3A_662 = arith.addi %add3A_660, %add3A_661 : i32
        %get3A_663 = arith.index_cast %add3A_662 : i32 to index
        %get3A_664 = tpu.vector_load %arg4[%get3A_663] {strides = array<i32>} : memref<3072xf32, #tpu.memory_space<vmem>>, vector<16xf32>,
        %sub3A_665 = arith.subf %get3A_640, %broadcast_in_dim3A_57 : vector<16xf32>
        %sub3A_666 = arith.subf %get3A_644, %broadcast_in_dim3A_60 : vector<16xf32>
        %sub3A_667 = arith.subf %get3A_648, %broadcast_in_dim3A_63 : vector<16xf32>
        %mul3A_668 = arith.mulf %sub3A_665, %sub3A_665 : vector<16xf32>
        %mul3A_669 = arith.mulf %sub3A_666, %sub3A_666 : vector<16xf32>
        %add3A_670 = arith.addf %mul3A_668, %mul3A_669 : vector<16xf32>
        %mul3A_671 = arith.mulf %sub3A_667, %sub3A_667 : vector<16xf32>
        %add3A_672 = arith.addf %add3A_670, %mul3A_671 : vector<16xf32>
        %sub3A_673 = arith.subf %get3A_652, %broadcast_in_dim3A_57 : vector<16xf32>
        %sub3A_674 = arith.subf %get3A_658, %broadcast_in_dim3A_60 : vector<16xf32>
        %sub3A_675 = arith.subf %get3A_664, %broadcast_in_dim3A_63 : vector<16xf32>
        %mul3A_676 = arith.mulf %sub3A_673, %sub3A_673 : vector<16xf32>
        %mul3A_677 = arith.mulf %sub3A_674, %sub3A_674 : vector<16xf32>
        %add3A_678 = arith.addf %mul3A_676, %mul3A_677 : vector<16xf32>
        %mul3A_679 = arith.mulf %sub3A_675, %sub3A_675 : vector<16xf32>
        %add3A_680 = arith.addf %add3A_678, %mul3A_679 : vector<16xf32>
        %sort3A_681 = arith.constant dense<true> : vector<16xi1>
        %sort3A_682, %sort3A_683, %sort3A_684 = tpu.sort %add3A_672, %add3A_672 masked %sort3A_681 : (vector<16xf32>, vector<16xf32>, vector<16xi1>) -> (vector<16xi1>, vector<16xf32>, vector<16xf32>)
        %masked_sort3A_685 = arith.constant dense<true> : vector<16xi1>
        %masked_sort3A_686, %masked_sort3A_687, %masked_sort3A_688 = tpu.sort %add3A_680, %add3A_680 masked %masked_sort3A_685 {descending = true} : (vector<16xf32>, vector<16xf32>, vector<16xi1>) -> (vector<16xi1>, vector<16xf32>, vector<16xf32>)
        %min3A_689 = arith.minimumf %sort3A_683, %masked_sort3A_687 : vector<16xf32>
        %masked_sort3A_690 = arith.constant dense<true> : vector<16xi1>
        %masked_sort3A_691, %masked_sort3A_692, %masked_sort3A_693 = tpu.sort %min3A_689, %min3A_689 masked %masked_sort3A_690 {descending = true} : (vector<16xf32>, vector<16xf32>, vector<16xi1>) -> (vector<16xi1>, vector<16xf32>, vector<16xf32>)
        %min3A_694 = arith.minimumf %sort3A_531, %masked_sort3A_692 : vector<16xf32>
        %sort3A_695 = arith.constant dense<true> : vector<16xi1>
        %sort3A_696, %sort3A_697, %sort3A_698 = tpu.sort %min3A_694, %min3A_694 masked %sort3A_695 : (vector<16xf32>, vector<16xf32>, vector<16xi1>) -> (vector<16xi1>, vector<16xf32>, vector<16xf32>)
        %sub3A_699 = arith.subf %get3A_640, %broadcast_in_dim3A_66 : vector<16xf32>
        %sub3A_700 = arith.subf %get3A_644, %broadcast_in_dim3A_69 : vector<16xf32>
        %sub3A_701 = arith.subf %get3A_648, %broadcast_in_dim3A_72 : vector<16xf32>
        %mul3A_702 = arith.mulf %sub3A_699, %sub3A_699 : vector<16xf32>
        %mul3A_703 = arith.mulf %sub3A_700, %sub3A_700 : vector<16xf32>
        %add3A_704 = arith.addf %mul3A_702, %mul3A_703 : vector<16xf32>
        %mul3A_705 = arith.mulf %sub3A_701, %sub3A_701 : vector<16xf32>
        %add3A_706 = arith.addf %add3A_704, %mul3A_705 : vector<16xf32>
        %sub3A_707 = arith.subf %get3A_652, %broadcast_in_dim3A_66 : vector<16xf32>
        %sub3A_708 = arith.subf %get3A_658, %broadcast_in_dim3A_69 : vector<16xf32>
        %sub3A_709 = arith.subf %get3A_664, %broadcast_in_dim3A_72 : vector<16xf32>
        %mul3A_710 = arith.mulf %sub3A_707, %sub3A_707 : vector<16xf32>
        %mul3A_711 = arith.mulf %sub3A_708, %sub3A_708 : vector<16xf32>
        %add3A_712 = arith.addf %mul3A_710, %mul3A_711 : vector<16xf32>
        %mul3A_713 = arith.mulf %sub3A_709, %sub3A_709 : vector<16xf32>
        %add3A_714 = arith.addf %add3A_712, %mul3A_713 : vector<16xf32>
        %sort3A_715 = arith.constant dense<true> : vector<16xi1>
        %sort3A_716, %sort3A_717, %sort3A_718 = tpu.sort %add3A_706, %add3A_706 masked %sort3A_715 : (vector<16xf32>, vector<16xf32>, vector<16xi1>) -> (vector<16xi1>, vector<16xf32>, vector<16xf32>)
        %masked_sort3A_719 = arith.constant dense<true> : vector<16xi1>
        %masked_sort3A_720, %masked_sort3A_721, %masked_sort3A_722 = tpu.sort %add3A_714, %add3A_714 masked %masked_sort3A_719 {descending = true} : (vector<16xf32>, vector<16xf32>, vector<16xi1>) -> (vector<16xi1>, vector<16xf32>, vector<16xf32>)
        %min3A_723 = arith.minimumf %sort3A_717, %masked_sort3A_721 : vector<16xf32>
        %masked_sort3A_724 = arith.constant dense<true> : vector<16xi1>
        %masked_sort3A_725, %masked_sort3A_726, %masked_sort3A_727 = tpu.sort %min3A_723, %min3A_723 masked %masked_sort3A_724 {descending = true} : (vector<16xf32>, vector<16xf32>, vector<16xi1>) -> (vector<16xi1>, vector<16xf32>, vector<16xf32>)
        %min3A_728 = arith.minimumf %sort3A_565, %masked_sort3A_726 : vector<16xf32>
        %sort3A_729 = arith.constant dense<true> : vector<16xi1>
        %sort3A_730, %sort3A_731, %sort3A_732 = tpu.sort %min3A_728, %min3A_728 masked %sort3A_729 : (vector<16xf32>, vector<16xf32>, vector<16xi1>) -> (vector<16xi1>, vector<16xf32>, vector<16xf32>)
        %sub3A_733 = arith.subf %get3A_640, %broadcast_in_dim3A_75 : vector<16xf32>
        %sub3A_734 = arith.subf %get3A_644, %broadcast_in_dim3A_78 : vector<16xf32>
        %sub3A_735 = arith.subf %get3A_648, %broadcast_in_dim3A_81 : vector<16xf32>
        %mul3A_736 = arith.mulf %sub3A_733, %sub3A_733 : vector<16xf32>
        %mul3A_737 = arith.mulf %sub3A_734, %sub3A_734 : vector<16xf32>
        %add3A_738 = arith.addf %mul3A_736, %mul3A_737 : vector<16xf32>
        %mul3A_739 = arith.mulf %sub3A_735, %sub3A_735 : vector<16xf32>
        %add3A_740 = arith.addf %add3A_738, %mul3A_739 : vector<16xf32>
        %sub3A_741 = arith.subf %get3A_652, %broadcast_in_dim3A_75 : vector<16xf32>
        %sub3A_742 = arith.subf %get3A_658, %broadcast_in_dim3A_78 : vector<16xf32>
        %sub3A_743 = arith.subf %get3A_664, %broadcast_in_dim3A_81 : vector<16xf32>
        %mul3A_744 = arith.mulf %sub3A_741, %sub3A_741 : vector<16xf32>
        %mul3A_745 = arith.mulf %sub3A_742, %sub3A_742 : vector<16xf32>
        %add3A_746 = arith.addf %mul3A_744, %mul3A_745 : vector<16xf32>
        %mul3A_747 = arith.mulf %sub3A_743, %sub3A_743 : vector<16xf32>
        %add3A_748 = arith.addf %add3A_746, %mul3A_747 : vector<16xf32>
        %sort3A_749 = arith.constant dense<true> : vector<16xi1>
        %sort3A_750, %sort3A_751, %sort3A_752 = tpu.sort %add3A_740, %add3A_740 masked %sort3A_749 : (vector<16xf32>, vector<16xf32>, vector<16xi1>) -> (vector<16xi1>, vector<16xf32>, vector<16xf32>)
        %masked_sort3A_753 = arith.constant dense<true> : vector<16xi1>
        %masked_sort3A_754, %masked_sort3A_755, %masked_sort3A_756 = tpu.sort %add3A_748, %add3A_748 masked %masked_sort3A_753 {descending = true} : (vector<16xf32>, vector<16xf32>, vector<16xi1>) -> (vector<16xi1>, vector<16xf32>, vector<16xf32>)
        %min3A_757 = arith.minimumf %sort3A_751, %masked_sort3A_755 : vector<16xf32>
        %masked_sort3A_758 = arith.constant dense<true> : vector<16xi1>
        %masked_sort3A_759, %masked_sort3A_760, %masked_sort3A_761 = tpu.sort %min3A_757, %min3A_757 masked %masked_sort3A_758 {descending = true} : (vector<16xf32>, vector<16xf32>, vector<16xi1>) -> (vector<16xi1>, vector<16xf32>, vector<16xf32>)
        %min3A_762 = arith.minimumf %sort3A_599, %masked_sort3A_760 : vector<16xf32>
        %sort3A_763 = arith.constant dense<true> : vector<16xi1>
        %sort3A_764, %sort3A_765, %sort3A_766 = tpu.sort %min3A_762, %min3A_762 masked %sort3A_763 : (vector<16xf32>, vector<16xf32>, vector<16xi1>) -> (vector<16xi1>, vector<16xf32>, vector<16xf32>)
        %sub3A_767 = arith.subf %get3A_640, %broadcast_in_dim3A_84 : vector<16xf32>
        %sub3A_768 = arith.subf %get3A_644, %broadcast_in_dim3A_87 : vector<16xf32>
        %sub3A_769 = arith.subf %get3A_648, %broadcast_in_dim3A_90 : vector<16xf32>
        %mul3A_770 = arith.mulf %sub3A_767, %sub3A_767 : vector<16xf32>
        %mul3A_771 = arith.mulf %sub3A_768, %sub3A_768 : vector<16xf32>
        %add3A_772 = arith.addf %mul3A_770, %mul3A_771 : vector<16xf32>
        %mul3A_773 = arith.mulf %sub3A_769, %sub3A_769 : vector<16xf32>
        %add3A_774 = arith.addf %add3A_772, %mul3A_773 : vector<16xf32>
        %sub3A_775 = arith.subf %get3A_652, %broadcast_in_dim3A_84 : vector<16xf32>
        %sub3A_776 = arith.subf %get3A_658, %broadcast_in_dim3A_87 : vector<16xf32>
        %sub3A_777 = arith.subf %get3A_664, %broadcast_in_dim3A_90 : vector<16xf32>
        %mul3A_778 = arith.mulf %sub3A_775, %sub3A_775 : vector<16xf32>
        %mul3A_779 = arith.mulf %sub3A_776, %sub3A_776 : vector<16xf32>
        %add3A_780 = arith.addf %mul3A_778, %mul3A_779 : vector<16xf32>
        %mul3A_781 = arith.mulf %sub3A_777, %sub3A_777 : vector<16xf32>
        %add3A_782 = arith.addf %add3A_780, %mul3A_781 : vector<16xf32>
        %sort3A_783 = arith.constant dense<true> : vector<16xi1>
        %sort3A_784, %sort3A_785, %sort3A_786 = tpu.sort %add3A_774, %add3A_774 masked %sort3A_783 : (vector<16xf32>, vector<16xf32>, vector<16xi1>) -> (vector<16xi1>, vector<16xf32>, vector<16xf32>)
        %masked_sort3A_787 = arith.constant dense<true> : vector<16xi1>
        %masked_sort3A_788, %masked_sort3A_789, %masked_sort3A_790 = tpu.sort %add3A_782, %add3A_782 masked %masked_sort3A_787 {descending = true} : (vector<16xf32>, vector<16xf32>, vector<16xi1>) -> (vector<16xi1>, vector<16xf32>, vector<16xf32>)
        %min3A_791 = arith.minimumf %sort3A_785, %masked_sort3A_789 : vector<16xf32>
        %masked_sort3A_792 = arith.constant dense<true> : vector<16xi1>
        %masked_sort3A_793, %masked_sort3A_794, %masked_sort3A_795 = tpu.sort %min3A_791, %min3A_791 masked %masked_sort3A_792 {descending = true} : (vector<16xf32>, vector<16xf32>, vector<16xi1>) -> (vector<16xi1>, vector<16xf32>, vector<16xf32>)
        %min3A_796 = arith.minimumf %sort3A_633, %masked_sort3A_794 : vector<16xf32>
        %sort3A_797 = arith.constant dense<true> : vector<16xi1>
        %sort3A_798, %sort3A_799, %sort3A_800 = tpu.sort %min3A_796, %min3A_796 masked %sort3A_797 : (vector<16xf32>, vector<16xf32>, vector<16xi1>) -> (vector<16xi1>, vector<16xf32>, vector<16xf32>)
        scf.yield %sort3A_697, %sort3A_731, %sort3A_765, %sort3A_799 : vector<16xf32>, vector<16xf32>, vector<16xf32>, vector<16xf32>
      }
      %scan3A_98 = arith.constant 32 : i32
      %neg3A = arith.constant 0.000000e+00 : f32
      %neg3A_99 = vector.broadcast %neg3A : f32 to vector<16xf32>
      %neg3A_100 = arith.subf %neg3A_99, %scan3A_97#0 : vector<16xf32>
      %neg3A_101 = arith.constant 0.000000e+00 : f32
      %neg3A_102 = vector.broadcast %neg3A_101 : f32 to vector<16xf32>
      %neg3A_103 = arith.subf %neg3A_102, %scan3A_97#0 : vector<16xf32>
      %div3A_104 = arith.constant 8.99999984E-4 : f32
      %div3A_105 = vector.broadcast %div3A_104 : f32 to vector<16xf32>
      %div3A_106 = arith.divf %neg3A_103, %div3A_105 : vector<16xf32>
      %exp3A = math.exp %div3A_106 : vector<16xf32>
      %mul3A_107 = arith.mulf %neg3A_100, %exp3A : vector<16xf32>
      %jit3A_108 = arith.constant 0.000000e+00 : f32
      %broadcast_in_dim3A_109 = vector.broadcast %jit3A_108 : f32 to vector<16xf32>
      %select_n3A_110 = arith.select %lt3A_35, %mul3A_107, %broadcast_in_dim3A_109 : vector<16xi1>, vector<16xf32>
      %add3A_111 = arith.addf %scan3A_44, %select_n3A_110 : vector<16xf32>
      %neg3A_112 = arith.constant 0.000000e+00 : f32
      %neg3A_113 = vector.broadcast %neg3A_112 : f32 to vector<16xf32>
      %neg3A_114 = arith.subf %neg3A_113, %scan3A_97#1 : vector<16xf32>
      %neg3A_115 = arith.constant 0.000000e+00 : f32
      %neg3A_116 = vector.broadcast %neg3A_115 : f32 to vector<16xf32>
      %neg3A_117 = arith.subf %neg3A_116, %scan3A_97#1 : vector<16xf32>
      %div3A_118 = arith.constant 8.99999984E-4 : f32
      %div3A_119 = vector.broadcast %div3A_118 : f32 to vector<16xf32>
      %div3A_120 = arith.divf %neg3A_117, %div3A_119 : vector<16xf32>
      %exp3A_121 = math.exp %div3A_120 : vector<16xf32>
      %mul3A_122 = arith.mulf %neg3A_114, %exp3A_121 : vector<16xf32>
      %jit3A_123 = arith.constant 0.000000e+00 : f32
      %broadcast_in_dim3A_124 = vector.broadcast %jit3A_123 : f32 to vector<16xf32>
      %select_n3A_125 = arith.select %lt3A_35, %mul3A_122, %broadcast_in_dim3A_124 : vector<16xi1>, vector<16xf32>
      %add3A_126 = arith.addf %add3A_111, %select_n3A_125 : vector<16xf32>
      %neg3A_127 = arith.constant 0.000000e+00 : f32
      %neg3A_128 = vector.broadcast %neg3A_127 : f32 to vector<16xf32>
      %neg3A_129 = arith.subf %neg3A_128, %scan3A_97#2 : vector<16xf32>
      %neg3A_130 = arith.constant 0.000000e+00 : f32
      %neg3A_131 = vector.broadcast %neg3A_130 : f32 to vector<16xf32>
      %neg3A_132 = arith.subf %neg3A_131, %scan3A_97#2 : vector<16xf32>
      %div3A_133 = arith.constant 8.99999984E-4 : f32
      %div3A_134 = vector.broadcast %div3A_133 : f32 to vector<16xf32>
      %div3A_135 = arith.divf %neg3A_132, %div3A_134 : vector<16xf32>
      %exp3A_136 = math.exp %div3A_135 : vector<16xf32>
      %mul3A_137 = arith.mulf %neg3A_129, %exp3A_136 : vector<16xf32>
      %jit3A_138 = arith.constant 0.000000e+00 : f32
      %broadcast_in_dim3A_139 = vector.broadcast %jit3A_138 : f32 to vector<16xf32>
      %select_n3A_140 = arith.select %lt3A_35, %mul3A_137, %broadcast_in_dim3A_139 : vector<16xi1>, vector<16xf32>
      %add3A_141 = arith.addf %add3A_126, %select_n3A_140 : vector<16xf32>
      %neg3A_142 = arith.constant 0.000000e+00 : f32
      %neg3A_143 = vector.broadcast %neg3A_142 : f32 to vector<16xf32>
      %neg3A_144 = arith.subf %neg3A_143, %scan3A_97#3 : vector<16xf32>
      %neg3A_145 = arith.constant 0.000000e+00 : f32
      %neg3A_146 = vector.broadcast %neg3A_145 : f32 to vector<16xf32>
      %neg3A_147 = arith.subf %neg3A_146, %scan3A_97#3 : vector<16xf32>
      %div3A_148 = arith.constant 8.99999984E-4 : f32
      %div3A_149 = vector.broadcast %div3A_148 : f32 to vector<16xf32>
      %div3A_150 = arith.divf %neg3A_147, %div3A_149 : vector<16xf32>
      %exp3A_151 = math.exp %div3A_150 : vector<16xf32>
      %mul3A_152 = arith.mulf %neg3A_144, %exp3A_151 : vector<16xf32>
      %jit3A_153 = arith.constant 0.000000e+00 : f32
      %broadcast_in_dim3A_154 = vector.broadcast %jit3A_153 : f32 to vector<16xf32>
      %select_n3A_155 = arith.select %lt3A_35, %mul3A_152, %broadcast_in_dim3A_154 : vector<16xi1>, vector<16xf32>
      %add3A_156 = arith.addf %add3A_141, %select_n3A_155 : vector<16xf32>
      %slice3A_157 = vector.extract_strided_slice %get3A_48 {offsets = [4], sizes = [1], strides = [1]} : vector<16xf32> to vector<1xf32>
      %squeeze3A_158 = vector.extract %slice3A_157[0] : f32 from vector<1xf32>
      %broadcast_in_dim3A_159 = vector.broadcast %squeeze3A_158 : f32 to vector<16xf32>
      %slice3A_160 = vector.extract_strided_slice %get3A_52 {offsets = [4], sizes = [1], strides = [1]} : vector<16xf32> to vector<1xf32>
      %squeeze3A_161 = vector.extract %slice3A_160[0] : f32 from vector<1xf32>
      %broadcast_in_dim3A_162 = vector.broadcast %squeeze3A_161 : f32 to vector<16xf32>
      %slice3A_163 = vector.extract_strided_slice %get3A_56 {offsets = [4], sizes = [1], strides = [1]} : vector<16xf32> to vector<1xf32>
      %squeeze3A_164 = vector.extract %slice3A_163[0] : f32 from vector<1xf32>
      %broadcast_in_dim3A_165 = vector.broadcast %squeeze3A_164 : f32 to vector<16xf32>
      %slice3A_166 = vector.extract_strided_slice %get3A_48 {offsets = [5], sizes = [1], strides = [1]} : vector<16xf32> to vector<1xf32>
      %squeeze3A_167 = vector.extract %slice3A_166[0] : f32 from vector<1xf32>
      %broadcast_in_dim3A_168 = vector.broadcast %squeeze3A_167 : f32 to vector<16xf32>
      %slice3A_169 = vector.extract_strided_slice %get3A_52 {offsets = [5], sizes = [1], strides = [1]} : vector<16xf32> to vector<1xf32>
      %squeeze3A_170 = vector.extract %slice3A_169[0] : f32 from vector<1xf32>
      %broadcast_in_dim3A_171 = vector.broadcast %squeeze3A_170 : f32 to vector<16xf32>
      %slice3A_172 = vector.extract_strided_slice %get3A_56 {offsets = [5], sizes = [1], strides = [1]} : vector<16xf32> to vector<1xf32>
      %squeeze3A_173 = vector.extract %slice3A_172[0] : f32 from vector<1xf32>
      %broadcast_in_dim3A_174 = vector.broadcast %squeeze3A_173 : f32 to vector<16xf32>
      %slice3A_175 = vector.extract_strided_slice %get3A_48 {offsets = [6], sizes = [1], strides = [1]} : vector<16xf32> to vector<1xf32>
      %squeeze3A_176 = vector.extract %slice3A_175[0] : f32 from vector<1xf32>
      %broadcast_in_dim3A_177 = vector.broadcast %squeeze3A_176 : f32 to vector<16xf32>
      %slice3A_178 = vector.extract_strided_slice %get3A_52 {offsets = [6], sizes = [1], strides = [1]} : vector<16xf32> to vector<1xf32>
      %squeeze3A_179 = vector.extract %slice3A_178[0] : f32 from vector<1xf32>
      %broadcast_in_dim3A_180 = vector.broadcast %squeeze3A_179 : f32 to vector<16xf32>
      %slice3A_181 = vector.extract_strided_slice %get3A_56 {offsets = [6], sizes = [1], strides = [1]} : vector<16xf32> to vector<1xf32>
      %squeeze3A_182 = vector.extract %slice3A_181[0] : f32 from vector<1xf32>
      %broadcast_in_dim3A_183 = vector.broadcast %squeeze3A_182 : f32 to vector<16xf32>
      %slice3A_184 = vector.extract_strided_slice %get3A_48 {offsets = [7], sizes = [1], strides = [1]} : vector<16xf32> to vector<1xf32>
      %squeeze3A_185 = vector.extract %slice3A_184[0] : f32 from vector<1xf32>
      %broadcast_in_dim3A_186 = vector.broadcast %squeeze3A_185 : f32 to vector<16xf32>
      %slice3A_187 = vector.extract_strided_slice %get3A_52 {offsets = [7], sizes = [1], strides = [1]} : vector<16xf32> to vector<1xf32>
      %squeeze3A_188 = vector.extract %slice3A_187[0] : f32 from vector<1xf32>
      %broadcast_in_dim3A_189 = vector.broadcast %squeeze3A_188 : f32 to vector<16xf32>
      %slice3A_190 = vector.extract_strided_slice %get3A_56 {offsets = [7], sizes = [1], strides = [1]} : vector<16xf32> to vector<1xf32>
      %squeeze3A_191 = vector.extract %slice3A_190[0] : f32 from vector<1xf32>
      %broadcast_in_dim3A_192 = vector.broadcast %squeeze3A_191 : f32 to vector<16xf32>
      %broadcast_in_dim3A_193 = arith.constant 0x7F800000 : f32
      %broadcast_in_dim3A_194 = vector.broadcast %broadcast_in_dim3A_193 : f32 to vector<16xf32>
      %scan3A_195 = arith.constant 0 : i32
      %scan3A_196 = arith.constant 32 : i32
      %scan3A_197 = arith.addi %scan3A_195, %scan3A_196 : i32
      %scan3A_198 = arith.constant 2 : i32
      %scan3A_199:4 = scf.for %scan3A_469 = %scan3A_195 to %scan3A_197 step %scan3A_198 iter_args(%scan3A_470 = %broadcast_in_dim3A_194, %scan3A_471 = %broadcast_in_dim3A_194, %scan3A_472 = %broadcast_in_dim3A_194, %scan3A_473 = %broadcast_in_dim3A_194) -> (vector<16xf32>, vector<16xf32>, vector<16xf32>, vector<16xf32>)  : i32 {
        %mul3A_474 = arith.constant 32 : i32
        %mul3A_475 = arith.muli %scan3A_469, %mul3A_474 : i32
        %get3A_476 = arith.index_cast %mul3A_475 : i32 to index
        %get3A_477 = tpu.vector_load %arg4[%get3A_476] {strides = array<i32>} : memref<3072xf32, #tpu.memory_space<vmem>>, vector<16xf32>,
        %add3A_478 = arith.constant 1024 : i32
        %add3A_479 = arith.addi %add3A_478, %mul3A_475 : i32
        %get3A_480 = arith.index_cast %add3A_479 : i32 to index
        %get3A_481 = tpu.vector_load %arg4[%get3A_480] {strides = array<i32>} : memref<3072xf32, #tpu.memory_space<vmem>>, vector<16xf32>,
        %add3A_482 = arith.constant 2048 : i32
        %add3A_483 = arith.addi %add3A_482, %mul3A_475 : i32
        %get3A_484 = arith.index_cast %add3A_483 : i32 to index
        %get3A_485 = tpu.vector_load %arg4[%get3A_484] {strides = array<i32>} : memref<3072xf32, #tpu.memory_space<vmem>>, vector<16xf32>,
        %add3A_486 = arith.constant 16 : i32
        %add3A_487 = arith.addi %mul3A_475, %add3A_486 : i32
        %get3A_488 = arith.index_cast %add3A_487 : i32 to index
        %get3A_489 = tpu.vector_load %arg4[%get3A_488] {strides = array<i32>} : memref<3072xf32, #tpu.memory_space<vmem>>, vector<16xf32>,
        %add3A_490 = arith.constant 1024 : i32
        %add3A_491 = arith.addi %add3A_490, %mul3A_475 : i32
        %add3A_492 = arith.constant 16 : i32
        %add3A_493 = arith.addi %add3A_491, %add3A_492 : i32
        %get3A_494 = arith.index_cast %add3A_493 : i32 to index
        %get3A_495 = tpu.vector_load %arg4[%get3A_494] {strides = array<i32>} : memref<3072xf32, #tpu.memory_space<vmem>>, vector<16xf32>,
        %add3A_496 = arith.constant 2048 : i32
        %add3A_497 = arith.addi %add3A_496, %mul3A_475 : i32
        %add3A_498 = arith.constant 16 : i32
        %add3A_499 = arith.addi %add3A_497, %add3A_498 : i32
        %get3A_500 = arith.index_cast %add3A_499 : i32 to index
        %get3A_501 = tpu.vector_load %arg4[%get3A_500] {strides = array<i32>} : memref<3072xf32, #tpu.memory_space<vmem>>, vector<16xf32>,
        %sub3A_502 = arith.subf %get3A_477, %broadcast_in_dim3A_159 : vector<16xf32>
        %sub3A_503 = arith.subf %get3A_481, %broadcast_in_dim3A_162 : vector<16xf32>
        %sub3A_504 = arith.subf %get3A_485, %broadcast_in_dim3A_165 : vector<16xf32>
        %mul3A_505 = arith.mulf %sub3A_502, %sub3A_502 : vector<16xf32>
        %mul3A_506 = arith.mulf %sub3A_503, %sub3A_503 : vector<16xf32>
        %add3A_507 = arith.addf %mul3A_505, %mul3A_506 : vector<16xf32>
        %mul3A_508 = arith.mulf %sub3A_504, %sub3A_504 : vector<16xf32>
        %add3A_509 = arith.addf %add3A_507, %mul3A_508 : vector<16xf32>
        %sub3A_510 = arith.subf %get3A_489, %broadcast_in_dim3A_159 : vector<16xf32>
        %sub3A_511 = arith.subf %get3A_495, %broadcast_in_dim3A_162 : vector<16xf32>
        %sub3A_512 = arith.subf %get3A_501, %broadcast_in_dim3A_165 : vector<16xf32>
        %mul3A_513 = arith.mulf %sub3A_510, %sub3A_510 : vector<16xf32>
        %mul3A_514 = arith.mulf %sub3A_511, %sub3A_511 : vector<16xf32>
        %add3A_515 = arith.addf %mul3A_513, %mul3A_514 : vector<16xf32>
        %mul3A_516 = arith.mulf %sub3A_512, %sub3A_512 : vector<16xf32>
        %add3A_517 = arith.addf %add3A_515, %mul3A_516 : vector<16xf32>
        %sort3A = arith.constant dense<true> : vector<16xi1>
        %sort3A_518, %sort3A_519, %sort3A_520 = tpu.sort %add3A_509, %add3A_509 masked %sort3A : (vector<16xf32>, vector<16xf32>, vector<16xi1>) -> (vector<16xi1>, vector<16xf32>, vector<16xf32>)
        %masked_sort3A = arith.constant dense<true> : vector<16xi1>
        %masked_sort3A_521, %masked_sort3A_522, %masked_sort3A_523 = tpu.sort %add3A_517, %add3A_517 masked %masked_sort3A {descending = true} : (vector<16xf32>, vector<16xf32>, vector<16xi1>) -> (vector<16xi1>, vector<16xf32>, vector<16xf32>)
        %min3A = arith.minimumf %sort3A_519, %masked_sort3A_522 : vector<16xf32>
        %masked_sort3A_524 = arith.constant dense<true> : vector<16xi1>
        %masked_sort3A_525, %masked_sort3A_526, %masked_sort3A_527 = tpu.sort %min3A, %min3A masked %masked_sort3A_524 {descending = true} : (vector<16xf32>, vector<16xf32>, vector<16xi1>) -> (vector<16xi1>, vector<16xf32>, vector<16xf32>)
        %min3A_528 = arith.minimumf %scan3A_470, %masked_sort3A_526 : vector<16xf32>
        %sort3A_529 = arith.constant dense<true> : vector<16xi1>
        %sort3A_530, %sort3A_531, %sort3A_532 = tpu.sort %min3A_528, %min3A_528 masked %sort3A_529 : (vector<16xf32>, vector<16xf32>, vector<16xi1>) -> (vector<16xi1>, vector<16xf32>, vector<16xf32>)
        %sub3A_533 = arith.subf %get3A_477, %broadcast_in_dim3A_168 : vector<16xf32>
        %sub3A_534 = arith.subf %get3A_481, %broadcast_in_dim3A_171 : vector<16xf32>
        %sub3A_535 = arith.subf %get3A_485, %broadcast_in_dim3A_174 : vector<16xf32>
        %mul3A_536 = arith.mulf %sub3A_533, %sub3A_533 : vector<16xf32>
        %mul3A_537 = arith.mulf %sub3A_534, %sub3A_534 : vector<16xf32>
        %add3A_538 = arith.addf %mul3A_536, %mul3A_537 : vector<16xf32>
        %mul3A_539 = arith.mulf %sub3A_535, %sub3A_535 : vector<16xf32>
        %add3A_540 = arith.addf %add3A_538, %mul3A_539 : vector<16xf32>
        %sub3A_541 = arith.subf %get3A_489, %broadcast_in_dim3A_168 : vector<16xf32>
        %sub3A_542 = arith.subf %get3A_495, %broadcast_in_dim3A_171 : vector<16xf32>
        %sub3A_543 = arith.subf %get3A_501, %broadcast_in_dim3A_174 : vector<16xf32>
        %mul3A_544 = arith.mulf %sub3A_541, %sub3A_541 : vector<16xf32>
        %mul3A_545 = arith.mulf %sub3A_542, %sub3A_542 : vector<16xf32>
        %add3A_546 = arith.addf %mul3A_544, %mul3A_545 : vector<16xf32>
        %mul3A_547 = arith.mulf %sub3A_543, %sub3A_543 : vector<16xf32>
        %add3A_548 = arith.addf %add3A_546, %mul3A_547 : vector<16xf32>
        %sort3A_549 = arith.constant dense<true> : vector<16xi1>
        %sort3A_550, %sort3A_551, %sort3A_552 = tpu.sort %add3A_540, %add3A_540 masked %sort3A_549 : (vector<16xf32>, vector<16xf32>, vector<16xi1>) -> (vector<16xi1>, vector<16xf32>, vector<16xf32>)
        %masked_sort3A_553 = arith.constant dense<true> : vector<16xi1>
        %masked_sort3A_554, %masked_sort3A_555, %masked_sort3A_556 = tpu.sort %add3A_548, %add3A_548 masked %masked_sort3A_553 {descending = true} : (vector<16xf32>, vector<16xf32>, vector<16xi1>) -> (vector<16xi1>, vector<16xf32>, vector<16xf32>)
        %min3A_557 = arith.minimumf %sort3A_551, %masked_sort3A_555 : vector<16xf32>
        %masked_sort3A_558 = arith.constant dense<true> : vector<16xi1>
        %masked_sort3A_559, %masked_sort3A_560, %masked_sort3A_561 = tpu.sort %min3A_557, %min3A_557 masked %masked_sort3A_558 {descending = true} : (vector<16xf32>, vector<16xf32>, vector<16xi1>) -> (vector<16xi1>, vector<16xf32>, vector<16xf32>)
        %min3A_562 = arith.minimumf %scan3A_471, %masked_sort3A_560 : vector<16xf32>
        %sort3A_563 = arith.constant dense<true> : vector<16xi1>
        %sort3A_564, %sort3A_565, %sort3A_566 = tpu.sort %min3A_562, %min3A_562 masked %sort3A_563 : (vector<16xf32>, vector<16xf32>, vector<16xi1>) -> (vector<16xi1>, vector<16xf32>, vector<16xf32>)
        %sub3A_567 = arith.subf %get3A_477, %broadcast_in_dim3A_177 : vector<16xf32>
        %sub3A_568 = arith.subf %get3A_481, %broadcast_in_dim3A_180 : vector<16xf32>
        %sub3A_569 = arith.subf %get3A_485, %broadcast_in_dim3A_183 : vector<16xf32>
        %mul3A_570 = arith.mulf %sub3A_567, %sub3A_567 : vector<16xf32>
        %mul3A_571 = arith.mulf %sub3A_568, %sub3A_568 : vector<16xf32>
        %add3A_572 = arith.addf %mul3A_570, %mul3A_571 : vector<16xf32>
        %mul3A_573 = arith.mulf %sub3A_569, %sub3A_569 : vector<16xf32>
        %add3A_574 = arith.addf %add3A_572, %mul3A_573 : vector<16xf32>
        %sub3A_575 = arith.subf %get3A_489, %broadcast_in_dim3A_177 : vector<16xf32>
        %sub3A_576 = arith.subf %get3A_495, %broadcast_in_dim3A_180 : vector<16xf32>
        %sub3A_577 = arith.subf %get3A_501, %broadcast_in_dim3A_183 : vector<16xf32>
        %mul3A_578 = arith.mulf %sub3A_575, %sub3A_575 : vector<16xf32>
        %mul3A_579 = arith.mulf %sub3A_576, %sub3A_576 : vector<16xf32>
        %add3A_580 = arith.addf %mul3A_578, %mul3A_579 : vector<16xf32>
        %mul3A_581 = arith.mulf %sub3A_577, %sub3A_577 : vector<16xf32>
        %add3A_582 = arith.addf %add3A_580, %mul3A_581 : vector<16xf32>
        %sort3A_583 = arith.constant dense<true> : vector<16xi1>
        %sort3A_584, %sort3A_585, %sort3A_586 = tpu.sort %add3A_574, %add3A_574 masked %sort3A_583 : (vector<16xf32>, vector<16xf32>, vector<16xi1>) -> (vector<16xi1>, vector<16xf32>, vector<16xf32>)
        %masked_sort3A_587 = arith.constant dense<true> : vector<16xi1>
        %masked_sort3A_588, %masked_sort3A_589, %masked_sort3A_590 = tpu.sort %add3A_582, %add3A_582 masked %masked_sort3A_587 {descending = true} : (vector<16xf32>, vector<16xf32>, vector<16xi1>) -> (vector<16xi1>, vector<16xf32>, vector<16xf32>)
        %min3A_591 = arith.minimumf %sort3A_585, %masked_sort3A_589 : vector<16xf32>
        %masked_sort3A_592 = arith.constant dense<true> : vector<16xi1>
        %masked_sort3A_593, %masked_sort3A_594, %masked_sort3A_595 = tpu.sort %min3A_591, %min3A_591 masked %masked_sort3A_592 {descending = true} : (vector<16xf32>, vector<16xf32>, vector<16xi1>) -> (vector<16xi1>, vector<16xf32>, vector<16xf32>)
        %min3A_596 = arith.minimumf %scan3A_472, %masked_sort3A_594 : vector<16xf32>
        %sort3A_597 = arith.constant dense<true> : vector<16xi1>
        %sort3A_598, %sort3A_599, %sort3A_600 = tpu.sort %min3A_596, %min3A_596 masked %sort3A_597 : (vector<16xf32>, vector<16xf32>, vector<16xi1>) -> (vector<16xi1>, vector<16xf32>, vector<16xf32>)
        %sub3A_601 = arith.subf %get3A_477, %broadcast_in_dim3A_186 : vector<16xf32>
        %sub3A_602 = arith.subf %get3A_481, %broadcast_in_dim3A_189 : vector<16xf32>
        %sub3A_603 = arith.subf %get3A_485, %broadcast_in_dim3A_192 : vector<16xf32>
        %mul3A_604 = arith.mulf %sub3A_601, %sub3A_601 : vector<16xf32>
        %mul3A_605 = arith.mulf %sub3A_602, %sub3A_602 : vector<16xf32>
        %add3A_606 = arith.addf %mul3A_604, %mul3A_605 : vector<16xf32>
        %mul3A_607 = arith.mulf %sub3A_603, %sub3A_603 : vector<16xf32>
        %add3A_608 = arith.addf %add3A_606, %mul3A_607 : vector<16xf32>
        %sub3A_609 = arith.subf %get3A_489, %broadcast_in_dim3A_186 : vector<16xf32>
        %sub3A_610 = arith.subf %get3A_495, %broadcast_in_dim3A_189 : vector<16xf32>
        %sub3A_611 = arith.subf %get3A_501, %broadcast_in_dim3A_192 : vector<16xf32>
        %mul3A_612 = arith.mulf %sub3A_609, %sub3A_609 : vector<16xf32>
        %mul3A_613 = arith.mulf %sub3A_610, %sub3A_610 : vector<16xf32>
        %add3A_614 = arith.addf %mul3A_612, %mul3A_613 : vector<16xf32>
        %mul3A_615 = arith.mulf %sub3A_611, %sub3A_611 : vector<16xf32>
        %add3A_616 = arith.addf %add3A_614, %mul3A_615 : vector<16xf32>
        %sort3A_617 = arith.constant dense<true> : vector<16xi1>
        %sort3A_618, %sort3A_619, %sort3A_620 = tpu.sort %add3A_608, %add3A_608 masked %sort3A_617 : (vector<16xf32>, vector<16xf32>, vector<16xi1>) -> (vector<16xi1>, vector<16xf32>, vector<16xf32>)
        %masked_sort3A_621 = arith.constant dense<true> : vector<16xi1>
        %masked_sort3A_622, %masked_sort3A_623, %masked_sort3A_624 = tpu.sort %add3A_616, %add3A_616 masked %masked_sort3A_621 {descending = true} : (vector<16xf32>, vector<16xf32>, vector<16xi1>) -> (vector<16xi1>, vector<16xf32>, vector<16xf32>)
        %min3A_625 = arith.minimumf %sort3A_619, %masked_sort3A_623 : vector<16xf32>
        %masked_sort3A_626 = arith.constant dense<true> : vector<16xi1>
        %masked_sort3A_627, %masked_sort3A_628, %masked_sort3A_629 = tpu.sort %min3A_625, %min3A_625 masked %masked_sort3A_626 {descending = true} : (vector<16xf32>, vector<16xf32>, vector<16xi1>) -> (vector<16xi1>, vector<16xf32>, vector<16xf32>)
        %min3A_630 = arith.minimumf %scan3A_473, %masked_sort3A_628 : vector<16xf32>
        %sort3A_631 = arith.constant dense<true> : vector<16xi1>
        %sort3A_632, %sort3A_633, %sort3A_634 = tpu.sort %min3A_630, %min3A_630 masked %sort3A_631 : (vector<16xf32>, vector<16xf32>, vector<16xi1>) -> (vector<16xi1>, vector<16xf32>, vector<16xf32>)
        %scan3A_635 = arith.constant 1 : i32
        %scan3A_636 = arith.addi %scan3A_469, %scan3A_635 : i32
        %mul3A_637 = arith.constant 32 : i32
        %mul3A_638 = arith.muli %scan3A_636, %mul3A_637 : i32
        %get3A_639 = arith.index_cast %mul3A_638 : i32 to index
        %get3A_640 = tpu.vector_load %arg4[%get3A_639] {strides = array<i32>} : memref<3072xf32, #tpu.memory_space<vmem>>, vector<16xf32>,
        %add3A_641 = arith.constant 1024 : i32
        %add3A_642 = arith.addi %add3A_641, %mul3A_638 : i32
        %get3A_643 = arith.index_cast %add3A_642 : i32 to index
        %get3A_644 = tpu.vector_load %arg4[%get3A_643] {strides = array<i32>} : memref<3072xf32, #tpu.memory_space<vmem>>, vector<16xf32>,
        %add3A_645 = arith.constant 2048 : i32
        %add3A_646 = arith.addi %add3A_645, %mul3A_638 : i32
        %get3A_647 = arith.index_cast %add3A_646 : i32 to index
        %get3A_648 = tpu.vector_load %arg4[%get3A_647] {strides = array<i32>} : memref<3072xf32, #tpu.memory_space<vmem>>, vector<16xf32>,
        %add3A_649 = arith.constant 16 : i32
        %add3A_650 = arith.addi %mul3A_638, %add3A_649 : i32
        %get3A_651 = arith.index_cast %add3A_650 : i32 to index
        %get3A_652 = tpu.vector_load %arg4[%get3A_651] {strides = array<i32>} : memref<3072xf32, #tpu.memory_space<vmem>>, vector<16xf32>,
        %add3A_653 = arith.constant 1024 : i32
        %add3A_654 = arith.addi %add3A_653, %mul3A_638 : i32
        %add3A_655 = arith.constant 16 : i32
        %add3A_656 = arith.addi %add3A_654, %add3A_655 : i32
        %get3A_657 = arith.index_cast %add3A_656 : i32 to index
        %get3A_658 = tpu.vector_load %arg4[%get3A_657] {strides = array<i32>} : memref<3072xf32, #tpu.memory_space<vmem>>, vector<16xf32>,
        %add3A_659 = arith.constant 2048 : i32
        %add3A_660 = arith.addi %add3A_659, %mul3A_638 : i32
        %add3A_661 = arith.constant 16 : i32
        %add3A_662 = arith.addi %add3A_660, %add3A_661 : i32
        %get3A_663 = arith.index_cast %add3A_662 : i32 to index
        %get3A_664 = tpu.vector_load %arg4[%get3A_663] {strides = array<i32>} : memref<3072xf32, #tpu.memory_space<vmem>>, vector<16xf32>,
        %sub3A_665 = arith.subf %get3A_640, %broadcast_in_dim3A_159 : vector<16xf32>
        %sub3A_666 = arith.subf %get3A_644, %broadcast_in_dim3A_162 : vector<16xf32>
        %sub3A_667 = arith.subf %get3A_648, %broadcast_in_dim3A_165 : vector<16xf32>
        %mul3A_668 = arith.mulf %sub3A_665, %sub3A_665 : vector<16xf32>
        %mul3A_669 = arith.mulf %sub3A_666, %sub3A_666 : vector<16xf32>
        %add3A_670 = arith.addf %mul3A_668, %mul3A_669 : vector<16xf32>
        %mul3A_671 = arith.mulf %sub3A_667, %sub3A_667 : vector<16xf32>
        %add3A_672 = arith.addf %add3A_670, %mul3A_671 : vector<16xf32>
        %sub3A_673 = arith.subf %get3A_652, %broadcast_in_dim3A_159 : vector<16xf32>
        %sub3A_674 = arith.subf %get3A_658, %broadcast_in_dim3A_162 : vector<16xf32>
        %sub3A_675 = arith.subf %get3A_664, %broadcast_in_dim3A_165 : vector<16xf32>
        %mul3A_676 = arith.mulf %sub3A_673, %sub3A_673 : vector<16xf32>
        %mul3A_677 = arith.mulf %sub3A_674, %sub3A_674 : vector<16xf32>
        %add3A_678 = arith.addf %mul3A_676, %mul3A_677 : vector<16xf32>
        %mul3A_679 = arith.mulf %sub3A_675, %sub3A_675 : vector<16xf32>
        %add3A_680 = arith.addf %add3A_678, %mul3A_679 : vector<16xf32>
        %sort3A_681 = arith.constant dense<true> : vector<16xi1>
        %sort3A_682, %sort3A_683, %sort3A_684 = tpu.sort %add3A_672, %add3A_672 masked %sort3A_681 : (vector<16xf32>, vector<16xf32>, vector<16xi1>) -> (vector<16xi1>, vector<16xf32>, vector<16xf32>)
        %masked_sort3A_685 = arith.constant dense<true> : vector<16xi1>
        %masked_sort3A_686, %masked_sort3A_687, %masked_sort3A_688 = tpu.sort %add3A_680, %add3A_680 masked %masked_sort3A_685 {descending = true} : (vector<16xf32>, vector<16xf32>, vector<16xi1>) -> (vector<16xi1>, vector<16xf32>, vector<16xf32>)
        %min3A_689 = arith.minimumf %sort3A_683, %masked_sort3A_687 : vector<16xf32>
        %masked_sort3A_690 = arith.constant dense<true> : vector<16xi1>
        %masked_sort3A_691, %masked_sort3A_692, %masked_sort3A_693 = tpu.sort %min3A_689, %min3A_689 masked %masked_sort3A_690 {descending = true} : (vector<16xf32>, vector<16xf32>, vector<16xi1>) -> (vector<16xi1>, vector<16xf32>, vector<16xf32>)
        %min3A_694 = arith.minimumf %sort3A_531, %masked_sort3A_692 : vector<16xf32>
        %sort3A_695 = arith.constant dense<true> : vector<16xi1>
        %sort3A_696, %sort3A_697, %sort3A_698 = tpu.sort %min3A_694, %min3A_694 masked %sort3A_695 : (vector<16xf32>, vector<16xf32>, vector<16xi1>) -> (vector<16xi1>, vector<16xf32>, vector<16xf32>)
        %sub3A_699 = arith.subf %get3A_640, %broadcast_in_dim3A_168 : vector<16xf32>
        %sub3A_700 = arith.subf %get3A_644, %broadcast_in_dim3A_171 : vector<16xf32>
        %sub3A_701 = arith.subf %get3A_648, %broadcast_in_dim3A_174 : vector<16xf32>
        %mul3A_702 = arith.mulf %sub3A_699, %sub3A_699 : vector<16xf32>
        %mul3A_703 = arith.mulf %sub3A_700, %sub3A_700 : vector<16xf32>
        %add3A_704 = arith.addf %mul3A_702, %mul3A_703 : vector<16xf32>
        %mul3A_705 = arith.mulf %sub3A_701, %sub3A_701 : vector<16xf32>
        %add3A_706 = arith.addf %add3A_704, %mul3A_705 : vector<16xf32>
        %sub3A_707 = arith.subf %get3A_652, %broadcast_in_dim3A_168 : vector<16xf32>
        %sub3A_708 = arith.subf %get3A_658, %broadcast_in_dim3A_171 : vector<16xf32>
        %sub3A_709 = arith.subf %get3A_664, %broadcast_in_dim3A_174 : vector<16xf32>
        %mul3A_710 = arith.mulf %sub3A_707, %sub3A_707 : vector<16xf32>
        %mul3A_711 = arith.mulf %sub3A_708, %sub3A_708 : vector<16xf32>
        %add3A_712 = arith.addf %mul3A_710, %mul3A_711 : vector<16xf32>
        %mul3A_713 = arith.mulf %sub3A_709, %sub3A_709 : vector<16xf32>
        %add3A_714 = arith.addf %add3A_712, %mul3A_713 : vector<16xf32>
        %sort3A_715 = arith.constant dense<true> : vector<16xi1>
        %sort3A_716, %sort3A_717, %sort3A_718 = tpu.sort %add3A_706, %add3A_706 masked %sort3A_715 : (vector<16xf32>, vector<16xf32>, vector<16xi1>) -> (vector<16xi1>, vector<16xf32>, vector<16xf32>)
        %masked_sort3A_719 = arith.constant dense<true> : vector<16xi1>
        %masked_sort3A_720, %masked_sort3A_721, %masked_sort3A_722 = tpu.sort %add3A_714, %add3A_714 masked %masked_sort3A_719 {descending = true} : (vector<16xf32>, vector<16xf32>, vector<16xi1>) -> (vector<16xi1>, vector<16xf32>, vector<16xf32>)
        %min3A_723 = arith.minimumf %sort3A_717, %masked_sort3A_721 : vector<16xf32>
        %masked_sort3A_724 = arith.constant dense<true> : vector<16xi1>
        %masked_sort3A_725, %masked_sort3A_726, %masked_sort3A_727 = tpu.sort %min3A_723, %min3A_723 masked %masked_sort3A_724 {descending = true} : (vector<16xf32>, vector<16xf32>, vector<16xi1>) -> (vector<16xi1>, vector<16xf32>, vector<16xf32>)
        %min3A_728 = arith.minimumf %sort3A_565, %masked_sort3A_726 : vector<16xf32>
        %sort3A_729 = arith.constant dense<true> : vector<16xi1>
        %sort3A_730, %sort3A_731, %sort3A_732 = tpu.sort %min3A_728, %min3A_728 masked %sort3A_729 : (vector<16xf32>, vector<16xf32>, vector<16xi1>) -> (vector<16xi1>, vector<16xf32>, vector<16xf32>)
        %sub3A_733 = arith.subf %get3A_640, %broadcast_in_dim3A_177 : vector<16xf32>
        %sub3A_734 = arith.subf %get3A_644, %broadcast_in_dim3A_180 : vector<16xf32>
        %sub3A_735 = arith.subf %get3A_648, %broadcast_in_dim3A_183 : vector<16xf32>
        %mul3A_736 = arith.mulf %sub3A_733, %sub3A_733 : vector<16xf32>
        %mul3A_737 = arith.mulf %sub3A_734, %sub3A_734 : vector<16xf32>
        %add3A_738 = arith.addf %mul3A_736, %mul3A_737 : vector<16xf32>
        %mul3A_739 = arith.mulf %sub3A_735, %sub3A_735 : vector<16xf32>
        %add3A_740 = arith.addf %add3A_738, %mul3A_739 : vector<16xf32>
        %sub3A_741 = arith.subf %get3A_652, %broadcast_in_dim3A_177 : vector<16xf32>
        %sub3A_742 = arith.subf %get3A_658, %broadcast_in_dim3A_180 : vector<16xf32>
        %sub3A_743 = arith.subf %get3A_664, %broadcast_in_dim3A_183 : vector<16xf32>
        %mul3A_744 = arith.mulf %sub3A_741, %sub3A_741 : vector<16xf32>
        %mul3A_745 = arith.mulf %sub3A_742, %sub3A_742 : vector<16xf32>
        %add3A_746 = arith.addf %mul3A_744, %mul3A_745 : vector<16xf32>
        %mul3A_747 = arith.mulf %sub3A_743, %sub3A_743 : vector<16xf32>
        %add3A_748 = arith.addf %add3A_746, %mul3A_747 : vector<16xf32>
        %sort3A_749 = arith.constant dense<true> : vector<16xi1>
        %sort3A_750, %sort3A_751, %sort3A_752 = tpu.sort %add3A_740, %add3A_740 masked %sort3A_749 : (vector<16xf32>, vector<16xf32>, vector<16xi1>) -> (vector<16xi1>, vector<16xf32>, vector<16xf32>)
        %masked_sort3A_753 = arith.constant dense<true> : vector<16xi1>
        %masked_sort3A_754, %masked_sort3A_755, %masked_sort3A_756 = tpu.sort %add3A_748, %add3A_748 masked %masked_sort3A_753 {descending = true} : (vector<16xf32>, vector<16xf32>, vector<16xi1>) -> (vector<16xi1>, vector<16xf32>, vector<16xf32>)
        %min3A_757 = arith.minimumf %sort3A_751, %masked_sort3A_755 : vector<16xf32>
        %masked_sort3A_758 = arith.constant dense<true> : vector<16xi1>
        %masked_sort3A_759, %masked_sort3A_760, %masked_sort3A_761 = tpu.sort %min3A_757, %min3A_757 masked %masked_sort3A_758 {descending = true} : (vector<16xf32>, vector<16xf32>, vector<16xi1>) -> (vector<16xi1>, vector<16xf32>, vector<16xf32>)
        %min3A_762 = arith.minimumf %sort3A_599, %masked_sort3A_760 : vector<16xf32>
        %sort3A_763 = arith.constant dense<true> : vector<16xi1>
        %sort3A_764, %sort3A_765, %sort3A_766 = tpu.sort %min3A_762, %min3A_762 masked %sort3A_763 : (vector<16xf32>, vector<16xf32>, vector<16xi1>) -> (vector<16xi1>, vector<16xf32>, vector<16xf32>)
        %sub3A_767 = arith.subf %get3A_640, %broadcast_in_dim3A_186 : vector<16xf32>
        %sub3A_768 = arith.subf %get3A_644, %broadcast_in_dim3A_189 : vector<16xf32>
        %sub3A_769 = arith.subf %get3A_648, %broadcast_in_dim3A_192 : vector<16xf32>
        %mul3A_770 = arith.mulf %sub3A_767, %sub3A_767 : vector<16xf32>
        %mul3A_771 = arith.mulf %sub3A_768, %sub3A_768 : vector<16xf32>
        %add3A_772 = arith.addf %mul3A_770, %mul3A_771 : vector<16xf32>
        %mul3A_773 = arith.mulf %sub3A_769, %sub3A_769 : vector<16xf32>
        %add3A_774 = arith.addf %add3A_772, %mul3A_773 : vector<16xf32>
        %sub3A_775 = arith.subf %get3A_652, %broadcast_in_dim3A_186 : vector<16xf32>
        %sub3A_776 = arith.subf %get3A_658, %broadcast_in_dim3A_189 : vector<16xf32>
        %sub3A_777 = arith.subf %get3A_664, %broadcast_in_dim3A_192 : vector<16xf32>
        %mul3A_778 = arith.mulf %sub3A_775, %sub3A_775 : vector<16xf32>
        %mul3A_779 = arith.mulf %sub3A_776, %sub3A_776 : vector<16xf32>
        %add3A_780 = arith.addf %mul3A_778, %mul3A_779 : vector<16xf32>
        %mul3A_781 = arith.mulf %sub3A_777, %sub3A_777 : vector<16xf32>
        %add3A_782 = arith.addf %add3A_780, %mul3A_781 : vector<16xf32>
        %sort3A_783 = arith.constant dense<true> : vector<16xi1>
        %sort3A_784, %sort3A_785, %sort3A_786 = tpu.sort %add3A_774, %add3A_774 masked %sort3A_783 : (vector<16xf32>, vector<16xf32>, vector<16xi1>) -> (vector<16xi1>, vector<16xf32>, vector<16xf32>)
        %masked_sort3A_787 = arith.constant dense<true> : vector<16xi1>
        %masked_sort3A_788, %masked_sort3A_789, %masked_sort3A_790 = tpu.sort %add3A_782, %add3A_782 masked %masked_sort3A_787 {descending = true} : (vector<16xf32>, vector<16xf32>, vector<16xi1>) -> (vector<16xi1>, vector<16xf32>, vector<16xf32>)
        %min3A_791 = arith.minimumf %sort3A_785, %masked_sort3A_789 : vector<16xf32>
        %masked_sort3A_792 = arith.constant dense<true> : vector<16xi1>
        %masked_sort3A_793, %masked_sort3A_794, %masked_sort3A_795 = tpu.sort %min3A_791, %min3A_791 masked %masked_sort3A_792 {descending = true} : (vector<16xf32>, vector<16xf32>, vector<16xi1>) -> (vector<16xi1>, vector<16xf32>, vector<16xf32>)
        %min3A_796 = arith.minimumf %sort3A_633, %masked_sort3A_794 : vector<16xf32>
        %sort3A_797 = arith.constant dense<true> : vector<16xi1>
        %sort3A_798, %sort3A_799, %sort3A_800 = tpu.sort %min3A_796, %min3A_796 masked %sort3A_797 : (vector<16xf32>, vector<16xf32>, vector<16xi1>) -> (vector<16xi1>, vector<16xf32>, vector<16xf32>)
        scf.yield %sort3A_697, %sort3A_731, %sort3A_765, %sort3A_799 : vector<16xf32>, vector<16xf32>, vector<16xf32>, vector<16xf32>
      }
      %scan3A_200 = arith.constant 32 : i32
      %neg3A_201 = arith.constant 0.000000e+00 : f32
      %neg3A_202 = vector.broadcast %neg3A_201 : f32 to vector<16xf32>
      %neg3A_203 = arith.subf %neg3A_202, %scan3A_199#0 : vector<16xf32>
      %neg3A_204 = arith.constant 0.000000e+00 : f32
      %neg3A_205 = vector.broadcast %neg3A_204 : f32 to vector<16xf32>
      %neg3A_206 = arith.subf %neg3A_205, %scan3A_199#0 : vector<16xf32>
      %div3A_207 = arith.constant 8.99999984E-4 : f32
      %div3A_208 = vector.broadcast %div3A_207 : f32 to vector<16xf32>
      %div3A_209 = arith.divf %neg3A_206, %div3A_208 : vector<16xf32>
      %exp3A_210 = math.exp %div3A_209 : vector<16xf32>
      %mul3A_211 = arith.mulf %neg3A_203, %exp3A_210 : vector<16xf32>
      %jit3A_212 = arith.constant 0.000000e+00 : f32
      %broadcast_in_dim3A_213 = vector.broadcast %jit3A_212 : f32 to vector<16xf32>
      %select_n3A_214 = arith.select %lt3A_35, %mul3A_211, %broadcast_in_dim3A_213 : vector<16xi1>, vector<16xf32>
      %add3A_215 = arith.addf %add3A_156, %select_n3A_214 : vector<16xf32>
      %neg3A_216 = arith.constant 0.000000e+00 : f32
      %neg3A_217 = vector.broadcast %neg3A_216 : f32 to vector<16xf32>
      %neg3A_218 = arith.subf %neg3A_217, %scan3A_199#1 : vector<16xf32>
      %neg3A_219 = arith.constant 0.000000e+00 : f32
      %neg3A_220 = vector.broadcast %neg3A_219 : f32 to vector<16xf32>
      %neg3A_221 = arith.subf %neg3A_220, %scan3A_199#1 : vector<16xf32>
      %div3A_222 = arith.constant 8.99999984E-4 : f32
      %div3A_223 = vector.broadcast %div3A_222 : f32 to vector<16xf32>
      %div3A_224 = arith.divf %neg3A_221, %div3A_223 : vector<16xf32>
      %exp3A_225 = math.exp %div3A_224 : vector<16xf32>
      %mul3A_226 = arith.mulf %neg3A_218, %exp3A_225 : vector<16xf32>
      %jit3A_227 = arith.constant 0.000000e+00 : f32
      %broadcast_in_dim3A_228 = vector.broadcast %jit3A_227 : f32 to vector<16xf32>
      %select_n3A_229 = arith.select %lt3A_35, %mul3A_226, %broadcast_in_dim3A_228 : vector<16xi1>, vector<16xf32>
      %add3A_230 = arith.addf %add3A_215, %select_n3A_229 : vector<16xf32>
      %neg3A_231 = arith.constant 0.000000e+00 : f32
      %neg3A_232 = vector.broadcast %neg3A_231 : f32 to vector<16xf32>
      %neg3A_233 = arith.subf %neg3A_232, %scan3A_199#2 : vector<16xf32>
      %neg3A_234 = arith.constant 0.000000e+00 : f32
      %neg3A_235 = vector.broadcast %neg3A_234 : f32 to vector<16xf32>
      %neg3A_236 = arith.subf %neg3A_235, %scan3A_199#2 : vector<16xf32>
      %div3A_237 = arith.constant 8.99999984E-4 : f32
      %div3A_238 = vector.broadcast %div3A_237 : f32 to vector<16xf32>
      %div3A_239 = arith.divf %neg3A_236, %div3A_238 : vector<16xf32>
      %exp3A_240 = math.exp %div3A_239 : vector<16xf32>
      %mul3A_241 = arith.mulf %neg3A_233, %exp3A_240 : vector<16xf32>
      %jit3A_242 = arith.constant 0.000000e+00 : f32
      %broadcast_in_dim3A_243 = vector.broadcast %jit3A_242 : f32 to vector<16xf32>
      %select_n3A_244 = arith.select %lt3A_35, %mul3A_241, %broadcast_in_dim3A_243 : vector<16xi1>, vector<16xf32>
      %add3A_245 = arith.addf %add3A_230, %select_n3A_244 : vector<16xf32>
      %neg3A_246 = arith.constant 0.000000e+00 : f32
      %neg3A_247 = vector.broadcast %neg3A_246 : f32 to vector<16xf32>
      %neg3A_248 = arith.subf %neg3A_247, %scan3A_199#3 : vector<16xf32>
      %neg3A_249 = arith.constant 0.000000e+00 : f32
      %neg3A_250 = vector.broadcast %neg3A_249 : f32 to vector<16xf32>
      %neg3A_251 = arith.subf %neg3A_250, %scan3A_199#3 : vector<16xf32>
      %div3A_252 = arith.constant 8.99999984E-4 : f32
      %div3A_253 = vector.broadcast %div3A_252 : f32 to vector<16xf32>
      %div3A_254 = arith.divf %neg3A_251, %div3A_253 : vector<16xf32>
      %exp3A_255 = math.exp %div3A_254 : vector<16xf32>
      %mul3A_256 = arith.mulf %neg3A_248, %exp3A_255 : vector<16xf32>
      %jit3A_257 = arith.constant 0.000000e+00 : f32
      %broadcast_in_dim3A_258 = vector.broadcast %jit3A_257 : f32 to vector<16xf32>
      %select_n3A_259 = arith.select %lt3A_35, %mul3A_256, %broadcast_in_dim3A_258 : vector<16xi1>, vector<16xf32>
      %add3A_260 = arith.addf %add3A_245, %select_n3A_259 : vector<16xf32>
      %slice3A_261 = vector.extract_strided_slice %get3A_48 {offsets = [8], sizes = [1], strides = [1]} : vector<16xf32> to vector<1xf32>
      %squeeze3A_262 = vector.extract %slice3A_261[0] : f32 from vector<1xf32>
      %broadcast_in_dim3A_263 = vector.broadcast %squeeze3A_262 : f32 to vector<16xf32>
      %slice3A_264 = vector.extract_strided_slice %get3A_52 {offsets = [8], sizes = [1], strides = [1]} : vector<16xf32> to vector<1xf32>
      %squeeze3A_265 = vector.extract %slice3A_264[0] : f32 from vector<1xf32>
      %broadcast_in_dim3A_266 = vector.broadcast %squeeze3A_265 : f32 to vector<16xf32>
      %slice3A_267 = vector.extract_strided_slice %get3A_56 {offsets = [8], sizes = [1], strides = [1]} : vector<16xf32> to vector<1xf32>
      %squeeze3A_268 = vector.extract %slice3A_267[0] : f32 from vector<1xf32>
      %broadcast_in_dim3A_269 = vector.broadcast %squeeze3A_268 : f32 to vector<16xf32>
      %slice3A_270 = vector.extract_strided_slice %get3A_48 {offsets = [9], sizes = [1], strides = [1]} : vector<16xf32> to vector<1xf32>
      %squeeze3A_271 = vector.extract %slice3A_270[0] : f32 from vector<1xf32>
      %broadcast_in_dim3A_272 = vector.broadcast %squeeze3A_271 : f32 to vector<16xf32>
      %slice3A_273 = vector.extract_strided_slice %get3A_52 {offsets = [9], sizes = [1], strides = [1]} : vector<16xf32> to vector<1xf32>
      %squeeze3A_274 = vector.extract %slice3A_273[0] : f32 from vector<1xf32>
      %broadcast_in_dim3A_275 = vector.broadcast %squeeze3A_274 : f32 to vector<16xf32>
      %slice3A_276 = vector.extract_strided_slice %get3A_56 {offsets = [9], sizes = [1], strides = [1]} : vector<16xf32> to vector<1xf32>
      %squeeze3A_277 = vector.extract %slice3A_276[0] : f32 from vector<1xf32>
      %broadcast_in_dim3A_278 = vector.broadcast %squeeze3A_277 : f32 to vector<16xf32>
      %slice3A_279 = vector.extract_strided_slice %get3A_48 {offsets = [10], sizes = [1], strides = [1]} : vector<16xf32> to vector<1xf32>
      %squeeze3A_280 = vector.extract %slice3A_279[0] : f32 from vector<1xf32>
      %broadcast_in_dim3A_281 = vector.broadcast %squeeze3A_280 : f32 to vector<16xf32>
      %slice3A_282 = vector.extract_strided_slice %get3A_52 {offsets = [10], sizes = [1], strides = [1]} : vector<16xf32> to vector<1xf32>
      %squeeze3A_283 = vector.extract %slice3A_282[0] : f32 from vector<1xf32>
      %broadcast_in_dim3A_284 = vector.broadcast %squeeze3A_283 : f32 to vector<16xf32>
      %slice3A_285 = vector.extract_strided_slice %get3A_56 {offsets = [10], sizes = [1], strides = [1]} : vector<16xf32> to vector<1xf32>
      %squeeze3A_286 = vector.extract %slice3A_285[0] : f32 from vector<1xf32>
      %broadcast_in_dim3A_287 = vector.broadcast %squeeze3A_286 : f32 to vector<16xf32>
      %slice3A_288 = vector.extract_strided_slice %get3A_48 {offsets = [11], sizes = [1], strides = [1]} : vector<16xf32> to vector<1xf32>
      %squeeze3A_289 = vector.extract %slice3A_288[0] : f32 from vector<1xf32>
      %broadcast_in_dim3A_290 = vector.broadcast %squeeze3A_289 : f32 to vector<16xf32>
      %slice3A_291 = vector.extract_strided_slice %get3A_52 {offsets = [11], sizes = [1], strides = [1]} : vector<16xf32> to vector<1xf32>
      %squeeze3A_292 = vector.extract %slice3A_291[0] : f32 from vector<1xf32>
      %broadcast_in_dim3A_293 = vector.broadcast %squeeze3A_292 : f32 to vector<16xf32>
      %slice3A_294 = vector.extract_strided_slice %get3A_56 {offsets = [11], sizes = [1], strides = [1]} : vector<16xf32> to vector<1xf32>
      %squeeze3A_295 = vector.extract %slice3A_294[0] : f32 from vector<1xf32>
      %broadcast_in_dim3A_296 = vector.broadcast %squeeze3A_295 : f32 to vector<16xf32>
      %broadcast_in_dim3A_297 = arith.constant 0x7F800000 : f32
      %broadcast_in_dim3A_298 = vector.broadcast %broadcast_in_dim3A_297 : f32 to vector<16xf32>
      %scan3A_299 = arith.constant 0 : i32
      %scan3A_300 = arith.constant 32 : i32
      %scan3A_301 = arith.addi %scan3A_299, %scan3A_300 : i32
      %scan3A_302 = arith.constant 2 : i32
      %scan3A_303:4 = scf.for %scan3A_469 = %scan3A_299 to %scan3A_301 step %scan3A_302 iter_args(%scan3A_470 = %broadcast_in_dim3A_298, %scan3A_471 = %broadcast_in_dim3A_298, %scan3A_472 = %broadcast_in_dim3A_298, %scan3A_473 = %broadcast_in_dim3A_298) -> (vector<16xf32>, vector<16xf32>, vector<16xf32>, vector<16xf32>)  : i32 {
        %mul3A_474 = arith.constant 32 : i32
        %mul3A_475 = arith.muli %scan3A_469, %mul3A_474 : i32
        %get3A_476 = arith.index_cast %mul3A_475 : i32 to index
        %get3A_477 = tpu.vector_load %arg4[%get3A_476] {strides = array<i32>} : memref<3072xf32, #tpu.memory_space<vmem>>, vector<16xf32>,
        %add3A_478 = arith.constant 1024 : i32
        %add3A_479 = arith.addi %add3A_478, %mul3A_475 : i32
        %get3A_480 = arith.index_cast %add3A_479 : i32 to index
        %get3A_481 = tpu.vector_load %arg4[%get3A_480] {strides = array<i32>} : memref<3072xf32, #tpu.memory_space<vmem>>, vector<16xf32>,
        %add3A_482 = arith.constant 2048 : i32
        %add3A_483 = arith.addi %add3A_482, %mul3A_475 : i32
        %get3A_484 = arith.index_cast %add3A_483 : i32 to index
        %get3A_485 = tpu.vector_load %arg4[%get3A_484] {strides = array<i32>} : memref<3072xf32, #tpu.memory_space<vmem>>, vector<16xf32>,
        %add3A_486 = arith.constant 16 : i32
        %add3A_487 = arith.addi %mul3A_475, %add3A_486 : i32
        %get3A_488 = arith.index_cast %add3A_487 : i32 to index
        %get3A_489 = tpu.vector_load %arg4[%get3A_488] {strides = array<i32>} : memref<3072xf32, #tpu.memory_space<vmem>>, vector<16xf32>,
        %add3A_490 = arith.constant 1024 : i32
        %add3A_491 = arith.addi %add3A_490, %mul3A_475 : i32
        %add3A_492 = arith.constant 16 : i32
        %add3A_493 = arith.addi %add3A_491, %add3A_492 : i32
        %get3A_494 = arith.index_cast %add3A_493 : i32 to index
        %get3A_495 = tpu.vector_load %arg4[%get3A_494] {strides = array<i32>} : memref<3072xf32, #tpu.memory_space<vmem>>, vector<16xf32>,
        %add3A_496 = arith.constant 2048 : i32
        %add3A_497 = arith.addi %add3A_496, %mul3A_475 : i32
        %add3A_498 = arith.constant 16 : i32
        %add3A_499 = arith.addi %add3A_497, %add3A_498 : i32
        %get3A_500 = arith.index_cast %add3A_499 : i32 to index
        %get3A_501 = tpu.vector_load %arg4[%get3A_500] {strides = array<i32>} : memref<3072xf32, #tpu.memory_space<vmem>>, vector<16xf32>,
        %sub3A_502 = arith.subf %get3A_477, %broadcast_in_dim3A_263 : vector<16xf32>
        %sub3A_503 = arith.subf %get3A_481, %broadcast_in_dim3A_266 : vector<16xf32>
        %sub3A_504 = arith.subf %get3A_485, %broadcast_in_dim3A_269 : vector<16xf32>
        %mul3A_505 = arith.mulf %sub3A_502, %sub3A_502 : vector<16xf32>
        %mul3A_506 = arith.mulf %sub3A_503, %sub3A_503 : vector<16xf32>
        %add3A_507 = arith.addf %mul3A_505, %mul3A_506 : vector<16xf32>
        %mul3A_508 = arith.mulf %sub3A_504, %sub3A_504 : vector<16xf32>
        %add3A_509 = arith.addf %add3A_507, %mul3A_508 : vector<16xf32>
        %sub3A_510 = arith.subf %get3A_489, %broadcast_in_dim3A_263 : vector<16xf32>
        %sub3A_511 = arith.subf %get3A_495, %broadcast_in_dim3A_266 : vector<16xf32>
        %sub3A_512 = arith.subf %get3A_501, %broadcast_in_dim3A_269 : vector<16xf32>
        %mul3A_513 = arith.mulf %sub3A_510, %sub3A_510 : vector<16xf32>
        %mul3A_514 = arith.mulf %sub3A_511, %sub3A_511 : vector<16xf32>
        %add3A_515 = arith.addf %mul3A_513, %mul3A_514 : vector<16xf32>
        %mul3A_516 = arith.mulf %sub3A_512, %sub3A_512 : vector<16xf32>
        %add3A_517 = arith.addf %add3A_515, %mul3A_516 : vector<16xf32>
        %sort3A = arith.constant dense<true> : vector<16xi1>
        %sort3A_518, %sort3A_519, %sort3A_520 = tpu.sort %add3A_509, %add3A_509 masked %sort3A : (vector<16xf32>, vector<16xf32>, vector<16xi1>) -> (vector<16xi1>, vector<16xf32>, vector<16xf32>)
        %masked_sort3A = arith.constant dense<true> : vector<16xi1>
        %masked_sort3A_521, %masked_sort3A_522, %masked_sort3A_523 = tpu.sort %add3A_517, %add3A_517 masked %masked_sort3A {descending = true} : (vector<16xf32>, vector<16xf32>, vector<16xi1>) -> (vector<16xi1>, vector<16xf32>, vector<16xf32>)
        %min3A = arith.minimumf %sort3A_519, %masked_sort3A_522 : vector<16xf32>
        %masked_sort3A_524 = arith.constant dense<true> : vector<16xi1>
        %masked_sort3A_525, %masked_sort3A_526, %masked_sort3A_527 = tpu.sort %min3A, %min3A masked %masked_sort3A_524 {descending = true} : (vector<16xf32>, vector<16xf32>, vector<16xi1>) -> (vector<16xi1>, vector<16xf32>, vector<16xf32>)
        %min3A_528 = arith.minimumf %scan3A_470, %masked_sort3A_526 : vector<16xf32>
        %sort3A_529 = arith.constant dense<true> : vector<16xi1>
        %sort3A_530, %sort3A_531, %sort3A_532 = tpu.sort %min3A_528, %min3A_528 masked %sort3A_529 : (vector<16xf32>, vector<16xf32>, vector<16xi1>) -> (vector<16xi1>, vector<16xf32>, vector<16xf32>)
        %sub3A_533 = arith.subf %get3A_477, %broadcast_in_dim3A_272 : vector<16xf32>
        %sub3A_534 = arith.subf %get3A_481, %broadcast_in_dim3A_275 : vector<16xf32>
        %sub3A_535 = arith.subf %get3A_485, %broadcast_in_dim3A_278 : vector<16xf32>
        %mul3A_536 = arith.mulf %sub3A_533, %sub3A_533 : vector<16xf32>
        %mul3A_537 = arith.mulf %sub3A_534, %sub3A_534 : vector<16xf32>
        %add3A_538 = arith.addf %mul3A_536, %mul3A_537 : vector<16xf32>
        %mul3A_539 = arith.mulf %sub3A_535, %sub3A_535 : vector<16xf32>
        %add3A_540 = arith.addf %add3A_538, %mul3A_539 : vector<16xf32>
        %sub3A_541 = arith.subf %get3A_489, %broadcast_in_dim3A_272 : vector<16xf32>
        %sub3A_542 = arith.subf %get3A_495, %broadcast_in_dim3A_275 : vector<16xf32>
        %sub3A_543 = arith.subf %get3A_501, %broadcast_in_dim3A_278 : vector<16xf32>
        %mul3A_544 = arith.mulf %sub3A_541, %sub3A_541 : vector<16xf32>
        %mul3A_545 = arith.mulf %sub3A_542, %sub3A_542 : vector<16xf32>
        %add3A_546 = arith.addf %mul3A_544, %mul3A_545 : vector<16xf32>
        %mul3A_547 = arith.mulf %sub3A_543, %sub3A_543 : vector<16xf32>
        %add3A_548 = arith.addf %add3A_546, %mul3A_547 : vector<16xf32>
        %sort3A_549 = arith.constant dense<true> : vector<16xi1>
        %sort3A_550, %sort3A_551, %sort3A_552 = tpu.sort %add3A_540, %add3A_540 masked %sort3A_549 : (vector<16xf32>, vector<16xf32>, vector<16xi1>) -> (vector<16xi1>, vector<16xf32>, vector<16xf32>)
        %masked_sort3A_553 = arith.constant dense<true> : vector<16xi1>
        %masked_sort3A_554, %masked_sort3A_555, %masked_sort3A_556 = tpu.sort %add3A_548, %add3A_548 masked %masked_sort3A_553 {descending = true} : (vector<16xf32>, vector<16xf32>, vector<16xi1>) -> (vector<16xi1>, vector<16xf32>, vector<16xf32>)
        %min3A_557 = arith.minimumf %sort3A_551, %masked_sort3A_555 : vector<16xf32>
        %masked_sort3A_558 = arith.constant dense<true> : vector<16xi1>
        %masked_sort3A_559, %masked_sort3A_560, %masked_sort3A_561 = tpu.sort %min3A_557, %min3A_557 masked %masked_sort3A_558 {descending = true} : (vector<16xf32>, vector<16xf32>, vector<16xi1>) -> (vector<16xi1>, vector<16xf32>, vector<16xf32>)
        %min3A_562 = arith.minimumf %scan3A_471, %masked_sort3A_560 : vector<16xf32>
        %sort3A_563 = arith.constant dense<true> : vector<16xi1>
        %sort3A_564, %sort3A_565, %sort3A_566 = tpu.sort %min3A_562, %min3A_562 masked %sort3A_563 : (vector<16xf32>, vector<16xf32>, vector<16xi1>) -> (vector<16xi1>, vector<16xf32>, vector<16xf32>)
        %sub3A_567 = arith.subf %get3A_477, %broadcast_in_dim3A_281 : vector<16xf32>
        %sub3A_568 = arith.subf %get3A_481, %broadcast_in_dim3A_284 : vector<16xf32>
        %sub3A_569 = arith.subf %get3A_485, %broadcast_in_dim3A_287 : vector<16xf32>
        %mul3A_570 = arith.mulf %sub3A_567, %sub3A_567 : vector<16xf32>
        %mul3A_571 = arith.mulf %sub3A_568, %sub3A_568 : vector<16xf32>
        %add3A_572 = arith.addf %mul3A_570, %mul3A_571 : vector<16xf32>
        %mul3A_573 = arith.mulf %sub3A_569, %sub3A_569 : vector<16xf32>
        %add3A_574 = arith.addf %add3A_572, %mul3A_573 : vector<16xf32>
        %sub3A_575 = arith.subf %get3A_489, %broadcast_in_dim3A_281 : vector<16xf32>
        %sub3A_576 = arith.subf %get3A_495, %broadcast_in_dim3A_284 : vector<16xf32>
        %sub3A_577 = arith.subf %get3A_501, %broadcast_in_dim3A_287 : vector<16xf32>
        %mul3A_578 = arith.mulf %sub3A_575, %sub3A_575 : vector<16xf32>
        %mul3A_579 = arith.mulf %sub3A_576, %sub3A_576 : vector<16xf32>
        %add3A_580 = arith.addf %mul3A_578, %mul3A_579 : vector<16xf32>
        %mul3A_581 = arith.mulf %sub3A_577, %sub3A_577 : vector<16xf32>
        %add3A_582 = arith.addf %add3A_580, %mul3A_581 : vector<16xf32>
        %sort3A_583 = arith.constant dense<true> : vector<16xi1>
        %sort3A_584, %sort3A_585, %sort3A_586 = tpu.sort %add3A_574, %add3A_574 masked %sort3A_583 : (vector<16xf32>, vector<16xf32>, vector<16xi1>) -> (vector<16xi1>, vector<16xf32>, vector<16xf32>)
        %masked_sort3A_587 = arith.constant dense<true> : vector<16xi1>
        %masked_sort3A_588, %masked_sort3A_589, %masked_sort3A_590 = tpu.sort %add3A_582, %add3A_582 masked %masked_sort3A_587 {descending = true} : (vector<16xf32>, vector<16xf32>, vector<16xi1>) -> (vector<16xi1>, vector<16xf32>, vector<16xf32>)
        %min3A_591 = arith.minimumf %sort3A_585, %masked_sort3A_589 : vector<16xf32>
        %masked_sort3A_592 = arith.constant dense<true> : vector<16xi1>
        %masked_sort3A_593, %masked_sort3A_594, %masked_sort3A_595 = tpu.sort %min3A_591, %min3A_591 masked %masked_sort3A_592 {descending = true} : (vector<16xf32>, vector<16xf32>, vector<16xi1>) -> (vector<16xi1>, vector<16xf32>, vector<16xf32>)
        %min3A_596 = arith.minimumf %scan3A_472, %masked_sort3A_594 : vector<16xf32>
        %sort3A_597 = arith.constant dense<true> : vector<16xi1>
        %sort3A_598, %sort3A_599, %sort3A_600 = tpu.sort %min3A_596, %min3A_596 masked %sort3A_597 : (vector<16xf32>, vector<16xf32>, vector<16xi1>) -> (vector<16xi1>, vector<16xf32>, vector<16xf32>)
        %sub3A_601 = arith.subf %get3A_477, %broadcast_in_dim3A_290 : vector<16xf32>
        %sub3A_602 = arith.subf %get3A_481, %broadcast_in_dim3A_293 : vector<16xf32>
        %sub3A_603 = arith.subf %get3A_485, %broadcast_in_dim3A_296 : vector<16xf32>
        %mul3A_604 = arith.mulf %sub3A_601, %sub3A_601 : vector<16xf32>
        %mul3A_605 = arith.mulf %sub3A_602, %sub3A_602 : vector<16xf32>
        %add3A_606 = arith.addf %mul3A_604, %mul3A_605 : vector<16xf32>
        %mul3A_607 = arith.mulf %sub3A_603, %sub3A_603 : vector<16xf32>
        %add3A_608 = arith.addf %add3A_606, %mul3A_607 : vector<16xf32>
        %sub3A_609 = arith.subf %get3A_489, %broadcast_in_dim3A_290 : vector<16xf32>
        %sub3A_610 = arith.subf %get3A_495, %broadcast_in_dim3A_293 : vector<16xf32>
        %sub3A_611 = arith.subf %get3A_501, %broadcast_in_dim3A_296 : vector<16xf32>
        %mul3A_612 = arith.mulf %sub3A_609, %sub3A_609 : vector<16xf32>
        %mul3A_613 = arith.mulf %sub3A_610, %sub3A_610 : vector<16xf32>
        %add3A_614 = arith.addf %mul3A_612, %mul3A_613 : vector<16xf32>
        %mul3A_615 = arith.mulf %sub3A_611, %sub3A_611 : vector<16xf32>
        %add3A_616 = arith.addf %add3A_614, %mul3A_615 : vector<16xf32>
        %sort3A_617 = arith.constant dense<true> : vector<16xi1>
        %sort3A_618, %sort3A_619, %sort3A_620 = tpu.sort %add3A_608, %add3A_608 masked %sort3A_617 : (vector<16xf32>, vector<16xf32>, vector<16xi1>) -> (vector<16xi1>, vector<16xf32>, vector<16xf32>)
        %masked_sort3A_621 = arith.constant dense<true> : vector<16xi1>
        %masked_sort3A_622, %masked_sort3A_623, %masked_sort3A_624 = tpu.sort %add3A_616, %add3A_616 masked %masked_sort3A_621 {descending = true} : (vector<16xf32>, vector<16xf32>, vector<16xi1>) -> (vector<16xi1>, vector<16xf32>, vector<16xf32>)
        %min3A_625 = arith.minimumf %sort3A_619, %masked_sort3A_623 : vector<16xf32>
        %masked_sort3A_626 = arith.constant dense<true> : vector<16xi1>
        %masked_sort3A_627, %masked_sort3A_628, %masked_sort3A_629 = tpu.sort %min3A_625, %min3A_625 masked %masked_sort3A_626 {descending = true} : (vector<16xf32>, vector<16xf32>, vector<16xi1>) -> (vector<16xi1>, vector<16xf32>, vector<16xf32>)
        %min3A_630 = arith.minimumf %scan3A_473, %masked_sort3A_628 : vector<16xf32>
        %sort3A_631 = arith.constant dense<true> : vector<16xi1>
        %sort3A_632, %sort3A_633, %sort3A_634 = tpu.sort %min3A_630, %min3A_630 masked %sort3A_631 : (vector<16xf32>, vector<16xf32>, vector<16xi1>) -> (vector<16xi1>, vector<16xf32>, vector<16xf32>)
        %scan3A_635 = arith.constant 1 : i32
        %scan3A_636 = arith.addi %scan3A_469, %scan3A_635 : i32
        %mul3A_637 = arith.constant 32 : i32
        %mul3A_638 = arith.muli %scan3A_636, %mul3A_637 : i32
        %get3A_639 = arith.index_cast %mul3A_638 : i32 to index
        %get3A_640 = tpu.vector_load %arg4[%get3A_639] {strides = array<i32>} : memref<3072xf32, #tpu.memory_space<vmem>>, vector<16xf32>,
        %add3A_641 = arith.constant 1024 : i32
        %add3A_642 = arith.addi %add3A_641, %mul3A_638 : i32
        %get3A_643 = arith.index_cast %add3A_642 : i32 to index
        %get3A_644 = tpu.vector_load %arg4[%get3A_643] {strides = array<i32>} : memref<3072xf32, #tpu.memory_space<vmem>>, vector<16xf32>,
        %add3A_645 = arith.constant 2048 : i32
        %add3A_646 = arith.addi %add3A_645, %mul3A_638 : i32
        %get3A_647 = arith.index_cast %add3A_646 : i32 to index
        %get3A_648 = tpu.vector_load %arg4[%get3A_647] {strides = array<i32>} : memref<3072xf32, #tpu.memory_space<vmem>>, vector<16xf32>,
        %add3A_649 = arith.constant 16 : i32
        %add3A_650 = arith.addi %mul3A_638, %add3A_649 : i32
        %get3A_651 = arith.index_cast %add3A_650 : i32 to index
        %get3A_652 = tpu.vector_load %arg4[%get3A_651] {strides = array<i32>} : memref<3072xf32, #tpu.memory_space<vmem>>, vector<16xf32>,
        %add3A_653 = arith.constant 1024 : i32
        %add3A_654 = arith.addi %add3A_653, %mul3A_638 : i32
        %add3A_655 = arith.constant 16 : i32
        %add3A_656 = arith.addi %add3A_654, %add3A_655 : i32
        %get3A_657 = arith.index_cast %add3A_656 : i32 to index
        %get3A_658 = tpu.vector_load %arg4[%get3A_657] {strides = array<i32>} : memref<3072xf32, #tpu.memory_space<vmem>>, vector<16xf32>,
        %add3A_659 = arith.constant 2048 : i32
        %add3A_660 = arith.addi %add3A_659, %mul3A_638 : i32
        %add3A_661 = arith.constant 16 : i32
        %add3A_662 = arith.addi %add3A_660, %add3A_661 : i32
        %get3A_663 = arith.index_cast %add3A_662 : i32 to index
        %get3A_664 = tpu.vector_load %arg4[%get3A_663] {strides = array<i32>} : memref<3072xf32, #tpu.memory_space<vmem>>, vector<16xf32>,
        %sub3A_665 = arith.subf %get3A_640, %broadcast_in_dim3A_263 : vector<16xf32>
        %sub3A_666 = arith.subf %get3A_644, %broadcast_in_dim3A_266 : vector<16xf32>
        %sub3A_667 = arith.subf %get3A_648, %broadcast_in_dim3A_269 : vector<16xf32>
        %mul3A_668 = arith.mulf %sub3A_665, %sub3A_665 : vector<16xf32>
        %mul3A_669 = arith.mulf %sub3A_666, %sub3A_666 : vector<16xf32>
        %add3A_670 = arith.addf %mul3A_668, %mul3A_669 : vector<16xf32>
        %mul3A_671 = arith.mulf %sub3A_667, %sub3A_667 : vector<16xf32>
        %add3A_672 = arith.addf %add3A_670, %mul3A_671 : vector<16xf32>
        %sub3A_673 = arith.subf %get3A_652, %broadcast_in_dim3A_263 : vector<16xf32>
        %sub3A_674 = arith.subf %get3A_658, %broadcast_in_dim3A_266 : vector<16xf32>
        %sub3A_675 = arith.subf %get3A_664, %broadcast_in_dim3A_269 : vector<16xf32>
        %mul3A_676 = arith.mulf %sub3A_673, %sub3A_673 : vector<16xf32>
        %mul3A_677 = arith.mulf %sub3A_674, %sub3A_674 : vector<16xf32>
        %add3A_678 = arith.addf %mul3A_676, %mul3A_677 : vector<16xf32>
        %mul3A_679 = arith.mulf %sub3A_675, %sub3A_675 : vector<16xf32>
        %add3A_680 = arith.addf %add3A_678, %mul3A_679 : vector<16xf32>
        %sort3A_681 = arith.constant dense<true> : vector<16xi1>
        %sort3A_682, %sort3A_683, %sort3A_684 = tpu.sort %add3A_672, %add3A_672 masked %sort3A_681 : (vector<16xf32>, vector<16xf32>, vector<16xi1>) -> (vector<16xi1>, vector<16xf32>, vector<16xf32>)
        %masked_sort3A_685 = arith.constant dense<true> : vector<16xi1>
        %masked_sort3A_686, %masked_sort3A_687, %masked_sort3A_688 = tpu.sort %add3A_680, %add3A_680 masked %masked_sort3A_685 {descending = true} : (vector<16xf32>, vector<16xf32>, vector<16xi1>) -> (vector<16xi1>, vector<16xf32>, vector<16xf32>)
        %min3A_689 = arith.minimumf %sort3A_683, %masked_sort3A_687 : vector<16xf32>
        %masked_sort3A_690 = arith.constant dense<true> : vector<16xi1>
        %masked_sort3A_691, %masked_sort3A_692, %masked_sort3A_693 = tpu.sort %min3A_689, %min3A_689 masked %masked_sort3A_690 {descending = true} : (vector<16xf32>, vector<16xf32>, vector<16xi1>) -> (vector<16xi1>, vector<16xf32>, vector<16xf32>)
        %min3A_694 = arith.minimumf %sort3A_531, %masked_sort3A_692 : vector<16xf32>
        %sort3A_695 = arith.constant dense<true> : vector<16xi1>
        %sort3A_696, %sort3A_697, %sort3A_698 = tpu.sort %min3A_694, %min3A_694 masked %sort3A_695 : (vector<16xf32>, vector<16xf32>, vector<16xi1>) -> (vector<16xi1>, vector<16xf32>, vector<16xf32>)
        %sub3A_699 = arith.subf %get3A_640, %broadcast_in_dim3A_272 : vector<16xf32>
        %sub3A_700 = arith.subf %get3A_644, %broadcast_in_dim3A_275 : vector<16xf32>
        %sub3A_701 = arith.subf %get3A_648, %broadcast_in_dim3A_278 : vector<16xf32>
        %mul3A_702 = arith.mulf %sub3A_699, %sub3A_699 : vector<16xf32>
        %mul3A_703 = arith.mulf %sub3A_700, %sub3A_700 : vector<16xf32>
        %add3A_704 = arith.addf %mul3A_702, %mul3A_703 : vector<16xf32>
        %mul3A_705 = arith.mulf %sub3A_701, %sub3A_701 : vector<16xf32>
        %add3A_706 = arith.addf %add3A_704, %mul3A_705 : vector<16xf32>
        %sub3A_707 = arith.subf %get3A_652, %broadcast_in_dim3A_272 : vector<16xf32>
        %sub3A_708 = arith.subf %get3A_658, %broadcast_in_dim3A_275 : vector<16xf32>
        %sub3A_709 = arith.subf %get3A_664, %broadcast_in_dim3A_278 : vector<16xf32>
        %mul3A_710 = arith.mulf %sub3A_707, %sub3A_707 : vector<16xf32>
        %mul3A_711 = arith.mulf %sub3A_708, %sub3A_708 : vector<16xf32>
        %add3A_712 = arith.addf %mul3A_710, %mul3A_711 : vector<16xf32>
        %mul3A_713 = arith.mulf %sub3A_709, %sub3A_709 : vector<16xf32>
        %add3A_714 = arith.addf %add3A_712, %mul3A_713 : vector<16xf32>
        %sort3A_715 = arith.constant dense<true> : vector<16xi1>
        %sort3A_716, %sort3A_717, %sort3A_718 = tpu.sort %add3A_706, %add3A_706 masked %sort3A_715 : (vector<16xf32>, vector<16xf32>, vector<16xi1>) -> (vector<16xi1>, vector<16xf32>, vector<16xf32>)
        %masked_sort3A_719 = arith.constant dense<true> : vector<16xi1>
        %masked_sort3A_720, %masked_sort3A_721, %masked_sort3A_722 = tpu.sort %add3A_714, %add3A_714 masked %masked_sort3A_719 {descending = true} : (vector<16xf32>, vector<16xf32>, vector<16xi1>) -> (vector<16xi1>, vector<16xf32>, vector<16xf32>)
        %min3A_723 = arith.minimumf %sort3A_717, %masked_sort3A_721 : vector<16xf32>
        %masked_sort3A_724 = arith.constant dense<true> : vector<16xi1>
        %masked_sort3A_725, %masked_sort3A_726, %masked_sort3A_727 = tpu.sort %min3A_723, %min3A_723 masked %masked_sort3A_724 {descending = true} : (vector<16xf32>, vector<16xf32>, vector<16xi1>) -> (vector<16xi1>, vector<16xf32>, vector<16xf32>)
        %min3A_728 = arith.minimumf %sort3A_565, %masked_sort3A_726 : vector<16xf32>
        %sort3A_729 = arith.constant dense<true> : vector<16xi1>
        %sort3A_730, %sort3A_731, %sort3A_732 = tpu.sort %min3A_728, %min3A_728 masked %sort3A_729 : (vector<16xf32>, vector<16xf32>, vector<16xi1>) -> (vector<16xi1>, vector<16xf32>, vector<16xf32>)
        %sub3A_733 = arith.subf %get3A_640, %broadcast_in_dim3A_281 : vector<16xf32>
        %sub3A_734 = arith.subf %get3A_644, %broadcast_in_dim3A_284 : vector<16xf32>
        %sub3A_735 = arith.subf %get3A_648, %broadcast_in_dim3A_287 : vector<16xf32>
        %mul3A_736 = arith.mulf %sub3A_733, %sub3A_733 : vector<16xf32>
        %mul3A_737 = arith.mulf %sub3A_734, %sub3A_734 : vector<16xf32>
        %add3A_738 = arith.addf %mul3A_736, %mul3A_737 : vector<16xf32>
        %mul3A_739 = arith.mulf %sub3A_735, %sub3A_735 : vector<16xf32>
        %add3A_740 = arith.addf %add3A_738, %mul3A_739 : vector<16xf32>
        %sub3A_741 = arith.subf %get3A_652, %broadcast_in_dim3A_281 : vector<16xf32>
        %sub3A_742 = arith.subf %get3A_658, %broadcast_in_dim3A_284 : vector<16xf32>
        %sub3A_743 = arith.subf %get3A_664, %broadcast_in_dim3A_287 : vector<16xf32>
        %mul3A_744 = arith.mulf %sub3A_741, %sub3A_741 : vector<16xf32>
        %mul3A_745 = arith.mulf %sub3A_742, %sub3A_742 : vector<16xf32>
        %add3A_746 = arith.addf %mul3A_744, %mul3A_745 : vector<16xf32>
        %mul3A_747 = arith.mulf %sub3A_743, %sub3A_743 : vector<16xf32>
        %add3A_748 = arith.addf %add3A_746, %mul3A_747 : vector<16xf32>
        %sort3A_749 = arith.constant dense<true> : vector<16xi1>
        %sort3A_750, %sort3A_751, %sort3A_752 = tpu.sort %add3A_740, %add3A_740 masked %sort3A_749 : (vector<16xf32>, vector<16xf32>, vector<16xi1>) -> (vector<16xi1>, vector<16xf32>, vector<16xf32>)
        %masked_sort3A_753 = arith.constant dense<true> : vector<16xi1>
        %masked_sort3A_754, %masked_sort3A_755, %masked_sort3A_756 = tpu.sort %add3A_748, %add3A_748 masked %masked_sort3A_753 {descending = true} : (vector<16xf32>, vector<16xf32>, vector<16xi1>) -> (vector<16xi1>, vector<16xf32>, vector<16xf32>)
        %min3A_757 = arith.minimumf %sort3A_751, %masked_sort3A_755 : vector<16xf32>
        %masked_sort3A_758 = arith.constant dense<true> : vector<16xi1>
        %masked_sort3A_759, %masked_sort3A_760, %masked_sort3A_761 = tpu.sort %min3A_757, %min3A_757 masked %masked_sort3A_758 {descending = true} : (vector<16xf32>, vector<16xf32>, vector<16xi1>) -> (vector<16xi1>, vector<16xf32>, vector<16xf32>)
        %min3A_762 = arith.minimumf %sort3A_599, %masked_sort3A_760 : vector<16xf32>
        %sort3A_763 = arith.constant dense<true> : vector<16xi1>
        %sort3A_764, %sort3A_765, %sort3A_766 = tpu.sort %min3A_762, %min3A_762 masked %sort3A_763 : (vector<16xf32>, vector<16xf32>, vector<16xi1>) -> (vector<16xi1>, vector<16xf32>, vector<16xf32>)
        %sub3A_767 = arith.subf %get3A_640, %broadcast_in_dim3A_290 : vector<16xf32>
        %sub3A_768 = arith.subf %get3A_644, %broadcast_in_dim3A_293 : vector<16xf32>
        %sub3A_769 = arith.subf %get3A_648, %broadcast_in_dim3A_296 : vector<16xf32>
        %mul3A_770 = arith.mulf %sub3A_767, %sub3A_767 : vector<16xf32>
        %mul3A_771 = arith.mulf %sub3A_768, %sub3A_768 : vector<16xf32>
        %add3A_772 = arith.addf %mul3A_770, %mul3A_771 : vector<16xf32>
        %mul3A_773 = arith.mulf %sub3A_769, %sub3A_769 : vector<16xf32>
        %add3A_774 = arith.addf %add3A_772, %mul3A_773 : vector<16xf32>
        %sub3A_775 = arith.subf %get3A_652, %broadcast_in_dim3A_290 : vector<16xf32>
        %sub3A_776 = arith.subf %get3A_658, %broadcast_in_dim3A_293 : vector<16xf32>
        %sub3A_777 = arith.subf %get3A_664, %broadcast_in_dim3A_296 : vector<16xf32>
        %mul3A_778 = arith.mulf %sub3A_775, %sub3A_775 : vector<16xf32>
        %mul3A_779 = arith.mulf %sub3A_776, %sub3A_776 : vector<16xf32>
        %add3A_780 = arith.addf %mul3A_778, %mul3A_779 : vector<16xf32>
        %mul3A_781 = arith.mulf %sub3A_777, %sub3A_777 : vector<16xf32>
        %add3A_782 = arith.addf %add3A_780, %mul3A_781 : vector<16xf32>
        %sort3A_783 = arith.constant dense<true> : vector<16xi1>
        %sort3A_784, %sort3A_785, %sort3A_786 = tpu.sort %add3A_774, %add3A_774 masked %sort3A_783 : (vector<16xf32>, vector<16xf32>, vector<16xi1>) -> (vector<16xi1>, vector<16xf32>, vector<16xf32>)
        %masked_sort3A_787 = arith.constant dense<true> : vector<16xi1>
        %masked_sort3A_788, %masked_sort3A_789, %masked_sort3A_790 = tpu.sort %add3A_782, %add3A_782 masked %masked_sort3A_787 {descending = true} : (vector<16xf32>, vector<16xf32>, vector<16xi1>) -> (vector<16xi1>, vector<16xf32>, vector<16xf32>)
        %min3A_791 = arith.minimumf %sort3A_785, %masked_sort3A_789 : vector<16xf32>
        %masked_sort3A_792 = arith.constant dense<true> : vector<16xi1>
        %masked_sort3A_793, %masked_sort3A_794, %masked_sort3A_795 = tpu.sort %min3A_791, %min3A_791 masked %masked_sort3A_792 {descending = true} : (vector<16xf32>, vector<16xf32>, vector<16xi1>) -> (vector<16xi1>, vector<16xf32>, vector<16xf32>)
        %min3A_796 = arith.minimumf %sort3A_633, %masked_sort3A_794 : vector<16xf32>
        %sort3A_797 = arith.constant dense<true> : vector<16xi1>
        %sort3A_798, %sort3A_799, %sort3A_800 = tpu.sort %min3A_796, %min3A_796 masked %sort3A_797 : (vector<16xf32>, vector<16xf32>, vector<16xi1>) -> (vector<16xi1>, vector<16xf32>, vector<16xf32>)
        scf.yield %sort3A_697, %sort3A_731, %sort3A_765, %sort3A_799 : vector<16xf32>, vector<16xf32>, vector<16xf32>, vector<16xf32>
      }
      %scan3A_304 = arith.constant 32 : i32
      %neg3A_305 = arith.constant 0.000000e+00 : f32
      %neg3A_306 = vector.broadcast %neg3A_305 : f32 to vector<16xf32>
      %neg3A_307 = arith.subf %neg3A_306, %scan3A_303#0 : vector<16xf32>
      %neg3A_308 = arith.constant 0.000000e+00 : f32
      %neg3A_309 = vector.broadcast %neg3A_308 : f32 to vector<16xf32>
      %neg3A_310 = arith.subf %neg3A_309, %scan3A_303#0 : vector<16xf32>
      %div3A_311 = arith.constant 8.99999984E-4 : f32
      %div3A_312 = vector.broadcast %div3A_311 : f32 to vector<16xf32>
      %div3A_313 = arith.divf %neg3A_310, %div3A_312 : vector<16xf32>
      %exp3A_314 = math.exp %div3A_313 : vector<16xf32>
      %mul3A_315 = arith.mulf %neg3A_307, %exp3A_314 : vector<16xf32>
      %jit3A_316 = arith.constant 0.000000e+00 : f32
      %broadcast_in_dim3A_317 = vector.broadcast %jit3A_316 : f32 to vector<16xf32>
      %select_n3A_318 = arith.select %lt3A_35, %mul3A_315, %broadcast_in_dim3A_317 : vector<16xi1>, vector<16xf32>
      %add3A_319 = arith.addf %add3A_260, %select_n3A_318 : vector<16xf32>
      %neg3A_320 = arith.constant 0.000000e+00 : f32
      %neg3A_321 = vector.broadcast %neg3A_320 : f32 to vector<16xf32>
      %neg3A_322 = arith.subf %neg3A_321, %scan3A_303#1 : vector<16xf32>
      %neg3A_323 = arith.constant 0.000000e+00 : f32
      %neg3A_324 = vector.broadcast %neg3A_323 : f32 to vector<16xf32>
      %neg3A_325 = arith.subf %neg3A_324, %scan3A_303#1 : vector<16xf32>
      %div3A_326 = arith.constant 8.99999984E-4 : f32
      %div3A_327 = vector.broadcast %div3A_326 : f32 to vector<16xf32>
      %div3A_328 = arith.divf %neg3A_325, %div3A_327 : vector<16xf32>
      %exp3A_329 = math.exp %div3A_328 : vector<16xf32>
      %mul3A_330 = arith.mulf %neg3A_322, %exp3A_329 : vector<16xf32>
      %jit3A_331 = arith.constant 0.000000e+00 : f32
      %broadcast_in_dim3A_332 = vector.broadcast %jit3A_331 : f32 to vector<16xf32>
      %select_n3A_333 = arith.select %lt3A_35, %mul3A_330, %broadcast_in_dim3A_332 : vector<16xi1>, vector<16xf32>
      %add3A_334 = arith.addf %add3A_319, %select_n3A_333 : vector<16xf32>
      %neg3A_335 = arith.constant 0.000000e+00 : f32
      %neg3A_336 = vector.broadcast %neg3A_335 : f32 to vector<16xf32>
      %neg3A_337 = arith.subf %neg3A_336, %scan3A_303#2 : vector<16xf32>
      %neg3A_338 = arith.constant 0.000000e+00 : f32
      %neg3A_339 = vector.broadcast %neg3A_338 : f32 to vector<16xf32>
      %neg3A_340 = arith.subf %neg3A_339, %scan3A_303#2 : vector<16xf32>
      %div3A_341 = arith.constant 8.99999984E-4 : f32
      %div3A_342 = vector.broadcast %div3A_341 : f32 to vector<16xf32>
      %div3A_343 = arith.divf %neg3A_340, %div3A_342 : vector<16xf32>
      %exp3A_344 = math.exp %div3A_343 : vector<16xf32>
      %mul3A_345 = arith.mulf %neg3A_337, %exp3A_344 : vector<16xf32>
      %jit3A_346 = arith.constant 0.000000e+00 : f32
      %broadcast_in_dim3A_347 = vector.broadcast %jit3A_346 : f32 to vector<16xf32>
      %select_n3A_348 = arith.select %lt3A_35, %mul3A_345, %broadcast_in_dim3A_347 : vector<16xi1>, vector<16xf32>
      %add3A_349 = arith.addf %add3A_334, %select_n3A_348 : vector<16xf32>
      %neg3A_350 = arith.constant 0.000000e+00 : f32
      %neg3A_351 = vector.broadcast %neg3A_350 : f32 to vector<16xf32>
      %neg3A_352 = arith.subf %neg3A_351, %scan3A_303#3 : vector<16xf32>
      %neg3A_353 = arith.constant 0.000000e+00 : f32
      %neg3A_354 = vector.broadcast %neg3A_353 : f32 to vector<16xf32>
      %neg3A_355 = arith.subf %neg3A_354, %scan3A_303#3 : vector<16xf32>
      %div3A_356 = arith.constant 8.99999984E-4 : f32
      %div3A_357 = vector.broadcast %div3A_356 : f32 to vector<16xf32>
      %div3A_358 = arith.divf %neg3A_355, %div3A_357 : vector<16xf32>
      %exp3A_359 = math.exp %div3A_358 : vector<16xf32>
      %mul3A_360 = arith.mulf %neg3A_352, %exp3A_359 : vector<16xf32>
      %jit3A_361 = arith.constant 0.000000e+00 : f32
      %broadcast_in_dim3A_362 = vector.broadcast %jit3A_361 : f32 to vector<16xf32>
      %select_n3A_363 = arith.select %lt3A_35, %mul3A_360, %broadcast_in_dim3A_362 : vector<16xi1>, vector<16xf32>
      %add3A_364 = arith.addf %add3A_349, %select_n3A_363 : vector<16xf32>
      %slice3A_365 = vector.extract_strided_slice %get3A_48 {offsets = [12], sizes = [1], strides = [1]} : vector<16xf32> to vector<1xf32>
      %squeeze3A_366 = vector.extract %slice3A_365[0] : f32 from vector<1xf32>
      %broadcast_in_dim3A_367 = vector.broadcast %squeeze3A_366 : f32 to vector<16xf32>
      %slice3A_368 = vector.extract_strided_slice %get3A_52 {offsets = [12], sizes = [1], strides = [1]} : vector<16xf32> to vector<1xf32>
      %squeeze3A_369 = vector.extract %slice3A_368[0] : f32 from vector<1xf32>
      %broadcast_in_dim3A_370 = vector.broadcast %squeeze3A_369 : f32 to vector<16xf32>
      %slice3A_371 = vector.extract_strided_slice %get3A_56 {offsets = [12], sizes = [1], strides = [1]} : vector<16xf32> to vector<1xf32>
      %squeeze3A_372 = vector.extract %slice3A_371[0] : f32 from vector<1xf32>
      %broadcast_in_dim3A_373 = vector.broadcast %squeeze3A_372 : f32 to vector<16xf32>
      %slice3A_374 = vector.extract_strided_slice %get3A_48 {offsets = [13], sizes = [1], strides = [1]} : vector<16xf32> to vector<1xf32>
      %squeeze3A_375 = vector.extract %slice3A_374[0] : f32 from vector<1xf32>
      %broadcast_in_dim3A_376 = vector.broadcast %squeeze3A_375 : f32 to vector<16xf32>
      %slice3A_377 = vector.extract_strided_slice %get3A_52 {offsets = [13], sizes = [1], strides = [1]} : vector<16xf32> to vector<1xf32>
      %squeeze3A_378 = vector.extract %slice3A_377[0] : f32 from vector<1xf32>
      %broadcast_in_dim3A_379 = vector.broadcast %squeeze3A_378 : f32 to vector<16xf32>
      %slice3A_380 = vector.extract_strided_slice %get3A_56 {offsets = [13], sizes = [1], strides = [1]} : vector<16xf32> to vector<1xf32>
      %squeeze3A_381 = vector.extract %slice3A_380[0] : f32 from vector<1xf32>
      %broadcast_in_dim3A_382 = vector.broadcast %squeeze3A_381 : f32 to vector<16xf32>
      %slice3A_383 = vector.extract_strided_slice %get3A_48 {offsets = [14], sizes = [1], strides = [1]} : vector<16xf32> to vector<1xf32>
      %squeeze3A_384 = vector.extract %slice3A_383[0] : f32 from vector<1xf32>
      %broadcast_in_dim3A_385 = vector.broadcast %squeeze3A_384 : f32 to vector<16xf32>
      %slice3A_386 = vector.extract_strided_slice %get3A_52 {offsets = [14], sizes = [1], strides = [1]} : vector<16xf32> to vector<1xf32>
      %squeeze3A_387 = vector.extract %slice3A_386[0] : f32 from vector<1xf32>
      %broadcast_in_dim3A_388 = vector.broadcast %squeeze3A_387 : f32 to vector<16xf32>
      %slice3A_389 = vector.extract_strided_slice %get3A_56 {offsets = [14], sizes = [1], strides = [1]} : vector<16xf32> to vector<1xf32>
      %squeeze3A_390 = vector.extract %slice3A_389[0] : f32 from vector<1xf32>
      %broadcast_in_dim3A_391 = vector.broadcast %squeeze3A_390 : f32 to vector<16xf32>
      %slice3A_392 = vector.extract_strided_slice %get3A_48 {offsets = [15], sizes = [1], strides = [1]} : vector<16xf32> to vector<1xf32>
      %squeeze3A_393 = vector.extract %slice3A_392[0] : f32 from vector<1xf32>
      %broadcast_in_dim3A_394 = vector.broadcast %squeeze3A_393 : f32 to vector<16xf32>
      %slice3A_395 = vector.extract_strided_slice %get3A_52 {offsets = [15], sizes = [1], strides = [1]} : vector<16xf32> to vector<1xf32>
      %squeeze3A_396 = vector.extract %slice3A_395[0] : f32 from vector<1xf32>
      %broadcast_in_dim3A_397 = vector.broadcast %squeeze3A_396 : f32 to vector<16xf32>
      %slice3A_398 = vector.extract_strided_slice %get3A_56 {offsets = [15], sizes = [1], strides = [1]} : vector<16xf32> to vector<1xf32>
      %squeeze3A_399 = vector.extract %slice3A_398[0] : f32 from vector<1xf32>
      %broadcast_in_dim3A_400 = vector.broadcast %squeeze3A_399 : f32 to vector<16xf32>
      %broadcast_in_dim3A_401 = arith.constant 0x7F800000 : f32
      %broadcast_in_dim3A_402 = vector.broadcast %broadcast_in_dim3A_401 : f32 to vector<16xf32>
      %scan3A_403 = arith.constant 0 : i32
      %scan3A_404 = arith.constant 32 : i32
      %scan3A_405 = arith.addi %scan3A_403, %scan3A_404 : i32
      %scan3A_406 = arith.constant 2 : i32
      %scan3A_407:4 = scf.for %scan3A_469 = %scan3A_403 to %scan3A_405 step %scan3A_406 iter_args(%scan3A_470 = %broadcast_in_dim3A_402, %scan3A_471 = %broadcast_in_dim3A_402, %scan3A_472 = %broadcast_in_dim3A_402, %scan3A_473 = %broadcast_in_dim3A_402) -> (vector<16xf32>, vector<16xf32>, vector<16xf32>, vector<16xf32>)  : i32 {
        %mul3A_474 = arith.constant 32 : i32
        %mul3A_475 = arith.muli %scan3A_469, %mul3A_474 : i32
        %get3A_476 = arith.index_cast %mul3A_475 : i32 to index
        %get3A_477 = tpu.vector_load %arg4[%get3A_476] {strides = array<i32>} : memref<3072xf32, #tpu.memory_space<vmem>>, vector<16xf32>,
        %add3A_478 = arith.constant 1024 : i32
        %add3A_479 = arith.addi %add3A_478, %mul3A_475 : i32
        %get3A_480 = arith.index_cast %add3A_479 : i32 to index
        %get3A_481 = tpu.vector_load %arg4[%get3A_480] {strides = array<i32>} : memref<3072xf32, #tpu.memory_space<vmem>>, vector<16xf32>,
        %add3A_482 = arith.constant 2048 : i32
        %add3A_483 = arith.addi %add3A_482, %mul3A_475 : i32
        %get3A_484 = arith.index_cast %add3A_483 : i32 to index
        %get3A_485 = tpu.vector_load %arg4[%get3A_484] {strides = array<i32>} : memref<3072xf32, #tpu.memory_space<vmem>>, vector<16xf32>,
        %add3A_486 = arith.constant 16 : i32
        %add3A_487 = arith.addi %mul3A_475, %add3A_486 : i32
        %get3A_488 = arith.index_cast %add3A_487 : i32 to index
        %get3A_489 = tpu.vector_load %arg4[%get3A_488] {strides = array<i32>} : memref<3072xf32, #tpu.memory_space<vmem>>, vector<16xf32>,
        %add3A_490 = arith.constant 1024 : i32
        %add3A_491 = arith.addi %add3A_490, %mul3A_475 : i32
        %add3A_492 = arith.constant 16 : i32
        %add3A_493 = arith.addi %add3A_491, %add3A_492 : i32
        %get3A_494 = arith.index_cast %add3A_493 : i32 to index
        %get3A_495 = tpu.vector_load %arg4[%get3A_494] {strides = array<i32>} : memref<3072xf32, #tpu.memory_space<vmem>>, vector<16xf32>,
        %add3A_496 = arith.constant 2048 : i32
        %add3A_497 = arith.addi %add3A_496, %mul3A_475 : i32
        %add3A_498 = arith.constant 16 : i32
        %add3A_499 = arith.addi %add3A_497, %add3A_498 : i32
        %get3A_500 = arith.index_cast %add3A_499 : i32 to index
        %get3A_501 = tpu.vector_load %arg4[%get3A_500] {strides = array<i32>} : memref<3072xf32, #tpu.memory_space<vmem>>, vector<16xf32>,
        %sub3A_502 = arith.subf %get3A_477, %broadcast_in_dim3A_367 : vector<16xf32>
        %sub3A_503 = arith.subf %get3A_481, %broadcast_in_dim3A_370 : vector<16xf32>
        %sub3A_504 = arith.subf %get3A_485, %broadcast_in_dim3A_373 : vector<16xf32>
        %mul3A_505 = arith.mulf %sub3A_502, %sub3A_502 : vector<16xf32>
        %mul3A_506 = arith.mulf %sub3A_503, %sub3A_503 : vector<16xf32>
        %add3A_507 = arith.addf %mul3A_505, %mul3A_506 : vector<16xf32>
        %mul3A_508 = arith.mulf %sub3A_504, %sub3A_504 : vector<16xf32>
        %add3A_509 = arith.addf %add3A_507, %mul3A_508 : vector<16xf32>
        %sub3A_510 = arith.subf %get3A_489, %broadcast_in_dim3A_367 : vector<16xf32>
        %sub3A_511 = arith.subf %get3A_495, %broadcast_in_dim3A_370 : vector<16xf32>
        %sub3A_512 = arith.subf %get3A_501, %broadcast_in_dim3A_373 : vector<16xf32>
        %mul3A_513 = arith.mulf %sub3A_510, %sub3A_510 : vector<16xf32>
        %mul3A_514 = arith.mulf %sub3A_511, %sub3A_511 : vector<16xf32>
        %add3A_515 = arith.addf %mul3A_513, %mul3A_514 : vector<16xf32>
        %mul3A_516 = arith.mulf %sub3A_512, %sub3A_512 : vector<16xf32>
        %add3A_517 = arith.addf %add3A_515, %mul3A_516 : vector<16xf32>
        %sort3A = arith.constant dense<true> : vector<16xi1>
        %sort3A_518, %sort3A_519, %sort3A_520 = tpu.sort %add3A_509, %add3A_509 masked %sort3A : (vector<16xf32>, vector<16xf32>, vector<16xi1>) -> (vector<16xi1>, vector<16xf32>, vector<16xf32>)
        %masked_sort3A = arith.constant dense<true> : vector<16xi1>
        %masked_sort3A_521, %masked_sort3A_522, %masked_sort3A_523 = tpu.sort %add3A_517, %add3A_517 masked %masked_sort3A {descending = true} : (vector<16xf32>, vector<16xf32>, vector<16xi1>) -> (vector<16xi1>, vector<16xf32>, vector<16xf32>)
        %min3A = arith.minimumf %sort3A_519, %masked_sort3A_522 : vector<16xf32>
        %masked_sort3A_524 = arith.constant dense<true> : vector<16xi1>
        %masked_sort3A_525, %masked_sort3A_526, %masked_sort3A_527 = tpu.sort %min3A, %min3A masked %masked_sort3A_524 {descending = true} : (vector<16xf32>, vector<16xf32>, vector<16xi1>) -> (vector<16xi1>, vector<16xf32>, vector<16xf32>)
        %min3A_528 = arith.minimumf %scan3A_470, %masked_sort3A_526 : vector<16xf32>
        %sort3A_529 = arith.constant dense<true> : vector<16xi1>
        %sort3A_530, %sort3A_531, %sort3A_532 = tpu.sort %min3A_528, %min3A_528 masked %sort3A_529 : (vector<16xf32>, vector<16xf32>, vector<16xi1>) -> (vector<16xi1>, vector<16xf32>, vector<16xf32>)
        %sub3A_533 = arith.subf %get3A_477, %broadcast_in_dim3A_376 : vector<16xf32>
        %sub3A_534 = arith.subf %get3A_481, %broadcast_in_dim3A_379 : vector<16xf32>
        %sub3A_535 = arith.subf %get3A_485, %broadcast_in_dim3A_382 : vector<16xf32>
        %mul3A_536 = arith.mulf %sub3A_533, %sub3A_533 : vector<16xf32>
        %mul3A_537 = arith.mulf %sub3A_534, %sub3A_534 : vector<16xf32>
        %add3A_538 = arith.addf %mul3A_536, %mul3A_537 : vector<16xf32>
        %mul3A_539 = arith.mulf %sub3A_535, %sub3A_535 : vector<16xf32>
        %add3A_540 = arith.addf %add3A_538, %mul3A_539 : vector<16xf32>
        %sub3A_541 = arith.subf %get3A_489, %broadcast_in_dim3A_376 : vector<16xf32>
        %sub3A_542 = arith.subf %get3A_495, %broadcast_in_dim3A_379 : vector<16xf32>
        %sub3A_543 = arith.subf %get3A_501, %broadcast_in_dim3A_382 : vector<16xf32>
        %mul3A_544 = arith.mulf %sub3A_541, %sub3A_541 : vector<16xf32>
        %mul3A_545 = arith.mulf %sub3A_542, %sub3A_542 : vector<16xf32>
        %add3A_546 = arith.addf %mul3A_544, %mul3A_545 : vector<16xf32>
        %mul3A_547 = arith.mulf %sub3A_543, %sub3A_543 : vector<16xf32>
        %add3A_548 = arith.addf %add3A_546, %mul3A_547 : vector<16xf32>
        %sort3A_549 = arith.constant dense<true> : vector<16xi1>
        %sort3A_550, %sort3A_551, %sort3A_552 = tpu.sort %add3A_540, %add3A_540 masked %sort3A_549 : (vector<16xf32>, vector<16xf32>, vector<16xi1>) -> (vector<16xi1>, vector<16xf32>, vector<16xf32>)
        %masked_sort3A_553 = arith.constant dense<true> : vector<16xi1>
        %masked_sort3A_554, %masked_sort3A_555, %masked_sort3A_556 = tpu.sort %add3A_548, %add3A_548 masked %masked_sort3A_553 {descending = true} : (vector<16xf32>, vector<16xf32>, vector<16xi1>) -> (vector<16xi1>, vector<16xf32>, vector<16xf32>)
        %min3A_557 = arith.minimumf %sort3A_551, %masked_sort3A_555 : vector<16xf32>
        %masked_sort3A_558 = arith.constant dense<true> : vector<16xi1>
        %masked_sort3A_559, %masked_sort3A_560, %masked_sort3A_561 = tpu.sort %min3A_557, %min3A_557 masked %masked_sort3A_558 {descending = true} : (vector<16xf32>, vector<16xf32>, vector<16xi1>) -> (vector<16xi1>, vector<16xf32>, vector<16xf32>)
        %min3A_562 = arith.minimumf %scan3A_471, %masked_sort3A_560 : vector<16xf32>
        %sort3A_563 = arith.constant dense<true> : vector<16xi1>
        %sort3A_564, %sort3A_565, %sort3A_566 = tpu.sort %min3A_562, %min3A_562 masked %sort3A_563 : (vector<16xf32>, vector<16xf32>, vector<16xi1>) -> (vector<16xi1>, vector<16xf32>, vector<16xf32>)
        %sub3A_567 = arith.subf %get3A_477, %broadcast_in_dim3A_385 : vector<16xf32>
        %sub3A_568 = arith.subf %get3A_481, %broadcast_in_dim3A_388 : vector<16xf32>
        %sub3A_569 = arith.subf %get3A_485, %broadcast_in_dim3A_391 : vector<16xf32>
        %mul3A_570 = arith.mulf %sub3A_567, %sub3A_567 : vector<16xf32>
        %mul3A_571 = arith.mulf %sub3A_568, %sub3A_568 : vector<16xf32>
        %add3A_572 = arith.addf %mul3A_570, %mul3A_571 : vector<16xf32>
        %mul3A_573 = arith.mulf %sub3A_569, %sub3A_569 : vector<16xf32>
        %add3A_574 = arith.addf %add3A_572, %mul3A_573 : vector<16xf32>
        %sub3A_575 = arith.subf %get3A_489, %broadcast_in_dim3A_385 : vector<16xf32>
        %sub3A_576 = arith.subf %get3A_495, %broadcast_in_dim3A_388 : vector<16xf32>
        %sub3A_577 = arith.subf %get3A_501, %broadcast_in_dim3A_391 : vector<16xf32>
        %mul3A_578 = arith.mulf %sub3A_575, %sub3A_575 : vector<16xf32>
        %mul3A_579 = arith.mulf %sub3A_576, %sub3A_576 : vector<16xf32>
        %add3A_580 = arith.addf %mul3A_578, %mul3A_579 : vector<16xf32>
        %mul3A_581 = arith.mulf %sub3A_577, %sub3A_577 : vector<16xf32>
        %add3A_582 = arith.addf %add3A_580, %mul3A_581 : vector<16xf32>
        %sort3A_583 = arith.constant dense<true> : vector<16xi1>
        %sort3A_584, %sort3A_585, %sort3A_586 = tpu.sort %add3A_574, %add3A_574 masked %sort3A_583 : (vector<16xf32>, vector<16xf32>, vector<16xi1>) -> (vector<16xi1>, vector<16xf32>, vector<16xf32>)
        %masked_sort3A_587 = arith.constant dense<true> : vector<16xi1>
        %masked_sort3A_588, %masked_sort3A_589, %masked_sort3A_590 = tpu.sort %add3A_582, %add3A_582 masked %masked_sort3A_587 {descending = true} : (vector<16xf32>, vector<16xf32>, vector<16xi1>) -> (vector<16xi1>, vector<16xf32>, vector<16xf32>)
        %min3A_591 = arith.minimumf %sort3A_585, %masked_sort3A_589 : vector<16xf32>
        %masked_sort3A_592 = arith.constant dense<true> : vector<16xi1>
        %masked_sort3A_593, %masked_sort3A_594, %masked_sort3A_595 = tpu.sort %min3A_591, %min3A_591 masked %masked_sort3A_592 {descending = true} : (vector<16xf32>, vector<16xf32>, vector<16xi1>) -> (vector<16xi1>, vector<16xf32>, vector<16xf32>)
        %min3A_596 = arith.minimumf %scan3A_472, %masked_sort3A_594 : vector<16xf32>
        %sort3A_597 = arith.constant dense<true> : vector<16xi1>
        %sort3A_598, %sort3A_599, %sort3A_600 = tpu.sort %min3A_596, %min3A_596 masked %sort3A_597 : (vector<16xf32>, vector<16xf32>, vector<16xi1>) -> (vector<16xi1>, vector<16xf32>, vector<16xf32>)
        %sub3A_601 = arith.subf %get3A_477, %broadcast_in_dim3A_394 : vector<16xf32>
        %sub3A_602 = arith.subf %get3A_481, %broadcast_in_dim3A_397 : vector<16xf32>
        %sub3A_603 = arith.subf %get3A_485, %broadcast_in_dim3A_400 : vector<16xf32>
        %mul3A_604 = arith.mulf %sub3A_601, %sub3A_601 : vector<16xf32>
        %mul3A_605 = arith.mulf %sub3A_602, %sub3A_602 : vector<16xf32>
        %add3A_606 = arith.addf %mul3A_604, %mul3A_605 : vector<16xf32>
        %mul3A_607 = arith.mulf %sub3A_603, %sub3A_603 : vector<16xf32>
        %add3A_608 = arith.addf %add3A_606, %mul3A_607 : vector<16xf32>
        %sub3A_609 = arith.subf %get3A_489, %broadcast_in_dim3A_394 : vector<16xf32>
        %sub3A_610 = arith.subf %get3A_495, %broadcast_in_dim3A_397 : vector<16xf32>
        %sub3A_611 = arith.subf %get3A_501, %broadcast_in_dim3A_400 : vector<16xf32>
        %mul3A_612 = arith.mulf %sub3A_609, %sub3A_609 : vector<16xf32>
        %mul3A_613 = arith.mulf %sub3A_610, %sub3A_610 : vector<16xf32>
        %add3A_614 = arith.addf %mul3A_612, %mul3A_613 : vector<16xf32>
        %mul3A_615 = arith.mulf %sub3A_611, %sub3A_611 : vector<16xf32>
        %add3A_616 = arith.addf %add3A_614, %mul3A_615 : vector<16xf32>
        %sort3A_617 = arith.constant dense<true> : vector<16xi1>
        %sort3A_618, %sort3A_619, %sort3A_620 = tpu.sort %add3A_608, %add3A_608 masked %sort3A_617 : (vector<16xf32>, vector<16xf32>, vector<16xi1>) -> (vector<16xi1>, vector<16xf32>, vector<16xf32>)
        %masked_sort3A_621 = arith.constant dense<true> : vector<16xi1>
        %masked_sort3A_622, %masked_sort3A_623, %masked_sort3A_624 = tpu.sort %add3A_616, %add3A_616 masked %masked_sort3A_621 {descending = true} : (vector<16xf32>, vector<16xf32>, vector<16xi1>) -> (vector<16xi1>, vector<16xf32>, vector<16xf32>)
        %min3A_625 = arith.minimumf %sort3A_619, %masked_sort3A_623 : vector<16xf32>
        %masked_sort3A_626 = arith.constant dense<true> : vector<16xi1>
        %masked_sort3A_627, %masked_sort3A_628, %masked_sort3A_629 = tpu.sort %min3A_625, %min3A_625 masked %masked_sort3A_626 {descending = true} : (vector<16xf32>, vector<16xf32>, vector<16xi1>) -> (vector<16xi1>, vector<16xf32>, vector<16xf32>)
        %min3A_630 = arith.minimumf %scan3A_473, %masked_sort3A_628 : vector<16xf32>
        %sort3A_631 = arith.constant dense<true> : vector<16xi1>
        %sort3A_632, %sort3A_633, %sort3A_634 = tpu.sort %min3A_630, %min3A_630 masked %sort3A_631 : (vector<16xf32>, vector<16xf32>, vector<16xi1>) -> (vector<16xi1>, vector<16xf32>, vector<16xf32>)
        %scan3A_635 = arith.constant 1 : i32
        %scan3A_636 = arith.addi %scan3A_469, %scan3A_635 : i32
        %mul3A_637 = arith.constant 32 : i32
        %mul3A_638 = arith.muli %scan3A_636, %mul3A_637 : i32
        %get3A_639 = arith.index_cast %mul3A_638 : i32 to index
        %get3A_640 = tpu.vector_load %arg4[%get3A_639] {strides = array<i32>} : memref<3072xf32, #tpu.memory_space<vmem>>, vector<16xf32>,
        %add3A_641 = arith.constant 1024 : i32
        %add3A_642 = arith.addi %add3A_641, %mul3A_638 : i32
        %get3A_643 = arith.index_cast %add3A_642 : i32 to index
        %get3A_644 = tpu.vector_load %arg4[%get3A_643] {strides = array<i32>} : memref<3072xf32, #tpu.memory_space<vmem>>, vector<16xf32>,
        %add3A_645 = arith.constant 2048 : i32
        %add3A_646 = arith.addi %add3A_645, %mul3A_638 : i32
        %get3A_647 = arith.index_cast %add3A_646 : i32 to index
        %get3A_648 = tpu.vector_load %arg4[%get3A_647] {strides = array<i32>} : memref<3072xf32, #tpu.memory_space<vmem>>, vector<16xf32>,
        %add3A_649 = arith.constant 16 : i32
        %add3A_650 = arith.addi %mul3A_638, %add3A_649 : i32
        %get3A_651 = arith.index_cast %add3A_650 : i32 to index
        %get3A_652 = tpu.vector_load %arg4[%get3A_651] {strides = array<i32>} : memref<3072xf32, #tpu.memory_space<vmem>>, vector<16xf32>,
        %add3A_653 = arith.constant 1024 : i32
        %add3A_654 = arith.addi %add3A_653, %mul3A_638 : i32
        %add3A_655 = arith.constant 16 : i32
        %add3A_656 = arith.addi %add3A_654, %add3A_655 : i32
        %get3A_657 = arith.index_cast %add3A_656 : i32 to index
        %get3A_658 = tpu.vector_load %arg4[%get3A_657] {strides = array<i32>} : memref<3072xf32, #tpu.memory_space<vmem>>, vector<16xf32>,
        %add3A_659 = arith.constant 2048 : i32
        %add3A_660 = arith.addi %add3A_659, %mul3A_638 : i32
        %add3A_661 = arith.constant 16 : i32
        %add3A_662 = arith.addi %add3A_660, %add3A_661 : i32
        %get3A_663 = arith.index_cast %add3A_662 : i32 to index
        %get3A_664 = tpu.vector_load %arg4[%get3A_663] {strides = array<i32>} : memref<3072xf32, #tpu.memory_space<vmem>>, vector<16xf32>,
        %sub3A_665 = arith.subf %get3A_640, %broadcast_in_dim3A_367 : vector<16xf32>
        %sub3A_666 = arith.subf %get3A_644, %broadcast_in_dim3A_370 : vector<16xf32>
        %sub3A_667 = arith.subf %get3A_648, %broadcast_in_dim3A_373 : vector<16xf32>
        %mul3A_668 = arith.mulf %sub3A_665, %sub3A_665 : vector<16xf32>
        %mul3A_669 = arith.mulf %sub3A_666, %sub3A_666 : vector<16xf32>
        %add3A_670 = arith.addf %mul3A_668, %mul3A_669 : vector<16xf32>
        %mul3A_671 = arith.mulf %sub3A_667, %sub3A_667 : vector<16xf32>
        %add3A_672 = arith.addf %add3A_670, %mul3A_671 : vector<16xf32>
        %sub3A_673 = arith.subf %get3A_652, %broadcast_in_dim3A_367 : vector<16xf32>
        %sub3A_674 = arith.subf %get3A_658, %broadcast_in_dim3A_370 : vector<16xf32>
        %sub3A_675 = arith.subf %get3A_664, %broadcast_in_dim3A_373 : vector<16xf32>
        %mul3A_676 = arith.mulf %sub3A_673, %sub3A_673 : vector<16xf32>
        %mul3A_677 = arith.mulf %sub3A_674, %sub3A_674 : vector<16xf32>
        %add3A_678 = arith.addf %mul3A_676, %mul3A_677 : vector<16xf32>
        %mul3A_679 = arith.mulf %sub3A_675, %sub3A_675 : vector<16xf32>
        %add3A_680 = arith.addf %add3A_678, %mul3A_679 : vector<16xf32>
        %sort3A_681 = arith.constant dense<true> : vector<16xi1>
        %sort3A_682, %sort3A_683, %sort3A_684 = tpu.sort %add3A_672, %add3A_672 masked %sort3A_681 : (vector<16xf32>, vector<16xf32>, vector<16xi1>) -> (vector<16xi1>, vector<16xf32>, vector<16xf32>)
        %masked_sort3A_685 = arith.constant dense<true> : vector<16xi1>
        %masked_sort3A_686, %masked_sort3A_687, %masked_sort3A_688 = tpu.sort %add3A_680, %add3A_680 masked %masked_sort3A_685 {descending = true} : (vector<16xf32>, vector<16xf32>, vector<16xi1>) -> (vector<16xi1>, vector<16xf32>, vector<16xf32>)
        %min3A_689 = arith.minimumf %sort3A_683, %masked_sort3A_687 : vector<16xf32>
        %masked_sort3A_690 = arith.constant dense<true> : vector<16xi1>
        %masked_sort3A_691, %masked_sort3A_692, %masked_sort3A_693 = tpu.sort %min3A_689, %min3A_689 masked %masked_sort3A_690 {descending = true} : (vector<16xf32>, vector<16xf32>, vector<16xi1>) -> (vector<16xi1>, vector<16xf32>, vector<16xf32>)
        %min3A_694 = arith.minimumf %sort3A_531, %masked_sort3A_692 : vector<16xf32>
        %sort3A_695 = arith.constant dense<true> : vector<16xi1>
        %sort3A_696, %sort3A_697, %sort3A_698 = tpu.sort %min3A_694, %min3A_694 masked %sort3A_695 : (vector<16xf32>, vector<16xf32>, vector<16xi1>) -> (vector<16xi1>, vector<16xf32>, vector<16xf32>)
        %sub3A_699 = arith.subf %get3A_640, %broadcast_in_dim3A_376 : vector<16xf32>
        %sub3A_700 = arith.subf %get3A_644, %broadcast_in_dim3A_379 : vector<16xf32>
        %sub3A_701 = arith.subf %get3A_648, %broadcast_in_dim3A_382 : vector<16xf32>
        %mul3A_702 = arith.mulf %sub3A_699, %sub3A_699 : vector<16xf32>
        %mul3A_703 = arith.mulf %sub3A_700, %sub3A_700 : vector<16xf32>
        %add3A_704 = arith.addf %mul3A_702, %mul3A_703 : vector<16xf32>
        %mul3A_705 = arith.mulf %sub3A_701, %sub3A_701 : vector<16xf32>
        %add3A_706 = arith.addf %add3A_704, %mul3A_705 : vector<16xf32>
        %sub3A_707 = arith.subf %get3A_652, %broadcast_in_dim3A_376 : vector<16xf32>
        %sub3A_708 = arith.subf %get3A_658, %broadcast_in_dim3A_379 : vector<16xf32>
        %sub3A_709 = arith.subf %get3A_664, %broadcast_in_dim3A_382 : vector<16xf32>
        %mul3A_710 = arith.mulf %sub3A_707, %sub3A_707 : vector<16xf32>
        %mul3A_711 = arith.mulf %sub3A_708, %sub3A_708 : vector<16xf32>
        %add3A_712 = arith.addf %mul3A_710, %mul3A_711 : vector<16xf32>
        %mul3A_713 = arith.mulf %sub3A_709, %sub3A_709 : vector<16xf32>
        %add3A_714 = arith.addf %add3A_712, %mul3A_713 : vector<16xf32>
        %sort3A_715 = arith.constant dense<true> : vector<16xi1>
        %sort3A_716, %sort3A_717, %sort3A_718 = tpu.sort %add3A_706, %add3A_706 masked %sort3A_715 : (vector<16xf32>, vector<16xf32>, vector<16xi1>) -> (vector<16xi1>, vector<16xf32>, vector<16xf32>)
        %masked_sort3A_719 = arith.constant dense<true> : vector<16xi1>
        %masked_sort3A_720, %masked_sort3A_721, %masked_sort3A_722 = tpu.sort %add3A_714, %add3A_714 masked %masked_sort3A_719 {descending = true} : (vector<16xf32>, vector<16xf32>, vector<16xi1>) -> (vector<16xi1>, vector<16xf32>, vector<16xf32>)
        %min3A_723 = arith.minimumf %sort3A_717, %masked_sort3A_721 : vector<16xf32>
        %masked_sort3A_724 = arith.constant dense<true> : vector<16xi1>
        %masked_sort3A_725, %masked_sort3A_726, %masked_sort3A_727 = tpu.sort %min3A_723, %min3A_723 masked %masked_sort3A_724 {descending = true} : (vector<16xf32>, vector<16xf32>, vector<16xi1>) -> (vector<16xi1>, vector<16xf32>, vector<16xf32>)
        %min3A_728 = arith.minimumf %sort3A_565, %masked_sort3A_726 : vector<16xf32>
        %sort3A_729 = arith.constant dense<true> : vector<16xi1>
        %sort3A_730, %sort3A_731, %sort3A_732 = tpu.sort %min3A_728, %min3A_728 masked %sort3A_729 : (vector<16xf32>, vector<16xf32>, vector<16xi1>) -> (vector<16xi1>, vector<16xf32>, vector<16xf32>)
        %sub3A_733 = arith.subf %get3A_640, %broadcast_in_dim3A_385 : vector<16xf32>
        %sub3A_734 = arith.subf %get3A_644, %broadcast_in_dim3A_388 : vector<16xf32>
        %sub3A_735 = arith.subf %get3A_648, %broadcast_in_dim3A_391 : vector<16xf32>
        %mul3A_736 = arith.mulf %sub3A_733, %sub3A_733 : vector<16xf32>
        %mul3A_737 = arith.mulf %sub3A_734, %sub3A_734 : vector<16xf32>
        %add3A_738 = arith.addf %mul3A_736, %mul3A_737 : vector<16xf32>
        %mul3A_739 = arith.mulf %sub3A_735, %sub3A_735 : vector<16xf32>
        %add3A_740 = arith.addf %add3A_738, %mul3A_739 : vector<16xf32>
        %sub3A_741 = arith.subf %get3A_652, %broadcast_in_dim3A_385 : vector<16xf32>
        %sub3A_742 = arith.subf %get3A_658, %broadcast_in_dim3A_388 : vector<16xf32>
        %sub3A_743 = arith.subf %get3A_664, %broadcast_in_dim3A_391 : vector<16xf32>
        %mul3A_744 = arith.mulf %sub3A_741, %sub3A_741 : vector<16xf32>
        %mul3A_745 = arith.mulf %sub3A_742, %sub3A_742 : vector<16xf32>
        %add3A_746 = arith.addf %mul3A_744, %mul3A_745 : vector<16xf32>
        %mul3A_747 = arith.mulf %sub3A_743, %sub3A_743 : vector<16xf32>
        %add3A_748 = arith.addf %add3A_746, %mul3A_747 : vector<16xf32>
        %sort3A_749 = arith.constant dense<true> : vector<16xi1>
        %sort3A_750, %sort3A_751, %sort3A_752 = tpu.sort %add3A_740, %add3A_740 masked %sort3A_749 : (vector<16xf32>, vector<16xf32>, vector<16xi1>) -> (vector<16xi1>, vector<16xf32>, vector<16xf32>)
        %masked_sort3A_753 = arith.constant dense<true> : vector<16xi1>
        %masked_sort3A_754, %masked_sort3A_755, %masked_sort3A_756 = tpu.sort %add3A_748, %add3A_748 masked %masked_sort3A_753 {descending = true} : (vector<16xf32>, vector<16xf32>, vector<16xi1>) -> (vector<16xi1>, vector<16xf32>, vector<16xf32>)
        %min3A_757 = arith.minimumf %sort3A_751, %masked_sort3A_755 : vector<16xf32>
        %masked_sort3A_758 = arith.constant dense<true> : vector<16xi1>
        %masked_sort3A_759, %masked_sort3A_760, %masked_sort3A_761 = tpu.sort %min3A_757, %min3A_757 masked %masked_sort3A_758 {descending = true} : (vector<16xf32>, vector<16xf32>, vector<16xi1>) -> (vector<16xi1>, vector<16xf32>, vector<16xf32>)
        %min3A_762 = arith.minimumf %sort3A_599, %masked_sort3A_760 : vector<16xf32>
        %sort3A_763 = arith.constant dense<true> : vector<16xi1>
        %sort3A_764, %sort3A_765, %sort3A_766 = tpu.sort %min3A_762, %min3A_762 masked %sort3A_763 : (vector<16xf32>, vector<16xf32>, vector<16xi1>) -> (vector<16xi1>, vector<16xf32>, vector<16xf32>)
        %sub3A_767 = arith.subf %get3A_640, %broadcast_in_dim3A_394 : vector<16xf32>
        %sub3A_768 = arith.subf %get3A_644, %broadcast_in_dim3A_397 : vector<16xf32>
        %sub3A_769 = arith.subf %get3A_648, %broadcast_in_dim3A_400 : vector<16xf32>
        %mul3A_770 = arith.mulf %sub3A_767, %sub3A_767 : vector<16xf32>
        %mul3A_771 = arith.mulf %sub3A_768, %sub3A_768 : vector<16xf32>
        %add3A_772 = arith.addf %mul3A_770, %mul3A_771 : vector<16xf32>
        %mul3A_773 = arith.mulf %sub3A_769, %sub3A_769 : vector<16xf32>
        %add3A_774 = arith.addf %add3A_772, %mul3A_773 : vector<16xf32>
        %sub3A_775 = arith.subf %get3A_652, %broadcast_in_dim3A_394 : vector<16xf32>
        %sub3A_776 = arith.subf %get3A_658, %broadcast_in_dim3A_397 : vector<16xf32>
        %sub3A_777 = arith.subf %get3A_664, %broadcast_in_dim3A_400 : vector<16xf32>
        %mul3A_778 = arith.mulf %sub3A_775, %sub3A_775 : vector<16xf32>
        %mul3A_779 = arith.mulf %sub3A_776, %sub3A_776 : vector<16xf32>
        %add3A_780 = arith.addf %mul3A_778, %mul3A_779 : vector<16xf32>
        %mul3A_781 = arith.mulf %sub3A_777, %sub3A_777 : vector<16xf32>
        %add3A_782 = arith.addf %add3A_780, %mul3A_781 : vector<16xf32>
        %sort3A_783 = arith.constant dense<true> : vector<16xi1>
        %sort3A_784, %sort3A_785, %sort3A_786 = tpu.sort %add3A_774, %add3A_774 masked %sort3A_783 : (vector<16xf32>, vector<16xf32>, vector<16xi1>) -> (vector<16xi1>, vector<16xf32>, vector<16xf32>)
        %masked_sort3A_787 = arith.constant dense<true> : vector<16xi1>
        %masked_sort3A_788, %masked_sort3A_789, %masked_sort3A_790 = tpu.sort %add3A_782, %add3A_782 masked %masked_sort3A_787 {descending = true} : (vector<16xf32>, vector<16xf32>, vector<16xi1>) -> (vector<16xi1>, vector<16xf32>, vector<16xf32>)
        %min3A_791 = arith.minimumf %sort3A_785, %masked_sort3A_789 : vector<16xf32>
        %masked_sort3A_792 = arith.constant dense<true> : vector<16xi1>
        %masked_sort3A_793, %masked_sort3A_794, %masked_sort3A_795 = tpu.sort %min3A_791, %min3A_791 masked %masked_sort3A_792 {descending = true} : (vector<16xf32>, vector<16xf32>, vector<16xi1>) -> (vector<16xi1>, vector<16xf32>, vector<16xf32>)
        %min3A_796 = arith.minimumf %sort3A_633, %masked_sort3A_794 : vector<16xf32>
        %sort3A_797 = arith.constant dense<true> : vector<16xi1>
        %sort3A_798, %sort3A_799, %sort3A_800 = tpu.sort %min3A_796, %min3A_796 masked %sort3A_797 : (vector<16xf32>, vector<16xf32>, vector<16xi1>) -> (vector<16xi1>, vector<16xf32>, vector<16xf32>)
        scf.yield %sort3A_697, %sort3A_731, %sort3A_765, %sort3A_799 : vector<16xf32>, vector<16xf32>, vector<16xf32>, vector<16xf32>
      }
      %scan3A_408 = arith.constant 32 : i32
      %neg3A_409 = arith.constant 0.000000e+00 : f32
      %neg3A_410 = vector.broadcast %neg3A_409 : f32 to vector<16xf32>
      %neg3A_411 = arith.subf %neg3A_410, %scan3A_407#0 : vector<16xf32>
      %neg3A_412 = arith.constant 0.000000e+00 : f32
      %neg3A_413 = vector.broadcast %neg3A_412 : f32 to vector<16xf32>
      %neg3A_414 = arith.subf %neg3A_413, %scan3A_407#0 : vector<16xf32>
      %div3A_415 = arith.constant 8.99999984E-4 : f32
      %div3A_416 = vector.broadcast %div3A_415 : f32 to vector<16xf32>
      %div3A_417 = arith.divf %neg3A_414, %div3A_416 : vector<16xf32>
      %exp3A_418 = math.exp %div3A_417 : vector<16xf32>
      %mul3A_419 = arith.mulf %neg3A_411, %exp3A_418 : vector<16xf32>
      %jit3A_420 = arith.constant 0.000000e+00 : f32
      %broadcast_in_dim3A_421 = vector.broadcast %jit3A_420 : f32 to vector<16xf32>
      %select_n3A_422 = arith.select %lt3A_35, %mul3A_419, %broadcast_in_dim3A_421 : vector<16xi1>, vector<16xf32>
      %add3A_423 = arith.addf %add3A_364, %select_n3A_422 : vector<16xf32>
      %neg3A_424 = arith.constant 0.000000e+00 : f32
      %neg3A_425 = vector.broadcast %neg3A_424 : f32 to vector<16xf32>
      %neg3A_426 = arith.subf %neg3A_425, %scan3A_407#1 : vector<16xf32>
      %neg3A_427 = arith.constant 0.000000e+00 : f32
      %neg3A_428 = vector.broadcast %neg3A_427 : f32 to vector<16xf32>
      %neg3A_429 = arith.subf %neg3A_428, %scan3A_407#1 : vector<16xf32>
      %div3A_430 = arith.constant 8.99999984E-4 : f32
      %div3A_431 = vector.broadcast %div3A_430 : f32 to vector<16xf32>
      %div3A_432 = arith.divf %neg3A_429, %div3A_431 : vector<16xf32>
      %exp3A_433 = math.exp %div3A_432 : vector<16xf32>
      %mul3A_434 = arith.mulf %neg3A_426, %exp3A_433 : vector<16xf32>
      %jit3A_435 = arith.constant 0.000000e+00 : f32
      %broadcast_in_dim3A_436 = vector.broadcast %jit3A_435 : f32 to vector<16xf32>
      %select_n3A_437 = arith.select %lt3A_35, %mul3A_434, %broadcast_in_dim3A_436 : vector<16xi1>, vector<16xf32>
      %add3A_438 = arith.addf %add3A_423, %select_n3A_437 : vector<16xf32>
      %neg3A_439 = arith.constant 0.000000e+00 : f32
      %neg3A_440 = vector.broadcast %neg3A_439 : f32 to vector<16xf32>
      %neg3A_441 = arith.subf %neg3A_440, %scan3A_407#2 : vector<16xf32>
      %neg3A_442 = arith.constant 0.000000e+00 : f32
      %neg3A_443 = vector.broadcast %neg3A_442 : f32 to vector<16xf32>
      %neg3A_444 = arith.subf %neg3A_443, %scan3A_407#2 : vector<16xf32>
      %div3A_445 = arith.constant 8.99999984E-4 : f32
      %div3A_446 = vector.broadcast %div3A_445 : f32 to vector<16xf32>
      %div3A_447 = arith.divf %neg3A_444, %div3A_446 : vector<16xf32>
      %exp3A_448 = math.exp %div3A_447 : vector<16xf32>
      %mul3A_449 = arith.mulf %neg3A_441, %exp3A_448 : vector<16xf32>
      %jit3A_450 = arith.constant 0.000000e+00 : f32
      %broadcast_in_dim3A_451 = vector.broadcast %jit3A_450 : f32 to vector<16xf32>
      %select_n3A_452 = arith.select %lt3A_35, %mul3A_449, %broadcast_in_dim3A_451 : vector<16xi1>, vector<16xf32>
      %add3A_453 = arith.addf %add3A_438, %select_n3A_452 : vector<16xf32>
      %neg3A_454 = arith.constant 0.000000e+00 : f32
      %neg3A_455 = vector.broadcast %neg3A_454 : f32 to vector<16xf32>
      %neg3A_456 = arith.subf %neg3A_455, %scan3A_407#3 : vector<16xf32>
      %neg3A_457 = arith.constant 0.000000e+00 : f32
      %neg3A_458 = vector.broadcast %neg3A_457 : f32 to vector<16xf32>
      %neg3A_459 = arith.subf %neg3A_458, %scan3A_407#3 : vector<16xf32>
      %div3A_460 = arith.constant 8.99999984E-4 : f32
      %div3A_461 = vector.broadcast %div3A_460 : f32 to vector<16xf32>
      %div3A_462 = arith.divf %neg3A_459, %div3A_461 : vector<16xf32>
      %exp3A_463 = math.exp %div3A_462 : vector<16xf32>
      %mul3A_464 = arith.mulf %neg3A_456, %exp3A_463 : vector<16xf32>
      %jit3A_465 = arith.constant 0.000000e+00 : f32
      %broadcast_in_dim3A_466 = vector.broadcast %jit3A_465 : f32 to vector<16xf32>
      %select_n3A_467 = arith.select %lt3A_35, %mul3A_464, %broadcast_in_dim3A_466 : vector<16xi1>, vector<16xf32>
      %add3A_468 = arith.addf %add3A_453, %select_n3A_467 : vector<16xf32>
      scf.yield %add3A_468 : vector<16xf32>
    }
    %scan3A_41 = arith.constant 10 : i32
    %swap3A = arith.constant 0 : index
    %swap3A_42 = tpu.vector_load %arg5[%swap3A] {strides = array<i32>} : memref<16xf32, #tpu.memory_space<vmem>>, vector<16xf32>,
    tpu.vector_store %arg5[%swap3A], %scan3A_40 {strides = array<i32>} : memref<16xf32, #tpu.memory_space<vmem>>, vector<16xf32>,
    "tpu.region"() ({
      %run_scoped3A = tpu.sem_alloc : memref<!tpu.dma_semaphore, #tpu.memory_space<semaphore_mem>>
      %dma_start3A = arith.constant 0 : i32
      %dma_start3A_43 = tpu.memref_slice %arg3[%add3A, %dma_start3A] : memref<32x16xf32, #tpu.memory_space<hbm>> -> memref<1x16xf32, #tpu.memory_space<hbm>>
      %dma_start3A_44 = tpu.memref_squeeze %dma_start3A_43 : memref<1x16xf32, #tpu.memory_space<hbm>> -> memref<16xf32, #tpu.memory_space<hbm>>
      %dma_start3A_45 = arith.constant 0 : i32
      %dma_start3A_46 = tpu.memref_slice %arg3[%add3A, %dma_start3A_45] : memref<32x16xf32, #tpu.memory_space<hbm>> -> memref<1x16xf32, #tpu.memory_space<hbm>>
      %dma_start3A_47 = tpu.memref_squeeze %dma_start3A_46 : memref<1x16xf32, #tpu.memory_space<hbm>> -> memref<16xf32, #tpu.memory_space<hbm>>
      tpu.enqueue_dma source(%arg5 : memref<16xf32, #tpu.memory_space<vmem>>) target(%dma_start3A_47 : memref<16xf32, #tpu.memory_space<hbm>>) target_semaphore(%run_scoped3A : memref<!tpu.dma_semaphore, #tpu.memory_space<semaphore_mem>>)
      %dma_wait3A = arith.constant 0 : i32
      %dma_wait3A_48 = tpu.memref_slice %arg3[%add3A, %dma_wait3A] : memref<32x16xf32, #tpu.memory_space<hbm>> -> memref<1x16xf32, #tpu.memory_space<hbm>>
      %dma_wait3A_49 = tpu.memref_squeeze %dma_wait3A_48 : memref<1x16xf32, #tpu.memory_space<hbm>> -> memref<16xf32, #tpu.memory_space<hbm>>
      %dma_wait3A_50 = arith.constant 0 : i32
      %dma_wait3A_51 = tpu.memref_slice %arg3[%add3A, %dma_wait3A_50] : memref<32x16xf32, #tpu.memory_space<hbm>> -> memref<1x16xf32, #tpu.memory_space<hbm>>
      %dma_wait3A_52 = tpu.memref_squeeze %dma_wait3A_51 : memref<1x16xf32, #tpu.memory_space<hbm>> -> memref<16xf32, #tpu.memory_space<hbm>>
      tpu.wait_dma2 semaphore(%run_scoped3A : memref<!tpu.dma_semaphore, #tpu.memory_space<semaphore_mem>>) src(%arg5 : memref<16xf32, #tpu.memory_space<vmem>>) dst(%dma_wait3A_52 : memref<16xf32, #tpu.memory_space<hbm>>)
      tpu.yield
    }) : () -> ()
    return
  }
}

module attributes {stable_mosaic.version = 14 : i64} {
  func.func @_tc_body(%arg0: i32, %arg1: i32, %arg2: memref<1x1x128xf32, #tpu.memory_space<vmem>>, %arg3: memref<1x1x128xf32, #tpu.memory_space<vmem>>, %arg4: memref<1x1x128xf32, #tpu.memory_space<vmem>>, %arg5: memref<1x1x1024xf32, #tpu.memory_space<vmem>>, %arg6: memref<1x1x1024xf32, #tpu.memory_space<vmem>>, %arg7: memref<1x1x1024xf32, #tpu.memory_space<vmem>>, %arg8: memref<1x1xf32, #tpu.memory_space<vmem>>) attributes {dimension_semantics = [#tpu.dimension_semantics<arbitrary>, #tpu.dimension_semantics<arbitrary>], iteration_bounds = array<i64: 8, 3>, scalar_prefetch = 0 : i64, scratch_operands = 0 : i64, tpu.core_type = #tpu.core_type<tc>, window_params = [{transform_indices = @transform_0, window_bounds = array<i64: 1, 1, 128>}, {transform_indices = @transform_1, window_bounds = array<i64: 1, 1, 128>}, {transform_indices = @transform_2, window_bounds = array<i64: 1, 1, 128>}, {transform_indices = @transform_3, window_bounds = array<i64: 1, 1, 1024>}, {transform_indices = @transform_4, window_bounds = array<i64: 1, 1, 1024>}, {transform_indices = @transform_5, window_bounds = array<i64: 1, 1, 1024>}, {pipeline_mode = #tpu.pipeline_mode<synchronous>, transform_indices = @transform_6, window_bounds = array<i64: 1, 1>}]} {
    %get3A = arith.constant 0 : index
    %get3A_0 = arith.constant 0 : index
    %get3A_1 = arith.constant 0 : index
    %get3A_2 = vector.load %arg2[%get3A, %get3A_0, %get3A_1] : memref<1x1x128xf32, #tpu.memory_space<vmem>>, vector<1x1x128xf32>
    %get3A_3 = vector.shape_cast %get3A_2 : vector<1x1x128xf32> to vector<128xf32>
    %reshape3A = vector.shape_cast %get3A_3 : vector<128xf32> to vector<128x1xf32>
    %get3A_4 = arith.constant 0 : index
    %get3A_5 = arith.constant 0 : index
    %get3A_6 = arith.constant 0 : index
    %get3A_7 = vector.load %arg3[%get3A_4, %get3A_5, %get3A_6] : memref<1x1x128xf32, #tpu.memory_space<vmem>>, vector<1x1x128xf32>
    %get3A_8 = vector.shape_cast %get3A_7 : vector<1x1x128xf32> to vector<128xf32>
    %reshape3A_9 = vector.shape_cast %get3A_8 : vector<128xf32> to vector<128x1xf32>
    %get3A_10 = arith.constant 0 : index
    %get3A_11 = arith.constant 0 : index
    %get3A_12 = arith.constant 0 : index
    %get3A_13 = vector.load %arg4[%get3A_10, %get3A_11, %get3A_12] : memref<1x1x128xf32, #tpu.memory_space<vmem>>, vector<1x1x128xf32>
    %get3A_14 = vector.shape_cast %get3A_13 : vector<1x1x128xf32> to vector<128xf32>
    %reshape3A_15 = vector.shape_cast %get3A_14 : vector<128xf32> to vector<128x1xf32>
    %get3A_16 = arith.constant 0 : index
    %get3A_17 = arith.constant 0 : index
    %get3A_18 = arith.constant 0 : index
    %get3A_19 = vector.load %arg5[%get3A_16, %get3A_17, %get3A_18] : memref<1x1x1024xf32, #tpu.memory_space<vmem>>, vector<1x1x1024xf32>
    %get3A_20 = vector.shape_cast %get3A_19 : vector<1x1x1024xf32> to vector<1x1024xf32>
    %get3A_21 = arith.constant 0 : index
    %get3A_22 = arith.constant 0 : index
    %get3A_23 = arith.constant 0 : index
    %get3A_24 = vector.load %arg6[%get3A_21, %get3A_22, %get3A_23] : memref<1x1x1024xf32, #tpu.memory_space<vmem>>, vector<1x1x1024xf32>
    %get3A_25 = vector.shape_cast %get3A_24 : vector<1x1x1024xf32> to vector<1x1024xf32>
    %get3A_26 = arith.constant 0 : index
    %get3A_27 = arith.constant 0 : index
    %get3A_28 = arith.constant 0 : index
    %get3A_29 = vector.load %arg7[%get3A_26, %get3A_27, %get3A_28] : memref<1x1x1024xf32, #tpu.memory_space<vmem>>, vector<1x1x1024xf32>
    %get3A_30 = vector.shape_cast %get3A_29 : vector<1x1x1024xf32> to vector<1x1024xf32>
    %sub3A = vector.broadcast %reshape3A : vector<128x1xf32> to vector<128x1024xf32>
    %sub3A_31 = vector.broadcast %get3A_20 : vector<1x1024xf32> to vector<128x1024xf32>
    %sub3A_32 = arith.subf %sub3A, %sub3A_31 : vector<128x1024xf32>
    %integer_pow3A = arith.mulf %sub3A_32, %sub3A_32 : vector<128x1024xf32>
    %sub3A_33 = vector.broadcast %reshape3A_9 : vector<128x1xf32> to vector<128x1024xf32>
    %sub3A_34 = vector.broadcast %get3A_25 : vector<1x1024xf32> to vector<128x1024xf32>
    %sub3A_35 = arith.subf %sub3A_33, %sub3A_34 : vector<128x1024xf32>
    %integer_pow3A_36 = arith.mulf %sub3A_35, %sub3A_35 : vector<128x1024xf32>
    %add3A = arith.addf %integer_pow3A, %integer_pow3A_36 : vector<128x1024xf32>
    %sub3A_37 = vector.broadcast %reshape3A_15 : vector<128x1xf32> to vector<128x1024xf32>
    %sub3A_38 = vector.broadcast %get3A_30 : vector<1x1024xf32> to vector<128x1024xf32>
    %sub3A_39 = arith.subf %sub3A_37, %sub3A_38 : vector<128x1024xf32>
    %integer_pow3A_40 = arith.mulf %sub3A_39, %sub3A_39 : vector<128x1024xf32>
    %add3A_41 = arith.addf %add3A, %integer_pow3A_40 : vector<128x1024xf32>
    %iota3A = tpu.iota {dimensions = array<i32: 1>} : vector<128x1024xi32>
    %iota3A_42 = tpu.iota {dimensions = array<i32: 0>} : vector<128x1024xi32>
    %mul3A = arith.constant 128 : i32
    %mul3A_43 = arith.muli %arg1, %mul3A : i32
    %add3A_44 = arith.constant 640 : i32
    %add3A_45 = arith.addi %add3A_44, %mul3A_43 : i32
    %add3A_46 = vector.broadcast %add3A_45 : i32 to vector<128x1024xi32>
    %add3A_47 = arith.addi %iota3A_42, %add3A_46 : vector<128x1024xi32>
    %eq3A = arith.cmpi eq, %iota3A, %add3A_47 : vector<128x1024xi32>
    %jit3A = arith.constant 0x7F800000 : f32
    %broadcast_in_dim3A = vector.broadcast %jit3A : f32 to vector<128x1024xf32>
    %select_n3A = arith.select %eq3A, %broadcast_in_dim3A, %add3A_41 : vector<128x1024xi1>, vector<128x1024xf32>
    %broadcast_in_dim3A_48 = arith.constant 0.000000e+00 : f32
    %broadcast_in_dim3A_49 = vector.broadcast %broadcast_in_dim3A_48 : f32 to vector<128x1xf32>
    %reduce_min3A = arith.constant dense<0x7F800000> : vector<128xf32>
    %reduce_min3A_50 = vector.multi_reduction <minimumf>, %select_n3A, %reduce_min3A [1] : vector<128x1024xf32> to vector<128xf32>
    %broadcast_in_dim3A_51 = vector.shape_cast %reduce_min3A_50 : vector<128xf32> to vector<128x1xf32>
    %eq3A_52 = vector.broadcast %broadcast_in_dim3A_51 : vector<128x1xf32> to vector<128x1024xf32>
    %eq3A_53 = arith.cmpf oeq, %select_n3A, %eq3A_52 : vector<128x1024xf32>
    %convert_element_type3A = arith.extui %eq3A_53 : vector<128x1024xi1> to vector<128x1024xi32>
    %convert_element_type3A_54 = arith.sitofp %convert_element_type3A : vector<128x1024xi32> to vector<128x1024xf32>
    %reduce_sum3A = arith.constant dense<0.000000e+00> : vector<128xf32>
    %reduce_sum3A_55 = vector.multi_reduction <add>, %convert_element_type3A_54, %reduce_sum3A [1] : vector<128x1024xf32> to vector<128xf32>
    %broadcast_in_dim3A_56 = vector.shape_cast %reduce_sum3A_55 : vector<128xf32> to vector<128x1xf32>
    %sub3A_57 = arith.constant 4.000000e+00 : f32
    %sub3A_58 = vector.broadcast %sub3A_57 : f32 to vector<128x1xf32>
    %sub3A_59 = arith.subf %sub3A_58, %broadcast_in_dim3A_49 : vector<128x1xf32>
    %jit3A_60 = arith.constant 0.000000e+00 : f32
    %max3A = vector.broadcast %jit3A_60 : f32 to vector<128x1xf32>
    %max3A_61 = arith.maximumf %max3A, %sub3A_59 : vector<128x1xf32>
    %min3A = arith.minimumf %broadcast_in_dim3A_56, %max3A_61 : vector<128x1xf32>
    %neg3A = arith.constant 0.000000e+00 : f32
    %neg3A_62 = vector.broadcast %neg3A : f32 to vector<128x1xf32>
    %neg3A_63 = arith.subf %neg3A_62, %broadcast_in_dim3A_51 : vector<128x1xf32>
    %neg3A_64 = arith.constant 0.000000e+00 : f32
    %neg3A_65 = vector.broadcast %neg3A_64 : f32 to vector<128x1xf32>
    %neg3A_66 = arith.subf %neg3A_65, %broadcast_in_dim3A_51 : vector<128x1xf32>
    %div3A = arith.constant 8.99999984E-4 : f32
    %div3A_67 = vector.broadcast %div3A : f32 to vector<128x1xf32>
    %div3A_68 = arith.divf %neg3A_66, %div3A_67 : vector<128x1xf32>
    %exp3A = math.exp %div3A_68 : vector<128x1xf32>
    %mul3A_69 = arith.mulf %neg3A_63, %exp3A : vector<128x1xf32>
    %mul3A_70 = arith.mulf %min3A, %mul3A_69 : vector<128x1xf32>
    %reduce_sum3A_71 = vector.shape_cast %mul3A_70 : vector<128x1xf32> to vector<1x128x1xf32>
    %reduce_sum3A_72 = arith.constant dense<0.000000e+00> : vector<1xf32>
    %reduce_sum3A_73 = vector.multi_reduction <add>, %reduce_sum3A_71, %reduce_sum3A_72 [1, 2] : vector<1x128x1xf32> to vector<1xf32>
    %reduce_sum3A_74 = vector.shape_cast %reduce_sum3A_73 : vector<1xf32> to vector<1x1x1xf32>
    %reduce_sum3A_75 = vector.extract %reduce_sum3A_74[0, 0, 0] : f32 from vector<1x1x1xf32>
    %add3A_76 = arith.constant 0.000000e+00 : f32
    %add3A_77 = arith.addf %add3A_76, %reduce_sum3A_75 : f32
    %add3A_78 = arith.addf %broadcast_in_dim3A_49, %min3A : vector<128x1xf32>
    %jit3A_79 = arith.constant 0x7F800000 : f32
    %broadcast_in_dim3A_80 = vector.broadcast %jit3A_79 : f32 to vector<128x1024xf32>
    %select_n3A_81 = arith.select %eq3A_53, %broadcast_in_dim3A_80, %select_n3A : vector<128x1024xi1>, vector<128x1024xf32>
    %reduce_min3A_82 = arith.constant dense<0x7F800000> : vector<128xf32>
    %reduce_min3A_83 = vector.multi_reduction <minimumf>, %select_n3A_81, %reduce_min3A_82 [1] : vector<128x1024xf32> to vector<128xf32>
    %broadcast_in_dim3A_84 = vector.shape_cast %reduce_min3A_83 : vector<128xf32> to vector<128x1xf32>
    %eq3A_85 = vector.broadcast %broadcast_in_dim3A_84 : vector<128x1xf32> to vector<128x1024xf32>
    %eq3A_86 = arith.cmpf oeq, %select_n3A_81, %eq3A_85 : vector<128x1024xf32>
    %convert_element_type3A_87 = arith.extui %eq3A_86 : vector<128x1024xi1> to vector<128x1024xi32>
    %convert_element_type3A_88 = arith.sitofp %convert_element_type3A_87 : vector<128x1024xi32> to vector<128x1024xf32>
    %reduce_sum3A_89 = arith.constant dense<0.000000e+00> : vector<128xf32>
    %reduce_sum3A_90 = vector.multi_reduction <add>, %convert_element_type3A_88, %reduce_sum3A_89 [1] : vector<128x1024xf32> to vector<128xf32>
    %broadcast_in_dim3A_91 = vector.shape_cast %reduce_sum3A_90 : vector<128xf32> to vector<128x1xf32>
    %sub3A_92 = arith.constant 4.000000e+00 : f32
    %sub3A_93 = vector.broadcast %sub3A_92 : f32 to vector<128x1xf32>
    %sub3A_94 = arith.subf %sub3A_93, %add3A_78 : vector<128x1xf32>
    %jit3A_95 = arith.constant 0.000000e+00 : f32
    %max3A_96 = vector.broadcast %jit3A_95 : f32 to vector<128x1xf32>
    %max3A_97 = arith.maximumf %max3A_96, %sub3A_94 : vector<128x1xf32>
    %min3A_98 = arith.minimumf %broadcast_in_dim3A_91, %max3A_97 : vector<128x1xf32>
    %neg3A_99 = arith.constant 0.000000e+00 : f32
    %neg3A_100 = vector.broadcast %neg3A_99 : f32 to vector<128x1xf32>
    %neg3A_101 = arith.subf %neg3A_100, %broadcast_in_dim3A_84 : vector<128x1xf32>
    %neg3A_102 = arith.constant 0.000000e+00 : f32
    %neg3A_103 = vector.broadcast %neg3A_102 : f32 to vector<128x1xf32>
    %neg3A_104 = arith.subf %neg3A_103, %broadcast_in_dim3A_84 : vector<128x1xf32>
    %div3A_105 = arith.constant 8.99999984E-4 : f32
    %div3A_106 = vector.broadcast %div3A_105 : f32 to vector<128x1xf32>
    %div3A_107 = arith.divf %neg3A_104, %div3A_106 : vector<128x1xf32>
    %exp3A_108 = math.exp %div3A_107 : vector<128x1xf32>
    %mul3A_109 = arith.mulf %neg3A_101, %exp3A_108 : vector<128x1xf32>
    %mul3A_110 = arith.mulf %min3A_98, %mul3A_109 : vector<128x1xf32>
    %reduce_sum3A_111 = vector.shape_cast %mul3A_110 : vector<128x1xf32> to vector<1x128x1xf32>
    %reduce_sum3A_112 = arith.constant dense<0.000000e+00> : vector<1xf32>
    %reduce_sum3A_113 = vector.multi_reduction <add>, %reduce_sum3A_111, %reduce_sum3A_112 [1, 2] : vector<1x128x1xf32> to vector<1xf32>
    %reduce_sum3A_114 = vector.shape_cast %reduce_sum3A_113 : vector<1xf32> to vector<1x1x1xf32>
    %reduce_sum3A_115 = vector.extract %reduce_sum3A_114[0, 0, 0] : f32 from vector<1x1x1xf32>
    %add3A_116 = arith.addf %add3A_77, %reduce_sum3A_115 : f32
    %add3A_117 = arith.addf %add3A_78, %min3A_98 : vector<128x1xf32>
    %jit3A_118 = arith.constant 0x7F800000 : f32
    %broadcast_in_dim3A_119 = vector.broadcast %jit3A_118 : f32 to vector<128x1024xf32>
    %select_n3A_120 = arith.select %eq3A_86, %broadcast_in_dim3A_119, %select_n3A_81 : vector<128x1024xi1>, vector<128x1024xf32>
    %reduce_min3A_121 = arith.constant dense<0x7F800000> : vector<128xf32>
    %reduce_min3A_122 = vector.multi_reduction <minimumf>, %select_n3A_120, %reduce_min3A_121 [1] : vector<128x1024xf32> to vector<128xf32>
    %broadcast_in_dim3A_123 = vector.shape_cast %reduce_min3A_122 : vector<128xf32> to vector<128x1xf32>
    %eq3A_124 = vector.broadcast %broadcast_in_dim3A_123 : vector<128x1xf32> to vector<128x1024xf32>
    %eq3A_125 = arith.cmpf oeq, %select_n3A_120, %eq3A_124 : vector<128x1024xf32>
    %convert_element_type3A_126 = arith.extui %eq3A_125 : vector<128x1024xi1> to vector<128x1024xi32>
    %convert_element_type3A_127 = arith.sitofp %convert_element_type3A_126 : vector<128x1024xi32> to vector<128x1024xf32>
    %reduce_sum3A_128 = arith.constant dense<0.000000e+00> : vector<128xf32>
    %reduce_sum3A_129 = vector.multi_reduction <add>, %convert_element_type3A_127, %reduce_sum3A_128 [1] : vector<128x1024xf32> to vector<128xf32>
    %broadcast_in_dim3A_130 = vector.shape_cast %reduce_sum3A_129 : vector<128xf32> to vector<128x1xf32>
    %sub3A_131 = arith.constant 4.000000e+00 : f32
    %sub3A_132 = vector.broadcast %sub3A_131 : f32 to vector<128x1xf32>
    %sub3A_133 = arith.subf %sub3A_132, %add3A_117 : vector<128x1xf32>
    %jit3A_134 = arith.constant 0.000000e+00 : f32
    %max3A_135 = vector.broadcast %jit3A_134 : f32 to vector<128x1xf32>
    %max3A_136 = arith.maximumf %max3A_135, %sub3A_133 : vector<128x1xf32>
    %min3A_137 = arith.minimumf %broadcast_in_dim3A_130, %max3A_136 : vector<128x1xf32>
    %neg3A_138 = arith.constant 0.000000e+00 : f32
    %neg3A_139 = vector.broadcast %neg3A_138 : f32 to vector<128x1xf32>
    %neg3A_140 = arith.subf %neg3A_139, %broadcast_in_dim3A_123 : vector<128x1xf32>
    %neg3A_141 = arith.constant 0.000000e+00 : f32
    %neg3A_142 = vector.broadcast %neg3A_141 : f32 to vector<128x1xf32>
    %neg3A_143 = arith.subf %neg3A_142, %broadcast_in_dim3A_123 : vector<128x1xf32>
    %div3A_144 = arith.constant 8.99999984E-4 : f32
    %div3A_145 = vector.broadcast %div3A_144 : f32 to vector<128x1xf32>
    %div3A_146 = arith.divf %neg3A_143, %div3A_145 : vector<128x1xf32>
    %exp3A_147 = math.exp %div3A_146 : vector<128x1xf32>
    %mul3A_148 = arith.mulf %neg3A_140, %exp3A_147 : vector<128x1xf32>
    %mul3A_149 = arith.mulf %min3A_137, %mul3A_148 : vector<128x1xf32>
    %reduce_sum3A_150 = vector.shape_cast %mul3A_149 : vector<128x1xf32> to vector<1x128x1xf32>
    %reduce_sum3A_151 = arith.constant dense<0.000000e+00> : vector<1xf32>
    %reduce_sum3A_152 = vector.multi_reduction <add>, %reduce_sum3A_150, %reduce_sum3A_151 [1, 2] : vector<1x128x1xf32> to vector<1xf32>
    %reduce_sum3A_153 = vector.shape_cast %reduce_sum3A_152 : vector<1xf32> to vector<1x1x1xf32>
    %reduce_sum3A_154 = vector.extract %reduce_sum3A_153[0, 0, 0] : f32 from vector<1x1x1xf32>
    %add3A_155 = arith.addf %add3A_116, %reduce_sum3A_154 : f32
    %add3A_156 = arith.addf %add3A_117, %min3A_137 : vector<128x1xf32>
    %jit3A_157 = arith.constant 0x7F800000 : f32
    %broadcast_in_dim3A_158 = vector.broadcast %jit3A_157 : f32 to vector<128x1024xf32>
    %select_n3A_159 = arith.select %eq3A_125, %broadcast_in_dim3A_158, %select_n3A_120 : vector<128x1024xi1>, vector<128x1024xf32>
    %reduce_min3A_160 = arith.constant dense<0x7F800000> : vector<128xf32>
    %reduce_min3A_161 = vector.multi_reduction <minimumf>, %select_n3A_159, %reduce_min3A_160 [1] : vector<128x1024xf32> to vector<128xf32>
    %broadcast_in_dim3A_162 = vector.shape_cast %reduce_min3A_161 : vector<128xf32> to vector<128x1xf32>
    %eq3A_163 = vector.broadcast %broadcast_in_dim3A_162 : vector<128x1xf32> to vector<128x1024xf32>
    %eq3A_164 = arith.cmpf oeq, %select_n3A_159, %eq3A_163 : vector<128x1024xf32>
    %convert_element_type3A_165 = arith.extui %eq3A_164 : vector<128x1024xi1> to vector<128x1024xi32>
    %convert_element_type3A_166 = arith.sitofp %convert_element_type3A_165 : vector<128x1024xi32> to vector<128x1024xf32>
    %reduce_sum3A_167 = arith.constant dense<0.000000e+00> : vector<128xf32>
    %reduce_sum3A_168 = vector.multi_reduction <add>, %convert_element_type3A_166, %reduce_sum3A_167 [1] : vector<128x1024xf32> to vector<128xf32>
    %broadcast_in_dim3A_169 = vector.shape_cast %reduce_sum3A_168 : vector<128xf32> to vector<128x1xf32>
    %sub3A_170 = arith.constant 4.000000e+00 : f32
    %sub3A_171 = vector.broadcast %sub3A_170 : f32 to vector<128x1xf32>
    %sub3A_172 = arith.subf %sub3A_171, %add3A_156 : vector<128x1xf32>
    %jit3A_173 = arith.constant 0.000000e+00 : f32
    %max3A_174 = vector.broadcast %jit3A_173 : f32 to vector<128x1xf32>
    %max3A_175 = arith.maximumf %max3A_174, %sub3A_172 : vector<128x1xf32>
    %min3A_176 = arith.minimumf %broadcast_in_dim3A_169, %max3A_175 : vector<128x1xf32>
    %neg3A_177 = arith.constant 0.000000e+00 : f32
    %neg3A_178 = vector.broadcast %neg3A_177 : f32 to vector<128x1xf32>
    %neg3A_179 = arith.subf %neg3A_178, %broadcast_in_dim3A_162 : vector<128x1xf32>
    %neg3A_180 = arith.constant 0.000000e+00 : f32
    %neg3A_181 = vector.broadcast %neg3A_180 : f32 to vector<128x1xf32>
    %neg3A_182 = arith.subf %neg3A_181, %broadcast_in_dim3A_162 : vector<128x1xf32>
    %div3A_183 = arith.constant 8.99999984E-4 : f32
    %div3A_184 = vector.broadcast %div3A_183 : f32 to vector<128x1xf32>
    %div3A_185 = arith.divf %neg3A_182, %div3A_184 : vector<128x1xf32>
    %exp3A_186 = math.exp %div3A_185 : vector<128x1xf32>
    %mul3A_187 = arith.mulf %neg3A_179, %exp3A_186 : vector<128x1xf32>
    %mul3A_188 = arith.mulf %min3A_176, %mul3A_187 : vector<128x1xf32>
    %reduce_sum3A_189 = vector.shape_cast %mul3A_188 : vector<128x1xf32> to vector<1x128x1xf32>
    %reduce_sum3A_190 = arith.constant dense<0.000000e+00> : vector<1xf32>
    %reduce_sum3A_191 = vector.multi_reduction <add>, %reduce_sum3A_189, %reduce_sum3A_190 [1, 2] : vector<1x128x1xf32> to vector<1xf32>
    %reduce_sum3A_192 = vector.shape_cast %reduce_sum3A_191 : vector<1xf32> to vector<1x1x1xf32>
    %reduce_sum3A_193 = vector.extract %reduce_sum3A_192[0, 0, 0] : f32 from vector<1x1x1xf32>
    %add3A_194 = arith.addf %add3A_155, %reduce_sum3A_193 : f32
    %eq3A_195 = arith.constant 0 : i32
    %eq3A_196 = arith.cmpi eq, %arg0, %eq3A_195 : i32
    %eq3A_197 = arith.constant 0 : i32
    %eq3A_198 = arith.cmpi eq, %arg1, %eq3A_197 : i32
    %and3A = arith.andi %eq3A_196, %eq3A_198 : i1
    %convert_element_type3A_199 = arith.extui %and3A : i1 to i32
    %cond3A = arith.constant 0 : i32
    %cond3A_200 = arith.cmpi ne, %convert_element_type3A_199, %cond3A : i32
    scf.if %cond3A_200 {
      %broadcast_in_dim3A_208 = arith.constant 0.000000e+00 : f32
      %broadcast_in_dim3A_209 = vector.broadcast %broadcast_in_dim3A_208 : f32 to vector<1x1xf32>
      %swap3A_210 = arith.constant 0 : index
      %swap3A_211 = arith.constant 0 : index
      %swap3A_212 = vector.load %arg8[%swap3A_210, %swap3A_211] : memref<1x1xf32, #tpu.memory_space<vmem>>, vector<1x1xf32>
      tpu.vector_store %arg8[%swap3A_210, %swap3A_211], %broadcast_in_dim3A_209 {strides = array<i32>} : memref<1x1xf32, #tpu.memory_space<vmem>>, vector<1x1xf32>,
    } else {
    }
    %get3A_201 = arith.constant 0 : index
    %get3A_202 = arith.constant 0 : index
    %get3A_203 = vector.load %arg8[%get3A_201, %get3A_202] : memref<1x1xf32, #tpu.memory_space<vmem>>, vector<1x1xf32>
    %reshape3A_204 = vector.broadcast %add3A_194 : f32 to vector<1x1xf32>
    %add3A_205 = arith.addf %get3A_203, %reshape3A_204 : vector<1x1xf32>
    %swap3A = arith.constant 0 : index
    %swap3A_206 = arith.constant 0 : index
    %swap3A_207 = vector.load %arg8[%swap3A, %swap3A_206] : memref<1x1xf32, #tpu.memory_space<vmem>>, vector<1x1xf32>
    tpu.vector_store %arg8[%swap3A, %swap3A_206], %add3A_205 {strides = array<i32>} : memref<1x1xf32, #tpu.memory_space<vmem>>, vector<1x1xf32>,
    return
  }
  func.func @transform_0(%arg0: i32, %arg1: i32) -> (i32, i32, i32) {
    %mul3A = arith.constant 24 : i32
    %mul3A_0 = arith.muli %arg0, %mul3A : i32
    %add3A = arith.constant 5 : i32
    %add3A_1 = arith.addi %mul3A_0, %add3A : i32
    %add3A_2 = arith.addi %add3A_1, %arg1 : i32
    %c0_i32 = arith.constant 0 : i32
    %c0_i32_3 = arith.constant 0 : i32
    %c0_i32_4 = arith.constant 0 : i32
    return %add3A_2, %c0_i32, %c0_i32_3 : i32, i32, i32
  }
  func.func @transform_1(%arg0: i32, %arg1: i32) -> (i32, i32, i32) {
    %mul3A = arith.constant 24 : i32
    %mul3A_0 = arith.muli %arg0, %mul3A : i32
    %add3A = arith.constant 13 : i32
    %add3A_1 = arith.addi %mul3A_0, %add3A : i32
    %add3A_2 = arith.addi %add3A_1, %arg1 : i32
    %c0_i32 = arith.constant 0 : i32
    %c0_i32_3 = arith.constant 0 : i32
    %c0_i32_4 = arith.constant 0 : i32
    return %add3A_2, %c0_i32, %c0_i32_3 : i32, i32, i32
  }
  func.func @transform_2(%arg0: i32, %arg1: i32) -> (i32, i32, i32) {
    %mul3A = arith.constant 24 : i32
    %mul3A_0 = arith.muli %arg0, %mul3A : i32
    %add3A = arith.constant 21 : i32
    %add3A_1 = arith.addi %mul3A_0, %add3A : i32
    %add3A_2 = arith.addi %add3A_1, %arg1 : i32
    %c0_i32 = arith.constant 0 : i32
    %c0_i32_3 = arith.constant 0 : i32
    %c0_i32_4 = arith.constant 0 : i32
    return %add3A_2, %c0_i32, %c0_i32_3 : i32, i32, i32
  }
  func.func @transform_3(%arg0: i32, %arg1: i32) -> (i32, i32, i32) {
    %mul3A = arith.constant 3 : i32
    %mul3A_0 = arith.muli %arg0, %mul3A : i32
    %add3A = arith.constant 0 : i32
    %add3A_1 = arith.addi %mul3A_0, %add3A : i32
    %c0_i32 = arith.constant 0 : i32
    %c0_i32_2 = arith.constant 0 : i32
    %c0_i32_3 = arith.constant 0 : i32
    return %add3A_1, %c0_i32, %c0_i32_2 : i32, i32, i32
  }
  func.func @transform_4(%arg0: i32, %arg1: i32) -> (i32, i32, i32) {
    %mul3A = arith.constant 3 : i32
    %mul3A_0 = arith.muli %arg0, %mul3A : i32
    %add3A = arith.constant 1 : i32
    %add3A_1 = arith.addi %mul3A_0, %add3A : i32
    %c0_i32 = arith.constant 0 : i32
    %c0_i32_2 = arith.constant 0 : i32
    %c0_i32_3 = arith.constant 0 : i32
    return %add3A_1, %c0_i32, %c0_i32_2 : i32, i32, i32
  }
  func.func @transform_5(%arg0: i32, %arg1: i32) -> (i32, i32, i32) {
    %mul3A = arith.constant 3 : i32
    %mul3A_0 = arith.muli %arg0, %mul3A : i32
    %add3A = arith.constant 2 : i32
    %add3A_1 = arith.addi %mul3A_0, %add3A : i32
    %c0_i32 = arith.constant 0 : i32
    %c0_i32_2 = arith.constant 0 : i32
    %c0_i32_3 = arith.constant 0 : i32
    return %add3A_1, %c0_i32, %c0_i32_2 : i32, i32, i32
  }
  func.func @transform_6(%arg0: i32, %arg1: i32) -> (i32, i32) {
    %c0_i32 = arith.constant 0 : i32
    %c0_i32_0 = arith.constant 0 : i32
    %c0_i32_1 = arith.constant 0 : i32
    return %c0_i32, %c0_i32_0 : i32, i32
  }
}

</mosaic_0001>

<sc_bundles>
// kernel: kernel.4.cloned.1.call-start
scs
__scs_entry_jumppad:
0x0: {  	(pc) =	sbr.rel $0x88, $3  }
0x1: {  	(tag) =	ssettag $0x0;
	lr =	simm.s32 $0x1  }
0x2: {  	[smem:$0x3FA0] =	sst lr;
	_ =	strace $0xD0000000  }
0x3: {  	_ = 	snop  }
0x4: {  	_ = 	snop  }
0x5: {  	_ = 	snop  }
0x6: {  	_ = 	snop  }
0x7: {  	_ = 	snop  }
__scs_overlays_trampoline_lowered:
0x8: {  	[smem:$0x3FAF] =	sst s0  }
0x9: {  	[smem:$0x3FB0] =	sst s1  }
0xa: {  	[smem:$0x3FB1] =	sst s2  }
0xb: {  	[smem:$0x3FB2] =	sst s3  }
0xc: {  	[smem:$0x3FB3] =	sst s4  }
0xd: {  	[smem:$0x3FB4] =	sst s5  }
0xe: {  	[smem:$0x3FB5] =	sst s6  }
0xf: {  	[smem:$0x3FB6] =	sst s7  }
0x10: {  	[smem:$0x3FB7] =	sst s8  }
0x11: {  	[smem:$0x3FB8] =	sst s9;
	s0 =	simm.s32 @!p0 $0x0  }
0x12: {  	s1 =	sld [smem:$0x3F9E];
	s0 =	simm.s32 @p0 $0x1  }
0x13: {  	[smem:$0x3FB9] =	sst s0;
	s0 =	simm.s32 @!p1 $0x0  }
0x14: {  	s2 =	sld [smem:$0x3F9D];
	s0 =	simm.s32 @p1 $0x1  }
0x15: {  	[smem:$0x3FBA] =	sst s0;
	s0 =	simm.s32 @!p2 $0x0  }
0x16: {  	s3 =	sld [smem:$0x3FDB];
	s0 =	simm.s32 @p2 $0x1  }
0x17: {  	s4 =	simm.s32 $0x1BF5;
	[smem:$0x3FBC] =	sst s0  }
0x18: {  	s0 =	sld [smem:$0x3F9F];
	_ =	swait.ge [sflag:s4], $0x0  }
0x19: {  	s7 =	sld [smem:$0x3FA0]  }
0x1a: {  	s8 =	sadd.s32 $0xFFFFE003, lr  }
0x1b: {  	s9 =	sadd.s32 $0xFFFFFEF7, lr;
	s5 =	simm.s32 $0xFFFFFFFF;
	p2 =	slt.u32 s8, $0xFFFFF086  }
0x1c: {  	p1 =	slt.u32 s9, $0xF7A;
	s5 =	simm.s32 @!p2 $0x0  }
0x1d: {  	s5 =	simm.s32 @p1 $0x1;
	p0 =	seq.s32 s7, s2  }
0x1e: {  	s7 =	smul.u32 @!p0 $0xF7A, s2;
	p2 =	seq.s32 @!p0 s5, $0x0  }
0x1f: {  	s9 =	smul.u32 $0xF7A, s1;
	s8 =	simm.s32 @!p0 $0x1BF5;
	p2 =	por !p2, p0  }
0x20: {  	[sflag:s8] =	ssyncset.s32 @!p0 $0xFFFFF086;
	s6 =	sadd.s32 @!p0 s3, s7;
	s7 =	simm.s32 @!p0 $0x108  }
0x21: {  	s3 =	sadd.s32 s3, s9;
	s6 =	sadd.s32 @!p0 $0x88, s6;
	s7 =	simm.s32 @p2 $0x1082  }
0x22: {  	[simem:s7], [sflag:s8] =	dma.local @!p0 [hbm:s6], $0xF7A  }
0x23: {  	s9 =	sor.u32 $0xD0000000, s2;
	s6 =	simm.s32 $0x108;
	_ =	swait.ge @!p0 [sflag:s8], $0x0  }
0x24: {  	s3 =	sadd.s32 $0x88, s3;
	s6 =	simm.s32 @!p1 $0x1082;
	[sflag:s4] =	ssyncset.s32 $0xFFFFF086  }
0x25: {  	[simem:s6], [sflag:s4] =	dma.local [hbm:s3], $0xF7A  }
0x26: {  	[smem:$0x3FA0] =	sst s1;
	(tag) =	ssettag s2;
	_ =	strace s9  }
0x27: {  	s1 =	sld [smem:$0x3FB0]  }
0x28: {  	s2 =	sld [smem:$0x3FB1]  }
0x29: {  	s4 =	sld [smem:$0x3FB3]  }
0x2a: {  	p0 =	seq.s32 s5, $0x0;
	s5 =	sld [smem:$0x3FB4]  }
0x2b: {  	s6 =	sld [smem:$0x3FB5]  }
0x2c: {  	s7 =	sld [smem:$0x3FB6]  }
0x2d: {  	s3 =	simm.s32 $0x108;
	s8 =	sld [smem:$0x3FB7]  }
0x2e: {  	s3 =	simm.s32 @!p0 $0x1082;
	s9 =	sld [smem:$0x3FB8]  }
0x2f: {  	lr =	sadd.s32 s0, s3;
	s0 =	sld [smem:$0x3FAF]  }
0x30: {  	s3 =	sld [smem:$0x3FB2]  }
0x31: {  	[smem:$0x3FBB] =	sst s10  }
0x32: {  	s10 =	sld [smem:$0x3FB9];
	_ =	sdelay $0x3  }
0x33: {  	p0 =	seq.s32 s10, $0x1;
	s10 =	sld [smem:$0x3FBB];
	_ =	sdelay $0x3  }
0x34: {  	[smem:$0x3FBB] =	sst s10  }
0x35: {  	s10 =	sld [smem:$0x3FBA];
	_ =	sdelay $0x3  }
0x36: {  	p1 =	seq.s32 s10, $0x1;
	s10 =	sld [smem:$0x3FBB];
	_ =	sdelay $0x3  }
0x37: {  	[smem:$0x3FBB] =	sst s10  }
0x38: {  	s10 =	sld [smem:$0x3FBC]  }
0x39: {  	_ = 	snop;
	(pc) =	sbr.ind lr, $3  }
0x3a: {  	_ = 	snop  }
0x3b: {  	_ = 	snop  }
0x3c: {  	p2 =	seq.s32 s10, $0x1;
	s10 =	sld [smem:$0x3FBB]  }
0x3d: {  	_ =	shalt  }
0x3e: {  	_ =	shalt  }
0x3f: {  	_ =	shalt  }
0x40: {  	_ =	shalt  }
0x41: {  	_ =	shalt  }
0x42: {  	_ =	shalt  }
0x43: {  	_ =	shalt  }
0x44: {  	_ =	shalt  }
0x45: {  	_ =	shalt  }
0x46: {  	_ =	shalt  }
0x47: {  	_ =	shalt  }
0x48: {  	_ =	shalt  }
0x49: {  	_ =	shalt  }
0x4a: {  	_ =	shalt  }
0x4b: {  	_ =	shalt  }
0x4c: {  	_ =	shalt  }
0x4d: {  	_ =	shalt  }
0x4e: {  	_ =	shalt  }
0x4f: {  	_ =	shalt  }
0x50: {  	_ =	shalt  }
0x51: {  	_ =	shalt  }
0x52: {  	_ =	shalt  }
0x53: {  	_ =	shalt  }
0x54: {  	_ =	shalt  }
0x55: {  	_ =	shalt  }
0x56: {  	_ =	shalt  }
0x57: {  	_ =	shalt  }
0x58: {  	_ =	shalt  }
0x59: {  	_ =	shalt  }
0x5a: {  	_ =	shalt  }
0x5b: {  	_ =	shalt  }
0x5c: {  	_ =	shalt  }
0x5d: {  	_ =	shalt  }
0x5e: {  	_ =	shalt  }
0x5f: {  	_ =	shalt  }
0x60: {  	_ =	shalt  }
0x61: {  	_ =	shalt  }
0x62: {  	_ =	shalt  }
0x63: {  	_ =	shalt  }
0x64: {  	_ =	shalt  }
0x65: {  	_ =	shalt  }
0x66: {  	_ =	shalt  }
0x67: {  	_ =	shalt  }
0x68: {  	_ =	shalt  }
0x69: {  	_ =	shalt  }
0x6a: {  	_ =	shalt  }
0x6b: {  	_ =	shalt  }
0x6c: {  	_ =	shalt  }
0x6d: {  	_ =	shalt  }
0x6e: {  	_ =	shalt  }
0x6f: {  	_ =	shalt  }
0x70: {  	_ =	shalt  }
0x71: {  	_ =	shalt  }
0x72: {  	_ =	shalt  }
0x73: {  	_ =	shalt  }
0x74: {  	_ =	shalt  }
0x75: {  	_ =	shalt  }
0x76: {  	_ =	shalt  }
0x77: {  	_ =	shalt  }
0x78: {  	_ =	shalt  }
0x79: {  	_ =	shalt  }
0x7a: {  	_ =	shalt  }
0x7b: {  	_ =	shalt  }
0x7c: {  	_ =	shalt  }
0x7d: {  	_ =	shalt  }
0x7e: {  	_ =	shalt  }
0x7f: {  	_ =	shalt  }
0x80: {  	_ =	shalt  }
0x81: {  	_ =	shalt  }
0x82: {  	_ =	shalt  }
0x83: {  	_ =	shalt  }
0x84: {  	_ =	shalt  }
0x85: {  	_ =	shalt  }
0x86: {  	_ =	shalt  }
0x87: {  	_ =	shalt  }
.Lfunc_end0:
.L_simem_size_0:
called_computation_lowered:
.L_overlay_start_0:
0x88: {  	s2 =	sld [smem:$0x3FD9]  }
0x89: {  	s3 =	sld [smem:$0x3FFE];
	_ =	sdelay $0x1  }
0x8a: {  	s1 =	srdreg.scid  }
0x8b: {  	s0 =	sand.u32 $0x1, s1  }
0x8c: {  	s17 =	sshll.u32 s0, $0xA;
	s2 =	sadd.s32 s3, s2  }
0x8d: {  	s2 =	sadd.s32 s2, s17  }
0x8e: {  	[smem:$0x3FC7] =	sst s2  }
0x8f: {  	_ = 	snop  }
0x90: {  	s2 =	sld [smem:$0x3FC9];
	(tm) =	ssettm $0x1  }
0x91: {  	s18 =	sld [smem:$0x3FFB];
	_ =	sdelay $0x3  }
0x92: {  	_ =	strace s18  }
0x93: {  	s3 =	sld [smem:$0x3FFC];
	_ =	sdelay $0x3  }
0x94: {  	_ =	strace s3  }
0x95: {  	s3 =	sld [smem:$0x3FFD];
	_ =	sdelay $0x3  }
0x96: {  	_ =	strace s3  }
0x97: {  	_ =	strace $0x8FFFFFFF  }
0x98: {  	s19 =	sld [smem:$0x3FDB];
	_ =	sdelay $0x1  }
0x99: {  	s4 =	simm.s32 $_scs_section_size  }
0x9a: {  	s5 =	simm.s32 $_size__tile_overlayer_lowered;
	s6 =	simm.s32 $_tile_overlayer_lowered  }
0x9b: {  	s22 =	simm.s32 $0x1BFF;
	s21 =	sshll.u32 s6, $0x1;
	s3 =	sadd.s32 s4, s19  }
0x9c: {  	s7 =	simm.s32 $0x0;
	s20 =	sshll.u32 s5, $0x1;
	s5 =	sadd.s32 s21, s3  }
0x9d: {  	[timem:s7], [sflag:s22] =	dma.local [hbm:s5], s20  }
0x9e: {  	_ =	swait.ge [sflag:s22], s20  }
0x9f: {  	s4 =	ssub.s32 $0x0, s20;
	[sflag:s22] =	ssyncset.done $0x0  }
0xa0: {  	[sflag:s22] =	ssyncadd.s32 s4;
	_ =	sdelay $0x1  }
0xa1: {  	s23 =	simm.s32 $0x1B8B  }
0xa2: {  	_ =	swait.ge [sflag:s23], $0x1  }
0xa3: {  	[sflag:s23] =	ssyncset.done $0x0  }
0xa4: {  	s25 =	simm.s32 $0x1B8E;
	s24 =	sld [smem:$0x3FFE];
	[sflag:s23] =	ssyncadd.s32 $0xFFFFFFFF  }
0xa5: {  	s26 =	simm.s32 $execute0_lowered;
	[smem:$0x3FD2] =	sst s25  }
0xa6: {  	s5 =	sshll.u32 s26, $0x1;
	_ =	strace $0x80000046;
	[dreg:$0x1] =	wrdreg $0xFFFFFFFF  }
0xa7: {  	s28 =	simm.s32 $_size_execute0_lowered;
	s3 =	sadd.s32 s3, s5;
	[dreg:$0x0] =	wrdreg $0x0  }
0xa8: {  	s5 =	sshll.u32 s28, $0x1;
	[dreg:$0x2] =	wrdreg s3  }
0xa9: {  	[dreg:$0x3] =	wrdreg s5  }
0xaa: {  	[dreg:$0x4] =	wrdreg $0xC0  }
0xab: {  	_ =	task [dreg:s7], $0x5FFFF  }
0xac: {  	[dreg:$0x1] =	wrdreg $0xFFFFFFFF  }
0xad: {  	[dreg:$0x0] =	wrdreg $0x60  }
0xae: {  	[dreg:$0x2] =	wrdreg s2  }
0xaf: {  	[dreg:$0x3] =	wrdreg s24  }
0xb0: {  	[dreg:$0x4] =	wrdreg $0x9  }
0xb1: {  	_ =	task.clear_ibuf [dreg:s7], $0x5FFFF;
	_ =	strace $0x90000046  }
0xb2: {  	s29 =	simm.s32 $0x9;
	_ =	strace $0x80000048  }
0xb3: {  	_ =	swait.ge [sflag:s29], $0x1  }
0xb4: {  	[sflag:s29] =	ssyncadd.s32 $0xFFFFFFFF  }
0xb5: {  	_ =	strace $0x90000048  }
0xb6: {  	_ =	sfence  }
0xb7: {  	s30 =	sld [smem:$0x0];
	_ =	sdelay $0x2  }
0xb8: {  	s31 =	sshll.u32 s1, $0xD;
	s1 =	sshrl.u32 s1, $0x2  }
0xb9: {  	s3 =	sand.u32 $0x4000, s31;
	s1 =	sadd.s32 s1, s30  }
0xba: {  	s0 =	sor.u32 s3, s0;
	s1 =	sshll.u32 s1, $0x11  }
0xbb: {  	s0 =	sor.u32 s1, s0  }
0xbc: {  	s0 =	sadd.s32 $0x8F2B, s0  }
0xbd: {  	[sflag:s0] =	ssyncadd.remote.s32 $0x1  }
0xbe: {  	_ =	sfence.sel $0xFFFF  }
0xbf: {  	[dreg:$0x0] =	wrdreg $0xFFFFFFFF;
	(pc) =	sbr.abs _section_cstart, $3  }
0xc0: {  	[dreg:$0x1] =	wrdreg $0xFFFFFFFF  }
0xc1: {  	_ =	task.clear_ibuf [dreg:s7], $0x2FFFF;
	_ =	strace $0x9FFFFFFF  }
0xc2: {  	(tm) =	ssettm $0x7FFFFFFF  }
0xc3: {  	_ =	shalt  }
tec
execute0_lowered:
.L_overlay_start_1:
0x0: {  	(tag) =	ssettag $0x1  }
0x1: {  	s4 =	rddreg [dreg:$0x0]  }
0x2: {  	s3 =	rddreg [dreg:$0x1];
	s1 =	simm.s32 $0x0  }
0x3: {  	[smem:$0x7FF] =	sst s1  }
0x4: {  	s0 =	rddreg [dreg:$0x2];
	v0 =	vimm.f32 $8.999999840e-04;
	_ =	strace $0x80000047  }
0x5: {  	(erf) = vrcp.f32 v0;
	_ =	sdelay $0x1  }
0x6: {  	s5 =	srdreg.scid  }
0x7: {  	s2 =	stileid.u32;
	s10 =	simm.s32 $0xC00;
	s11 =	simm.s32 $0x0  }
0x8: {  	s5 =	sand.u32 $0x1, s5;
	s6 =	sshll.u32 s2, $0x1;
	s8 =	sshll.u32 s2, $0x3  }
0x9: {  	s6 =	sor.u32 s5, s6;
	s5 =	ssub.s32 $0x2, s5;
	s31 =	sand.u32 $0x70, s8  }
0xa: {  	s8 =	simm.s32 $0x400;
	s7 =	sshll.u32 s6, $0x4;
	s30 =	sand.u32 $0x3, s6  }
0xb: {  	s29 =	sshrl.u32 s5, $0x1;
	s7 =	sadd.s32 s7, s3;
	s3 =	smul.u32 $0xA0, s30  }
0xc: {  	s4 =	sadd.s32 s4, s31;
	s9 =	ssub.s32 s5, s29;
	s5 =	sadd.s32 $0x200, s7  }
0xd: {  	vm0 =	vmmov $0x1f;
	s6 =	smax.u32 s9, $0x1;
	s7 =	simm.s32 $0x80;
	s9 =	simm.s32 $0x1;
	v1 =	vmov s3;
	v0 =	vpop (erf)  }
.LBB2_1:
0xe: {  	[tilespmem:s1], [sflag:$0x1] =	stream.strided.gather [hbm4b:s4+s7], $0xC00, s8, s7, $0x38;
	[tilespmem:$0xC80] =	vst v63  }
0xf: {  	_ =	swait.ge [sflag:s9], $0xC00  }
0x10: {  	[sflag:s9] =	ssyncset.done $0x0  }
0x11: {  	v2 =	vimm.f32 $0.0e+00;
	s12 =	simm.s32 $0x0;
	[sflag:s9] =	ssyncadd.s32 $0xFFFFF400  }
.LBB2_2:
0x12: {  	_ =	sdelay $0x2  }
0x13: {  	s13 =	sshll.u32 s12, $0x4  }
0x14: {  	s29 =	simm.s32 $0x420;
	s14 =	sadd.s32 s3, s13;
	v4 =	vld.idx.msk [tilespmem:v1+s13+$0x0 ss:$0x1], $0xffff  }
0x15: {  	v18 =	vld [tilespmem:s29+$0xFFFFFBE0];
	s26 =	sand.u32 $0x3F0, s14  }
0x16: {  	v3 =	vld [tilespmem:s26+$0x400]  }
0x17: {  	v5 =	vld [tilespmem:s26+$0x800]  }
0x18: {  	s28 =	simm.s32 $0x0;
	s31 =	simm.s32 $0x460;
	v26 =	vld [tilespmem:s29+$0xFFFFFBF0]  }
0x19: {  	v63 =	vld [tilespmem:s31+$0xFFFFFBE0];
	s14 =	sand.u32 $0x3C0, s28;
	v17 =	vbroadcast v4, $0x0  }
0x1a: {  	v19 =	vld [tilespmem:s14+$0x400];
	v16 =	vbroadcast v4, $0x1;
	v14 =	vbroadcast v4, $0x2  }
0x1b: {  	v20 =	vld [tilespmem:s14+$0x800];
	v11 =	vbroadcast v4, $0x3;
	v10 =	vbroadcast v3, $0x0  }
0x1c: {  	v7 =	vbroadcast v5, $0x0;
	v12 =	vbroadcast v3, $0x1;
	v21 =	vsub.f32 v18, v17  }
0x1d: {  	v13 =	vbroadcast v3, $0x2;
	v28 =	vsub.f32 v18, v11;
	v31 =	vsub.f32 v18, v14  }
0x1e: {  	v29 =	vld [tilespmem:s29+$0xFFFFFFF0];
	v8 =	vbroadcast v5, $0x3;
	v18 =	vsub.f32 v18, v16;
	v34 =	vsub.f32 v26, v17  }
0x1f: {  	v32 =	vld [tilespmem:s29+$0x3F0];
	v9 =	vbroadcast v5, $0x2;
	v51 =	vsub.f32 v63, v11;
	v22 =	vsub.f32 v19, v10  }
0x20: {  	s30 =	simm.s32 $0x40;
	v6 =	vbroadcast v5, $0x1;
	v23 =	vsub.f32 v19, v13;
	v24 =	vsub.f32 v20, v8  }
0x21: {  	s14 =	sand.u32 $0x3C0, s30;
	v15 =	vbroadcast v3, $0x3;
	v25 =	vsub.f32 v20, v7;
	v27 =	vsub.f32 v20, v9  }
0x22: {  	v41 =	vld [tilespmem:s14+$0x800];
	v20 =	vsub.f32 v20, v6;
	v30 =	vsub.f32 v19, v12  }
0x23: {  	v21 =	vmul.f32 v21, v21;
	v19 =	vsub.f32 v19, v15;
	v18 =	vmul.f32 v18, v18  }
0x24: {  	v33 =	vsub.f32 v29, v12;
	v28 =	vmul.f32 v28, v28;
	v35 =	vsub.f32 v32, v9  }
0x25: {  	v36 =	vsub.f32 v32, v7;
	v34 =	vmul.f32 v34, v34;
	v31 =	vmul.f32 v31, v31  }
0x26: {  	v37 =	vsub.f32 v29, v15;
	v22 =	vmul.f32 v22, v22;
	v23 =	vmul.f32 v23, v23  }
0x27: {  	v48 =	vsub.f32 v41, v7;
	v24 =	vmul.f32 v24, v24;
	v25 =	vmul.f32 v25, v25  }
0x28: {  	v50 =	vsub.f32 v41, v9;
	v27 =	vmul.f32 v27, v27;
	v20 =	vmul.f32 v20, v20  }
0x29: {  	v52 =	vsub.f32 v41, v6;
	v19 =	vmul.f32 v19, v19;
	v30 =	vmul.f32 v30, v30  }
0x2a: {  	v54 =	vmul.f32 v36, v36;
	v36 =	vsub.f32 v63, v16;
	v21 =	vadd.f32 v22, v21  }
0x2b: {  	v33 =	vmul.f32 v33, v33;
	v18 =	vadd.f32 v30, v18;
	v30 =	vsub.f32 v29, v10  }
0x2c: {  	v55 =	vmul.f32 v37, v37;
	v22 =	vsub.f32 v26, v11;
	v29 =	vsub.f32 v29, v13  }
0x2d: {  	v19 =	vadd.f32 v19, v28;
	v28 =	vsub.f32 v32, v8;
	v30 =	vmul.f32 v30, v30  }
0x2e: {  	v35 =	vmul.f32 v35, v35;
	v23 =	vadd.f32 v23, v31;
	v21 =	vadd.f32 v25, v21  }
0x2f: {  	v22 =	vmul.f32 v22, v22;
	v25 =	vsub.f32 v26, v14;
	v30 =	vadd.f32 v30, v34  }
0x30: {  	v26 =	vsub.f32 v26, v16;
	v29 =	vmul.f32 v29, v29;
	v19 =	vadd.f32 v24, v19  }
0x31: {  	v24 =	vmul.f32 v28, v28;
	v28 =	vsub.f32 v32, v6;
	v30 =	vadd.f32 v54, v30  }
0x32: {  	v18 =	vadd.f32 v20, v18;
	v25 =	vmul.f32 v25, v25;
	v22 =	vadd.f32 v55, v22  }
0x33: {  	v23 =	vadd.f32 v27, v23;
	v26 =	vmul.f32 v26, v26;
	(xrf1) =	vsort.dscd.msk.f32 $0xffff, v30, v30;
	v30 =	vld [tilespmem:s29+$0x0]  }
0x34: {  	v37 =	vmul.f32 v50, v50;
	v25 =	vadd.f32 v29, v25;
	v22 =	vadd.f32 v24, v22  }
0x35: {  	v24 =	vadd.f32 v33, v26;
	v26 =	vmul.f32 v28, v28;
	(xrf1) =	vsort.ascd.msk.f32 $0xffff, v21, v21;
	v21 =	vld [tilespmem:s29+$0xFFFFFC00]  }
0x36: {  	v55 =	vsub.f32 v63, v14;
	v54 =	vmul.f32 v52, v52;
	v20 =	vadd.f32 v35, v25  }
0x37: {  	v35 =	vmul.f32 v48, v48;
	(xrf1) =	vsort.dscd.msk.f32 $0xffff, v22, v22;
	v22 =	vadd.f32 v26, v24  }
0x38: {  	v24 =	vld [tilespmem:s29+$0x400];
	(xrf1) =	vsort.ascd.msk.f32 $0xffff, v19, v19;
	v19 =	vsub.f32 v30, v13;
	v25 =	vsub.f32 v30, v15  }
0x39: {  	(xrf1) =	vsort.dscd.msk.f32 $0xffff, v20, v20;
	v26 =	vsub.f32 v30, v12;
	v28 =	vsub.f32 v30, v10  }
0x3a: {  	(xrf1) =	vsort.ascd.msk.f32 $0xffff, v23, v23;
	v27 =	vsub.f32 v21, v11;
	v20 =	vsub.f32 v21, v17  }
0x3b: {  	(xrf1) =	vsort.ascd.msk.f32 $0xffff, v18, v18;
	v29 =	vsub.f32 v21, v14;
	v25 =	vmul.f32 v25, v25  }
0x3c: {  	v30 =	vld [tilespmem:s29+$0x10];
	v21 =	vsub.f32 v21, v16;
	v18 =	vmul.f32 v19, v19;
	v23 =	vmul.f32 v27, v27  }
0x3d: {  	v19 =	vsub.f32 v24, v8;
	(xrf1) =	vsort.dscd.msk.f32 $0xffff, v22, v22;
	v26 =	vmul.f32 v26, v26  }
0x3e: {  	v53 =	vld [tilespmem:s31+$0xFFFFFFF0];
	v20 =	vmul.f32 v20, v20;
	v29 =	vmul.f32 v29, v29;
	v22 =	vadd.f32 v25, v23  }
0x3f: {  	v27 =	vld [tilespmem:s29+$0xFFFFFC10];
	v23 =	vsub.f32 v24, v7;
	v25 =	vmul.f32 v28, v28;
	v28 =	vsub.f32 v24, v6  }
0x40: {  	v21 =	vmul.f32 v21, v21;
	v24 =	vsub.f32 v24, v9;
	v18 =	vadd.f32 v18, v29  }
0x41: {  	v19 =	vmul.f32 v19, v19;
	v59 =	vsub.f32 v30, v15;
	v61 =	vsub.f32 v30, v12  }
0x42: {  	v21 =	vadd.f32 v26, v21;
	v23 =	vmul.f32 v23, v23;
	v20 =	vadd.f32 v25, v20  }
0x43: {  	v19 =	vadd.f32 v19, v22;
	v46 =	vmul.f32 v61, v61;
	v61 =	vsub.f32 v53, v13  }
0x44: {  	v29 =	vld [tilespmem:s29+$0x410];
	v24 =	vmul.f32 v24, v24;
	v31 =	vsub.f32 v27, v17;
	v57 =	vsub.f32 v27, v16  }
0x45: {  	v28 =	vmul.f32 v28, v28;
	v58 =	vsub.f32 v27, v14;
	v27 =	vsub.f32 v27, v11  }
0x46: {  	v49 =	vld [tilespmem:s31+$0xFFFFFBF0];
	v33 =	vmul.f32 v59, v59;
	v18 =	vadd.f32 v24, v18;
	v24 =	vsub.f32 v30, v13  }
0x47: {  	v21 =	vadd.f32 v28, v21;
	v28 =	vmul.f32 v36, v36;
	v22 =	vmul.f32 v57, v57  }
0x48: {  	v56, _, _ =	vpop (xrf1);
	v20 =	vadd.f32 v23, v20;
	v31 =	vmul.f32 v31, v31;
	v32 =	vmul.f32 v58, v58  }
0x49: {  	v25, _, _ =	vpop (xrf1);
	v44 =	vsub.f32 v29, v9;
	v40 =	vsub.f32 v29, v6;
	v27 =	vmul.f32 v27, v27  }
0x4a: {  	v58 =	vsub.f32 v53, v15;
	v25 =	vmin.f32 v25, v56;
	v60, _, _ =	vpop (xrf1);
	(xrf1) =	vsort.ascd.msk.f32 $0xffff, v19, v19  }
0x4b: {  	v24 =	vmul.f32 v24, v24;
	v56 =	vsub.f32 v49, v11;
	v19, _, _ =	vpop (xrf1);
	(xrf1) =	vsort.dscd.msk.f32 $0xffff, v25, v25  }
0x4c: {  	v25 =	vsub.f32 v30, v10;
	v47 =	vmul.f32 v40, v40;
	v27 =	vadd.f32 v33, v27  }
0x4d: {  	v22 =	vadd.f32 v46, v22;
	v30, _, _ =	vpop (xrf1);
	(xrf1) =	vsort.ascd.msk.f32 $0xffff, v18, v18;
	v18 =	vsub.f32 v29, v7  }
0x4e: {  	v19 =	vmin.f32 v19, v60;
	v29 =	vsub.f32 v29, v8;
	v24 =	vadd.f32 v24, v32;
	v62, _, _ =	vpop (xrf1)  }
0x4f: {  	v39 =	vld [tilespmem:s14+$0x400];
	v57 =	vmul.f32 v56, v56;
	v60 =	vsub.f32 v53, v10;
	v30 =	vmin.f32 v62, v30  }
0x50: {  	v25 =	vmul.f32 v25, v25;
	(xrf1) =	vsort.dscd.msk.f32 $0xffff, v30, v30;
	v30 =	vmul.f32 v44, v44  }
0x51: {  	v22 =	vadd.f32 v47, v22;
	v26 =	vmul.f32 v29, v29;
	v29 =	vsub.f32 v63, v17  }
0x52: {  	v38, _, _ =	vpop (xrf1);
	v18 =	vmul.f32 v18, v18;
	(xrf1) =	vsort.dscd.msk.f32 $0xffff, v19, v19;
	v24 =	vadd.f32 v30, v24  }
0x53: {  	v34 =	vmul.f32 v60, v60;
	v45, _, _ =	vpop (xrf1);
	v25 =	vadd.f32 v25, v31;
	(xrf1) =	vsort.ascd.msk.f32 $0xffff, v20, v20  }
0x54: {  	v31 =	vsub.f32 v39, v15;
	v23 =	vmin.f32 v38, v45;
	(xrf1) =	vsort.dscd.msk.f32 $0xffff, v24, v24  }
0x55: {  	v19 =	vsub.f32 v39, v10;
	v29 =	vmul.f32 v29, v29;
	v26 =	vadd.f32 v26, v27  }
0x56: {  	v27 =	vld [tilespmem:s31+$0x3F0];
	v20 =	vsub.f32 v39, v13;
	v30 =	vsub.f32 v41, v8;
	v31 =	vmul.f32 v31, v31  }
0x57: {  	v18 =	vadd.f32 v18, v25;
	v25 =	vsub.f32 v53, v12;
	v19 =	vmul.f32 v19, v19  }
0x58: {  	v20 =	vmul.f32 v20, v20;
	v24 =	vsub.f32 v39, v12;
	(xrf1) =	vsort.dscd.msk.f32 $0xffff, v26, v26  }
0x59: {  	v30 =	vmul.f32 v30, v30;
	v19 =	vadd.f32 v19, v29;
	(xrf1) =	vsort.ascd.msk.f32 $0xffff, v21, v21  }
0x5a: {  	v26 =	vsub.f32 v49, v17;
	v24 =	vmul.f32 v24, v24;
	(xrf1) =	vsort.dscd.msk.f32 $0xffff, v18, v18  }
0x5b: {  	v25 =	vmul.f32 v25, v25;
	v21 =	vsub.f32 v49, v14;
	v29 =	vsub.f32 v27, v9  }
0x5c: {  	v24 =	vadd.f32 v24, v28;
	v28 =	vsub.f32 v49, v16;
	(xrf1) =	vsort.dscd.msk.f32 $0xffff, v23, v23;
	v23, _, _ =	vpop (xrf1)  }
0x5d: {  	v19 =	vadd.f32 v35, v19;
	v18 =	vmul.f32 v51, v51;
	v35 =	vmul.f32 v61, v61;
	v59, _, _ =	vpop (xrf1)  }
0x5e: {  	v42 =	vsub.f32 v27, v7;
	v26 =	vmul.f32 v26, v26;
	v28 =	vmul.f32 v28, v28;
	v63, _, _ =	vpop (xrf1)  }
0x5f: {  	v62 =	vimm.f32 $+Inf;
	v21 =	vmul.f32 v21, v21;
	v18 =	vadd.f32 v31, v18;
	(xrf1) =	vsort.dscd.msk.f32 $0xffff, v22, v22;
	v22, _, _ =	vpop (xrf1)  }
0x60: {  	v29 =	vmul.f32 v29, v29;
	v31 =	vsub.f32 v27, v8;
	v27 =	vsub.f32 v27, v6;
	v45, _, _ =	vpop (xrf1)  }
0x61: {  	v61 =	vld [tilespmem:s31+$0x410];
	v46 =	vmul.f32 v42, v42;
	v26 =	vadd.f32 v34, v26;
	v24 =	vadd.f32 v54, v24;
	v43, _, _ =	vpop (xrf1)  }
0x62: {  	v18 =	vadd.f32 v30, v18;
	v30 =	vmin.f32 v62, v59;
	v25 =	vadd.f32 v25, v28;
	v28, _, _ =	vpop (xrf1)  }
0x63: {  	v21 =	vadd.f32 v35, v21;
	(xrf1) =	vsort.ascd.msk.f32 $0xffff, v30, v30;
	v28 =	vmin.f32 v63, v28  }
0x64: {  	v26 =	vadd.f32 v46, v26;
	v22 =	vmin.f32 v62, v22;
	(xrf1) =	vsort.dscd.msk.f32 $0xffff, v28, v28  }
0x65: {  	v48 =	vld [tilespmem:s31+$0x0];
	v27 =	vmul.f32 v27, v27;
	v21 =	vadd.f32 v29, v21;
	(xrf1) =	vsort.ascd.msk.f32 $0xffff, v22, v22  }
0x66: {  	v36 =	vsub.f32 v61, v9;
	v30, _, _ =	vpop (xrf1);
	(xrf1) =	vsort.dscd.msk.f32 $0xffff, v26, v26;
	v26 =	vmul.f32 v55, v55  }
0x67: {  	v49 =	vld [tilespmem:s31+$0xFFFFFC00];
	v35 =	vsub.f32 v61, v6;
	v28 =	vmul.f32 v58, v58;
	v29, _, _ =	vpop (xrf1);
	v23 =	vmin.f32 v23, v30  }
0x68: {  	v22 =	vmul.f32 v31, v31;
	v31 =	vmin.f32 v62, v45;
	v47, _, _ =	vpop (xrf1);
	(xrf1) =	vsort.ascd.msk.f32 $0xffff, v19, v19  }
0x69: {  	v19 =	vadd.f32 v28, v57;
	v28 =	vmin.f32 v43, v47;
	(xrf1) =	vsort.ascd.msk.f32 $0xffff, v31, v31  }
0x6a: {  	v30 =	vsub.f32 v48, v10;
	v20 =	vadd.f32 v20, v26;
	(xrf1) =	vsort.dscd.msk.f32 $0xffff, v28, v28;
	v26, _, _ =	vpop (xrf1)  }
0x6b: {  	v19 =	vadd.f32 v22, v19;
	(xrf1) =	vsort.dscd.msk.f32 $0xffff, v23, v23;
	v22 =	vmin.f32 v62, v26  }
0x6c: {  	v52 =	vsub.f32 v49, v14;
	v30 =	vmul.f32 v30, v30;
	(xrf1) =	vsort.ascd.msk.f32 $0xffff, v22, v22  }
0x6d: {  	v55 =	vsub.f32 v49, v16;
	v23 =	vadd.f32 v27, v25;
	v25 =	vld [tilespmem:s31+$0x400];
	(xrf1) =	vsort.dscd.msk.f32 $0xffff, v19, v19  }
0x6e: {  	v28 =	vsub.f32 v49, v11;
	v27 =	vsub.f32 v48, v15;
	v22, _, _ =	vpop (xrf1);
	(xrf1) =	vsort.ascd.msk.f32 $0xffff, v18, v18  }
0x6f: {  	v20 =	vadd.f32 v37, v20;
	v22 =	vmin.f32 v29, v22;
	(xrf1) =	vsort.dscd.msk.f32 $0xffff, v21, v21  }
0x70: {  	v26 =	vsub.f32 v48, v13;
	v27 =	vmul.f32 v27, v27;
	(xrf1) =	vsort.dscd.msk.f32 $0xffff, v22, v22  }
0x71: {  	v19 =	vsub.f32 v48, v12;
	v18 =	vmul.f32 v28, v28;
	v31, _, _ =	vpop (xrf1);
	(xrf1) =	vsort.ascd.msk.f32 $0xffff, v20, v20  }
0x72: {  	v29 =	vsub.f32 v49, v17;
	v50, _, _ =	vpop (xrf1);
	(xrf1) =	vsort.ascd.msk.f32 $0xffff, v24, v24;
	v24 =	vsub.f32 v25, v6  }
0x73: {  	v28 =	vld [tilespmem:s31+$0xFFFFFC10];
	v21 =	vmul.f32 v26, v26;
	v27 =	vadd.f32 v27, v18;
	v18 =	vsub.f32 v25, v7;
	v51, _, _ =	vpop (xrf1)  }
0x74: {  	v26 =	vsub.f32 v25, v8;
	v29 =	vmul.f32 v29, v29;
	v53, _, _ =	vpop (xrf1);
	(xrf1) =	vsort.dscd.msk.f32 $0xffff, v23, v23  }
0x75: {  	v20 =	vmul.f32 v19, v19;
	v19 =	vsub.f32 v25, v9;
	v22 =	vmul.f32 v18, v18  }
0x76: {  	v25 =	vadd.f32 v30, v29;
	v29 =	vmul.f32 v52, v52;
	v18 =	vmul.f32 v24, v24;
	v24, _, _ =	vpop (xrf1)  }
0x77: {  	v39 =	vsub.f32 v61, v8;
	v58 =	vmul.f32 v19, v19;
	v19 =	vmul.f32 v26, v26;
	v23 =	vld [tilespmem:s31+$0x10];
	v30, _, _ =	vpop (xrf1)  }
0x78: {  	v37 =	vmul.f32 v55, v55;
	v54 =	vsub.f32 v28, v17;
	v29 =	vadd.f32 v21, v29;
	v26, _, _ =	vpop (xrf1)  }
0x79: {  	v24 =	vmin.f32 v24, v53;
	v21 =	vmin.f32 v31, v26;
	v26, _, _ =	vpop (xrf1);
	v31 =	vadd.f32 v19, v27  }
0x7a: {  	v57 =	vsub.f32 v28, v16;
	v59 =	vsub.f32 v28, v14;
	v62, _, _ =	vpop (xrf1);
	(xrf1) =	vsort.ascd.msk.f32 $0xffff, v21, v21  }
0x7b: {  	v33 =	vsub.f32 v28, v11;
	v60 =	vmin.f32 v30, v26;
	v26, _, _ =	vpop (xrf1);
	(xrf1) =	vsort.ascd.msk.f32 $0xffff, v31, v31  }
0x7c: {  	v29 =	vadd.f32 v58, v29;
	v63 =	vsub.f32 v23, v15;
	(xrf1) =	vsort.dscd.msk.f32 $0xffff, v24, v24;
	v24, _, _ =	vpop (xrf1)  }
0x7d: {  	v27 =	vsub.f32 v23, v12;
	v31 =	vsub.f32 v23, v13;
	v34, _, _ =	vpop (xrf1);
	(xrf1) =	vsort.ascd.msk.f32 $0xffff, v60, v60  }
0x7e: {  	v30 =	vmin.f32 v24, v26;
	v26 =	vsub.f32 v23, v10;
	(xrf1) =	vsort.ascd.msk.f32 $0xffff, v29, v29;
	v23, _, _ =	vpop (xrf1)  }
0x7f: {  	s13 =	simm.s32 $0x4A0;
	s14 =	simm.s32 $0x80;
	v56 =	vmin.f32 v51, v50;
	v32 =	vmul.f32 v59, v59;
	v28 =	vmin.f32 v62, v23  }
0x80: {  	s16 =	sand.u32 $0x3C0, s14;
	v19 =	vmul.f32 v57, v57;
	v21 =	vmul.f32 v54, v54;
	v38, _, _ =	vpop (xrf1);
	v23 =	vld [tilespmem:s13+$0xFFFFFBE0];
	(xrf1) =	vsort.ascd.msk.f32 $0xffff, v28, v28  }
0x81: {  	s15 =	simm.s32 $0x4;
	v24 =	vsub.f32 v61, v7;
	v29 =	vmul.f32 v63, v63;
	v40, _, _ =	vpop (xrf1);
	v28 =	vld [tilespmem:s16+$0x400];
	(xrf1) =	vsort.ascd.msk.f32 $0xffff, v56, v56  }
.LBB2_3:
0x82: {  	s15 =	sadd.s32 $0x2, s15;
	v41 =	vld [tilespmem:s16+$0x800];
	v34 =	vmin.f32 v38, v34;
	v22 =	vadd.f32 v22, v25;
	v25 =	vmul.f32 v31, v31;
	v31, _, _ =	vpop (xrf1)  }
0x83: {  	v33 =	vmul.f32 v33, v33;
	p0 =	slt.u32 s15, $0x1E;
	v31 =	vmin.f32 v40, v31;
	(xrf1) =	vsort.dscd.msk.f32 $0xffff, v34, v34  }
0x84: {  	v20 =	vadd.f32 v20, v37;
	v25 =	vadd.f32 v25, v32;
	v32 =	vmul.f32 v39, v39  }
0x85: {  	v36 =	vmul.f32 v36, v36;
	v34 =	vsub.f32 v23, v17;
	(xrf1) =	vsort.dscd.msk.f32 $0xffff, v30, v30  }
0x86: {  	v27 =	vmul.f32 v27, v27;
	v30 =	vsub.f32 v28, v10;
	(xrf1) =	vsort.ascd.msk.f32 $0xffff, v22, v22  }
0x87: {  	v35 =	vmul.f32 v35, v35;
	v37 =	vsub.f32 v28, v13;
	v25 =	vadd.f32 v36, v25;
	v22 =	vld [tilespmem:s13+$0xFFFFFBF0]  }
0x88: {  	v26 =	vmul.f32 v26, v26;
	v36 =	vsub.f32 v41, v8;
	v30 =	vmul.f32 v30, v30;
	v38, _, _ =	vpop (xrf1)  }
0x89: {  	v29 =	vadd.f32 v29, v33;
	v39 =	vsub.f32 v41, v7;
	v37 =	vmul.f32 v37, v37;
	v33, _, _ =	vpop (xrf1)  }
0x8a: {  	v42 =	vsub.f32 v23, v11;
	v40 =	vsub.f32 v41, v9;
	v36 =	vmul.f32 v36, v36;
	v43, _, _ =	vpop (xrf1)  }
0x8b: {  	v41 =	vsub.f32 v41, v6;
	v39 =	vmul.f32 v39, v39;
	(xrf1) =	vsort.dscd.msk.f32 $0xffff, v25, v25;
	v25, _, _ =	vpop (xrf1)  }
0x8c: {  	v21 =	vadd.f32 v26, v21;
	v45 =	vsub.f32 v28, v12;
	v40 =	vmul.f32 v40, v40;
	v44 =	vld [tilespmem:s13+$0xFFFFFFF0];
	v26, _, _ =	vpop (xrf1)  }
0x8d: {  	v24 =	vmul.f32 v24, v24;
	v19 =	vadd.f32 v27, v19;
	v28 =	vsub.f32 v28, v15  }
0x8e: {  	v27 =	vmul.f32 v41, v41;
	v41 =	vsub.f32 v23, v14;
	v46 =	vsub.f32 v22, v11;
	v47, _, _ =	vpop (xrf1)  }
0x8f: {  	v18 =	vadd.f32 v18, v20;
	v28 =	vmul.f32 v28, v28;
	v23 =	vsub.f32 v23, v16;
	v20, _, _ =	vpop (xrf1)  }
0x90: {  	v29 =	vadd.f32 v32, v29;
	v34 =	vmul.f32 v34, v34;
	v45 =	vmul.f32 v45, v45  }
0x91: {  	v21 =	vadd.f32 v24, v21;
	v23 =	vmul.f32 v23, v23;
	v46 =	vmul.f32 v46, v46;
	v32 =	vld [tilespmem:s13+$0x3F0];
	v24, _, _ =	vpop (xrf1)  }
0x92: {  	v19 =	vadd.f32 v35, v19;
	v30 =	vadd.f32 v30, v34;
	(xrf1) =	vsort.dscd.msk.f32 $0xffff, v29, v29  }
0x93: {  	v34 =	vmul.f32 v42, v42;
	v29 =	vsub.f32 v44, v12;
	v35, _, _ =	vpop (xrf1);
	(xrf1) =	vsort.ascd.msk.f32 $0xffff, v18, v18  }
0x94: {  	v18 =	vadd.f32 v39, v30;
	v30 =	vsub.f32 v22, v14;
	v39, _, _ =	vpop (xrf1);
	(xrf1) =	vsort.dscd.msk.f32 $0xffff, v21, v21  }
0x95: {  	v23 =	vadd.f32 v45, v23;
	v21 =	vsub.f32 v22, v17;
	v29 =	vmul.f32 v29, v29  }
0x96: {  	v22 =	vsub.f32 v22, v16;
	v30 =	vmul.f32 v30, v30;
	v42 =	vsub.f32 v32, v9  }
0x97: {  	v23 =	vadd.f32 v27, v23;
	v27 =	vsub.f32 v44, v15;
	(xrf1) =	vsort.dscd.msk.f32 $0xffff, v31, v31  }
0x98: {  	v22 =	vmul.f32 v22, v22;
	v31 =	vsub.f32 v44, v10;
	v44 =	vsub.f32 v44, v13  }
0x99: {  	v28 =	vadd.f32 v28, v34;
	v34 =	vsub.f32 v32, v8;
	(xrf1) =	vsort.dscd.msk.f32 $0xffff, v19, v19;
	v19, _, _ =	vpop (xrf1)  }
0x9a: {  	v45 =	vsub.f32 v32, v7;
	v42 =	vmul.f32 v42, v42;
	v44 =	vmul.f32 v44, v44  }
0x9b: {  	v28 =	vadd.f32 v36, v28;
	v36 =	vmin.f32 v38, v43;
	v21 =	vmul.f32 v21, v21  }
0x9c: {  	v27 =	vmul.f32 v27, v27;
	v22 =	vadd.f32 v29, v22;
	v31 =	vmul.f32 v31, v31  }
0x9d: {  	v29 =	vsub.f32 v32, v6;
	v30 =	vadd.f32 v44, v30;
	(xrf1) =	vsort.ascd.msk.f32 $0xffff, v36, v36  }
0x9e: {  	v19 =	vmin.f32 v26, v19;
	v21 =	vadd.f32 v31, v21;
	v31 =	vmul.f32 v45, v45  }
0x9f: {  	v26 =	vmul.f32 v29, v29;
	v29 =	vmul.f32 v34, v34;
	(xrf1) =	vsort.dscd.msk.f32 $0xffff, v19, v19  }
0xa0: {  	v19 =	vadd.f32 v31, v21;
	v21 =	vadd.f32 v42, v30;
	v30 =	vmin.f32 v20, v24;
	v24, _, _ =	vpop (xrf1)  }
0xa1: {  	v26 =	vadd.f32 v26, v22;
	v22 =	vadd.f32 v27, v46;
	(xrf1) =	vsort.ascd.msk.f32 $0xffff, v30, v30;
	v20, _, _ =	vpop (xrf1)  }
0xa2: {  	v27 =	vmul.f32 v41, v41;
	(xrf1) =	vsort.dscd.msk.f32 $0xffff, v19, v19;
	v19 =	vmin.f32 v25, v35;
	v25, _, _ =	vpop (xrf1)  }
0xa3: {  	v22 =	vadd.f32 v29, v22;
	v29 =	vld [tilespmem:s13+$0x0];
	(xrf1) =	vsort.ascd.msk.f32 $0xffff, v18, v18;
	v18 =	vmin.f32 v39, v25  }
0xa4: {  	v24 =	vmin.f32 v33, v24;
	v25 =	vadd.f32 v37, v27;
	v27 =	vld [tilespmem:s13+$0xFFFFFC00];
	(xrf1) =	vsort.ascd.msk.f32 $0xffff, v19, v19  }
0xa5: {  	v19, _, _ =	vpop (xrf1);
	(xrf1) =	vsort.dscd.msk.f32 $0xffff, v18, v18  }
0xa6: {  	v18 =	vadd.f32 v40, v25;
	v25 =	vld [tilespmem:s13+$0x400];
	v30 =	vmin.f32 v47, v19;
	(xrf1) =	vsort.dscd.msk.f32 $0xffff, v24, v24  }
0xa7: {  	(xrf1) =	vsort.ascd.msk.f32 $0xffff, v30, v30;
	v19, _, _ =	vpop (xrf1)  }
0xa8: {  	v24 =	vsub.f32 v29, v13;
	v30 =	vsub.f32 v29, v15;
	(xrf1) =	vsort.dscd.msk.f32 $0xffff, v22, v22  }
0xa9: {  	v22 =	vsub.f32 v29, v12;
	v19 =	vmin.f32 v20, v19;
	v31 =	vsub.f32 v27, v11  }
0xaa: {  	v29 =	vsub.f32 v29, v10;
	v20 =	vsub.f32 v27, v17;
	(xrf1) =	vsort.ascd.msk.f32 $0xffff, v28, v28  }
0xab: {  	v32 =	vmul.f32 v30, v30;
	v28 =	vmul.f32 v31, v31;
	(xrf1) =	vsort.dscd.msk.f32 $0xffff, v21, v21;
	v21, _, _ =	vpop (xrf1)  }
0xac: {  	v24 =	vmul.f32 v24, v24;
	v31 =	vsub.f32 v25, v8;
	v33 =	vld [tilespmem:s13+$0xFFFFFC10];
	(xrf1) =	vsort.dscd.msk.f32 $0xffff, v19, v19  }
0xad: {  	v19 =	vmul.f32 v20, v20;
	v28 =	vadd.f32 v32, v28;
	(xrf1) =	vsort.ascd.msk.f32 $0xffff, v18, v18;
	v30, _, _ =	vpop (xrf1)  }
0xae: {  	v29 =	vmul.f32 v29, v29;
	v18 =	vsub.f32 v25, v7;
	(xrf1) =	vsort.ascd.msk.f32 $0xffff, v23, v23  }
0xaf: {  	v34 =	vsub.f32 v25, v9;
	v20 =	vmul.f32 v22, v22;
	v32 =	vsub.f32 v25, v6;
	v23 =	vld [tilespmem:s13+$0x10];
	v35, _, _ =	vpop (xrf1)  }
0xb0: {  	v36 =	vsub.f32 v27, v14;
	v22 =	vmul.f32 v18, v18;
	v37, _, _ =	vpop (xrf1);
	(xrf1) =	vsort.dscd.msk.f32 $0xffff, v26, v26  }
0xb1: {  	v39 =	vsub.f32 v27, v16;
	v18 =	vmul.f32 v32, v32;
	v26 =	vsub.f32 v33, v17;
	v27, _, _ =	vpop (xrf1)  }
0xb2: {  	v36 =	vmul.f32 v36, v36;
	v25 =	vadd.f32 v29, v19;
	v41 =	vmin.f32 v35, v30;
	v29, _, _ =	vpop (xrf1)  }
0xb3: {  	v31 =	vmul.f32 v31, v31;
	v32 =	vmul.f32 v34, v34;
	v40 =	vsub.f32 v33, v16;
	v34, _, _ =	vpop (xrf1)  }
0xb4: {  	v24 =	vadd.f32 v24, v36;
	v35 =	vmin.f32 v27, v37;
	v21 =	vmin.f32 v21, v34;
	v19, _, _ =	vpop (xrf1)  }
0xb5: {  	v28 =	vadd.f32 v31, v28;
	v36 =	vsub.f32 v33, v14;
	v42 =	vld [tilespmem:s13+$0x410];
	v29 =	vmin.f32 v29, v19;
	v37, _, _ =	vpop (xrf1)  }
0xb6: {  	v38 =	vsub.f32 v23, v15;
	v19 =	vmul.f32 v40, v40;
	v30, _, _ =	vpop (xrf1);
	(xrf1) =	vsort.ascd.msk.f32 $0xffff, v21, v21  }
0xb7: {  	v27 =	vsub.f32 v23, v12;
	v21 =	vmul.f32 v26, v26;
	(xrf1) =	vsort.ascd.msk.f32 $0xffff, v28, v28  }
0xb8: {  	v24 =	vadd.f32 v32, v24;
	v31 =	vsub.f32 v23, v13;
	(xrf1) =	vsort.dscd.msk.f32 $0xffff, v35, v35;
	v26, _, _ =	vpop (xrf1)  }
.Ltmp0:
0xb9: {  	v30 =	vmin.f32 v26, v30;
	v26 =	vsub.f32 v23, v10;
	v34, _, _ =	vpop (xrf1);
	(xrf1) =	vsort.ascd.msk.f32 $0xffff, v29, v29;
	(pc) =	sbr.rel @p0 .LBB2_3-.Ltmp0, $4  }
0xba: {  	v33 =	vsub.f32 v33, v11;
	v32 =	vmul.f32 v36, v36;
	(xrf1) =	vsort.ascd.msk.f32 $0xffff, v24, v24;
	v23, _, _ =	vpop (xrf1)  }
0xbb: {  	s14 =	sadd.s32 $0x40, s14;
	s13 =	sadd.s32 $0x40, s13;
	v29 =	vmul.f32 v38, v38;
	v24 =	vsub.f32 v42, v7;
	v38, _, _ =	vpop (xrf1);
	v28 =	vmin.f32 v37, v23  }
0xbc: {  	s16 =	sand.u32 $0x3C0, s14;
	v36 =	vsub.f32 v42, v9;
	v37 =	vmul.f32 v39, v39;
	v23 =	vld [tilespmem:s13+$0xFFFFFBE0];
	v40, _, _ =	vpop (xrf1);
	(xrf1) =	vsort.ascd.msk.f32 $0xffff, v28, v28  }
0xbd: {  	v35 =	vsub.f32 v42, v6;
	v39 =	vsub.f32 v42, v8;
	v28 =	vld [tilespmem:s16+$0x400];
	(xrf1) =	vsort.ascd.msk.f32 $0xffff, v41, v41  }
0xbe: {  	v22 =	vadd.f32 v22, v25;
	v25 =	vmul.f32 v31, v31  }
0xbf: {  	v34 =	vmin.f32 v38, v34;
	v33 =	vmul.f32 v33, v33;
	v36 =	vmul.f32 v36, v36  }
0xc0: {  	v20 =	vadd.f32 v20, v37;
	v27 =	vmul.f32 v27, v27;
	v26 =	vmul.f32 v26, v26  }
0xc1: {  	v24 =	vmul.f32 v24, v24;
	v25 =	vadd.f32 v25, v32;
	v29 =	vadd.f32 v29, v33  }
0xc2: {  	v62, _, _ =	vpop (xrf1);
	(xrf1) =	vsort.dscd.msk.f32 $0xffff, v34, v34;
	v21 =	vadd.f32 v26, v21;
	v19 =	vadd.f32 v27, v19  }
0xc3: {  	v44 =	vmul.f32 v39, v39;
	v18 =	vadd.f32 v18, v20;
	v45 =	vsub.f32 v23, v17  }
0xc4: {  	v63 =	vld [tilespmem:s16+$0x800];
	v35 =	vmul.f32 v35, v35;
	v50 =	vsub.f32 v23, v11;
	v27 =	vsub.f32 v23, v14  }
0xc5: {  	(xrf1) =	vsort.dscd.msk.f32 $0xffff, v30, v30;
	v23 =	vsub.f32 v23, v16;
	v30 =	vsub.f32 v28, v10  }
0xc6: {  	v48 =	vld [tilespmem:s13+$0xFFFFFBF0];
	(xrf1) =	vsort.ascd.msk.f32 $0xffff, v22, v22;
	v22 =	vsub.f32 v28, v13;
	v25 =	vadd.f32 v36, v25  }
0xc7: {  	v26 =	vsub.f32 v28, v15;
	v29 =	vadd.f32 v44, v29  }
0xc8: {  	v21 =	vadd.f32 v24, v21;
	v19 =	vadd.f32 v35, v19  }
0xc9: {  	v51 =	vld [tilespmem:s13+$0x3F0];
	v46 =	vsub.f32 v63, v8;
	v47 =	vsub.f32 v63, v7  }
0xca: {  	v49 =	vsub.f32 v63, v9;
	v20 =	vmul.f32 v45, v45;
	v30 =	vmul.f32 v30, v30  }
0xcb: {  	v38 =	vsub.f32 v63, v6;
	v41 =	vsub.f32 v48, v11;
	(xrf1) =	vsort.dscd.msk.f32 $0xffff, v25, v25  }
0xcc: {  	v31 =	vmin.f32 v40, v62;
	v53 =	vsub.f32 v48, v14;
	v20 =	vadd.f32 v30, v20  }
0xcd: {  	v23 =	vmul.f32 v23, v23;
	v54 =	vsub.f32 v48, v16;
	v25 =	vsub.f32 v28, v12  }
0xce: {  	v56 =	vsub.f32 v51, v9;
	v43 =	vsub.f32 v51, v8;
	v37 =	vmul.f32 v47, v47  }
0xcf: {  	v27 =	vmul.f32 v27, v27;
	v28 =	vld [tilespmem:s13+$0xFFFFFFF0];
	(xrf1) =	vsort.dscd.msk.f32 $0xffff, v29, v29;
	v25 =	vmul.f32 v25, v25;
	v29, _, _ =	vpop (xrf1)  }
0xd0: {  	v26 =	vmul.f32 v26, v26;
	(xrf1) =	vsort.ascd.msk.f32 $0xffff, v18, v18;
	v18 =	vadd.f32 v37, v20;
	v20, _, _ =	vpop (xrf1)  }
0xd1: {  	v30 =	vmul.f32 v50, v50;
	(xrf1) =	vsort.dscd.msk.f32 $0xffff, v21, v21;
	v21 =	vadd.f32 v25, v23;
	v23, _, _ =	vpop (xrf1)  }
0xd2: {  	v44 =	vsub.f32 v51, v7;
	v22 =	vmul.f32 v22, v22;
	v36 =	vmul.f32 v46, v46;
	v55, _, _ =	vpop (xrf1)  }
0xd3: {  	v25 =	vsub.f32 v48, v17;
	(xrf1) =	vsort.dscd.msk.f32 $0xffff, v31, v31;
	v26 =	vadd.f32 v26, v30;
	v31, _, _ =	vpop (xrf1)  }
0xd4: {  	v33 =	vmul.f32 v49, v49;
	v24 =	vsub.f32 v28, v12;
	v57 =	vsub.f32 v28, v15;
	v42, _, _ =	vpop (xrf1)  }
0xd5: {  	v38 =	vmul.f32 v38, v38;
	v58 =	vsub.f32 v28, v13;
	v28 =	vsub.f32 v28, v10;
	v30, _, _ =	vpop (xrf1)  }
0xd6: {  	v32 =	vsub.f32 v51, v6;
	v52 =	vmul.f32 v41, v41;
	v35 =	vmul.f32 v53, v53;
	v59, _, _ =	vpop (xrf1)  }
0xd7: {  	(xrf1) =	vsort.dscd.msk.f32 $0xffff, v19, v19;
	v25 =	vmul.f32 v25, v25;
	v28 =	vmul.f32 v28, v28;
	v45, _, _ =	vpop (xrf1)  }
0xd8: {  	v40 =	vmul.f32 v56, v56;
	v22 =	vadd.f32 v22, v27;
	v23 =	vmin.f32 v29, v23;
	v29, _, _ =	vpop (xrf1)  }
0xd9: {  	v37 =	vmul.f32 v54, v54;
	v25 =	vadd.f32 v28, v25;
	v28 =	vmul.f32 v44, v44;
	v61, _, _ =	vpop (xrf1)  }
0xda: {  	v24 =	vmul.f32 v24, v24;
	(xrf1) =	vsort.ascd.msk.f32 $0xffff, v23, v23;
	v23 =	vmin.f32 v31, v61  }
0xdb: {  	(xrf1) =	vsort.dscd.msk.f32 $0xffff, v23, v23;
	v23 =	vadd.f32 v28, v25;
	v25 =	vmin.f32 v30, v59  }
0xdc: {  	v22 =	vadd.f32 v33, v22;
	v21 =	vadd.f32 v38, v21;
	v19 =	vmul.f32 v58, v58  }
0xdd: {  	v60 =	vmul.f32 v57, v57;
	v24 =	vadd.f32 v24, v37;
	v30, _, _ =	vpop (xrf1);
	(xrf1) =	vsort.ascd.msk.f32 $0xffff, v25, v25  }
0xde: {  	v31 =	vmul.f32 v32, v32;
	v28 =	vmul.f32 v43, v43;
	v25, _, _ =	vpop (xrf1);
	(xrf1) =	vsort.dscd.msk.f32 $0xffff, v23, v23;
	v23 =	vld [tilespmem:s13+$0x0]  }
0xdf: {  	v26 =	vadd.f32 v36, v26;
	v38 =	vld [tilespmem:s13+$0x10];
	v19 =	vadd.f32 v19, v35;
	v62 =	vmin.f32 v55, v45  }
0xe0: {  	v24 =	vadd.f32 v31, v24;
	v31 =	vadd.f32 v60, v52;
	v63, _, _ =	vpop (xrf1);
	(xrf1) =	vsort.ascd.msk.f32 $0xffff, v18, v18  }
0xe1: {  	v19 =	vadd.f32 v40, v19;
	v18 =	vld [tilespmem:s13+$0xFFFFFC00];
	v29 =	vmin.f32 v29, v63;
	(xrf1) =	vsort.ascd.msk.f32 $0xffff, v62, v62  }
0xe2: {  	v20 =	vmin.f32 v20, v30;
	v27 =	vadd.f32 v28, v31;
	v28, _, _ =	vpop (xrf1);
	(xrf1) =	vsort.dscd.msk.f32 $0xffff, v29, v29  }
0xe3: {  	v28 =	vmin.f32 v42, v28;
	(xrf1) =	vsort.dscd.msk.f32 $0xffff, v20, v20;
	v20 =	vsub.f32 v23, v13  }
0xe4: {  	(xrf1) =	vsort.ascd.msk.f32 $0xffff, v28, v28;
	v28 =	vsub.f32 v23, v15;
	v15 =	vsub.f32 v38, v15  }
0xe5: {  	v30, _, _ =	vpop (xrf1);
	v13 =	vsub.f32 v38, v13;
	(xrf1) =	vsort.dscd.msk.f32 $0xffff, v27, v27;
	v27 =	vsub.f32 v23, v12  }
0xe6: {  	v29 =	vld [tilespmem:s13+$0x400];
	v25 =	vmin.f32 v25, v30;
	v31 =	vsub.f32 v18, v11;
	v30 =	vsub.f32 v18, v17  }
0xe7: {  	v23 =	vsub.f32 v23, v10;
	v37 =	vsub.f32 v18, v14  }
0xe8: {  	v18 =	vsub.f32 v18, v16;
	(xrf1) =	vsort.ascd.msk.f32 $0xffff, v26, v26;
	v28 =	vmul.f32 v28, v28  }
0xe9: {  	v10 =	vsub.f32 v38, v10;
	v20 =	vmul.f32 v20, v20;
	(xrf1) =	vsort.dscd.msk.f32 $0xffff, v19, v19  }
0xea: {  	v15 =	vmul.f32 v15, v15;
	v26 =	vmul.f32 v31, v31;
	(xrf1) =	vsort.dscd.msk.f32 $0xffff, v25, v25  }
0xeb: {  	v13 =	vmul.f32 v13, v13;
	v31 =	vsub.f32 v29, v8;
	v23 =	vmul.f32 v23, v23  }
0xec: {  	v19 =	vld [tilespmem:s13+$0xFFFFFC10];
	v27 =	vmul.f32 v27, v27;
	v26 =	vadd.f32 v28, v26;
	(xrf1) =	vsort.ascd.msk.f32 $0xffff, v22, v22;
	v28, _, _ =	vpop (xrf1)  }
0xed: {  	v12 =	vsub.f32 v38, v12;
	v18 =	vmul.f32 v18, v18;
	v25 =	vmul.f32 v30, v30;
	v30, _, _ =	vpop (xrf1)  }
0xee: {  	v10 =	vmul.f32 v10, v10;
	v22 =	vsub.f32 v29, v7;
	v31 =	vmul.f32 v31, v31;
	v36, _, _ =	vpop (xrf1)  }
0xef: {  	(xrf1) =	vsort.ascd.msk.f32 $0xffff, v21, v21;
	v21 =	vsub.f32 v29, v6;
	v29 =	vsub.f32 v29, v9;
	v39, _, _ =	vpop (xrf1)  }
0xf0: {  	v23 =	vadd.f32 v23, v25;
	v25 =	vmul.f32 v37, v37;
	(xrf1) =	vsort.dscd.msk.f32 $0xffff, v24, v24;
	v24, _, _ =	vpop (xrf1)  }
0xf1: {  	v22 =	vmul.f32 v22, v22;
	v26 =	vadd.f32 v31, v26;
	v17 =	vsub.f32 v19, v17;
	v40, _, _ =	vpop (xrf1)  }
0xf2: {  	v21 =	vmul.f32 v21, v21;
	v16 =	vsub.f32 v19, v16;
	v29 =	vmul.f32 v29, v29;
	v41, _, _ =	vpop (xrf1)  }
0xf3: {  	v31 =	vld [tilespmem:s13+$0x410];
	v20 =	vadd.f32 v20, v25;
	v14 =	vsub.f32 v19, v14;
	v25 =	vmin.f32 v28, v41;
	v28, _, _ =	vpop (xrf1)  }
0xf4: {  	v11 =	vsub.f32 v19, v11;
	v30 =	vmin.f32 v36, v30;
	v17 =	vmul.f32 v17, v17;
	v42, _, _ =	vpop (xrf1)  }
0xf5: {  	v20 =	vadd.f32 v29, v20;
	v14 =	vmul.f32 v14, v14;
	(xrf1) =	vsort.ascd.msk.f32 $0xffff, v25, v25;
	v43, _, _ =	vpop (xrf1)  }
0xf6: {  	v11 =	vmul.f32 v11, v11;
	v24 =	vmin.f32 v24, v39;
	(xrf1) =	vsort.ascd.msk.f32 $0xffff, v26, v26;
	v25, _, _ =	vpop (xrf1)  }
0xf7: {  	v28 =	vmin.f32 v40, v28;
	(xrf1) =	vsort.dscd.msk.f32 $0xffff, v24, v24;
	v24 =	vmin.f32 v25, v43;
	v25, _, _ =	vpop (xrf1)  }
0xf8: {  	v7 =	vsub.f32 v31, v7;
	v9 =	vsub.f32 v31, v9;
	(xrf1) =	vsort.ascd.msk.f32 $0xffff, v28, v28;
	v19, _, _ =	vpop (xrf1)  }
0xf9: {  	v8 =	vsub.f32 v31, v8;
	(xrf1) =	vsort.ascd.msk.f32 $0xffff, v20, v20;
	v19 =	vmin.f32 v42, v19  }
0xfa: {  	v13 =	vadd.f32 v13, v14;
	v11 =	vadd.f32 v15, v11;
	v20, _, _ =	vpop (xrf1);
	(xrf1) =	vsort.ascd.msk.f32 $0xffff, v19, v19  }
0xfb: {  	v9 =	vmul.f32 v9, v9;
	v19 =	vmin.f32 v20, v25;
	(xrf1) =	vsort.ascd.msk.f32 $0xffff, v30, v30  }
0xfc: {  	v8 =	vmul.f32 v8, v8;
	v20 =	vadd.f32 v22, v23;
	(xrf1) =	vsort.dscd.msk.f32 $0xffff, v19, v19  }
0xfd: {  	v14 =	vadd.f32 v27, v18;
	v9 =	vadd.f32 v9, v13;
	(xrf1) =	vsort.dscd.msk.f32 $0xffff, v24, v24  }
0xfe: {  	v10 =	vadd.f32 v10, v17;
	v8 =	vadd.f32 v8, v11;
	(xrf1) =	vsort.ascd.msk.f32 $0xffff, v20, v20  }
0xff: {  	v7 =	vmul.f32 v7, v7;
	(xrf1) =	vsort.dscd.msk.f32 $0xffff, v9, v9;
	v9 =	vadd.f32 v21, v14  }
0x100: {  	v16 =	vmul.f32 v16, v16;
	v6 =	vsub.f32 v31, v6;
	v11 =	vmul.f32 v12, v12  }
0x101: {  	v7 =	vadd.f32 v7, v10  }
0x102: {  	v6 =	vmul.f32 v6, v6;
	v10 =	vadd.f32 v11, v16;
	(xrf1) =	vsort.dscd.msk.f32 $0xffff, v8, v8;
	v8, _, _ =	vpop (xrf1)  }
0x103: {  	(xrf1) =	vsort.ascd.msk.f32 $0xffff, v9, v9;
	v9, _, _ =	vpop (xrf1)  }
0x104: {  	v6 =	vadd.f32 v6, v10;
	v8 =	vmin.f32 v8, v9  }
0x105: {  	(xrf1) =	vsort.dscd.msk.f32 $0xffff, v7, v7;
	v7, _, _ =	vpop (xrf1)  }
0x106: {  	v9, _, _ =	vpop (xrf1)  }
0x107: {  	(xrf1) =	vsort.dscd.msk.f32 $0xffff, v8, v8;
	v8, _, _ =	vpop (xrf1)  }
0x108: {  	(xrf1) =	vsort.dscd.msk.f32 $0xffff, v6, v6;
	v6, _, _ =	vpop (xrf1)  }
0x109: {  	v10, _, _ =	vpop (xrf1)  }
0x10a: {  	v11, _, _ =	vpop (xrf1)  }
0x10b: {  	v12, _, _ =	vpop (xrf1)  }
0x10c: {  	v13, _, _ =	vpop (xrf1)  }
0x10d: {  	v14, _, _ =	vpop (xrf1)  }
0x10e: {  	v15, _, _ =	vpop (xrf1)  }
0x10f: {  	v7 =	vmin.f32 v7, v8;
	v16, _, _ =	vpop (xrf1)  }
0x110: {  	(xrf1) =	vsort.ascd.msk.f32 $0xffff, v7, v7;
	v7 =	vmin.f32 v10, v16  }
0x111: {  	(xrf1) =	vsort.dscd.msk.f32 $0xffff, v7, v7;
	v7 =	vmin.f32 v12, v13  }
0x112: {  	v8, _, _ =	vpop (xrf1)  }
0x113: {  	v6 =	vmin.f32 v6, v14;
	v10, _, _ =	vpop (xrf1);
	(xrf1) =	vsort.ascd.msk.f32 $0xffff, v7, v7  }
0x114: {  	(xrf1) =	vsort.ascd.msk.f32 $0xffff, v6, v6;
	v6 =	vmin.f32 v9, v8;
	v7, _, _ =	vpop (xrf1)  }
0x115: {  	v7 =	vmin.f32 v15, v7  }
0x116: {  	s29 =	simm.s32 $0x420;
	v8, _, _ =	vpop (xrf1);
	(xrf1) =	vsort.dscd.msk.f32 $0xffff, v7, v7  }
0x117: {  	v53 =	vld [tilespmem:s29+$0x10];
	v7 =	vmin.f32 v11, v8;
	(xrf1) =	vsort.dscd.msk.f32 $0xffff, v6, v6;
	v6, _, _ =	vpop (xrf1)  }
0x118: {  	v29 =	vld [tilespmem:s29+$0xFFFFFFF0];
	(xrf1) =	vsort.ascd.msk.f32 $0xffff, v7, v7;
	v6 =	vmin.f32 v10, v6  }
0x119: {  	v22 =	vld [tilespmem:s29+$0xFFFFFBE0];
	(xrf1) =	vsort.dscd.msk.f32 $0xffff, v6, v6  }
0x11a: {  	s14 =	simm.s32 $0x0;
	v26 =	vld [tilespmem:s29+$0xFFFFFBF0]  }
0x11b: {  	s14 =	sand.u32 $0x3C0, s14  }
0x11c: {  	v17 =	vbroadcast v3, $0x6;
	v19 =	vbroadcast v4, $0x6;
	v24 =	vld [tilespmem:s14+$0x800]  }
0x11d: {  	v44 =	vld [tilespmem:s29+$0x3F0];
	v20 =	vbroadcast v4, $0x4;
	v21 =	vbroadcast v3, $0x7  }
0x11e: {  	v18 =	vbroadcast v4, $0x5;
	v63 =	vsub.f32 v53, v17;
	v23 =	vld [tilespmem:s14+$0x400];
	v31 =	vsub.f32 v22, v19  }
0x11f: {  	v46 =	vsub.f32 v26, v20;
	v49 =	vsub.f32 v29, v21;
	v14 =	vbroadcast v5, $0x6  }
0x120: {  	v31 =	vmul.f32 v31, v31;
	v60 =	vsub.f32 v53, v21;
	v16 =	vbroadcast v4, $0x7;
	v6, _, _ =	vpop (xrf1)  }
0x121: {  	v34 =	vmul.f32 v46, v46;
	v27 =	vsub.f32 v24, v14;
	v15 =	vbroadcast v3, $0x5;
	v7, _, _ =	vpop (xrf1)  }
0x122: {  	v51 =	vmul.f32 v49, v49;
	v47 =	vsub.f32 v44, v14;
	v28 =	vsub.f32 v22, v16;
	v8, _, _ =	vpop (xrf1)  }
0x123: {  	v27 =	vmul.f32 v27, v27;
	v11 =	vbroadcast v5, $0x4;
	v30 =	vsub.f32 v23, v15;
	v9, _, _ =	vpop (xrf1)  }
0x124: {  	v28 =	vmul.f32 v28, v28;
	v45 =	vsub.f32 v29, v15;
	v62 =	vsub.f32 v53, v15;
	v10, _, _ =	vpop (xrf1)  }
0x125: {  	v25 =	vsub.f32 v24, v11;
	v48 =	vsub.f32 v44, v11;
	v7 =	vmin.f32 v8, v7;
	v8, _, _ =	vpop (xrf1)  }
0x126: {  	v30 =	vmul.f32 v30, v30;
	v33 =	vmul.f32 v45, v45;
	v6 =	vmin.f32 v6, v10;
	v13, _, _ =	vpop (xrf1)  }
0x127: {  	v12 =	vbroadcast v3, $0x4;
	v25 =	vmul.f32 v25, v25;
	v8 =	vmin.f32 v9, v8;
	(xrf1) =	vsort.ascd.msk.f32 $0xffff, v6, v6;
	v9, _, _ =	vpop (xrf1)  }
0x128: {  	v10 =	vbroadcast v5, $0x5;
	(xrf1) =	vsort.ascd.msk.f32 $0xffff, v8, v8;
	v8 =	vsub.f32 v22, v20;
	v6 =	vmin.f32 v13, v9  }
0x129: {  	v22 =	vsub.f32 v22, v18;
	v13 =	vbroadcast v5, $0x7;
	v9 =	vsub.f32 v23, v17;
	(xrf1) =	vsort.ascd.msk.f32 $0xffff, v6, v6  }
0x12a: {  	v6 =	vsub.f32 v23, v12;
	v8 =	vmul.f32 v8, v8;
	v23 =	vsub.f32 v23, v21  }
0x12b: {  	v22 =	vmul.f32 v22, v22;
	(xrf1) =	vsort.ascd.msk.f32 $0xffff, v7, v7;
	v7 =	vsub.f32 v24, v13  }
0x12c: {  	v9 =	vmul.f32 v9, v9;
	v24 =	vsub.f32 v24, v10;
	v6 =	vmul.f32 v6, v6  }
0x12d: {  	v23 =	vmul.f32 v23, v23;
	v22 =	vadd.f32 v30, v22;
	v30 =	vsub.f32 v29, v12  }
0x12e: {  	v29 =	vsub.f32 v29, v17;
	v24 =	vmul.f32 v24, v24;
	v9 =	vadd.f32 v9, v31  }
0x12f: {  	v6 =	vadd.f32 v6, v8;
	v8 =	vsub.f32 v26, v16;
	v30 =	vmul.f32 v30, v30  }
0x130: {  	s31 =	simm.s32 $0x460;
	v58 =	vld [tilespmem:s29+$0x410];
	v50 =	vmul.f32 v48, v48;
	v23 =	vadd.f32 v23, v28;
	v28 =	vsub.f32 v44, v13  }
0x131: {  	v40 =	vld [tilespmem:s31+$0xFFFFFBE0];
	v7 =	vmul.f32 v7, v7;
	v22 =	vadd.f32 v24, v22;
	v30 =	vadd.f32 v30, v34  }
0x132: {  	v29 =	vmul.f32 v29, v29;
	v6 =	vadd.f32 v25, v6;
	v25 =	vsub.f32 v26, v19  }
0x133: {  	v8 =	vmul.f32 v8, v8;
	v26 =	vsub.f32 v26, v18;
	v30 =	vadd.f32 v50, v30  }
0x134: {  	v7 =	vadd.f32 v7, v23;
	v23 =	vmul.f32 v28, v28;
	v28 =	vsub.f32 v44, v10  }
0x135: {  	v25 =	vmul.f32 v25, v25;
	v8 =	vadd.f32 v51, v8;
	(xrf1) =	vsort.dscd.msk.f32 $0xffff, v30, v30;
	v30 =	vld [tilespmem:s29+$0x0]  }
0x136: {  	v44 =	vsub.f32 v40, v19;
	v26 =	vmul.f32 v26, v26;
	v50 =	vsub.f32 v58, v14  }
0x137: {  	v35 =	vmul.f32 v47, v47;
	v25 =	vadd.f32 v29, v25;
	v8 =	vadd.f32 v23, v8;
	v23 =	vld [tilespmem:s29+$0xFFFFFC00]  }
0x138: {  	(xrf1) =	vsort.ascd.msk.f32 $0xffff, v6, v6;
	v6 =	vadd.f32 v33, v26;
	v26 =	vmul.f32 v28, v28  }
0x139: {  	v24 =	vadd.f32 v35, v25;
	(xrf1) =	vsort.dscd.msk.f32 $0xffff, v8, v8;
	v8 =	vadd.f32 v27, v9  }
0x13a: {  	v9 =	vld [tilespmem:s29+$0x400];
	v6 =	vadd.f32 v26, v6;
	(xrf1) =	vsort.ascd.msk.f32 $0xffff, v7, v7;
	v7 =	vsub.f32 v30, v17  }
0x13b: {  	v37 =	vmul.f32 v60, v60;
	v25 =	vsub.f32 v30, v21;
	v26 =	vsub.f32 v30, v15  }
0x13c: {  	(xrf1) =	vsort.dscd.msk.f32 $0xffff, v24, v24;
	v27 =	vsub.f32 v23, v16;
	v24 =	vsub.f32 v23, v20  }
0x13d: {  	v28 =	vsub.f32 v30, v12;
	(xrf1) =	vsort.ascd.msk.f32 $0xffff, v8, v8;
	v52 =	vsub.f32 v23, v19  }
0x13e: {  	v23 =	vsub.f32 v23, v18;
	(xrf1) =	vsort.ascd.msk.f32 $0xffff, v22, v22;
	v8 =	vmul.f32 v27, v27  }
0x13f: {  	v25 =	vmul.f32 v25, v25;
	v22 =	vmul.f32 v7, v7;
	v29 =	vsub.f32 v9, v13  }
0x140: {  	v24 =	vmul.f32 v24, v24;
	v30 =	vsub.f32 v9, v11;
	v28 =	vmul.f32 v28, v28  }
0x141: {  	v31 =	vsub.f32 v9, v10;
	v26 =	vmul.f32 v26, v26;
	v54 =	vsub.f32 v9, v14  }
0x142: {  	v27 =	vld [tilespmem:s29+$0xFFFFFC10];
	v32 =	vmul.f32 v52, v52;
	v23 =	vmul.f32 v23, v23;
	v25 =	vadd.f32 v25, v8  }
0x143: {  	v31 =	vmul.f32 v31, v31;
	v24 =	vadd.f32 v28, v24;
	v28 =	vmul.f32 v29, v29  }
0x144: {  	s30 =	simm.s32 $0x40;
	v34 =	vmul.f32 v54, v54;
	v22 =	vadd.f32 v22, v32;
	v23 =	vadd.f32 v26, v23  }
0x145: {  	s14 =	sand.u32 $0x3C0, s30;
	(xrf1) =	vsort.dscd.msk.f32 $0xffff, v6, v6;
	v32 =	vsub.f32 v58, v13;
	v25 =	vadd.f32 v28, v25  }
0x146: {  	v52 =	vld [tilespmem:s14+$0x400];
	v7, _, _ =	vpop (xrf1);
	v30 =	vmul.f32 v30, v30;
	v22 =	vadd.f32 v34, v22;
	v23 =	vadd.f32 v31, v23  }
0x147: {  	v6, _, _ =	vpop (xrf1);
	v34 =	vmul.f32 v63, v63;
	v57 =	vsub.f32 v27, v18;
	v59 =	vsub.f32 v27, v19  }
0x148: {  	v8, _, _ =	vpop (xrf1);
	v32 =	vmul.f32 v32, v32;
	v31 =	vld [tilespmem:s31+$0x3F0];
	v55 =	vsub.f32 v27, v20;
	v27 =	vsub.f32 v27, v16  }
0x149: {  	v24 =	vadd.f32 v30, v24;
	v9, _, _ =	vpop (xrf1);
	v28 =	vmul.f32 v57, v57;
	v36 =	vmul.f32 v59, v59  }
0x14a: {  	(xrf1) =	vsort.ascd.msk.f32 $0xffff, v25, v25;
	v56, _, _ =	vpop (xrf1);
	v35 =	vmul.f32 v55, v55;
	v27 =	vmul.f32 v27, v27  }
0x14b: {  	v55 =	vld [tilespmem:s14+$0x800];
	v57 =	vmul.f32 v50, v50;
	v50 =	vsub.f32 v52, v21;
	v29, _, _ =	vpop (xrf1);
	v26 =	vadd.f32 v34, v36  }
0x14c: {  	v29 =	vmin.f32 v29, v56;
	v61, _, _ =	vpop (xrf1);
	v56 =	vsub.f32 v40, v20;
	v27 =	vadd.f32 v37, v27  }
0x14d: {  	v46 =	vsub.f32 v31, v11;
	v25, _, _ =	vpop (xrf1);
	(xrf1) =	vsort.dscd.msk.f32 $0xffff, v29, v29;
	v29 =	vsub.f32 v53, v12  }
0x14e: {  	v53 =	vsub.f32 v58, v10;
	v25 =	vmin.f32 v25, v61;
	(xrf1) =	vsort.ascd.msk.f32 $0xffff, v22, v22  }
0x14f: {  	v22 =	vsub.f32 v58, v11;
	v58 =	vmul.f32 v62, v62;
	v26 =	vadd.f32 v57, v26  }
0x150: {  	v48, _, _ =	vpop (xrf1);
	v27 =	vadd.f32 v32, v27;
	v59 =	vmul.f32 v53, v53;
	v60 =	vsub.f32 v55, v13  }
0x151: {  	v49, _, _ =	vpop (xrf1);
	v29 =	vmul.f32 v29, v29;
	v61 =	vsub.f32 v55, v11;
	v63 =	vsub.f32 v55, v14  }
0x152: {  	v33 =	vmin.f32 v49, v48;
	v48 =	vsub.f32 v40, v16;
	v49 =	vsub.f32 v55, v10  }
0x153: {  	v22 =	vmul.f32 v22, v22;
	v28 =	vadd.f32 v58, v28;
	v40 =	vsub.f32 v40, v18  }
0x154: {  	v62 =	vld [tilespmem:s31+$0xFFFFFBF0];
	(xrf1) =	vsort.dscd.msk.f32 $0xffff, v33, v33;
	v34 =	vmul.f32 v60, v60;
	v39 =	vmul.f32 v61, v61  }
0x155: {  	v41 =	vmul.f32 v63, v63;
	v29 =	vadd.f32 v29, v35;
	v35 =	vmul.f32 v50, v50  }
0x156: {  	v33 =	vmul.f32 v56, v56;
	v56 =	vsub.f32 v31, v14;
	(xrf1) =	vsort.dscd.msk.f32 $0xffff, v25, v25  }
0x157: {  	v51, _, _ =	vpop (xrf1);
	v63 =	vsub.f32 v31, v13;
	v31 =	vsub.f32 v31, v10;
	(xrf1) =	vsort.ascd.msk.f32 $0xffff, v24, v24  }
0x158: {  	v54, _, _ =	vpop (xrf1);
	v25 =	vsub.f32 v52, v12;
	v24 =	vsub.f32 v52, v17;
	(xrf1) =	vsort.dscd.msk.f32 $0xffff, v26, v26  }
0x159: {  	v30 =	vmin.f32 v51, v54;
	v53 =	vsub.f32 v62, v16;
	v22 =	vadd.f32 v22, v29  }
0x15a: {  	v54 =	vmul.f32 v40, v40;
	v29 =	vsub.f32 v62, v20;
	v55 =	vsub.f32 v62, v18  }
0x15b: {  	v51 =	vld [tilespmem:s31+$0xFFFFFFF0];
	v31 =	vmul.f32 v31, v31;
	v25 =	vmul.f32 v25, v25;
	(xrf1) =	vsort.dscd.msk.f32 $0xffff, v27, v27  }
0x15c: {  	v26 =	vsub.f32 v52, v15;
	v52 =	vmul.f32 v49, v49;
	(xrf1) =	vsort.ascd.msk.f32 $0xffff, v23, v23  }
0x15d: {  	v24 =	vmul.f32 v24, v24;
	v40 =	vmul.f32 v53, v53;
	(xrf1) =	vsort.dscd.msk.f32 $0xffff, v22, v22  }
0x15e: {  	v27 =	vadd.f32 v59, v28;
	v32 =	vmul.f32 v55, v55;
	v29 =	vmul.f32 v29, v29  }
0x15f: {  	v26 =	vmul.f32 v26, v26;
	v25 =	vadd.f32 v25, v33;
	(xrf1) =	vsort.dscd.msk.f32 $0xffff, v30, v30  }
0x160: {  	v33 =	vmul.f32 v56, v56;
	v28 =	vsub.f32 v51, v15;
	v57 =	vsub.f32 v51, v21;
	v30, _, _ =	vpop (xrf1)  }
0x161: {  	v22 =	vmul.f32 v48, v48;
	v59 =	vsub.f32 v51, v12;
	v60 =	vsub.f32 v51, v17;
	v58, _, _ =	vpop (xrf1)  }
0x162: {  	v51 =	vmul.f32 v46, v46;
	v23 =	vadd.f32 v39, v25;
	v25 =	vsub.f32 v62, v19;
	v62, _, _ =	vpop (xrf1)  }
0x163: {  	v61 =	vimm.f32 $+Inf;
	v26 =	vadd.f32 v26, v54;
	v28 =	vmul.f32 v28, v28;
	(xrf1) =	vsort.dscd.msk.f32 $0xffff, v27, v27;
	v27, _, _ =	vpop (xrf1)  }
0x164: {  	v22 =	vadd.f32 v35, v22;
	v39 =	vmul.f32 v60, v60;
	v38 =	vmul.f32 v59, v59;
	v48, _, _ =	vpop (xrf1)  }
0x165: {  	v26 =	vadd.f32 v52, v26;
	v25 =	vmul.f32 v25, v25;
	v52 =	vmul.f32 v57, v57;
	v47, _, _ =	vpop (xrf1)  }
0x166: {  	v28 =	vadd.f32 v28, v32;
	v29 =	vadd.f32 v38, v29;
	v49 =	vmin.f32 v61, v58;
	v50, _, _ =	vpop (xrf1)  }
0x167: {  	v25 =	vadd.f32 v39, v25;
	(xrf1) =	vsort.ascd.msk.f32 $0xffff, v49, v49;
	v32 =	vmin.f32 v62, v50  }
0x168: {  	v29 =	vadd.f32 v51, v29;
	v27 =	vmin.f32 v61, v27;
	(xrf1) =	vsort.dscd.msk.f32 $0xffff, v32, v32  }
0x169: {  	v57 =	vld [tilespmem:s31+$0x0];
	v22 =	vadd.f32 v34, v22;
	v28 =	vadd.f32 v31, v28;
	v53, _, _ =	vpop (xrf1);
	(xrf1) =	vsort.ascd.msk.f32 $0xffff, v27, v27  }
0x16a: {  	v59 =	vld [tilespmem:s31+$0xFFFFFC00];
	v25 =	vadd.f32 v33, v25;
	v55 =	vmin.f32 v61, v48;
	v54, _, _ =	vpop (xrf1);
	(xrf1) =	vsort.dscd.msk.f32 $0xffff, v29, v29  }
0x16b: {  	v27 =	vmul.f32 v63, v63;
	v56, _, _ =	vpop (xrf1);
	v29 =	vmul.f32 v44, v44;
	(xrf1) =	vsort.ascd.msk.f32 $0xffff, v23, v23  }
0x16c: {  	v58 =	vmin.f32 v47, v56;
	v23 =	vadd.f32 v52, v40;
	(xrf1) =	vsort.ascd.msk.f32 $0xffff, v55, v55  }
0x16d: {  	v24 =	vadd.f32 v24, v29;
	v29 =	vmin.f32 v30, v53;
	v30, _, _ =	vpop (xrf1);
	(xrf1) =	vsort.dscd.msk.f32 $0xffff, v58, v58  }
0x16e: {  	v31 =	vsub.f32 v57, v21;
	v23 =	vadd.f32 v27, v23;
	v27 =	vmin.f32 v61, v30  }
0x16f: {  	v60 =	vsub.f32 v59, v16;
	v62 =	vsub.f32 v57, v12;
	v63 =	vld [tilespmem:s31+$0xFFFFFC10];
	(xrf1) =	vsort.dscd.msk.f32 $0xffff, v29, v29  }
0x170: {  	v51 =	vsub.f32 v59, v18;
	v31 =	vmul.f32 v31, v31;
	(xrf1) =	vsort.ascd.msk.f32 $0xffff, v27, v27  }
0x171: {  	v48 =	vsub.f32 v59, v19;
	v34 =	vmul.f32 v62, v62;
	v27, _, _ =	vpop (xrf1);
	(xrf1) =	vsort.dscd.msk.f32 $0xffff, v23, v23  }
0x172: {  	v30 =	vsub.f32 v57, v17;
	v29 =	vld [tilespmem:s31+$0x400];
	v27 =	vmin.f32 v54, v27;
	(xrf1) =	vsort.ascd.msk.f32 $0xffff, v22, v22  }
0x173: {  	v61 =	vsub.f32 v59, v20;
	v24 =	vadd.f32 v41, v24;
	(xrf1) =	vsort.dscd.msk.f32 $0xffff, v25, v25  }
0x174: {  	v59 =	vld [tilespmem:s31+$0x410];
	v50 =	vsub.f32 v63, v20;
	v56 =	vsub.f32 v63, v18;
	(xrf1) =	vsort.dscd.msk.f32 $0xffff, v27, v27  }
0x175: {  	v53 =	vmul.f32 v48, v48;
	v58 =	vsub.f32 v63, v19;
	v37 =	vsub.f32 v63, v16;
	v27, _, _ =	vpop (xrf1)  }
0x176: {  	v23 =	vsub.f32 v57, v15;
	v22 =	vmul.f32 v60, v60;
	(xrf1) =	vsort.ascd.msk.f32 $0xffff, v24, v24;
	v45, _, _ =	vpop (xrf1)  }
0x177: {  	v25 =	vmul.f32 v30, v30;
	v30 =	vsub.f32 v29, v13;
	(xrf1) =	vsort.ascd.msk.f32 $0xffff, v26, v26;
	v47, _, _ =	vpop (xrf1)  }
0x178: {  	v24 =	vmul.f32 v23, v23;
	v23 =	vsub.f32 v29, v14;
	v49, _, _ =	vpop (xrf1);
	(xrf1) =	vsort.dscd.msk.f32 $0xffff, v28, v28  }
0x179: {  	v33 =	vmul.f32 v61, v61;
	v40 =	vsub.f32 v59, v14;
	v31 =	vadd.f32 v31, v22;
	v52, _, _ =	vpop (xrf1)  }
0x17a: {  	v22 =	vsub.f32 v29, v11;
	v57 =	vmul.f32 v23, v23;
	v23 =	vmul.f32 v30, v30;
	v55, _, _ =	vpop (xrf1)  }
0x17b: {  	v46 =	vsub.f32 v29, v10;
	v29 =	vadd.f32 v34, v33;
	v30, _, _ =	vpop (xrf1)  }
0x17c: {  	v33 =	vadd.f32 v25, v53;
	v28 =	vld [tilespmem:s31+$0x10];
	v25 =	vmin.f32 v27, v30;
	v30 =	vadd.f32 v23, v31  }
0x17d: {  	v41 =	vmul.f32 v51, v51;
	v39 =	vsub.f32 v59, v10;
	v43 =	vsub.f32 v59, v13;
	v27, _, _ =	vpop (xrf1)  }
0x17e: {  	v26 =	vmul.f32 v22, v22;
	v22 =	vmul.f32 v46, v46;
	v60, _, _ =	vpop (xrf1);
	(xrf1) =	vsort.ascd.msk.f32 $0xffff, v25, v25  }
0x17f: {  	v36 =	vmin.f32 v52, v49;
	v27 =	vmin.f32 v55, v27;
	v62, _, _ =	vpop (xrf1);
	(xrf1) =	vsort.ascd.msk.f32 $0xffff, v30, v30  }
0x180: {  	v54 =	vmin.f32 v47, v45;
	v33 =	vadd.f32 v57, v33;
	(xrf1) =	vsort.dscd.msk.f32 $0xffff, v36, v36;
	v30, _, _ =	vpop (xrf1)  }
0x181: {  	v23 =	vmul.f32 v56, v56;
	v61 =	vsub.f32 v28, v21;
	(xrf1) =	vsort.ascd.msk.f32 $0xffff, v27, v27;
	v38, _, _ =	vpop (xrf1)  }
0x182: {  	v25 =	vmul.f32 v50, v50;
	v31 =	vsub.f32 v28, v15;
	(xrf1) =	vsort.ascd.msk.f32 $0xffff, v33, v33;
	v27, _, _ =	vpop (xrf1)  }
0x183: {  	s13 =	simm.s32 $0x4A0;
	s14 =	simm.s32 $0x80;
	v35 =	vsub.f32 v28, v17;
	v36 =	vmul.f32 v58, v58;
	v63 =	vmin.f32 v60, v27  }
0x184: {  	s16 =	sand.u32 $0x3C0, s14;
	v34 =	vmin.f32 v30, v62;
	v30 =	vsub.f32 v28, v12;
	v42, _, _ =	vpop (xrf1);
	v27 =	vld [tilespmem:s13+$0xFFFFFBE0];
	(xrf1) =	vsort.ascd.msk.f32 $0xffff, v63, v63  }
0x185: {  	s15 =	simm.s32 $0x4;
	v32 =	vld [tilespmem:s16+$0x400];
	v28 =	vsub.f32 v59, v11;
	v33 =	vmul.f32 v61, v61;
	v44, _, _ =	vpop (xrf1);
	(xrf1) =	vsort.ascd.msk.f32 $0xffff, v54, v54  }
.LBB2_5:
0x186: {  	s15 =	sadd.s32 $0x2, s15;
	v45 =	vld [tilespmem:s16+$0x800];
	v38 =	vmin.f32 v42, v38;
	v26 =	vadd.f32 v26, v29;
	v29 =	vmul.f32 v35, v35;
	v35, _, _ =	vpop (xrf1)  }
0x187: {  	v37 =	vmul.f32 v37, v37;
	p0 =	slt.u32 s15, $0x1E;
	v35 =	vmin.f32 v44, v35;
	(xrf1) =	vsort.dscd.msk.f32 $0xffff, v38, v38  }
0x188: {  	v24 =	vadd.f32 v24, v41;
	v29 =	vadd.f32 v29, v36;
	v36 =	vmul.f32 v43, v43  }
0x189: {  	v40 =	vmul.f32 v40, v40;
	v38 =	vsub.f32 v27, v20;
	(xrf1) =	vsort.dscd.msk.f32 $0xffff, v34, v34  }
0x18a: {  	v31 =	vmul.f32 v31, v31;
	v34 =	vsub.f32 v32, v12;
	(xrf1) =	vsort.ascd.msk.f32 $0xffff, v26, v26  }
0x18b: {  	v39 =	vmul.f32 v39, v39;
	v41 =	vsub.f32 v32, v17;
	v29 =	vadd.f32 v40, v29;
	v26 =	vld [tilespmem:s13+$0xFFFFFBF0]  }
0x18c: {  	v30 =	vmul.f32 v30, v30;
	v40 =	vsub.f32 v45, v13;
	v34 =	vmul.f32 v34, v34;
	v42, _, _ =	vpop (xrf1)  }
0x18d: {  	v33 =	vadd.f32 v33, v37;
	v43 =	vsub.f32 v45, v11;
	v41 =	vmul.f32 v41, v41;
	v37, _, _ =	vpop (xrf1)  }
0x18e: {  	v46 =	vsub.f32 v27, v16;
	v44 =	vsub.f32 v45, v14;
	v40 =	vmul.f32 v40, v40;
	v47, _, _ =	vpop (xrf1)  }
0x18f: {  	v45 =	vsub.f32 v45, v10;
	v43 =	vmul.f32 v43, v43;
	(xrf1) =	vsort.dscd.msk.f32 $0xffff, v29, v29;
	v29, _, _ =	vpop (xrf1)  }
0x190: {  	v25 =	vadd.f32 v30, v25;
	v49 =	vsub.f32 v32, v15;
	v44 =	vmul.f32 v44, v44;
	v48 =	vld [tilespmem:s13+$0xFFFFFFF0];
	v30, _, _ =	vpop (xrf1)  }
0x191: {  	v28 =	vmul.f32 v28, v28;
	v23 =	vadd.f32 v31, v23;
	v32 =	vsub.f32 v32, v21  }
0x192: {  	v31 =	vmul.f32 v45, v45;
	v45 =	vsub.f32 v27, v19;
	v50 =	vsub.f32 v26, v16;
	v51, _, _ =	vpop (xrf1)  }
0x193: {  	v22 =	vadd.f32 v22, v24;
	v32 =	vmul.f32 v32, v32;
	v27 =	vsub.f32 v27, v18;
	v24, _, _ =	vpop (xrf1)  }
0x194: {  	v33 =	vadd.f32 v36, v33;
	v38 =	vmul.f32 v38, v38;
	v49 =	vmul.f32 v49, v49  }
0x195: {  	v25 =	vadd.f32 v28, v25;
	v27 =	vmul.f32 v27, v27;
	v50 =	vmul.f32 v50, v50;
	v36 =	vld [tilespmem:s13+$0x3F0];
	v28, _, _ =	vpop (xrf1)  }
0x196: {  	v23 =	vadd.f32 v39, v23;
	v34 =	vadd.f32 v34, v38;
	(xrf1) =	vsort.dscd.msk.f32 $0xffff, v33, v33  }
0x197: {  	v38 =	vmul.f32 v46, v46;
	v33 =	vsub.f32 v48, v15;
	v39, _, _ =	vpop (xrf1);
	(xrf1) =	vsort.ascd.msk.f32 $0xffff, v22, v22  }
0x198: {  	v22 =	vadd.f32 v43, v34;
	v34 =	vsub.f32 v26, v19;
	v43, _, _ =	vpop (xrf1);
	(xrf1) =	vsort.dscd.msk.f32 $0xffff, v25, v25  }
0x199: {  	v27 =	vadd.f32 v49, v27;
	v25 =	vsub.f32 v26, v20;
	v33 =	vmul.f32 v33, v33  }
0x19a: {  	v26 =	vsub.f32 v26, v18;
	v34 =	vmul.f32 v34, v34;
	v46 =	vsub.f32 v36, v14  }
0x19b: {  	v27 =	vadd.f32 v31, v27;
	v31 =	vsub.f32 v48, v21;
	(xrf1) =	vsort.dscd.msk.f32 $0xffff, v35, v35  }
0x19c: {  	v26 =	vmul.f32 v26, v26;
	v35 =	vsub.f32 v48, v12;
	v48 =	vsub.f32 v48, v17  }
0x19d: {  	v32 =	vadd.f32 v32, v38;
	v38 =	vsub.f32 v36, v13;
	(xrf1) =	vsort.dscd.msk.f32 $0xffff, v23, v23;
	v23, _, _ =	vpop (xrf1)  }
0x19e: {  	v49 =	vsub.f32 v36, v11;
	v46 =	vmul.f32 v46, v46;
	v48 =	vmul.f32 v48, v48  }
0x19f: {  	v32 =	vadd.f32 v40, v32;
	v40 =	vmin.f32 v42, v47;
	v25 =	vmul.f32 v25, v25  }
0x1a0: {  	v31 =	vmul.f32 v31, v31;
	v26 =	vadd.f32 v33, v26;
	v35 =	vmul.f32 v35, v35  }
0x1a1: {  	v33 =	vsub.f32 v36, v10;
	v34 =	vadd.f32 v48, v34;
	(xrf1) =	vsort.ascd.msk.f32 $0xffff, v40, v40  }
0x1a2: {  	v23 =	vmin.f32 v30, v23;
	v25 =	vadd.f32 v35, v25;
	v35 =	vmul.f32 v49, v49  }
0x1a3: {  	v30 =	vmul.f32 v33, v33;
	v33 =	vmul.f32 v38, v38;
	(xrf1) =	vsort.dscd.msk.f32 $0xffff, v23, v23  }
0x1a4: {  	v23 =	vadd.f32 v35, v25;
	v25 =	vadd.f32 v46, v34;
	v34 =	vmin.f32 v24, v28;
	v28, _, _ =	vpop (xrf1)  }
0x1a5: {  	v30 =	vadd.f32 v30, v26;
	v26 =	vadd.f32 v31, v50;
	(xrf1) =	vsort.ascd.msk.f32 $0xffff, v34, v34;
	v24, _, _ =	vpop (xrf1)  }
0x1a6: {  	v31 =	vmul.f32 v45, v45;
	(xrf1) =	vsort.dscd.msk.f32 $0xffff, v23, v23;
	v23 =	vmin.f32 v29, v39;
	v29, _, _ =	vpop (xrf1)  }
0x1a7: {  	v26 =	vadd.f32 v33, v26;
	v33 =	vld [tilespmem:s13+$0x0];
	(xrf1) =	vsort.ascd.msk.f32 $0xffff, v22, v22;
	v22 =	vmin.f32 v43, v29  }
0x1a8: {  	v28 =	vmin.f32 v37, v28;
	v29 =	vadd.f32 v41, v31;
	v31 =	vld [tilespmem:s13+$0xFFFFFC00];
	(xrf1) =	vsort.ascd.msk.f32 $0xffff, v23, v23  }
0x1a9: {  	v23, _, _ =	vpop (xrf1);
	(xrf1) =	vsort.dscd.msk.f32 $0xffff, v22, v22  }
0x1aa: {  	v22 =	vadd.f32 v44, v29;
	v29 =	vld [tilespmem:s13+$0x400];
	v34 =	vmin.f32 v51, v23;
	(xrf1) =	vsort.dscd.msk.f32 $0xffff, v28, v28  }
0x1ab: {  	(xrf1) =	vsort.ascd.msk.f32 $0xffff, v34, v34;
	v23, _, _ =	vpop (xrf1)  }
0x1ac: {  	v28 =	vsub.f32 v33, v17;
	v34 =	vsub.f32 v33, v21;
	(xrf1) =	vsort.dscd.msk.f32 $0xffff, v26, v26  }
0x1ad: {  	v26 =	vsub.f32 v33, v15;
	v23 =	vmin.f32 v24, v23;
	v35 =	vsub.f32 v31, v16  }
0x1ae: {  	v33 =	vsub.f32 v33, v12;
	v24 =	vsub.f32 v31, v20;
	(xrf1) =	vsort.ascd.msk.f32 $0xffff, v32, v32  }
0x1af: {  	v36 =	vmul.f32 v34, v34;
	v32 =	vmul.f32 v35, v35;
	(xrf1) =	vsort.dscd.msk.f32 $0xffff, v25, v25;
	v25, _, _ =	vpop (xrf1)  }
0x1b0: {  	v28 =	vmul.f32 v28, v28;
	v35 =	vsub.f32 v29, v13;
	v37 =	vld [tilespmem:s13+$0xFFFFFC10];
	(xrf1) =	vsort.dscd.msk.f32 $0xffff, v23, v23  }
0x1b1: {  	v23 =	vmul.f32 v24, v24;
	v32 =	vadd.f32 v36, v32;
	(xrf1) =	vsort.ascd.msk.f32 $0xffff, v22, v22;
	v34, _, _ =	vpop (xrf1)  }
0x1b2: {  	v33 =	vmul.f32 v33, v33;
	v22 =	vsub.f32 v29, v11;
	(xrf1) =	vsort.ascd.msk.f32 $0xffff, v27, v27  }
0x1b3: {  	v38 =	vsub.f32 v29, v14;
	v24 =	vmul.f32 v26, v26;
	v36 =	vsub.f32 v29, v10;
	v27 =	vld [tilespmem:s13+$0x10];
	v39, _, _ =	vpop (xrf1)  }
0x1b4: {  	v40 =	vsub.f32 v31, v19;
	v26 =	vmul.f32 v22, v22;
	v41, _, _ =	vpop (xrf1);
	(xrf1) =	vsort.dscd.msk.f32 $0xffff, v30, v30  }
0x1b5: {  	v43 =	vsub.f32 v31, v18;
	v22 =	vmul.f32 v36, v36;
	v30 =	vsub.f32 v37, v20;
	v31, _, _ =	vpop (xrf1)  }
0x1b6: {  	v40 =	vmul.f32 v40, v40;
	v29 =	vadd.f32 v33, v23;
	v45 =	vmin.f32 v39, v34;
	v33, _, _ =	vpop (xrf1)  }
0x1b7: {  	v35 =	vmul.f32 v35, v35;
	v36 =	vmul.f32 v38, v38;
	v44 =	vsub.f32 v37, v18;
	v38, _, _ =	vpop (xrf1)  }
0x1b8: {  	v28 =	vadd.f32 v28, v40;
	v39 =	vmin.f32 v31, v41;
	v25 =	vmin.f32 v25, v38;
	v23, _, _ =	vpop (xrf1)  }
0x1b9: {  	v32 =	vadd.f32 v35, v32;
	v40 =	vsub.f32 v37, v19;
	v46 =	vld [tilespmem:s13+$0x410];
	v33 =	vmin.f32 v33, v23;
	v41, _, _ =	vpop (xrf1)  }
0x1ba: {  	v42 =	vsub.f32 v27, v21;
	v23 =	vmul.f32 v44, v44;
	v34, _, _ =	vpop (xrf1);
	(xrf1) =	vsort.ascd.msk.f32 $0xffff, v25, v25  }
0x1bb: {  	v31 =	vsub.f32 v27, v15;
	v25 =	vmul.f32 v30, v30;
	(xrf1) =	vsort.ascd.msk.f32 $0xffff, v32, v32  }
0x1bc: {  	v28 =	vadd.f32 v36, v28;
	v35 =	vsub.f32 v27, v17;
	(xrf1) =	vsort.dscd.msk.f32 $0xffff, v39, v39;
	v30, _, _ =	vpop (xrf1)  }
.Ltmp1:
0x1bd: {  	v34 =	vmin.f32 v30, v34;
	v30 =	vsub.f32 v27, v12;
	v38, _, _ =	vpop (xrf1);
	(xrf1) =	vsort.ascd.msk.f32 $0xffff, v33, v33;
	(pc) =	sbr.rel @p0 .LBB2_5-.Ltmp1, $4  }
0x1be: {  	v37 =	vsub.f32 v37, v16;
	v36 =	vmul.f32 v40, v40;
	(xrf1) =	vsort.ascd.msk.f32 $0xffff, v28, v28;
	v27, _, _ =	vpop (xrf1)  }
0x1bf: {  	s14 =	sadd.s32 $0x40, s14;
	s13 =	sadd.s32 $0x40, s13;
	v33 =	vmul.f32 v42, v42;
	v28 =	vsub.f32 v46, v11;
	v42, _, _ =	vpop (xrf1);
	v32 =	vmin.f32 v41, v27  }
0x1c0: {  	s16 =	sand.u32 $0x3C0, s14;
	v40 =	vsub.f32 v46, v14;
	v41 =	vmul.f32 v43, v43;
	v27 =	vld [tilespmem:s13+$0xFFFFFBE0];
	v44, _, _ =	vpop (xrf1);
	(xrf1) =	vsort.ascd.msk.f32 $0xffff, v32, v32  }
0x1c1: {  	v39 =	vsub.f32 v46, v10;
	v43 =	vsub.f32 v46, v13;
	v32 =	vld [tilespmem:s16+$0x400];
	(xrf1) =	vsort.ascd.msk.f32 $0xffff, v45, v45  }
0x1c2: {  	v38 =	vmin.f32 v42, v38;
	v26 =	vadd.f32 v26, v29;
	v29 =	vmul.f32 v35, v35  }
0x1c3: {  	v37 =	vmul.f32 v37, v37;
	v24 =	vadd.f32 v24, v41;
	v30 =	vmul.f32 v30, v30  }
0x1c4: {  	v40 =	vmul.f32 v40, v40;
	v31 =	vmul.f32 v31, v31;
	v29 =	vadd.f32 v29, v36  }
0x1c5: {  	v28 =	vmul.f32 v28, v28;
	v33 =	vadd.f32 v33, v37;
	v25 =	vadd.f32 v30, v25  }
0x1c6: {  	v49, _, _ =	vpop (xrf1);
	(xrf1) =	vsort.dscd.msk.f32 $0xffff, v38, v38;
	v23 =	vadd.f32 v31, v23;
	v22 =	vadd.f32 v22, v24  }
0x1c7: {  	v53 =	vld [tilespmem:s16+$0x800];
	v54 =	vmul.f32 v43, v43;
	v55 =	vsub.f32 v27, v20;
	v61 =	vsub.f32 v27, v16  }
0x1c8: {  	(xrf1) =	vsort.dscd.msk.f32 $0xffff, v34, v34;
	v31 =	vsub.f32 v27, v19;
	v27 =	vsub.f32 v27, v18  }
0x1c9: {  	v59 =	vld [tilespmem:s13+$0xFFFFFBF0];
	(xrf1) =	vsort.ascd.msk.f32 $0xffff, v26, v26;
	v56 =	vsub.f32 v32, v12;
	v26 =	vsub.f32 v32, v17  }
0x1ca: {  	v62 =	vld [tilespmem:s13+$0xFFFFFFF0];
	v39 =	vmul.f32 v39, v39;
	v29 =	vadd.f32 v40, v29;
	v30 =	vsub.f32 v32, v21  }
0x1cb: {  	v33 =	vadd.f32 v54, v33;
	v25 =	vadd.f32 v28, v25  }
0x1cc: {  	v23 =	vadd.f32 v39, v23;
	v57 =	vsub.f32 v53, v13  }
0x1cd: {  	v50 =	vmin.f32 v44, v49;
	v58 =	vsub.f32 v53, v11;
	v60 =	vsub.f32 v53, v14  }
0x1ce: {  	v42 =	vsub.f32 v53, v10;
	v45 =	vsub.f32 v59, v16;
	v24 =	vmul.f32 v55, v55  }
0x1cf: {  	v27 =	vmul.f32 v27, v27;
	v28 =	vsub.f32 v62, v15;
	v51 =	vmul.f32 v61, v61  }
0x1d0: {  	v52 =	vsub.f32 v59, v19;
	v53 =	vsub.f32 v59, v18;
	v34 =	vmul.f32 v56, v56  }
0x1d1: {  	v36 =	vld [tilespmem:s13+$0x3F0];
	v31 =	vmul.f32 v31, v31;
	v26 =	vmul.f32 v26, v26;
	(xrf1) =	vsort.dscd.msk.f32 $0xffff, v29, v29  }
0x1d2: {  	v30 =	vmul.f32 v30, v30;
	v40 =	vmul.f32 v57, v57;
	v24 =	vadd.f32 v34, v24  }
0x1d3: {  	v29 =	vsub.f32 v32, v15;
	v41 =	vmul.f32 v58, v58;
	v37 =	vmul.f32 v60, v60  }
0x1d4: {  	v32 =	vsub.f32 v62, v12;
	v42 =	vmul.f32 v42, v42;
	v38 =	vmul.f32 v45, v45  }
0x1d5: {  	v63, _, _ =	vpop (xrf1);
	(xrf1) =	vsort.dscd.msk.f32 $0xffff, v33, v33;
	v28 =	vmul.f32 v28, v28;
	v29 =	vmul.f32 v29, v29  }
0x1d6: {  	v55 =	vsub.f32 v36, v14;
	(xrf1) =	vsort.ascd.msk.f32 $0xffff, v22, v22;
	v22 =	vadd.f32 v41, v24;
	v24, _, _ =	vpop (xrf1)  }
0x1d7: {  	v57 =	vsub.f32 v62, v21;
	(xrf1) =	vsort.dscd.msk.f32 $0xffff, v25, v25;
	v25 =	vadd.f32 v29, v27;
	v27, _, _ =	vpop (xrf1)  }
0x1d8: {  	v58 =	vsub.f32 v62, v17;
	v47 =	vsub.f32 v36, v13;
	(xrf1) =	vsort.dscd.msk.f32 $0xffff, v50, v50;
	v54, _, _ =	vpop (xrf1)  }
0x1d9: {  	v39 =	vmul.f32 v52, v52;
	v48 =	vsub.f32 v36, v11;
	v36 =	vsub.f32 v36, v10;
	v56, _, _ =	vpop (xrf1)  }
0x1da: {  	v30 =	vadd.f32 v30, v51;
	v32 =	vmul.f32 v32, v32;
	(xrf1) =	vsort.dscd.msk.f32 $0xffff, v23, v23;
	v46, _, _ =	vpop (xrf1)  }
0x1db: {  	v62 =	vmul.f32 v57, v57;
	v29 =	vsub.f32 v59, v20;
	v41 =	vmul.f32 v53, v53;
	v59, _, _ =	vpop (xrf1)  }
0x1dc: {  	v26 =	vadd.f32 v26, v31;
	v48 =	vmul.f32 v48, v48;
	v51 =	vmul.f32 v47, v47;
	v60, _, _ =	vpop (xrf1)  }
0x1dd: {  	v50 =	vmul.f32 v36, v36;
	v29 =	vmul.f32 v29, v29;
	v28 =	vadd.f32 v28, v41;
	v49, _, _ =	vpop (xrf1)  }
0x1de: {  	v57 =	vld [tilespmem:s13+$0x400];
	v30 =	vadd.f32 v40, v30;
	v26 =	vadd.f32 v37, v26;
	v23 =	vmul.f32 v58, v58;
	v61, _, _ =	vpop (xrf1)  }
0x1df: {  	v27 =	vmin.f32 v63, v27;
	v29 =	vadd.f32 v32, v29;
	v28 =	vadd.f32 v50, v28;
	v50 =	vld [tilespmem:s13+$0x410];
	v63, _, _ =	vpop (xrf1)  }
0x1e0: {  	v53 =	vadd.f32 v62, v38;
	(xrf1) =	vsort.ascd.msk.f32 $0xffff, v27, v27;
	v27 =	vmin.f32 v56, v63  }
0x1e1: {  	(xrf1) =	vsort.dscd.msk.f32 $0xffff, v27, v27;
	v27 =	vadd.f32 v48, v29;
	v29 =	vmin.f32 v59, v60  }
0x1e2: {  	v44 =	vmul.f32 v55, v55;
	v25 =	vadd.f32 v42, v25;
	v23 =	vadd.f32 v23, v39  }
0x1e3: {  	v31 =	vadd.f32 v51, v53;
	v62 =	vsub.f32 v57, v13;
	v52, _, _ =	vpop (xrf1);
	(xrf1) =	vsort.ascd.msk.f32 $0xffff, v29, v29  }
0x1e4: {  	v23 =	vadd.f32 v44, v23;
	v13 =	vsub.f32 v50, v13;
	v29, _, _ =	vpop (xrf1);
	(xrf1) =	vsort.dscd.msk.f32 $0xffff, v27, v27;
	v27 =	vld [tilespmem:s13+$0x0]  }
0x1e5: {  	v35 =	vmul.f32 v62, v62;
	v54 =	vmin.f32 v54, v49;
	v55, _, _ =	vpop (xrf1);
	(xrf1) =	vsort.ascd.msk.f32 $0xffff, v22, v22  }
0x1e6: {  	v45 =	vld [tilespmem:s13+$0x10];
	v13 =	vmul.f32 v13, v13;
	v33 =	vmin.f32 v61, v55;
	(xrf1) =	vsort.ascd.msk.f32 $0xffff, v54, v54;
	v56, _, _ =	vpop (xrf1)  }
0x1e7: {  	v24 =	vmin.f32 v24, v52;
	v22 =	vld [tilespmem:s13+$0xFFFFFC00];
	(xrf1) =	vsort.dscd.msk.f32 $0xffff, v33, v33;
	v32 =	vmin.f32 v46, v56  }
0x1e8: {  	v59, _, _ =	vpop (xrf1);
	v33 =	vsub.f32 v57, v14;
	v14 =	vsub.f32 v50, v14;
	(xrf1) =	vsort.dscd.msk.f32 $0xffff, v24, v24  }
0x1e9: {  	v29 =	vmin.f32 v29, v59;
	(xrf1) =	vsort.ascd.msk.f32 $0xffff, v32, v32;
	v24 =	vsub.f32 v27, v17  }
0x1ea: {  	v58 =	vsub.f32 v27, v21;
	v33 =	vmul.f32 v33, v33;
	(xrf1) =	vsort.dscd.msk.f32 $0xffff, v31, v31  }
0x1eb: {  	v21 =	vsub.f32 v45, v21;
	v17 =	vsub.f32 v45, v17;
	(xrf1) =	vsort.ascd.msk.f32 $0xffff, v30, v30  }
0x1ec: {  	v31 =	vsub.f32 v27, v15;
	v60 =	vsub.f32 v22, v16;
	(xrf1) =	vsort.dscd.msk.f32 $0xffff, v23, v23  }
0x1ed: {  	v61 =	vsub.f32 v22, v20;
	v27 =	vsub.f32 v27, v12;
	(xrf1) =	vsort.dscd.msk.f32 $0xffff, v29, v29  }
0x1ee: {  	v14 =	vmul.f32 v14, v14;
	v44 =	vsub.f32 v22, v19;
	v22 =	vsub.f32 v22, v18  }
0x1ef: {  	v63, _, _ =	vpop (xrf1);
	v32 =	vmul.f32 v58, v58;
	v24 =	vmul.f32 v24, v24;
	(xrf1) =	vsort.ascd.msk.f32 $0xffff, v26, v26  }
0x1f0: {  	v15 =	vsub.f32 v45, v15;
	v21 =	vmul.f32 v21, v21;
	v17 =	vmul.f32 v17, v17;
	v42, _, _ =	vpop (xrf1)  }
0x1f1: {  	v12 =	vsub.f32 v45, v12;
	v30 =	vmul.f32 v60, v60;
	v27 =	vmul.f32 v27, v27;
	v43, _, _ =	vpop (xrf1)  }
0x1f2: {  	v23 =	vld [tilespmem:s13+$0xFFFFFC10];
	v31 =	vmul.f32 v31, v31;
	v29 =	vmul.f32 v61, v61;
	(xrf1) =	vsort.ascd.msk.f32 $0xffff, v25, v25;
	v46, _, _ =	vpop (xrf1)  }
0x1f3: {  	v22 =	vmul.f32 v22, v22;
	v12 =	vmul.f32 v12, v12;
	(xrf1) =	vsort.dscd.msk.f32 $0xffff, v28, v28;
	v28, _, _ =	vpop (xrf1)  }
0x1f4: {  	v30 =	vadd.f32 v32, v30;
	v27 =	vadd.f32 v27, v29;
	v29 =	vmul.f32 v44, v44;
	v47, _, _ =	vpop (xrf1)  }
0x1f5: {  	v15 =	vmul.f32 v15, v15;
	v26 =	vsub.f32 v57, v11;
	v11 =	vsub.f32 v50, v11;
	v48, _, _ =	vpop (xrf1)  }
0x1f6: {  	v25 =	vsub.f32 v57, v10;
	v24 =	vadd.f32 v24, v29;
	v29 =	vmin.f32 v63, v48;
	v49, _, _ =	vpop (xrf1)  }
0x1f7: {  	v26 =	vmul.f32 v26, v26;
	v30 =	vadd.f32 v35, v30;
	v20 =	vsub.f32 v23, v20;
	v51, _, _ =	vpop (xrf1)  }
0x1f8: {  	v25 =	vmul.f32 v25, v25;
	v19 =	vsub.f32 v23, v19;
	(xrf1) =	vsort.ascd.msk.f32 $0xffff, v29, v29;
	v52, _, _ =	vpop (xrf1)  }
0x1f9: {  	v24 =	vadd.f32 v33, v24;
	v28 =	vmin.f32 v28, v46;
	(xrf1) =	vsort.ascd.msk.f32 $0xffff, v30, v30;
	v29, _, _ =	vpop (xrf1)  }
0x1fa: {  	v32 =	vmin.f32 v47, v49;
	(xrf1) =	vsort.dscd.msk.f32 $0xffff, v28, v28;
	v28 =	vmin.f32 v29, v52;
	v29, _, _ =	vpop (xrf1)  }
0x1fb: {  	v18 =	vsub.f32 v23, v18;
	v16 =	vsub.f32 v23, v16;
	(xrf1) =	vsort.ascd.msk.f32 $0xffff, v32, v32;
	v23, _, _ =	vpop (xrf1)  }
0x1fc: {  	v19 =	vmul.f32 v19, v19;
	(xrf1) =	vsort.ascd.msk.f32 $0xffff, v24, v24;
	v23 =	vmin.f32 v51, v23  }
0x1fd: {  	v34 =	vmin.f32 v43, v42;
	v20 =	vmul.f32 v20, v20;
	v24, _, _ =	vpop (xrf1);
	(xrf1) =	vsort.ascd.msk.f32 $0xffff, v23, v23  }
0x1fe: {  	v17 =	vadd.f32 v17, v19;
	v23 =	vmin.f32 v24, v29;
	(xrf1) =	vsort.ascd.msk.f32 $0xffff, v34, v34  }
0x1ff: {  	v16 =	vmul.f32 v16, v16;
	v24 =	vadd.f32 v26, v27;
	(xrf1) =	vsort.dscd.msk.f32 $0xffff, v23, v23  }
0x200: {  	v19 =	vadd.f32 v31, v22;
	v14 =	vadd.f32 v14, v17;
	(xrf1) =	vsort.dscd.msk.f32 $0xffff, v28, v28  }
0x201: {  	v16 =	vadd.f32 v21, v16;
	v12 =	vadd.f32 v12, v20;
	(xrf1) =	vsort.ascd.msk.f32 $0xffff, v24, v24  }
0x202: {  	v11 =	vmul.f32 v11, v11;
	(xrf1) =	vsort.dscd.msk.f32 $0xffff, v14, v14;
	v14 =	vadd.f32 v25, v19  }
0x203: {  	v10 =	vsub.f32 v50, v10;
	v18 =	vmul.f32 v18, v18;
	v13 =	vadd.f32 v13, v16  }
0x204: {  	v11 =	vadd.f32 v11, v12  }
0x205: {  	v10 =	vmul.f32 v10, v10;
	v12, _, _ =	vpop (xrf1);
	(xrf1) =	vsort.dscd.msk.f32 $0xffff, v13, v13;
	v13 =	vadd.f32 v15, v18  }
0x206: {  	(xrf1) =	vsort.ascd.msk.f32 $0xffff, v14, v14;
	v14, _, _ =	vpop (xrf1)  }
0x207: {  	v10 =	vadd.f32 v10, v13;
	v12 =	vmin.f32 v12, v14  }
0x208: {  	(xrf1) =	vsort.dscd.msk.f32 $0xffff, v11, v11;
	v11, _, _ =	vpop (xrf1)  }
0x209: {  	v13, _, _ =	vpop (xrf1)  }
0x20a: {  	(xrf1) =	vsort.dscd.msk.f32 $0xffff, v12, v12;
	v12, _, _ =	vpop (xrf1)  }
0x20b: {  	(xrf1) =	vsort.dscd.msk.f32 $0xffff, v10, v10;
	v10, _, _ =	vpop (xrf1)  }
0x20c: {  	v14, _, _ =	vpop (xrf1)  }
0x20d: {  	v15, _, _ =	vpop (xrf1)  }
0x20e: {  	v16, _, _ =	vpop (xrf1)  }
0x20f: {  	v17, _, _ =	vpop (xrf1)  }
0x210: {  	v18, _, _ =	vpop (xrf1)  }
0x211: {  	v19, _, _ =	vpop (xrf1)  }
0x212: {  	v11 =	vmin.f32 v11, v12;
	v20, _, _ =	vpop (xrf1)  }
0x213: {  	(xrf1) =	vsort.ascd.msk.f32 $0xffff, v11, v11;
	v11 =	vmin.f32 v14, v20  }
0x214: {  	(xrf1) =	vsort.dscd.msk.f32 $0xffff, v11, v11;
	v11 =	vmin.f32 v16, v17  }
0x215: {  	v12, _, _ =	vpop (xrf1)  }
0x216: {  	s29 =	simm.s32 $0x420;
	v10 =	vmin.f32 v10, v18;
	v14, _, _ =	vpop (xrf1);
	(xrf1) =	vsort.ascd.msk.f32 $0xffff, v11, v11  }
0x217: {  	v54 =	vld [tilespmem:s29+$0xFFFFFFF0];
	(xrf1) =	vsort.ascd.msk.f32 $0xffff, v10, v10;
	v10 =	vmin.f32 v13, v12;
	v11, _, _ =	vpop (xrf1)  }
0x218: {  	v50 =	vld [tilespmem:s29+$0xFFFFFC10];
	v11 =	vmin.f32 v19, v11  }
0x219: {  	v26 =	vld [tilespmem:s29+$0xFFFFFBE0];
	v12, _, _ =	vpop (xrf1);
	(xrf1) =	vsort.dscd.msk.f32 $0xffff, v11, v11  }
0x21a: {  	v30 =	vld [tilespmem:s29+$0xFFFFFBF0];
	v11 =	vmin.f32 v15, v12;
	(xrf1) =	vsort.dscd.msk.f32 $0xffff, v10, v10;
	v10, _, _ =	vpop (xrf1)  }
0x21b: {  	s14 =	simm.s32 $0x0;
	v21 =	vbroadcast v3, $0xA;
	v23 =	vbroadcast v4, $0xA;
	(xrf1) =	vsort.ascd.msk.f32 $0xffff, v11, v11;
	v10 =	vmin.f32 v14, v10  }
0x21c: {  	s14 =	sand.u32 $0x3C0, s14;
	(xrf1) =	vsort.dscd.msk.f32 $0xffff, v10, v10  }
0x21d: {  	v33 =	vsub.f32 v54, v21;
	v28 =	vld [tilespmem:s14+$0x800];
	v24 =	vbroadcast v4, $0x8;
	v51 =	vsub.f32 v50, v23  }
0x21e: {  	v57 =	vld [tilespmem:s29+$0x3F0];
	v22 =	vbroadcast v4, $0x9;
	v25 =	vbroadcast v3, $0xB;
	v56 =	vsub.f32 v26, v23  }
0x21f: {  	v33 =	vmul.f32 v33, v33;
	v59 =	vsub.f32 v30, v24;
	v40 =	vmul.f32 v51, v51  }
0x220: {  	v27 =	vld [tilespmem:s14+$0x400];
	v63 =	vsub.f32 v54, v25;
	v35 =	vmul.f32 v56, v56;
	v18 =	vbroadcast v5, $0xA  }
0x221: {  	v48 =	vld [tilespmem:s29+$0x0];
	v38 =	vmul.f32 v59, v59;
	v20 =	vbroadcast v4, $0xB  }
0x222: {  	v46 =	vmul.f32 v63, v63;
	v31 =	vsub.f32 v28, v18;
	v16 =	vbroadcast v3, $0x8  }
0x223: {  	v61 =	vsub.f32 v57, v18;
	v53 =	vsub.f32 v26, v20;
	v19 =	vbroadcast v3, $0x9;
	v10, _, _ =	vpop (xrf1)  }
0x224: {  	v31 =	vmul.f32 v31, v31;
	v60 =	vsub.f32 v54, v16;
	v15 =	vbroadcast v5, $0x8;
	v11, _, _ =	vpop (xrf1)  }
0x225: {  	v39 =	vmul.f32 v61, v61;
	v55 =	vsub.f32 v27, v19;
	v58 =	vsub.f32 v54, v19;
	v12, _, _ =	vpop (xrf1)  }
0x226: {  	v49 =	vsub.f32 v48, v16;
	v32 =	vmul.f32 v53, v53;
	v29 =	vsub.f32 v28, v15;
	v13, _, _ =	vpop (xrf1)  }
0x227: {  	v62 =	vsub.f32 v57, v15;
	v34 =	vmul.f32 v55, v55;
	v37 =	vmul.f32 v58, v58;
	v14, _, _ =	vpop (xrf1)  }
0x228: {  	v58 =	vsub.f32 v50, v24;
	v11 =	vmin.f32 v12, v11;
	v12, _, _ =	vpop (xrf1);
	v10 =	vmin.f32 v10, v14  }
0x229: {  	v44 =	vmul.f32 v62, v62;
	v14 =	vbroadcast v5, $0x9;
	v17, _, _ =	vpop (xrf1);
	v12 =	vmin.f32 v13, v12;
	(xrf1) =	vsort.ascd.msk.f32 $0xffff, v10, v10  }
0x22a: {  	v62 =	vsub.f32 v50, v22;
	v13, _, _ =	vpop (xrf1);
	(xrf1) =	vsort.ascd.msk.f32 $0xffff, v12, v12;
	v12 =	vsub.f32 v26, v24  }
0x22b: {  	v26 =	vsub.f32 v26, v22;
	v47 =	vsub.f32 v57, v14;
	v10 =	vmin.f32 v17, v13  }
0x22c: {  	v17 =	vbroadcast v5, $0xB;
	v13 =	vsub.f32 v27, v21;
	(xrf1) =	vsort.ascd.msk.f32 $0xffff, v10, v10;
	v10 =	vsub.f32 v27, v16  }
0x22d: {  	v12 =	vmul.f32 v12, v12;
	v27 =	vsub.f32 v27, v25;
	v26 =	vmul.f32 v26, v26  }
0x22e: {  	(xrf1) =	vsort.ascd.msk.f32 $0xffff, v11, v11;
	v11 =	vsub.f32 v28, v17;
	v13 =	vmul.f32 v13, v13  }
0x22f: {  	v28 =	vsub.f32 v28, v14;
	v45 =	vsub.f32 v57, v17;
	v10 =	vmul.f32 v10, v10  }
0x230: {  	v27 =	vmul.f32 v27, v27;
	v26 =	vadd.f32 v34, v26;
	v34 =	vmul.f32 v60, v60  }
0x231: {  	v28 =	vmul.f32 v28, v28;
	v13 =	vadd.f32 v13, v35;
	v10 =	vadd.f32 v10, v12  }
0x232: {  	v29 =	vmul.f32 v29, v29;
	v12 =	vsub.f32 v30, v20;
	v34 =	vadd.f32 v34, v38  }
0x233: {  	v57 =	vld [tilespmem:s29+$0x10];
	v11 =	vmul.f32 v11, v11;
	v27 =	vadd.f32 v27, v32;
	v26 =	vadd.f32 v28, v26  }
0x234: {  	v32 =	vmul.f32 v49, v49;
	v10 =	vadd.f32 v29, v10;
	v29 =	vsub.f32 v30, v23  }
0x235: {  	v12 =	vmul.f32 v12, v12;
	v30 =	vsub.f32 v30, v22;
	v34 =	vadd.f32 v44, v34  }
0x236: {  	v11 =	vadd.f32 v11, v27;
	v27 =	vmul.f32 v45, v45;
	v29 =	vmul.f32 v29, v29  }
0x237: {  	v30 =	vmul.f32 v30, v30;
	v12 =	vadd.f32 v46, v12;
	(xrf1) =	vsort.dscd.msk.f32 $0xffff, v34, v34  }
0x238: {  	s31 =	simm.s32 $0x460;
	v63 =	vld [tilespmem:s29+$0x410];
	v52 =	vsub.f32 v57, v25;
	(xrf1) =	vsort.ascd.msk.f32 $0xffff, v10, v10;
	v29 =	vadd.f32 v33, v29  }
0x239: {  	v44 =	vld [tilespmem:s31+$0xFFFFFBE0];
	v12 =	vadd.f32 v27, v12;
	v10 =	vadd.f32 v37, v30;
	v30 =	vmul.f32 v47, v47  }
0x23a: {  	v41 =	vmul.f32 v52, v52;
	v33 =	vsub.f32 v50, v20;
	v28 =	vadd.f32 v39, v29  }
0x23b: {  	v27 =	vld [tilespmem:s29+$0xFFFFFC00];
	(xrf1) =	vsort.dscd.msk.f32 $0xffff, v12, v12;
	v10 =	vadd.f32 v30, v10;
	v12 =	vadd.f32 v31, v13  }
0x23c: {  	v13 =	vsub.f32 v48, v25;
	v30 =	vsub.f32 v48, v19;
	v39 =	vmul.f32 v58, v58  }
0x23d: {  	v58 =	vsub.f32 v63, v18;
	v33 =	vmul.f32 v33, v33;
	(xrf1) =	vsort.ascd.msk.f32 $0xffff, v11, v11  }
0x23e: {  	v29 =	vld [tilespmem:s29+$0x400];
	v11 =	vsub.f32 v48, v21;
	v48 =	vsub.f32 v44, v23;
	(xrf1) =	vsort.dscd.msk.f32 $0xffff, v28, v28  }
0x23f: {  	v51 =	vmul.f32 v58, v58;
	v33 =	vadd.f32 v41, v33;
	v58 =	vsub.f32 v44, v20  }
0x240: {  	v30 =	vmul.f32 v30, v30;
	v31 =	vsub.f32 v27, v20;
	v28 =	vsub.f32 v27, v24  }
0x241: {  	(xrf1) =	vsort.ascd.msk.f32 $0xffff, v12, v12;
	v56 =	vsub.f32 v27, v23;
	v27 =	vsub.f32 v27, v22  }
0x242: {  	(xrf1) =	vsort.ascd.msk.f32 $0xffff, v26, v26;
	v26 =	vmul.f32 v11, v11;
	v12 =	vmul.f32 v31, v31  }
0x243: {  	v31 =	vmul.f32 v13, v13;
	v54 =	vsub.f32 v29, v17;
	(xrf1) =	vsort.dscd.msk.f32 $0xffff, v10, v10  }
0x244: {  	v28 =	vmul.f32 v28, v28;
	v11 =	vsub.f32 v29, v15;
	v55 =	vsub.f32 v29, v14  }
0x245: {  	v29 =	vsub.f32 v29, v18;
	v36 =	vmul.f32 v56, v56;
	v27 =	vmul.f32 v27, v27  }
0x246: {  	v13, _, _ =	vpop (xrf1);
	v31 =	vadd.f32 v31, v12;
	v38 =	vmul.f32 v11, v11;
	v35 =	vmul.f32 v55, v55  }
0x247: {  	v10, _, _ =	vpop (xrf1);
	v28 =	vadd.f32 v32, v28;
	v60 =	vmul.f32 v54, v54;
	v26 =	vadd.f32 v26, v36  }
0x248: {  	v29 =	vmul.f32 v29, v29;
	v54 =	vsub.f32 v57, v19;
	v55 =	vsub.f32 v57, v16;
	v12, _, _ =	vpop (xrf1)  }
0x249: {  	v32 =	vmul.f32 v62, v62;
	v36 =	vsub.f32 v63, v17;
	v31 =	vadd.f32 v60, v31;
	v11, _, _ =	vpop (xrf1)  }
0x24a: {  	v27 =	vadd.f32 v30, v27;
	v26 =	vadd.f32 v29, v26;
	v52 =	vmul.f32 v54, v54;
	v59, _, _ =	vpop (xrf1)  }
0x24b: {  	v28 =	vadd.f32 v38, v28;
	(xrf1) =	vsort.ascd.msk.f32 $0xffff, v31, v31;
	v31 =	vsub.f32 v57, v21;
	v61, _, _ =	vpop (xrf1)  }
0x24c: {  	s30 =	simm.s32 $0x40;
	v27 =	vadd.f32 v35, v27;
	v32 =	vadd.f32 v52, v32;
	v34 =	vmin.f32 v61, v59  }
0x24d: {  	s14 =	sand.u32 $0x3C0, s30;
	v61 =	vsub.f32 v63, v14;
	v31 =	vmul.f32 v31, v31;
	(xrf1) =	vsort.dscd.msk.f32 $0xffff, v34, v34  }
0x24e: {  	v60 =	vld [tilespmem:s14+$0x400];
	v53, _, _ =	vpop (xrf1);
	v34 =	vmul.f32 v55, v55;
	(xrf1) =	vsort.ascd.msk.f32 $0xffff, v26, v26;
	v26 =	vsub.f32 v63, v15  }
0x24f: {  	v29, _, _ =	vpop (xrf1);
	v63 =	vld [tilespmem:s14+$0x800];
	v30 =	vadd.f32 v31, v40;
	v31 =	vmul.f32 v36, v36;
	v36 =	vsub.f32 v44, v24  }
0x250: {  	v44 =	vsub.f32 v44, v22;
	v29 =	vmin.f32 v29, v53;
	v56, _, _ =	vpop (xrf1);
	v53 =	vmul.f32 v61, v61  }
0x251: {  	v34 =	vadd.f32 v34, v39;
	v57, _, _ =	vpop (xrf1);
	v30 =	vadd.f32 v51, v30;
	v26 =	vmul.f32 v26, v26  }
0x252: {  	v36 =	vmul.f32 v36, v36;
	v31 =	vadd.f32 v31, v33;
	v37 =	vmin.f32 v57, v56  }
0x253: {  	v61 =	vld [tilespmem:s31+$0xFFFFFFF0];
	v52 =	vmul.f32 v44, v44;
	v59, _, _ =	vpop (xrf1);
	(xrf1) =	vsort.dscd.msk.f32 $0xffff, v37, v37;
	v26 =	vadd.f32 v26, v34  }
0x254: {  	v33 =	vld [tilespmem:s31+$0x3F0];
	v62, _, _ =	vpop (xrf1);
	(xrf1) =	vsort.dscd.msk.f32 $0xffff, v29, v29;
	v29 =	vsub.f32 v60, v16;
	v54 =	vsub.f32 v63, v17  }
0x255: {  	v56 =	vld [tilespmem:s31+$0xFFFFFBF0];
	v38 =	vmin.f32 v59, v62;
	v55 =	vsub.f32 v63, v15;
	v57 =	vsub.f32 v63, v18  }
0x256: {  	v59 =	vsub.f32 v63, v14;
	(xrf1) =	vsort.ascd.msk.f32 $0xffff, v28, v28;
	v28 =	vsub.f32 v60, v21  }
0x257: {  	v29 =	vmul.f32 v29, v29;
	v37 =	vmul.f32 v54, v54;
	(xrf1) =	vsort.dscd.msk.f32 $0xffff, v30, v30  }
0x258: {  	v30 =	vsub.f32 v60, v19;
	v45 =	vmul.f32 v57, v57;
	v60 =	vsub.f32 v60, v25  }
0x259: {  	v62 =	vmul.f32 v59, v59;
	v57 =	vsub.f32 v61, v25;
	v59 =	vsub.f32 v61, v16  }
0x25a: {  	v43 =	vmul.f32 v55, v55;
	v50 =	vsub.f32 v33, v15;
	v63 =	vsub.f32 v56, v20  }
0x25b: {  	(xrf1) =	vsort.dscd.msk.f32 $0xffff, v31, v31;
	v31 =	vadd.f32 v53, v32;
	v53 =	vsub.f32 v61, v19  }
0x25c: {  	v28 =	vmul.f32 v28, v28;
	v54 =	vsub.f32 v56, v24;
	v55 =	vsub.f32 v56, v22  }
0x25d: {  	v39 =	vmul.f32 v60, v60;
	v30 =	vmul.f32 v30, v30;
	(xrf1) =	vsort.ascd.msk.f32 $0xffff, v27, v27  }
0x25e: {  	v29 =	vadd.f32 v29, v36;
	v42 =	vmul.f32 v59, v59;
	(xrf1) =	vsort.dscd.msk.f32 $0xffff, v26, v26  }
0x25f: {  	v44 =	vmul.f32 v63, v63;
	v26 =	vmul.f32 v58, v58;
	(xrf1) =	vsort.dscd.msk.f32 $0xffff, v38, v38  }
0x260: {  	v60 =	vsub.f32 v61, v21;
	v32 =	vmul.f32 v53, v53;
	v35 =	vmul.f32 v55, v55;
	v38, _, _ =	vpop (xrf1)  }
0x261: {  	v34 =	vmul.f32 v54, v54;
	v54 =	vmul.f32 v50, v50;
	v27 =	vadd.f32 v43, v29;
	v58, _, _ =	vpop (xrf1)  }
0x262: {  	v55 =	vmul.f32 v57, v57;
	v29 =	vsub.f32 v56, v23;
	v30 =	vadd.f32 v30, v52;
	v61, _, _ =	vpop (xrf1)  }
0x263: {  	v46 =	vimm.f32 $+Inf;
	v56 =	vsub.f32 v33, v18;
	v26 =	vadd.f32 v39, v26;
	(xrf1) =	vsort.dscd.msk.f32 $0xffff, v31, v31;
	v31, _, _ =	vpop (xrf1)  }
0x264: {  	v43 =	vmul.f32 v60, v60;
	v32 =	vadd.f32 v32, v35;
	v34 =	vadd.f32 v42, v34;
	v63, _, _ =	vpop (xrf1)  }
0x265: {  	v30 =	vadd.f32 v62, v30;
	v29 =	vmul.f32 v29, v29;
	v62 =	vsub.f32 v33, v17;
	v51, _, _ =	vpop (xrf1)  }
0x266: {  	v50 =	vld [tilespmem:s31+$0x400];
	v36 =	vmul.f32 v56, v56;
	v33 =	vsub.f32 v33, v14;
	v52 =	vmin.f32 v46, v58;
	v53, _, _ =	vpop (xrf1)  }
0x267: {  	v34 =	vadd.f32 v54, v34;
	(xrf1) =	vsort.ascd.msk.f32 $0xffff, v52, v52;
	v35 =	vmin.f32 v61, v53  }
0x268: {  	v58 =	vmul.f32 v48, v48;
	v31 =	vmin.f32 v46, v31;
	(xrf1) =	vsort.dscd.msk.f32 $0xffff, v35, v35  }
0x269: {  	v26 =	vadd.f32 v37, v26;
	v29 =	vadd.f32 v43, v29;
	(xrf1) =	vsort.ascd.msk.f32 $0xffff, v31, v31  }
0x26a: {  	v33 =	vmul.f32 v33, v33;
	v28 =	vadd.f32 v28, v58;
	v56, _, _ =	vpop (xrf1);
	(xrf1) =	vsort.dscd.msk.f32 $0xffff, v34, v34  }
0x26b: {  	v37 =	vld [tilespmem:s31+$0xFFFFFC10];
	v58 =	vsub.f32 v50, v14;
	v29 =	vadd.f32 v36, v29;
	v59 =	vmin.f32 v46, v63;
	v57, _, _ =	vpop (xrf1)  }
0x26c: {  	v63 =	vld [tilespmem:s31+$0xFFFFFC00];
	v31 =	vmul.f32 v62, v62;
	v60, _, _ =	vpop (xrf1);
	(xrf1) =	vsort.ascd.msk.f32 $0xffff, v27, v27;
	v27 =	vadd.f32 v55, v44  }
0x26d: {  	v48 =	vmin.f32 v38, v56;
	v62 =	vmin.f32 v51, v60;
	v49, _, _ =	vpop (xrf1);
	(xrf1) =	vsort.ascd.msk.f32 $0xffff, v59, v59  }
0x26e: {  	v61 =	vld [tilespmem:s31+$0x0];
	(xrf1) =	vsort.dscd.msk.f32 $0xffff, v62, v62;
	v27 =	vadd.f32 v31, v27;
	v31 =	vmin.f32 v46, v49  }
0x26f: {  	v32 =	vadd.f32 v33, v32;
	v28 =	vadd.f32 v45, v28;
	(xrf1) =	vsort.dscd.msk.f32 $0xffff, v48, v48  }
0x270: {  	v41 =	vsub.f32 v37, v20;
	v56 =	vsub.f32 v50, v17;
	(xrf1) =	vsort.ascd.msk.f32 $0xffff, v31, v31  }
0x271: {  	v53 =	vsub.f32 v63, v20;
	v54 =	vsub.f32 v63, v24;
	v31, _, _ =	vpop (xrf1);
	(xrf1) =	vsort.dscd.msk.f32 $0xffff, v27, v27  }
0x272: {  	v60 =	vsub.f32 v63, v23;
	v31 =	vmin.f32 v57, v31;
	(xrf1) =	vsort.ascd.msk.f32 $0xffff, v26, v26  }
0x273: {  	v47 =	vsub.f32 v63, v22;
	v51 =	vsub.f32 v61, v21;
	(xrf1) =	vsort.dscd.msk.f32 $0xffff, v29, v29  }
0x274: {  	v52 =	vsub.f32 v61, v25;
	v55 =	vsub.f32 v61, v16;
	(xrf1) =	vsort.dscd.msk.f32 $0xffff, v31, v31  }
0x275: {  	v36 =	vmul.f32 v54, v54;
	v62 =	vsub.f32 v37, v24;
	v46 =	vmul.f32 v60, v60;
	v31, _, _ =	vpop (xrf1)  }
0x276: {  	v35 =	vmul.f32 v52, v52;
	v26 =	vmul.f32 v53, v53;
	(xrf1) =	vsort.ascd.msk.f32 $0xffff, v28, v28;
	v57, _, _ =	vpop (xrf1)  }
0x277: {  	v38 =	vmul.f32 v55, v55;
	v27 =	vsub.f32 v61, v19;
	(xrf1) =	vsort.ascd.msk.f32 $0xffff, v30, v30;
	v59, _, _ =	vpop (xrf1)  }
0x278: {  	v35 =	vadd.f32 v35, v26;
	v26 =	vsub.f32 v50, v15;
	v61, _, _ =	vpop (xrf1);
	(xrf1) =	vsort.dscd.msk.f32 $0xffff, v32, v32  }
0x279: {  	v29 =	vmul.f32 v51, v51;
	v28 =	vmul.f32 v27, v27;
	v27 =	vsub.f32 v50, v18  }
0x27a: {  	v33 =	vadd.f32 v38, v36;
	v30 =	vmul.f32 v26, v26;
	v26 =	vmul.f32 v58, v58;
	v63, _, _ =	vpop (xrf1)  }
0x27b: {  	v53 =	vsub.f32 v37, v22;
	v58 =	vld [tilespmem:s31+$0x410];
	v54 =	vmul.f32 v27, v27;
	v27 =	vmul.f32 v56, v56;
	v52, _, _ =	vpop (xrf1)  }
0x27c: {  	v45 =	vmul.f32 v47, v47;
	v36 =	vadd.f32 v29, v46;
	v56 =	vsub.f32 v37, v23;
	v55, _, _ =	vpop (xrf1)  }
0x27d: {  	v32 =	vld [tilespmem:s31+$0x10];
	v49 =	vmin.f32 v59, v57;
	v57 =	vadd.f32 v27, v35;
	v29 =	vmin.f32 v31, v55;
	v31, _, _ =	vpop (xrf1)  }
0x27e: {  	v27 =	vmul.f32 v53, v53;
	v36 =	vadd.f32 v54, v36;
	v59, _, _ =	vpop (xrf1);
	(xrf1) =	vsort.ascd.msk.f32 $0xffff, v29, v29  }
0x27f: {  	v40 =	vmin.f32 v63, v61;
	v31 =	vmin.f32 v52, v31;
	v61, _, _ =	vpop (xrf1);
	(xrf1) =	vsort.ascd.msk.f32 $0xffff, v57, v57  }
0x280: {  	v44 =	vsub.f32 v58, v18;
	v29 =	vmul.f32 v62, v62;
	(xrf1) =	vsort.dscd.msk.f32 $0xffff, v40, v40;
	v62, _, _ =	vpop (xrf1)  }
0x281: {  	v43 =	vsub.f32 v58, v14;
	v47 =	vsub.f32 v58, v17;
	v42, _, _ =	vpop (xrf1);
	(xrf1) =	vsort.ascd.msk.f32 $0xffff, v31, v31  }
0x282: {  	v60 =	vsub.f32 v32, v25;
	v35 =	vsub.f32 v32, v19;
	(xrf1) =	vsort.ascd.msk.f32 $0xffff, v36, v36;
	v31, _, _ =	vpop (xrf1)  }
0x283: {  	s13 =	simm.s32 $0x4A0;
	s14 =	simm.s32 $0x80;
	v39 =	vsub.f32 v32, v21;
	v34 =	vsub.f32 v32, v16;
	v63 =	vmin.f32 v59, v31  }
0x284: {  	s16 =	sand.u32 $0x3C0, s14;
	v32 =	vsub.f32 v58, v15;
	v40 =	vmul.f32 v56, v56;
	v46, _, _ =	vpop (xrf1);
	v31 =	vld [tilespmem:s13+$0xFFFFFBE0];
	(xrf1) =	vsort.ascd.msk.f32 $0xffff, v63, v63  }
0x285: {  	s15 =	simm.s32 $0x4;
	v37 =	vmul.f32 v60, v60;
	v38 =	vmin.f32 v62, v61;
	v36 =	vld [tilespmem:s16+$0x400];
	v48, _, _ =	vpop (xrf1);
	(xrf1) =	vsort.ascd.msk.f32 $0xffff, v49, v49  }
.LBB2_7:
0x286: {  	s15 =	sadd.s32 $0x2, s15;
	v49 =	vld [tilespmem:s16+$0x800];
	v42 =	vmin.f32 v46, v42;
	v30 =	vadd.f32 v30, v33;
	v33 =	vmul.f32 v39, v39;
	v39, _, _ =	vpop (xrf1)  }
0x287: {  	v41 =	vmul.f32 v41, v41;
	p0 =	slt.u32 s15, $0x1E;
	v39 =	vmin.f32 v48, v39;
	(xrf1) =	vsort.dscd.msk.f32 $0xffff, v42, v42  }
0x288: {  	v28 =	vadd.f32 v28, v45;
	v33 =	vadd.f32 v33, v40;
	v40 =	vmul.f32 v47, v47  }
0x289: {  	v44 =	vmul.f32 v44, v44;
	v42 =	vsub.f32 v31, v24;
	(xrf1) =	vsort.dscd.msk.f32 $0xffff, v38, v38  }
0x28a: {  	v35 =	vmul.f32 v35, v35;
	v38 =	vsub.f32 v36, v16;
	(xrf1) =	vsort.ascd.msk.f32 $0xffff, v30, v30  }
0x28b: {  	v43 =	vmul.f32 v43, v43;
	v45 =	vsub.f32 v36, v21;
	v33 =	vadd.f32 v44, v33;
	v30 =	vld [tilespmem:s13+$0xFFFFFBF0]  }
0x28c: {  	v34 =	vmul.f32 v34, v34;
	v44 =	vsub.f32 v49, v17;
	v38 =	vmul.f32 v38, v38;
	v46, _, _ =	vpop (xrf1)  }
0x28d: {  	v37 =	vadd.f32 v37, v41;
	v47 =	vsub.f32 v49, v15;
	v45 =	vmul.f32 v45, v45;
	v41, _, _ =	vpop (xrf1)  }
0x28e: {  	v50 =	vsub.f32 v31, v20;
	v48 =	vsub.f32 v49, v18;
	v44 =	vmul.f32 v44, v44;
	v51, _, _ =	vpop (xrf1)  }
0x28f: {  	v49 =	vsub.f32 v49, v14;
	v47 =	vmul.f32 v47, v47;
	(xrf1) =	vsort.dscd.msk.f32 $0xffff, v33, v33;
	v33, _, _ =	vpop (xrf1)  }
0x290: {  	v29 =	vadd.f32 v34, v29;
	v53 =	vsub.f32 v36, v19;
	v48 =	vmul.f32 v48, v48;
	v52 =	vld [tilespmem:s13+$0xFFFFFFF0];
	v34, _, _ =	vpop (xrf1)  }
0x291: {  	v32 =	vmul.f32 v32, v32;
	v27 =	vadd.f32 v35, v27;
	v36 =	vsub.f32 v36, v25  }
0x292: {  	v35 =	vmul.f32 v49, v49;
	v49 =	vsub.f32 v31, v23;
	v54 =	vsub.f32 v30, v20;
	v55, _, _ =	vpop (xrf1)  }
0x293: {  	v26 =	vadd.f32 v26, v28;
	v36 =	vmul.f32 v36, v36;
	v31 =	vsub.f32 v31, v22;
	v28, _, _ =	vpop (xrf1)  }
0x294: {  	v37 =	vadd.f32 v40, v37;
	v42 =	vmul.f32 v42, v42;
	v53 =	vmul.f32 v53, v53  }
0x295: {  	v29 =	vadd.f32 v32, v29;
	v31 =	vmul.f32 v31, v31;
	v54 =	vmul.f32 v54, v54;
	v40 =	vld [tilespmem:s13+$0x3F0];
	v32, _, _ =	vpop (xrf1)  }
0x296: {  	v27 =	vadd.f32 v43, v27;
	v38 =	vadd.f32 v38, v42;
	(xrf1) =	vsort.dscd.msk.f32 $0xffff, v37, v37  }
0x297: {  	v42 =	vmul.f32 v50, v50;
	v37 =	vsub.f32 v52, v19;
	v43, _, _ =	vpop (xrf1);
	(xrf1) =	vsort.ascd.msk.f32 $0xffff, v26, v26  }
0x298: {  	v26 =	vadd.f32 v47, v38;
	v38 =	vsub.f32 v30, v23;
	v47, _, _ =	vpop (xrf1);
	(xrf1) =	vsort.dscd.msk.f32 $0xffff, v29, v29  }
0x299: {  	v31 =	vadd.f32 v53, v31;
	v29 =	vsub.f32 v30, v24;
	v37 =	vmul.f32 v37, v37  }
0x29a: {  	v30 =	vsub.f32 v30, v22;
	v38 =	vmul.f32 v38, v38;
	v50 =	vsub.f32 v40, v18  }
0x29b: {  	v31 =	vadd.f32 v35, v31;
	v35 =	vsub.f32 v52, v25;
	(xrf1) =	vsort.dscd.msk.f32 $0xffff, v39, v39  }
0x29c: {  	v30 =	vmul.f32 v30, v30;
	v39 =	vsub.f32 v52, v16;
	v52 =	vsub.f32 v52, v21  }
0x29d: {  	v36 =	vadd.f32 v36, v42;
	v42 =	vsub.f32 v40, v17;
	(xrf1) =	vsort.dscd.msk.f32 $0xffff, v27, v27;
	v27, _, _ =	vpop (xrf1)  }
0x29e: {  	v53 =	vsub.f32 v40, v15;
	v50 =	vmul.f32 v50, v50;
	v52 =	vmul.f32 v52, v52  }
0x29f: {  	v36 =	vadd.f32 v44, v36;
	v44 =	vmin.f32 v46, v51;
	v29 =	vmul.f32 v29, v29  }
0x2a0: {  	v35 =	vmul.f32 v35, v35;
	v30 =	vadd.f32 v37, v30;
	v39 =	vmul.f32 v39, v39  }
0x2a1: {  	v37 =	vsub.f32 v40, v14;
	v38 =	vadd.f32 v52, v38;
	(xrf1) =	vsort.ascd.msk.f32 $0xffff, v44, v44  }
0x2a2: {  	v27 =	vmin.f32 v34, v27;
	v29 =	vadd.f32 v39, v29;
	v39 =	vmul.f32 v53, v53  }
0x2a3: {  	v34 =	vmul.f32 v37, v37;
	v37 =	vmul.f32 v42, v42;
	(xrf1) =	vsort.dscd.msk.f32 $0xffff, v27, v27  }
0x2a4: {  	v27 =	vadd.f32 v39, v29;
	v29 =	vadd.f32 v50, v38;
	v38 =	vmin.f32 v28, v32;
	v32, _, _ =	vpop (xrf1)  }
0x2a5: {  	v34 =	vadd.f32 v34, v30;
	v30 =	vadd.f32 v35, v54;
	(xrf1) =	vsort.ascd.msk.f32 $0xffff, v38, v38;
	v28, _, _ =	vpop (xrf1)  }
0x2a6: {  	v35 =	vmul.f32 v49, v49;
	(xrf1) =	vsort.dscd.msk.f32 $0xffff, v27, v27;
	v27 =	vmin.f32 v33, v43;
	v33, _, _ =	vpop (xrf1)  }
0x2a7: {  	v30 =	vadd.f32 v37, v30;
	v37 =	vld [tilespmem:s13+$0x0];
	(xrf1) =	vsort.ascd.msk.f32 $0xffff, v26, v26;
	v26 =	vmin.f32 v47, v33  }
0x2a8: {  	v32 =	vmin.f32 v41, v32;
	v33 =	vadd.f32 v45, v35;
	v35 =	vld [tilespmem:s13+$0xFFFFFC00];
	(xrf1) =	vsort.ascd.msk.f32 $0xffff, v27, v27  }
0x2a9: {  	v27, _, _ =	vpop (xrf1);
	(xrf1) =	vsort.dscd.msk.f32 $0xffff, v26, v26  }
0x2aa: {  	v26 =	vadd.f32 v48, v33;
	v33 =	vld [tilespmem:s13+$0x400];
	v38 =	vmin.f32 v55, v27;
	(xrf1) =	vsort.dscd.msk.f32 $0xffff, v32, v32  }
0x2ab: {  	(xrf1) =	vsort.ascd.msk.f32 $0xffff, v38, v38;
	v27, _, _ =	vpop (xrf1)  }
0x2ac: {  	v32 =	vsub.f32 v37, v21;
	v38 =	vsub.f32 v37, v25;
	(xrf1) =	vsort.dscd.msk.f32 $0xffff, v30, v30  }
0x2ad: {  	v30 =	vsub.f32 v37, v19;
	v27 =	vmin.f32 v28, v27;
	v39 =	vsub.f32 v35, v20  }
0x2ae: {  	v37 =	vsub.f32 v37, v16;
	v28 =	vsub.f32 v35, v24;
	(xrf1) =	vsort.ascd.msk.f32 $0xffff, v36, v36  }
0x2af: {  	v40 =	vmul.f32 v38, v38;
	v36 =	vmul.f32 v39, v39;
	(xrf1) =	vsort.dscd.msk.f32 $0xffff, v29, v29;
	v29, _, _ =	vpop (xrf1)  }
0x2b0: {  	v32 =	vmul.f32 v32, v32;
	v39 =	vsub.f32 v33, v17;
	v41 =	vld [tilespmem:s13+$0xFFFFFC10];
	(xrf1) =	vsort.dscd.msk.f32 $0xffff, v27, v27  }
0x2b1: {  	v27 =	vmul.f32 v28, v28;
	v36 =	vadd.f32 v40, v36;
	(xrf1) =	vsort.ascd.msk.f32 $0xffff, v26, v26;
	v38, _, _ =	vpop (xrf1)  }
0x2b2: {  	v37 =	vmul.f32 v37, v37;
	v26 =	vsub.f32 v33, v15;
	(xrf1) =	vsort.ascd.msk.f32 $0xffff, v31, v31  }
0x2b3: {  	v42 =	vsub.f32 v33, v18;
	v28 =	vmul.f32 v30, v30;
	v40 =	vsub.f32 v33, v14;
	v31 =	vld [tilespmem:s13+$0x10];
	v43, _, _ =	vpop (xrf1)  }
0x2b4: {  	v44 =	vsub.f32 v35, v23;
	v30 =	vmul.f32 v26, v26;
	v45, _, _ =	vpop (xrf1);
	(xrf1) =	vsort.dscd.msk.f32 $0xffff, v34, v34  }
0x2b5: {  	v47 =	vsub.f32 v35, v22;
	v26 =	vmul.f32 v40, v40;
	v34 =	vsub.f32 v41, v24;
	v35, _, _ =	vpop (xrf1)  }
0x2b6: {  	v44 =	vmul.f32 v44, v44;
	v33 =	vadd.f32 v37, v27;
	v49 =	vmin.f32 v43, v38;
	v37, _, _ =	vpop (xrf1)  }
0x2b7: {  	v39 =	vmul.f32 v39, v39;
	v40 =	vmul.f32 v42, v42;
	v48 =	vsub.f32 v41, v22;
	v42, _, _ =	vpop (xrf1)  }
0x2b8: {  	v32 =	vadd.f32 v32, v44;
	v43 =	vmin.f32 v35, v45;
	v29 =	vmin.f32 v29, v42;
	v27, _, _ =	vpop (xrf1)  }
0x2b9: {  	v36 =	vadd.f32 v39, v36;
	v44 =	vsub.f32 v41, v23;
	v50 =	vld [tilespmem:s13+$0x410];
	v37 =	vmin.f32 v37, v27;
	v45, _, _ =	vpop (xrf1)  }
0x2ba: {  	v46 =	vsub.f32 v31, v25;
	v27 =	vmul.f32 v48, v48;
	v38, _, _ =	vpop (xrf1);
	(xrf1) =	vsort.ascd.msk.f32 $0xffff, v29, v29  }
0x2bb: {  	v35 =	vsub.f32 v31, v19;
	v29 =	vmul.f32 v34, v34;
	(xrf1) =	vsort.ascd.msk.f32 $0xffff, v36, v36  }
0x2bc: {  	v32 =	vadd.f32 v40, v32;
	v39 =	vsub.f32 v31, v21;
	(xrf1) =	vsort.dscd.msk.f32 $0xffff, v43, v43;
	v34, _, _ =	vpop (xrf1)  }
.Ltmp2:
0x2bd: {  	v38 =	vmin.f32 v34, v38;
	v34 =	vsub.f32 v31, v16;
	v42, _, _ =	vpop (xrf1);
	(xrf1) =	vsort.ascd.msk.f32 $0xffff, v37, v37;
	(pc) =	sbr.rel @p0 .LBB2_7-.Ltmp2, $4  }
0x2be: {  	v41 =	vsub.f32 v41, v20;
	v40 =	vmul.f32 v44, v44;
	(xrf1) =	vsort.ascd.msk.f32 $0xffff, v32, v32;
	v31, _, _ =	vpop (xrf1)  }
0x2bf: {  	s14 =	sadd.s32 $0x40, s14;
	s13 =	sadd.s32 $0x40, s13;
	v37 =	vmul.f32 v46, v46;
	v32 =	vsub.f32 v50, v15;
	v46, _, _ =	vpop (xrf1);
	v36 =	vmin.f32 v45, v31  }
0x2c0: {  	s16 =	sand.u32 $0x3C0, s14;
	v44 =	vsub.f32 v50, v18;
	v45 =	vmul.f32 v47, v47;
	v31 =	vld [tilespmem:s13+$0xFFFFFBE0];
	v48, _, _ =	vpop (xrf1);
	(xrf1) =	vsort.ascd.msk.f32 $0xffff, v36, v36  }
0x2c1: {  	v43 =	vsub.f32 v50, v14;
	v47 =	vsub.f32 v50, v17;
	v36 =	vld [tilespmem:s16+$0x400];
	(xrf1) =	vsort.ascd.msk.f32 $0xffff, v49, v49  }
0x2c2: {  	v42 =	vmin.f32 v46, v42;
	v30 =	vadd.f32 v30, v33;
	v59 =	vmul.f32 v39, v39  }
0x2c3: {  	v41 =	vmul.f32 v41, v41;
	v28 =	vadd.f32 v28, v45;
	v34 =	vmul.f32 v34, v34  }
0x2c4: {  	v44 =	vmul.f32 v44, v44;
	v35 =	vmul.f32 v35, v35;
	v33 =	vadd.f32 v59, v40  }
0x2c5: {  	v32 =	vmul.f32 v32, v32;
	v37 =	vadd.f32 v37, v41;
	v29 =	vadd.f32 v34, v29  }
0x2c6: {  	v58, _, _ =	vpop (xrf1);
	(xrf1) =	vsort.dscd.msk.f32 $0xffff, v42, v42;
	v27 =	vadd.f32 v35, v27;
	v26 =	vadd.f32 v26, v28  }
0x2c7: {  	v61 =	vmul.f32 v47, v47;
	v55 =	vsub.f32 v31, v24;
	v63 =	vsub.f32 v31, v20  }
0x2c8: {  	v60 =	vld [tilespmem:s16+$0x800];
	(xrf1) =	vsort.dscd.msk.f32 $0xffff, v38, v38;
	v35 =	vsub.f32 v31, v23;
	v31 =	vsub.f32 v31, v22  }
0x2c9: {  	(xrf1) =	vsort.ascd.msk.f32 $0xffff, v30, v30;
	v56 =	vsub.f32 v36, v16;
	v30 =	vsub.f32 v36, v21  }
0x2ca: {  	v43 =	vmul.f32 v43, v43;
	v33 =	vadd.f32 v44, v33;
	v52 =	vsub.f32 v36, v19  }
0x2cb: {  	v54 =	vld [tilespmem:s13+$0xFFFFFFF0];
	v53 =	vsub.f32 v36, v25;
	v37 =	vadd.f32 v61, v37  }
0x2cc: {  	v29 =	vadd.f32 v32, v29;
	v27 =	vadd.f32 v43, v27  }
0x2cd: {  	v39 =	vmin.f32 v48, v58;
	v57 =	vsub.f32 v60, v17;
	v58 =	vsub.f32 v60, v15  }
0x2ce: {  	v62 =	vsub.f32 v60, v18;
	v28 =	vmul.f32 v55, v55;
	v31 =	vmul.f32 v31, v31  }
0x2cf: {  	v59 =	vld [tilespmem:s13+$0xFFFFFBF0];
	v46 =	vsub.f32 v60, v14;
	v61 =	vmul.f32 v63, v63;
	v35 =	vmul.f32 v35, v35  }
0x2d0: {  	v60 =	vsub.f32 v54, v19;
	v38 =	vmul.f32 v56, v56;
	v30 =	vmul.f32 v30, v30  }
0x2d1: {  	(xrf1) =	vsort.dscd.msk.f32 $0xffff, v33, v33;
	v34 =	vmul.f32 v53, v53;
	v33 =	vmul.f32 v52, v52  }
0x2d2: {  	v40 =	vld [tilespmem:s13+$0x3F0];
	v44 =	vmul.f32 v57, v57;
	v45 =	vmul.f32 v58, v58;
	v28 =	vadd.f32 v38, v28  }
0x2d3: {  	v36 =	vsub.f32 v54, v16;
	v41 =	vmul.f32 v62, v62;
	v46 =	vmul.f32 v46, v46  }
0x2d4: {  	v49 =	vsub.f32 v59, v20;
	(xrf1) =	vsort.dscd.msk.f32 $0xffff, v37, v37;
	v62 =	vsub.f32 v59, v23  }
0x2d5: {  	v63 =	vsub.f32 v59, v24;
	v32 =	vmul.f32 v60, v60;
	v37, _, _ =	vpop (xrf1);
	(xrf1) =	vsort.ascd.msk.f32 $0xffff, v26, v26  }
0x2d6: {  	v55 =	vsub.f32 v59, v22;
	(xrf1) =	vsort.dscd.msk.f32 $0xffff, v29, v29;
	v26 =	vadd.f32 v45, v28;
	v28, _, _ =	vpop (xrf1)  }
0x2d7: {  	v56 =	vsub.f32 v40, v18;
	v29 =	vadd.f32 v33, v31;
	(xrf1) =	vsort.dscd.msk.f32 $0xffff, v39, v39;
	v31, _, _ =	vpop (xrf1)  }
0x2d8: {  	v58 =	vsub.f32 v54, v25;
	v59 =	vsub.f32 v54, v21;
	(xrf1) =	vsort.dscd.msk.f32 $0xffff, v27, v27;
	v47, _, _ =	vpop (xrf1)  }
0x2d9: {  	v51 =	vsub.f32 v40, v17;
	v52 =	vsub.f32 v40, v15;
	v36 =	vmul.f32 v36, v36;
	v57, _, _ =	vpop (xrf1)  }
0x2da: {  	v40 =	vsub.f32 v40, v14;
	v42 =	vmul.f32 v49, v49;
	v43 =	vmul.f32 v62, v62;
	v50, _, _ =	vpop (xrf1)  }
0x2db: {  	v34 =	vadd.f32 v34, v61;
	v48 =	vmul.f32 v56, v56;
	v33 =	vmul.f32 v63, v63;
	v60, _, _ =	vpop (xrf1)  }
0x2dc: {  	v30 =	vadd.f32 v30, v35;
	v62 =	vmul.f32 v58, v58;
	v54 =	vmul.f32 v52, v52;
	v61, _, _ =	vpop (xrf1)  }
0x2dd: {  	v45 =	vmul.f32 v55, v55;
	v34 =	vadd.f32 v44, v34;
	v55 =	vmul.f32 v40, v40;
	v53, _, _ =	vpop (xrf1)  }
0x2de: {  	v30 =	vadd.f32 v41, v30;
	v27 =	vmul.f32 v59, v59;
	v31 =	vmin.f32 v37, v31;
	v37, _, _ =	vpop (xrf1)  }
0x2df: {  	v33 =	vadd.f32 v36, v33;
	v56 =	vmin.f32 v60, v61;
	v60 =	vadd.f32 v62, v42;
	v42 =	vld [tilespmem:s13+$0x400];
	v63, _, _ =	vpop (xrf1)  }
0x2e0: {  	v32 =	vadd.f32 v32, v45;
	(xrf1) =	vsort.ascd.msk.f32 $0xffff, v31, v31;
	v31 =	vmin.f32 v57, v63  }
0x2e1: {  	v27 =	vadd.f32 v27, v43;
	(xrf1) =	vsort.dscd.msk.f32 $0xffff, v31, v31;
	v31 =	vadd.f32 v54, v33  }
0x2e2: {  	v29 =	vadd.f32 v46, v29;
	v32 =	vadd.f32 v55, v32;
	v58, _, _ =	vpop (xrf1);
	(xrf1) =	vsort.ascd.msk.f32 $0xffff, v56, v56  }
0x2e3: {  	v27 =	vadd.f32 v48, v27;
	v57 =	vmul.f32 v51, v51;
	v59, _, _ =	vpop (xrf1);
	(xrf1) =	vsort.dscd.msk.f32 $0xffff, v31, v31;
	v31 =	vld [tilespmem:s13+$0x0]  }
0x2e4: {  	v61 =	vmin.f32 v47, v53;
	v28 =	vmin.f32 v28, v58;
	v62, _, _ =	vpop (xrf1);
	v49 =	vsub.f32 v42, v17  }
0x2e5: {  	v55 =	vld [tilespmem:s13+$0x10];
	v63 =	vadd.f32 v57, v60;
	v37 =	vmin.f32 v37, v62;
	v40, _, _ =	vpop (xrf1);
	(xrf1) =	vsort.ascd.msk.f32 $0xffff, v26, v26  }
0x2e6: {  	v36 =	vmin.f32 v50, v40;
	v44, _, _ =	vpop (xrf1);
	v39 =	vmul.f32 v49, v49;
	(xrf1) =	vsort.ascd.msk.f32 $0xffff, v61, v61  }
0x2e7: {  	v26 =	vld [tilespmem:s13+$0xFFFFFC00];
	v33 =	vmin.f32 v59, v44;
	(xrf1) =	vsort.dscd.msk.f32 $0xffff, v37, v37;
	v37 =	vsub.f32 v42, v18  }
0x2e8: {  	(xrf1) =	vsort.dscd.msk.f32 $0xffff, v28, v28;
	v28 =	vsub.f32 v31, v21;
	v43 =	vsub.f32 v31, v25  }
0x2e9: {  	(xrf1) =	vsort.ascd.msk.f32 $0xffff, v36, v36;
	v45 =	vsub.f32 v31, v19;
	v31 =	vsub.f32 v31, v16  }
0x2ea: {  	v37 =	vmul.f32 v37, v37;
	v25 =	vsub.f32 v55, v25;
	(xrf1) =	vsort.dscd.msk.f32 $0xffff, v63, v63  }
0x2eb: {  	v19 =	vsub.f32 v55, v19;
	v21 =	vsub.f32 v55, v21;
	(xrf1) =	vsort.ascd.msk.f32 $0xffff, v34, v34  }
0x2ec: {  	v16 =	vsub.f32 v55, v16;
	v46 =	vsub.f32 v26, v20;
	(xrf1) =	vsort.dscd.msk.f32 $0xffff, v27, v27  }
0x2ed: {  	v47 =	vsub.f32 v26, v24;
	v36 =	vmul.f32 v43, v43;
	(xrf1) =	vsort.dscd.msk.f32 $0xffff, v33, v33  }
0x2ee: {  	v54 =	vsub.f32 v26, v23;
	v28 =	vmul.f32 v28, v28;
	v31 =	vmul.f32 v31, v31  }
0x2ef: {  	v51, _, _ =	vpop (xrf1);
	v63 =	vld [tilespmem:s13+$0x410];
	v35 =	vmul.f32 v45, v45;
	v48 =	vmul.f32 v46, v46;
	(xrf1) =	vsort.ascd.msk.f32 $0xffff, v30, v30  }
0x2f0: {  	v26 =	vsub.f32 v26, v22;
	v25 =	vmul.f32 v25, v25;
	v50 =	vmul.f32 v47, v47;
	v52, _, _ =	vpop (xrf1)  }
0x2f1: {  	v21 =	vmul.f32 v21, v21;
	v27 =	vld [tilespmem:s13+$0xFFFFFC10];
	v58 =	vmul.f32 v54, v54;
	v34 =	vadd.f32 v36, v48;
	v53, _, _ =	vpop (xrf1)  }
0x2f2: {  	v16 =	vmul.f32 v16, v16;
	v30 =	vsub.f32 v42, v15;
	v31 =	vadd.f32 v31, v50;
	v56, _, _ =	vpop (xrf1)  }
0x2f3: {  	v28 =	vadd.f32 v28, v58;
	(xrf1) =	vsort.ascd.msk.f32 $0xffff, v29, v29;
	v29 =	vsub.f32 v42, v14;
	v57, _, _ =	vpop (xrf1)  }
0x2f4: {  	v19 =	vmul.f32 v19, v19;
	v15 =	vsub.f32 v63, v15;
	v18 =	vsub.f32 v63, v18;
	v59, _, _ =	vpop (xrf1)  }
0x2f5: {  	v26 =	vmul.f32 v26, v26;
	v17 =	vsub.f32 v63, v17;
	v34 =	vadd.f32 v39, v34;
	v60, _, _ =	vpop (xrf1)  }
0x2f6: {  	v30 =	vmul.f32 v30, v30;
	v28 =	vadd.f32 v37, v28;
	v24 =	vsub.f32 v27, v24;
	v62, _, _ =	vpop (xrf1)  }
0x2f7: {  	v29 =	vmul.f32 v29, v29;
	(xrf1) =	vsort.dscd.msk.f32 $0xffff, v32, v32;
	v61 =	vmin.f32 v51, v60;
	v44, _, _ =	vpop (xrf1)  }
0x2f8: {  	v22 =	vsub.f32 v27, v22;
	v23 =	vsub.f32 v27, v23;
	(xrf1) =	vsort.ascd.msk.f32 $0xffff, v61, v61;
	v45, _, _ =	vpop (xrf1)  }
0x2f9: {  	v20 =	vsub.f32 v27, v20;
	v32 =	vmin.f32 v57, v56;
	(xrf1) =	vsort.ascd.msk.f32 $0xffff, v34, v34;
	v46, _, _ =	vpop (xrf1)  }
0x2fa: {  	v17 =	vmul.f32 v17, v17;
	v36 =	vmin.f32 v59, v62;
	(xrf1) =	vsort.dscd.msk.f32 $0xffff, v32, v32;
	v48, _, _ =	vpop (xrf1)  }
0x2fb: {  	v18 =	vmul.f32 v18, v18;
	v38 =	vmin.f32 v53, v52;
	(xrf1) =	vsort.ascd.msk.f32 $0xffff, v36, v36;
	v27, _, _ =	vpop (xrf1)  }
0x2fc: {  	v23 =	vmul.f32 v23, v23;
	(xrf1) =	vsort.ascd.msk.f32 $0xffff, v28, v28;
	v27 =	vmin.f32 v44, v27  }
0x2fd: {  	v24 =	vmul.f32 v24, v24;
	v20 =	vmul.f32 v20, v20;
	v28, _, _ =	vpop (xrf1);
	(xrf1) =	vsort.ascd.msk.f32 $0xffff, v27, v27  }
0x2fe: {  	v21 =	vadd.f32 v21, v23;
	v27 =	vmin.f32 v28, v48;
	(xrf1) =	vsort.ascd.msk.f32 $0xffff, v38, v38  }
0x2ff: {  	v47 =	vmin.f32 v46, v45;
	v28 =	vadd.f32 v30, v31;
	(xrf1) =	vsort.dscd.msk.f32 $0xffff, v27, v27  }
0x300: {  	v23 =	vadd.f32 v35, v26;
	v18 =	vadd.f32 v18, v21;
	(xrf1) =	vsort.dscd.msk.f32 $0xffff, v47, v47  }
0x301: {  	v20 =	vadd.f32 v25, v20;
	v16 =	vadd.f32 v16, v24;
	(xrf1) =	vsort.ascd.msk.f32 $0xffff, v28, v28  }
0x302: {  	v15 =	vmul.f32 v15, v15;
	(xrf1) =	vsort.dscd.msk.f32 $0xffff, v18, v18;
	v18 =	vadd.f32 v29, v23  }
0x303: {  	v14 =	vsub.f32 v63, v14;
	v22 =	vmul.f32 v22, v22;
	v17 =	vadd.f32 v17, v20  }
0x304: {  	v15 =	vadd.f32 v15, v16  }
0x305: {  	v14 =	vmul.f32 v14, v14;
	v16, _, _ =	vpop (xrf1);
	(xrf1) =	vsort.dscd.msk.f32 $0xffff, v17, v17;
	v17 =	vadd.f32 v19, v22  }
0x306: {  	(xrf1) =	vsort.ascd.msk.f32 $0xffff, v18, v18;
	v18, _, _ =	vpop (xrf1)  }
0x307: {  	v14 =	vadd.f32 v14, v17;
	v16 =	vmin.f32 v16, v18  }
0x308: {  	(xrf1) =	vsort.dscd.msk.f32 $0xffff, v15, v15;
	v15, _, _ =	vpop (xrf1)  }
0x309: {  	v17, _, _ =	vpop (xrf1)  }
0x30a: {  	(xrf1) =	vsort.dscd.msk.f32 $0xffff, v16, v16;
	v16, _, _ =	vpop (xrf1)  }
0x30b: {  	(xrf1) =	vsort.dscd.msk.f32 $0xffff, v14, v14;
	v14, _, _ =	vpop (xrf1)  }
0x30c: {  	v18, _, _ =	vpop (xrf1)  }
0x30d: {  	v19, _, _ =	vpop (xrf1)  }
0x30e: {  	v20, _, _ =	vpop (xrf1)  }
0x30f: {  	v21, _, _ =	vpop (xrf1)  }
0x310: {  	v22, _, _ =	vpop (xrf1)  }
0x311: {  	v23, _, _ =	vpop (xrf1)  }
0x312: {  	v15 =	vmin.f32 v15, v16;
	v24, _, _ =	vpop (xrf1)  }
0x313: {  	(xrf1) =	vsort.ascd.msk.f32 $0xffff, v15, v15;
	v15 =	vmin.f32 v18, v24  }
0x314: {  	(xrf1) =	vsort.dscd.msk.f32 $0xffff, v15, v15;
	v15 =	vmin.f32 v20, v21  }
0x315: {  	v16, _, _ =	vpop (xrf1);
	(xrf1) =	vsort.ascd.msk.f32 $0xffff, v15, v15  }
0x316: {  	v14 =	vmin.f32 v14, v22;
	v18, _, _ =	vpop (xrf1)  }
0x317: {  	(xrf1) =	vsort.ascd.msk.f32 $0xffff, v14, v14;
	v14 =	vmin.f32 v17, v16;
	v15, _, _ =	vpop (xrf1)  }
0x318: {  	v15 =	vmin.f32 v23, v15  }
0x319: {  	v16, _, _ =	vpop (xrf1);
	(xrf1) =	vsort.dscd.msk.f32 $0xffff, v15, v15  }
0x31a: {  	v15 =	vmin.f32 v19, v16;
	(xrf1) =	vsort.dscd.msk.f32 $0xffff, v14, v14;
	v14, _, _ =	vpop (xrf1)  }
0x31b: {  	s29 =	simm.s32 $0x420;
	(xrf1) =	vsort.ascd.msk.f32 $0xffff, v15, v15;
	v14 =	vmin.f32 v18, v14  }
0x31c: {  	v31 =	vld [tilespmem:s29+$0xFFFFFBF0];
	(xrf1) =	vsort.dscd.msk.f32 $0xffff, v14, v14;
	_ =	sdelay $0x1  }
0x31d: {  	s14 =	simm.s32 $0x0;
	v51 =	vld [tilespmem:s29+$0xFFFFFFF0]  }
0x31e: {  	s14 =	sand.u32 $0x3C0, s14;
	v25 =	vbroadcast v4, $0xC;
	v27 =	vld [tilespmem:s29+$0xFFFFFBE0]  }
0x31f: {  	v28 =	vld [tilespmem:s14+$0x400]  }
0x320: {  	v29 =	vld [tilespmem:s14+$0x800];
	v56 =	vsub.f32 v31, v25;
	v22 =	vbroadcast v3, $0xE;
	v14, _, _ =	vpop (xrf1)  }
0x321: {  	v54 =	vld [tilespmem:s29+$0x3F0];
	v24 =	vbroadcast v4, $0xE;
	v15, _, _ =	vpop (xrf1)  }
0x322: {  	v39 =	vmul.f32 v56, v56;
	v34 =	vsub.f32 v51, v22;
	v20 =	vbroadcast v3, $0xD;
	v16, _, _ =	vpop (xrf1)  }
0x323: {  	v53 =	vsub.f32 v27, v24;
	v26 =	vmin.f32 v16, v15;
	v16 =	vbroadcast v5, $0xC  }
0x324: {  	v45 =	vld [tilespmem:s29+$0x0];
	v34 =	vmul.f32 v34, v34;
	v17 =	vbroadcast v3, $0xC;
	v52 =	vsub.f32 v28, v20  }
0x325: {  	v55 =	vsub.f32 v51, v20;
	v36 =	vmul.f32 v53, v53;
	v18, _, _ =	vpop (xrf1);
	v30 =	vsub.f32 v29, v16  }
0x326: {  	v35 =	vmul.f32 v52, v52;
	v57 =	vsub.f32 v51, v17;
	v59 =	vsub.f32 v54, v16;
	v19, _, _ =	vpop (xrf1)  }
0x327: {  	v38 =	vmul.f32 v55, v55;
	v15, _, _ =	vpop (xrf1);
	v14 =	vmin.f32 v14, v19;
	v30 =	vmul.f32 v30, v30  }
0x328: {  	v23 =	vbroadcast v4, $0xD;
	v61 =	vmul.f32 v59, v59;
	v19, _, _ =	vpop (xrf1);
	v18 =	vmin.f32 v18, v15;
	(xrf1) =	vsort.ascd.msk.f32 $0xffff, v14, v14  }
0x329: {  	v47 =	vsub.f32 v45, v17;
	v15 =	vbroadcast v5, $0xD;
	v21, _, _ =	vpop (xrf1);
	(xrf1) =	vsort.ascd.msk.f32 $0xffff, v18, v18;
	v18 =	vbroadcast v5, $0xF  }
0x32a: {  	v14 =	vmin.f32 v19, v21;
	v19 =	vbroadcast v5, $0xE;
	v5 =	vsub.f32 v27, v25  }
0x32b: {  	v21 =	vbroadcast v4, $0xF;
	v4 =	vsub.f32 v28, v17;
	v44 =	vsub.f32 v54, v15  }
0x32c: {  	(xrf1) =	vsort.ascd.msk.f32 $0xffff, v14, v14;
	v14 =	vsub.f32 v28, v22;
	v62 =	vsub.f32 v54, v18  }
0x32d: {  	(xrf1) =	vsort.ascd.msk.f32 $0xffff, v26, v26;
	v26 =	vbroadcast v3, $0xF;
	v3 =	vsub.f32 v29, v18;
	v49 =	vsub.f32 v29, v19  }
0x32e: {  	v4 =	vmul.f32 v4, v4;
	v50 =	vsub.f32 v27, v21;
	v29 =	vsub.f32 v29, v15  }
0x32f: {  	v5 =	vmul.f32 v5, v5;
	v27 =	vsub.f32 v27, v23;
	v58 =	vsub.f32 v54, v19  }
0x330: {  	v14 =	vmul.f32 v14, v14;
	v32 =	vmul.f32 v49, v49;
	v28 =	vsub.f32 v28, v26  }
0x331: {  	v29 =	vmul.f32 v29, v29;
	v4 =	vadd.f32 v4, v5;
	v5 =	vsub.f32 v31, v21  }
0x332: {  	v27 =	vmul.f32 v27, v27;
	v33 =	vmul.f32 v50, v50;
	v60 =	vsub.f32 v51, v26  }
0x333: {  	v49 =	vld [tilespmem:s29+$0xFFFFFC10];
	v14 =	vadd.f32 v14, v36;
	v28 =	vmul.f32 v28, v28;
	v4 =	vadd.f32 v30, v4  }
0x334: {  	v5 =	vmul.f32 v5, v5;
	v27 =	vadd.f32 v35, v27;
	v35 =	vmul.f32 v57, v57  }
0x335: {  	v30 =	vsub.f32 v31, v24;
	v31 =	vsub.f32 v31, v23;
	v63 =	vmul.f32 v60, v60  }
0x336: {  	v3 =	vmul.f32 v3, v3;
	v57 =	vld [tilespmem:s29+$0x10];
	v35 =	vadd.f32 v35, v39;
	v28 =	vadd.f32 v28, v33  }
0x337: {  	v40 =	vmul.f32 v58, v58;
	v5 =	vadd.f32 v63, v5;
	v27 =	vadd.f32 v29, v27  }
0x338: {  	v30 =	vmul.f32 v30, v30;
	v58 =	vsub.f32 v49, v25;
	v50 =	vsub.f32 v49, v24  }
0x339: {  	v31 =	vmul.f32 v31, v31;
	v35 =	vadd.f32 v61, v35;
	v3 =	vadd.f32 v3, v28  }
0x33a: {  	v28 =	vmul.f32 v62, v62;
	v30 =	vadd.f32 v34, v30;
	v62 =	vsub.f32 v49, v23  }
0x33b: {  	v33 =	vmul.f32 v47, v47;
	v34 =	vsub.f32 v49, v21;
	v51 =	vsub.f32 v57, v26  }
0x33c: {  	v53 =	vsub.f32 v57, v20;
	v41 =	vmul.f32 v50, v50;
	(xrf1) =	vsort.dscd.msk.f32 $0xffff, v35, v35  }
0x33d: {  	v5 =	vadd.f32 v28, v5;
	v28 =	vld [tilespmem:s29+$0xFFFFFC00];
	v29 =	vadd.f32 v40, v30;
	v34 =	vmul.f32 v34, v34  }
0x33e: {  	v30 =	vld [tilespmem:s29+$0x400];
	(xrf1) =	vsort.ascd.msk.f32 $0xffff, v4, v4;
	v4 =	vadd.f32 v38, v31;
	v31 =	vmul.f32 v44, v44  }
0x33f: {  	v42 =	vmul.f32 v51, v51;
	(xrf1) =	vsort.dscd.msk.f32 $0xffff, v5, v5;
	v5 =	vadd.f32 v32, v14  }
0x340: {  	v53 =	vmul.f32 v53, v53;
	v14 =	vsub.f32 v45, v26;
	v4 =	vadd.f32 v31, v4  }
0x341: {  	(xrf1) =	vsort.ascd.msk.f32 $0xffff, v3, v3;
	v3 =	vsub.f32 v45, v22;
	v31 =	vsub.f32 v45, v20  }
0x342: {  	v34 =	vadd.f32 v42, v34;
	(xrf1) =	vsort.dscd.msk.f32 $0xffff, v29, v29;
	v46 =	vsub.f32 v28, v21  }
0x343: {  	v48 =	vmul.f32 v14, v14;
	v29 =	vsub.f32 v28, v25;
	v54 =	vsub.f32 v30, v18  }
0x344: {  	s31 =	simm.s32 $0x460;
	(xrf1) =	vsort.ascd.msk.f32 $0xffff, v5, v5;
	v55 =	vsub.f32 v30, v15;
	v56 =	vsub.f32 v28, v24  }
0x345: {  	v45 =	vld [tilespmem:s31+$0xFFFFFBE0];
	v31 =	vmul.f32 v31, v31;
	v28 =	vsub.f32 v28, v23;
	(xrf1) =	vsort.ascd.msk.f32 $0xffff, v27, v27  }
0x346: {  	v27 =	vmul.f32 v3, v3;
	v5 =	vmul.f32 v46, v46;
	(xrf1) =	vsort.dscd.msk.f32 $0xffff, v4, v4  }
0x347: {  	v63 =	vld [tilespmem:s29+$0x410];
	v29 =	vmul.f32 v29, v29;
	v4 =	vsub.f32 v30, v16;
	v37 =	vmul.f32 v56, v56  }
0x348: {  	v30 =	vsub.f32 v30, v19;
	v36 =	vmul.f32 v55, v55;
	v60 =	vmul.f32 v54, v54  }
0x349: {  	v54 =	vsub.f32 v57, v22;
	v28 =	vmul.f32 v28, v28;
	v32 =	vadd.f32 v48, v5  }
0x34a: {  	v14, _, _ =	vpop (xrf1);
	v49 =	vsub.f32 v45, v24;
	v39 =	vmul.f32 v4, v4;
	v29 =	vadd.f32 v33, v29  }
0x34b: {  	v3, _, _ =	vpop (xrf1);
	v30 =	vmul.f32 v30, v30;
	v27 =	vadd.f32 v27, v37;
	v32 =	vadd.f32 v60, v32  }
0x34c: {  	v33 =	vmul.f32 v62, v62;
	v37 =	vsub.f32 v63, v18;
	v28 =	vadd.f32 v31, v28;
	v5, _, _ =	vpop (xrf1)  }
0x34d: {  	v27 =	vadd.f32 v30, v27;
	v4, _, _ =	vpop (xrf1);
	(xrf1) =	vsort.ascd.msk.f32 $0xffff, v32, v32;
	v32 =	vmul.f32 v54, v54  }
0x34e: {  	v40 =	vmul.f32 v58, v58;
	v29 =	vadd.f32 v39, v29;
	v33 =	vadd.f32 v53, v33;
	v59, _, _ =	vpop (xrf1)  }
0x34f: {  	v28 =	vadd.f32 v36, v28;
	v61, _, _ =	vpop (xrf1);
	v31 =	vadd.f32 v32, v41;
	v32 =	vmul.f32 v37, v37  }
0x350: {  	s30 =	simm.s32 $0x40;
	v37 =	vsub.f32 v45, v25;
	v35 =	vmin.f32 v61, v59;
	v52, _, _ =	vpop (xrf1);
	v61 =	vsub.f32 v63, v15  }
0x351: {  	s14 =	sand.u32 $0x3C0, s30;
	v30, _, _ =	vpop (xrf1);
	(xrf1) =	vsort.dscd.msk.f32 $0xffff, v35, v35;
	v35 =	vsub.f32 v57, v17;
	v57 =	vsub.f32 v63, v19  }
0x352: {  	v59 =	vld [tilespmem:s14+$0x400];
	v32 =	vadd.f32 v32, v34;
	v30 =	vmin.f32 v30, v52;
	v55, _, _ =	vpop (xrf1);
	(xrf1) =	vsort.ascd.msk.f32 $0xffff, v27, v27  }
0x353: {  	v27 =	vsub.f32 v63, v16;
	v54 =	vmul.f32 v61, v61;
	v56, _, _ =	vpop (xrf1);
	v52 =	vmul.f32 v57, v57  }
0x354: {  	v63 =	vld [tilespmem:s14+$0x800];
	v35 =	vmul.f32 v35, v35;
	v38 =	vmin.f32 v56, v55;
	v56 =	vsub.f32 v45, v21  }
0x355: {  	v37 =	vmul.f32 v37, v37;
	v58, _, _ =	vpop (xrf1);
	v45 =	vsub.f32 v45, v23;
	v31 =	vadd.f32 v52, v31  }
0x356: {  	v62, _, _ =	vpop (xrf1);
	(xrf1) =	vsort.dscd.msk.f32 $0xffff, v38, v38;
	v35 =	vadd.f32 v35, v40;
	v52 =	vadd.f32 v54, v33  }
0x357: {  	v39 =	vmin.f32 v58, v62;
	(xrf1) =	vsort.dscd.msk.f32 $0xffff, v30, v30;
	v30 =	vsub.f32 v59, v17  }
0x358: {  	v58 =	vsub.f32 v59, v26;
	(xrf1) =	vsort.ascd.msk.f32 $0xffff, v29, v29;
	v29 =	vsub.f32 v59, v22  }
0x359: {  	v27 =	vmul.f32 v27, v27;
	v60 =	vsub.f32 v63, v18;
	v61 =	vsub.f32 v63, v16  }
0x35a: {  	v62 =	vld [tilespmem:s31+$0xFFFFFBF0];
	v51 =	vmul.f32 v45, v45;
	v55 =	vsub.f32 v63, v19;
	v57 =	vsub.f32 v63, v15  }
0x35b: {  	v30 =	vmul.f32 v30, v30;
	(xrf1) =	vsort.dscd.msk.f32 $0xffff, v31, v31;
	v40 =	vmul.f32 v58, v58  }
0x35c: {  	v31 =	vsub.f32 v59, v20;
	v29 =	vmul.f32 v29, v29;
	v38 =	vmul.f32 v60, v60  }
0x35d: {  	v34 =	vld [tilespmem:s31+$0x3F0];
	v27 =	vadd.f32 v27, v35;
	v44 =	vmul.f32 v61, v61;
	v46 =	vmul.f32 v55, v55  }
0x35e: {  	v59 =	vld [tilespmem:s31+$0xFFFFFFF0];
	v60 =	vmul.f32 v57, v57;
	(xrf1) =	vsort.dscd.msk.f32 $0xffff, v32, v32;
	v31 =	vmul.f32 v31, v31  }
0x35f: {  	v30 =	vadd.f32 v30, v37;
	(xrf1) =	vsort.ascd.msk.f32 $0xffff, v28, v28;
	v63 =	vsub.f32 v62, v21  }
0x360: {  	(xrf1) =	vsort.dscd.msk.f32 $0xffff, v27, v27;
	v54 =	vsub.f32 v62, v25;
	v61 =	vsub.f32 v62, v23  }
0x361: {  	v27 =	vmul.f32 v56, v56;
	v28 =	vadd.f32 v44, v30;
	v30 =	vsub.f32 v62, v24  }
0x362: {  	v31 =	vadd.f32 v31, v51;
	v62 =	vsub.f32 v34, v19;
	(xrf1) =	vsort.dscd.msk.f32 $0xffff, v39, v39  }
0x363: {  	v45 =	vmul.f32 v63, v63;
	v53 =	vsub.f32 v59, v20;
	v41 =	vsub.f32 v59, v26  }
0x364: {  	v39, _, _ =	vpop (xrf1);
	v55 =	vsub.f32 v59, v17;
	v56 =	vsub.f32 v59, v22;
	v36 =	vmul.f32 v61, v61  }
0x365: {  	v47 =	vimm.f32 $+Inf;
	v27 =	vadd.f32 v40, v27;
	(xrf1) =	vsort.dscd.msk.f32 $0xffff, v52, v52;
	v59 =	vsub.f32 v34, v18;
	v63, _, _ =	vpop (xrf1)  }
0x366: {  	v61 =	vsub.f32 v34, v16;
	v35 =	vmul.f32 v54, v54;
	v30 =	vmul.f32 v30, v30;
	v57, _, _ =	vpop (xrf1)  }
0x367: {  	v34 =	vsub.f32 v34, v15;
	v37 =	vmul.f32 v62, v62;
	v33 =	vmul.f32 v53, v53;
	v58, _, _ =	vpop (xrf1)  }
0x368: {  	v31 =	vadd.f32 v60, v31;
	v44 =	vmul.f32 v56, v56;
	v43 =	vmul.f32 v55, v55;
	v60, _, _ =	vpop (xrf1)  }
0x369: {  	v27 =	vadd.f32 v38, v27;
	v53 =	vmul.f32 v61, v61;
	v34 =	vmul.f32 v34, v34;
	v52, _, _ =	vpop (xrf1)  }
0x36a: {  	v61 =	vld [tilespmem:s31+$0x0];
	v62 =	vmin.f32 v47, v63;
	v33 =	vadd.f32 v33, v36;
	v35 =	vadd.f32 v43, v35;
	v63, _, _ =	vpop (xrf1)  }
0x36b: {  	v38 =	vld [tilespmem:s31+$0xFFFFFC10];
	v30 =	vadd.f32 v44, v30;
	(xrf1) =	vsort.ascd.msk.f32 $0xffff, v62, v62;
	v36 =	vmin.f32 v57, v63  }
0x36c: {  	v35 =	vadd.f32 v53, v35;
	v32 =	vmin.f32 v47, v58;
	(xrf1) =	vsort.dscd.msk.f32 $0xffff, v36, v36  }
0x36d: {  	v54 =	vmul.f32 v41, v41;
	v56 =	vmul.f32 v59, v59;
	(xrf1) =	vsort.ascd.msk.f32 $0xffff, v32, v32  }
0x36e: {  	v30 =	vadd.f32 v37, v30;
	v33 =	vadd.f32 v34, v33;
	v55, _, _ =	vpop (xrf1);
	(xrf1) =	vsort.dscd.msk.f32 $0xffff, v35, v35  }
0x36f: {  	v58 =	vmul.f32 v49, v49;
	v48 =	vsub.f32 v61, v26;
	v51 =	vsub.f32 v61, v17;
	v57, _, _ =	vpop (xrf1)  }
0x370: {  	v42 =	vsub.f32 v38, v21;
	v59 =	vmin.f32 v47, v60;
	v60, _, _ =	vpop (xrf1);
	(xrf1) =	vsort.ascd.msk.f32 $0xffff, v28, v28  }
0x371: {  	v63 =	vld [tilespmem:s31+$0xFFFFFC00];
	v62 =	vmin.f32 v52, v60;
	v28 =	vadd.f32 v54, v45;
	(xrf1) =	vsort.ascd.msk.f32 $0xffff, v59, v59  }
0x372: {  	v29 =	vadd.f32 v29, v58;
	v40 =	vmin.f32 v39, v55;
	v43, _, _ =	vpop (xrf1);
	(xrf1) =	vsort.dscd.msk.f32 $0xffff, v62, v62  }
0x373: {  	v44 =	vmin.f32 v47, v43;
	v28 =	vadd.f32 v56, v28;
	(xrf1) =	vsort.dscd.msk.f32 $0xffff, v40, v40  }
0x374: {  	v29 =	vadd.f32 v46, v29;
	v36 =	vmul.f32 v48, v48;
	(xrf1) =	vsort.ascd.msk.f32 $0xffff, v44, v44  }
0x375: {  	v39 =	vmul.f32 v51, v51;
	v45 =	vld [tilespmem:s31+$0x400];
	v46, _, _ =	vpop (xrf1);
	v47 =	vsub.f32 v61, v22;
	(xrf1) =	vsort.dscd.msk.f32 $0xffff, v28, v28  }
0x376: {  	v49 =	vsub.f32 v63, v21;
	v32 =	vmin.f32 v57, v46;
	(xrf1) =	vsort.ascd.msk.f32 $0xffff, v27, v27  }
0x377: {  	v50 =	vsub.f32 v63, v25;
	v57 =	vsub.f32 v63, v24;
	(xrf1) =	vsort.dscd.msk.f32 $0xffff, v30, v30  }
0x378: {  	v46 =	vsub.f32 v38, v25;
	v48 =	vsub.f32 v63, v23;
	(xrf1) =	vsort.dscd.msk.f32 $0xffff, v32, v32  }
0x379: {  	v62 =	vsub.f32 v38, v23;
	v37 =	vmul.f32 v50, v50;
	v60 =	vmul.f32 v57, v57;
	v57 =	vld [tilespmem:s31+$0x410];
	v52, _, _ =	vpop (xrf1)  }
0x37a: {  	v28 =	vsub.f32 v61, v20;
	v53 =	vsub.f32 v45, v18;
	(xrf1) =	vsort.ascd.msk.f32 $0xffff, v29, v29;
	v54, _, _ =	vpop (xrf1)  }
0x37b: {  	v55 =	vsub.f32 v45, v15;
	v27 =	vmul.f32 v49, v49;
	(xrf1) =	vsort.ascd.msk.f32 $0xffff, v31, v31;
	v56, _, _ =	vpop (xrf1)  }
0x37c: {  	v34 =	vadd.f32 v39, v37;
	v30 =	vmul.f32 v47, v47;
	v58, _, _ =	vpop (xrf1);
	(xrf1) =	vsort.dscd.msk.f32 $0xffff, v33, v33  }
0x37d: {  	v36 =	vadd.f32 v36, v27;
	v29 =	vmul.f32 v28, v28;
	v28 =	vsub.f32 v45, v19  }
0x37e: {  	v27 =	vsub.f32 v45, v16;
	v44 =	vsub.f32 v57, v15;
	v59, _, _ =	vpop (xrf1)  }
0x37f: {  	v37 =	vadd.f32 v30, v60;
	v63 =	vmul.f32 v28, v28;
	v28 =	vmul.f32 v53, v53;
	v33 =	vld [tilespmem:s31+$0x10];
	v61, _, _ =	vpop (xrf1)  }
0x380: {  	v45 =	vsub.f32 v57, v19;
	v31 =	vmul.f32 v27, v27;
	v27 =	vmul.f32 v55, v55;
	v53, _, _ =	vpop (xrf1)  }
0x381: {  	v50 =	vmin.f32 v56, v54;
	v56 =	vadd.f32 v28, v36;
	v30 =	vmin.f32 v52, v53;
	v54, _, _ =	vpop (xrf1)  }
0x382: {  	v55 =	vsub.f32 v38, v24;
	v41 =	vmin.f32 v59, v58;
	v58, _, _ =	vpop (xrf1);
	(xrf1) =	vsort.ascd.msk.f32 $0xffff, v30, v30  }
0x383: {  	v28 =	vmul.f32 v62, v62;
	v37 =	vadd.f32 v63, v37;
	v60, _, _ =	vpop (xrf1);
	(xrf1) =	vsort.ascd.msk.f32 $0xffff, v56, v56  }
0x384: {  	v32 =	vmin.f32 v61, v54;
	v59 =	vsub.f32 v33, v26;
	(xrf1) =	vsort.dscd.msk.f32 $0xffff, v41, v41;
	v61, _, _ =	vpop (xrf1)  }
0x385: {  	v30 =	vmul.f32 v46, v46;
	v36 =	vsub.f32 v33, v20;
	v43, _, _ =	vpop (xrf1);
	(xrf1) =	vsort.ascd.msk.f32 $0xffff, v32, v32  }
0x386: {  	v40 =	vsub.f32 v33, v22;
	v35 =	vsub.f32 v33, v17;
	(xrf1) =	vsort.ascd.msk.f32 $0xffff, v37, v37;
	v62, _, _ =	vpop (xrf1)  }
0x387: {  	s13 =	simm.s32 $0x4A0;
	s14 =	simm.s32 $0x80;
	v33 =	vsub.f32 v57, v16;
	v46 =	vmul.f32 v48, v48;
	v63 =	vmin.f32 v58, v62  }
0x388: {  	s16 =	sand.u32 $0x3C0, s14;
	v48 =	vsub.f32 v57, v18;
	v41 =	vmul.f32 v55, v55;
	v32 =	vld [tilespmem:s13+$0xFFFFFBE0];
	v47, _, _ =	vpop (xrf1);
	(xrf1) =	vsort.ascd.msk.f32 $0xffff, v63, v63  }
0x389: {  	s15 =	simm.s32 $0x4;
	v38 =	vmul.f32 v59, v59;
	v39 =	vmin.f32 v61, v60;
	v37 =	vld [tilespmem:s16+$0x400];
	v49, _, _ =	vpop (xrf1);
	(xrf1) =	vsort.ascd.msk.f32 $0xffff, v50, v50  }
.LBB2_9:
0x38a: {  	s15 =	sadd.s32 $0x2, s15;
	v50 =	vld [tilespmem:s16+$0x800];
	v43 =	vmin.f32 v47, v43;
	v31 =	vadd.f32 v31, v34;
	v34 =	vmul.f32 v40, v40;
	v40, _, _ =	vpop (xrf1)  }
0x38b: {  	v42 =	vmul.f32 v42, v42;
	p0 =	slt.u32 s15, $0x1E;
	v40 =	vmin.f32 v49, v40;
	(xrf1) =	vsort.dscd.msk.f32 $0xffff, v43, v43  }
0x38c: {  	v29 =	vadd.f32 v29, v46;
	v34 =	vadd.f32 v34, v41;
	v41 =	vmul.f32 v48, v48  }
0x38d: {  	v45 =	vmul.f32 v45, v45;
	v43 =	vsub.f32 v32, v25;
	(xrf1) =	vsort.dscd.msk.f32 $0xffff, v39, v39  }
0x38e: {  	v36 =	vmul.f32 v36, v36;
	v39 =	vsub.f32 v37, v17;
	(xrf1) =	vsort.ascd.msk.f32 $0xffff, v31, v31  }
0x38f: {  	v44 =	vmul.f32 v44, v44;
	v46 =	vsub.f32 v37, v22;
	v34 =	vadd.f32 v45, v34;
	v31 =	vld [tilespmem:s13+$0xFFFFFBF0]  }
0x390: {  	v35 =	vmul.f32 v35, v35;
	v45 =	vsub.f32 v50, v18;
	v39 =	vmul.f32 v39, v39;
	v47, _, _ =	vpop (xrf1)  }
0x391: {  	v38 =	vadd.f32 v38, v42;
	v48 =	vsub.f32 v50, v16;
	v46 =	vmul.f32 v46, v46;
	v42, _, _ =	vpop (xrf1)  }
0x392: {  	v51 =	vsub.f32 v32, v21;
	v49 =	vsub.f32 v50, v19;
	v45 =	vmul.f32 v45, v45;
	v52, _, _ =	vpop (xrf1)  }
0x393: {  	v50 =	vsub.f32 v50, v15;
	v48 =	vmul.f32 v48, v48;
	(xrf1) =	vsort.dscd.msk.f32 $0xffff, v34, v34;
	v34, _, _ =	vpop (xrf1)  }
0x394: {  	v30 =	vadd.f32 v35, v30;
	v54 =	vsub.f32 v37, v20;
	v49 =	vmul.f32 v49, v49;
	v53 =	vld [tilespmem:s13+$0xFFFFFFF0];
	v35, _, _ =	vpop (xrf1)  }
0x395: {  	v33 =	vmul.f32 v33, v33;
	v28 =	vadd.f32 v36, v28;
	v37 =	vsub.f32 v37, v26  }
0x396: {  	v36 =	vmul.f32 v50, v50;
	v50 =	vsub.f32 v32, v24;
	v55 =	vsub.f32 v31, v21;
	v56, _, _ =	vpop (xrf1)  }
0x397: {  	v27 =	vadd.f32 v27, v29;
	v37 =	vmul.f32 v37, v37;
	v32 =	vsub.f32 v32, v23;
	v29, _, _ =	vpop (xrf1)  }
0x398: {  	v38 =	vadd.f32 v41, v38;
	v43 =	vmul.f32 v43, v43;
	v54 =	vmul.f32 v54, v54  }
0x399: {  	v30 =	vadd.f32 v33, v30;
	v32 =	vmul.f32 v32, v32;
	v55 =	vmul.f32 v55, v55;
	v41 =	vld [tilespmem:s13+$0x3F0];
	v33, _, _ =	vpop (xrf1)  }
0x39a: {  	v28 =	vadd.f32 v44, v28;
	v39 =	vadd.f32 v39, v43;
	(xrf1) =	vsort.dscd.msk.f32 $0xffff, v38, v38  }
0x39b: {  	v43 =	vmul.f32 v51, v51;
	v38 =	vsub.f32 v53, v20;
	v44, _, _ =	vpop (xrf1);
	(xrf1) =	vsort.ascd.msk.f32 $0xffff, v27, v27  }
0x39c: {  	v27 =	vadd.f32 v48, v39;
	v39 =	vsub.f32 v31, v24;
	v48, _, _ =	vpop (xrf1);
	(xrf1) =	vsort.dscd.msk.f32 $0xffff, v30, v30  }
0x39d: {  	v32 =	vadd.f32 v54, v32;
	v30 =	vsub.f32 v31, v25;
	v38 =	vmul.f32 v38, v38  }
0x39e: {  	v31 =	vsub.f32 v31, v23;
	v39 =	vmul.f32 v39, v39;
	v51 =	vsub.f32 v41, v19  }
0x39f: {  	v32 =	vadd.f32 v36, v32;
	v36 =	vsub.f32 v53, v26;
	(xrf1) =	vsort.dscd.msk.f32 $0xffff, v40, v40  }
0x3a0: {  	v31 =	vmul.f32 v31, v31;
	v40 =	vsub.f32 v53, v17;
	v53 =	vsub.f32 v53, v22  }
0x3a1: {  	v37 =	vadd.f32 v37, v43;
	v43 =	vsub.f32 v41, v18;
	(xrf1) =	vsort.dscd.msk.f32 $0xffff, v28, v28;
	v28, _, _ =	vpop (xrf1)  }
0x3a2: {  	v54 =	vsub.f32 v41, v16;
	v51 =	vmul.f32 v51, v51;
	v53 =	vmul.f32 v53, v53  }
0x3a3: {  	v37 =	vadd.f32 v45, v37;
	v45 =	vmin.f32 v47, v52;
	v30 =	vmul.f32 v30, v30  }
0x3a4: {  	v36 =	vmul.f32 v36, v36;
	v31 =	vadd.f32 v38, v31;
	v40 =	vmul.f32 v40, v40  }
0x3a5: {  	v38 =	vsub.f32 v41, v15;
	v39 =	vadd.f32 v53, v39;
	(xrf1) =	vsort.ascd.msk.f32 $0xffff, v45, v45  }
0x3a6: {  	v28 =	vmin.f32 v35, v28;
	v30 =	vadd.f32 v40, v30;
	v40 =	vmul.f32 v54, v54  }
0x3a7: {  	v35 =	vmul.f32 v38, v38;
	v38 =	vmul.f32 v43, v43;
	(xrf1) =	vsort.dscd.msk.f32 $0xffff, v28, v28  }
0x3a8: {  	v28 =	vadd.f32 v40, v30;
	v30 =	vadd.f32 v51, v39;
	v39 =	vmin.f32 v29, v33;
	v33, _, _ =	vpop (xrf1)  }
0x3a9: {  	v35 =	vadd.f32 v35, v31;
	v31 =	vadd.f32 v36, v55;
	(xrf1) =	vsort.ascd.msk.f32 $0xffff, v39, v39;
	v29, _, _ =	vpop (xrf1)  }
0x3aa: {  	v36 =	vmul.f32 v50, v50;
	(xrf1) =	vsort.dscd.msk.f32 $0xffff, v28, v28;
	v28 =	vmin.f32 v34, v44;
	v34, _, _ =	vpop (xrf1)  }
0x3ab: {  	v31 =	vadd.f32 v38, v31;
	v38 =	vld [tilespmem:s13+$0x0];
	(xrf1) =	vsort.ascd.msk.f32 $0xffff, v27, v27;
	v27 =	vmin.f32 v48, v34  }
0x3ac: {  	v33 =	vmin.f32 v42, v33;
	v34 =	vadd.f32 v46, v36;
	v36 =	vld [tilespmem:s13+$0xFFFFFC00];
	(xrf1) =	vsort.ascd.msk.f32 $0xffff, v28, v28  }
0x3ad: {  	v28, _, _ =	vpop (xrf1);
	(xrf1) =	vsort.dscd.msk.f32 $0xffff, v27, v27  }
0x3ae: {  	v27 =	vadd.f32 v49, v34;
	v34 =	vld [tilespmem:s13+$0x400];
	v39 =	vmin.f32 v56, v28;
	(xrf1) =	vsort.dscd.msk.f32 $0xffff, v33, v33  }
0x3af: {  	(xrf1) =	vsort.ascd.msk.f32 $0xffff, v39, v39;
	v28, _, _ =	vpop (xrf1)  }
0x3b0: {  	v33 =	vsub.f32 v38, v22;
	v39 =	vsub.f32 v38, v26;
	(xrf1) =	vsort.dscd.msk.f32 $0xffff, v31, v31  }
0x3b1: {  	v31 =	vsub.f32 v38, v20;
	v28 =	vmin.f32 v29, v28;
	v40 =	vsub.f32 v36, v21  }
0x3b2: {  	v38 =	vsub.f32 v38, v17;
	v29 =	vsub.f32 v36, v25;
	(xrf1) =	vsort.ascd.msk.f32 $0xffff, v37, v37  }
0x3b3: {  	v41 =	vmul.f32 v39, v39;
	v37 =	vmul.f32 v40, v40;
	(xrf1) =	vsort.dscd.msk.f32 $0xffff, v30, v30;
	v30, _, _ =	vpop (xrf1)  }
0x3b4: {  	v33 =	vmul.f32 v33, v33;
	v40 =	vsub.f32 v34, v18;
	v42 =	vld [tilespmem:s13+$0xFFFFFC10];
	(xrf1) =	vsort.dscd.msk.f32 $0xffff, v28, v28  }
0x3b5: {  	v28 =	vmul.f32 v29, v29;
	v37 =	vadd.f32 v41, v37;
	(xrf1) =	vsort.ascd.msk.f32 $0xffff, v27, v27;
	v39, _, _ =	vpop (xrf1)  }
0x3b6: {  	v38 =	vmul.f32 v38, v38;
	v27 =	vsub.f32 v34, v16;
	(xrf1) =	vsort.ascd.msk.f32 $0xffff, v32, v32  }
0x3b7: {  	v43 =	vsub.f32 v34, v19;
	v29 =	vmul.f32 v31, v31;
	v41 =	vsub.f32 v34, v15;
	v32 =	vld [tilespmem:s13+$0x10];
	v44, _, _ =	vpop (xrf1)  }
0x3b8: {  	v45 =	vsub.f32 v36, v24;
	v31 =	vmul.f32 v27, v27;
	v46, _, _ =	vpop (xrf1);
	(xrf1) =	vsort.dscd.msk.f32 $0xffff, v35, v35  }
0x3b9: {  	v48 =	vsub.f32 v36, v23;
	v27 =	vmul.f32 v41, v41;
	v35 =	vsub.f32 v42, v25;
	v36, _, _ =	vpop (xrf1)  }
0x3ba: {  	v45 =	vmul.f32 v45, v45;
	v34 =	vadd.f32 v38, v28;
	v50 =	vmin.f32 v44, v39;
	v38, _, _ =	vpop (xrf1)  }
0x3bb: {  	v40 =	vmul.f32 v40, v40;
	v41 =	vmul.f32 v43, v43;
	v49 =	vsub.f32 v42, v23;
	v43, _, _ =	vpop (xrf1)  }
0x3bc: {  	v33 =	vadd.f32 v33, v45;
	v44 =	vmin.f32 v36, v46;
	v30 =	vmin.f32 v30, v43;
	v28, _, _ =	vpop (xrf1)  }
0x3bd: {  	v37 =	vadd.f32 v40, v37;
	v45 =	vsub.f32 v42, v24;
	v51 =	vld [tilespmem:s13+$0x410];
	v38 =	vmin.f32 v38, v28;
	v46, _, _ =	vpop (xrf1)  }
0x3be: {  	v47 =	vsub.f32 v32, v26;
	v28 =	vmul.f32 v49, v49;
	v39, _, _ =	vpop (xrf1);
	(xrf1) =	vsort.ascd.msk.f32 $0xffff, v30, v30  }
0x3bf: {  	v36 =	vsub.f32 v32, v20;
	v30 =	vmul.f32 v35, v35;
	(xrf1) =	vsort.ascd.msk.f32 $0xffff, v37, v37  }
0x3c0: {  	v33 =	vadd.f32 v41, v33;
	v40 =	vsub.f32 v32, v22;
	(xrf1) =	vsort.dscd.msk.f32 $0xffff, v44, v44;
	v35, _, _ =	vpop (xrf1)  }
.Ltmp3:
0x3c1: {  	v39 =	vmin.f32 v35, v39;
	v35 =	vsub.f32 v32, v17;
	v43, _, _ =	vpop (xrf1);
	(xrf1) =	vsort.ascd.msk.f32 $0xffff, v38, v38;
	(pc) =	sbr.rel @p0 .LBB2_9-.Ltmp3, $4  }
0x3c2: {  	v42 =	vsub.f32 v42, v21;
	v41 =	vmul.f32 v45, v45;
	(xrf1) =	vsort.ascd.msk.f32 $0xffff, v33, v33;
	v32, _, _ =	vpop (xrf1)  }
0x3c3: {  	s14 =	sadd.s32 $0x40, s14;
	s13 =	sadd.s32 $0x40, s13;
	v38 =	vmul.f32 v47, v47;
	v33 =	vsub.f32 v51, v16;
	v47, _, _ =	vpop (xrf1);
	v37 =	vmin.f32 v46, v32  }
0x3c4: {  	s16 =	sand.u32 $0x3C0, s14;
	v45 =	vsub.f32 v51, v19;
	v46 =	vmul.f32 v48, v48;
	v32 =	vld [tilespmem:s13+$0xFFFFFBE0];
	v49, _, _ =	vpop (xrf1);
	(xrf1) =	vsort.ascd.msk.f32 $0xffff, v37, v37  }
0x3c5: {  	v44 =	vsub.f32 v51, v15;
	v48 =	vsub.f32 v51, v18;
	v37 =	vld [tilespmem:s16+$0x400];
	(xrf1) =	vsort.ascd.msk.f32 $0xffff, v50, v50  }
0x3c6: {  	v31 =	vadd.f32 v31, v34;
	v58 =	vmul.f32 v40, v40;
	v42 =	vmul.f32 v42, v42  }
0x3c7: {  	v29 =	vadd.f32 v29, v46;
	v36 =	vmul.f32 v36, v36;
	v35 =	vmul.f32 v35, v35  }
0x3c8: {  	v43 =	vmin.f32 v47, v43;
	v34 =	vadd.f32 v58, v41;
	v38 =	vadd.f32 v38, v42  }
0x3c9: {  	v45 =	vmul.f32 v45, v45;
	v30 =	vadd.f32 v35, v30;
	v28 =	vadd.f32 v36, v28  }
0x3ca: {  	v57, _, _ =	vpop (xrf1);
	v59 =	vld [tilespmem:s16+$0x800];
	v33 =	vmul.f32 v33, v33;
	v27 =	vadd.f32 v27, v29;
	v61 =	vsub.f32 v32, v25  }
0x3cb: {  	v40 =	vmin.f32 v49, v57;
	v63 =	vsub.f32 v32, v21;
	v36 =	vsub.f32 v32, v24  }
0x3cc: {  	v55 =	vld [tilespmem:s13+$0xFFFFFBF0];
	v60 =	vmul.f32 v48, v48;
	v56 =	vsub.f32 v32, v23;
	v51 =	vsub.f32 v37, v17  }
0x3cd: {  	v44 =	vmul.f32 v44, v44;
	v52 =	vsub.f32 v37, v22;
	v34 =	vadd.f32 v45, v34  }
0x3ce: {  	(xrf1) =	vsort.dscd.msk.f32 $0xffff, v43, v43;
	v38 =	vadd.f32 v60, v38;
	v30 =	vadd.f32 v33, v30  }
0x3cf: {  	(xrf1) =	vsort.dscd.msk.f32 $0xffff, v39, v39;
	v28 =	vadd.f32 v44, v28;
	v53 =	vsub.f32 v59, v18  }
0x3d0: {  	(xrf1) =	vsort.ascd.msk.f32 $0xffff, v31, v31;
	v54 =	vsub.f32 v59, v16;
	v62 =	vsub.f32 v59, v19  }
0x3d1: {  	v47 =	vsub.f32 v59, v15;
	v50 =	vsub.f32 v55, v21;
	v57 =	vmul.f32 v61, v61  }
0x3d2: {  	v32 =	vmul.f32 v56, v56;
	v59 =	vmul.f32 v63, v63;
	v60 =	vsub.f32 v55, v24  }
0x3d3: {  	v41 =	vld [tilespmem:s13+$0x3F0];
	v63 =	vsub.f32 v55, v25;
	v55 =	vsub.f32 v55, v23;
	v36 =	vmul.f32 v36, v36  }
0x3d4: {  	v39 =	vmul.f32 v51, v51;
	v31 =	vmul.f32 v52, v52;
	(xrf1) =	vsort.dscd.msk.f32 $0xffff, v34, v34  }
0x3d5: {  	v52 =	vsub.f32 v37, v20;
	v45 =	vmul.f32 v53, v53;
	v46 =	vmul.f32 v54, v54  }
0x3d6: {  	v42 =	vmul.f32 v62, v62;
	v53 =	vsub.f32 v37, v26;
	v47 =	vmul.f32 v47, v47  }
0x3d7: {  	v43 =	vmul.f32 v50, v50;
	(xrf1) =	vsort.dscd.msk.f32 $0xffff, v38, v38;
	v29 =	vadd.f32 v39, v57  }
0x3d8: {  	v54 =	vld [tilespmem:s13+$0xFFFFFFF0];
	v56 =	vsub.f32 v41, v19;
	v44 =	vmul.f32 v60, v60;
	v34 =	vmul.f32 v52, v52  }
0x3d9: {  	v38, _, _ =	vpop (xrf1);
	(xrf1) =	vsort.ascd.msk.f32 $0xffff, v27, v27;
	v52 =	vsub.f32 v41, v18;
	v31 =	vadd.f32 v31, v36  }
0x3da: {  	v35 =	vmul.f32 v53, v53;
	(xrf1) =	vsort.dscd.msk.f32 $0xffff, v30, v30;
	v53 =	vsub.f32 v41, v16  }
0x3db: {  	v49 =	vmul.f32 v56, v56;
	v41 =	vsub.f32 v41, v15;
	v27 =	vadd.f32 v46, v29;
	v29, _, _ =	vpop (xrf1)  }
0x3dc: {  	v61 =	vadd.f32 v34, v32;
	(xrf1) =	vsort.dscd.msk.f32 $0xffff, v40, v40;
	v46 =	vmul.f32 v55, v55;
	v62, _, _ =	vpop (xrf1)  }
0x3dd: {  	v31 =	vadd.f32 v42, v31;
	(xrf1) =	vsort.dscd.msk.f32 $0xffff, v28, v28;
	v58 =	vsub.f32 v54, v20;
	v48, _, _ =	vpop (xrf1)  }
0x3de: {  	v34 =	vmul.f32 v63, v63;
	v35 =	vadd.f32 v35, v59;
	v37 =	vsub.f32 v54, v17;
	v40, _, _ =	vpop (xrf1)  }
0x3df: {  	v57 =	vsub.f32 v54, v26;
	v33 =	vmul.f32 v58, v58;
	v58 =	vsub.f32 v54, v22;
	v51, _, _ =	vpop (xrf1)  }
0x3e0: {  	v30 =	vadd.f32 v47, v61;
	v35 =	vadd.f32 v45, v35;
	v37 =	vmul.f32 v37, v37;
	v59, _, _ =	vpop (xrf1)  }
0x3e1: {  	v32 =	vmin.f32 v38, v62;
	v62 =	vmul.f32 v57, v57;
	v60 =	vmul.f32 v58, v58;
	v61, _, _ =	vpop (xrf1)  }
0x3e2: {  	v57 =	vmul.f32 v52, v52;
	(xrf1) =	vsort.ascd.msk.f32 $0xffff, v32, v32;
	v33 =	vadd.f32 v33, v46;
	v54, _, _ =	vpop (xrf1)  }
0x3e3: {  	v34 =	vadd.f32 v37, v34;
	v28 =	vadd.f32 v60, v44;
	v44 =	vmul.f32 v53, v53;
	v60 =	vld [tilespmem:s13+$0x0];
	v38, _, _ =	vpop (xrf1)  }
0x3e4: {  	v53 =	vmul.f32 v41, v41;
	v56 =	vmin.f32 v59, v61;
	v61 =	vadd.f32 v62, v43;
	v43 =	vld [tilespmem:s13+$0x10];
	v63, _, _ =	vpop (xrf1)  }
0x3e5: {  	v55 =	vadd.f32 v44, v34;
	v28 =	vadd.f32 v49, v28;
	v47 =	vmin.f32 v40, v63  }
0x3e6: {  	v33 =	vadd.f32 v53, v33;
	v62 =	vmin.f32 v48, v54;
	v58, _, _ =	vpop (xrf1);
	(xrf1) =	vsort.dscd.msk.f32 $0xffff, v47, v47  }
0x3e7: {  	v45 =	vadd.f32 v57, v61;
	v29 =	vmin.f32 v29, v58;
	(xrf1) =	vsort.ascd.msk.f32 $0xffff, v56, v56  }
0x3e8: {  	v59, _, _ =	vpop (xrf1);
	v47 =	vld [tilespmem:s13+$0x400];
	v48 =	vsub.f32 v60, v22;
	v32 =	vsub.f32 v60, v17;
	(xrf1) =	vsort.dscd.msk.f32 $0xffff, v55, v55  }
0x3e9: {  	v49 =	vsub.f32 v60, v26;
	v63, _, _ =	vpop (xrf1);
	v42 =	vsub.f32 v43, v17;
	(xrf1) =	vsort.ascd.msk.f32 $0xffff, v27, v27  }
0x3ea: {  	v38 =	vmin.f32 v38, v63;
	v46, _, _ =	vpop (xrf1);
	v32 =	vmul.f32 v32, v32;
	(xrf1) =	vsort.ascd.msk.f32 $0xffff, v62, v62  }
0x3eb: {  	v37 =	vmin.f32 v51, v46;
	v50, _, _ =	vpop (xrf1);
	v51 =	vsub.f32 v60, v20;
	(xrf1) =	vsort.dscd.msk.f32 $0xffff, v38, v38  }
0x3ec: {  	v27 =	vld [tilespmem:s13+$0xFFFFFC00];
	v17 =	vmul.f32 v42, v42;
	v34 =	vmin.f32 v59, v50;
	(xrf1) =	vsort.dscd.msk.f32 $0xffff, v29, v29  }
0x3ed: {  	v55 =	vsub.f32 v47, v18;
	v58 =	vsub.f32 v47, v16;
	(xrf1) =	vsort.ascd.msk.f32 $0xffff, v37, v37  }
0x3ee: {  	v60 =	vsub.f32 v47, v15;
	v36 =	vmul.f32 v51, v51;
	(xrf1) =	vsort.dscd.msk.f32 $0xffff, v45, v45  }
0x3ef: {  	v38 =	vsub.f32 v47, v19;
	v29 =	vmul.f32 v48, v48;
	(xrf1) =	vsort.ascd.msk.f32 $0xffff, v35, v35  }
0x3f0: {  	v37 =	vmul.f32 v49, v49;
	v40 =	vmul.f32 v55, v55;
	(xrf1) =	vsort.dscd.msk.f32 $0xffff, v28, v28  }
0x3f1: {  	v52 =	vsub.f32 v27, v21;
	v62 =	vsub.f32 v27, v24;
	(xrf1) =	vsort.dscd.msk.f32 $0xffff, v34, v34  }
0x3f2: {  	v38 =	vmul.f32 v38, v38;
	v53 =	vsub.f32 v27, v25;
	v27 =	vsub.f32 v27, v23  }
0x3f3: {  	v57, _, _ =	vpop (xrf1);
	v54 =	vmul.f32 v52, v52;
	v28 =	vld [tilespmem:s13+$0xFFFFFC10];
	v50 =	vmul.f32 v62, v62;
	(xrf1) =	vsort.ascd.msk.f32 $0xffff, v31, v31  }
0x3f4: {  	v56 =	vmul.f32 v53, v53;
	v62 =	vsub.f32 v43, v22;
	v27 =	vmul.f32 v27, v27;
	v59, _, _ =	vpop (xrf1)  }
0x3f5: {  	v35 =	vadd.f32 v37, v54;
	v31 =	vmul.f32 v58, v58;
	v29 =	vadd.f32 v29, v50;
	v61, _, _ =	vpop (xrf1)  }
0x3f6: {  	v32 =	vadd.f32 v32, v56;
	v22 =	vmul.f32 v62, v62;
	(xrf1) =	vsort.ascd.msk.f32 $0xffff, v30, v30;
	v63, _, _ =	vpop (xrf1)  }
0x3f7: {  	v30 =	vmul.f32 v60, v60;
	v35 =	vadd.f32 v40, v35;
	v29 =	vadd.f32 v38, v29;
	v49, _, _ =	vpop (xrf1)  }
0x3f8: {  	(xrf1) =	vsort.dscd.msk.f32 $0xffff, v33, v33;
	v48 =	vsub.f32 v28, v25;
	v52 =	vsub.f32 v28, v23;
	v51, _, _ =	vpop (xrf1)  }
0x3f9: {  	v56 =	vsub.f32 v28, v24;
	v44 =	vsub.f32 v28, v21;
	v39 =	vmin.f32 v61, v59;
	v53, _, _ =	vpop (xrf1)  }
0x3fa: {  	v59 =	vsub.f32 v43, v26;
	v61 =	vsub.f32 v43, v20;
	v23 =	vmul.f32 v52, v52;
	v55, _, _ =	vpop (xrf1)  }
0x3fb: {  	v25 =	vmul.f32 v48, v48;
	v24 =	vmul.f32 v56, v56;
	v54 =	vmin.f32 v57, v53;
	v57 =	vld [tilespmem:s13+$0x410];
	v58, _, _ =	vpop (xrf1)  }
0x3fc: {  	v52 =	vadd.f32 v31, v32;
	v21 =	vmul.f32 v44, v44;
	(xrf1) =	vsort.ascd.msk.f32 $0xffff, v54, v54;
	v60, _, _ =	vpop (xrf1)  }
0x3fd: {  	v33 =	vmin.f32 v49, v63;
	v26 =	vmul.f32 v59, v59;
	(xrf1) =	vsort.ascd.msk.f32 $0xffff, v35, v35;
	v63, _, _ =	vpop (xrf1)  }
0x3fe: {  	v22 =	vadd.f32 v22, v24;
	v37 =	vmin.f32 v51, v55;
	(xrf1) =	vsort.dscd.msk.f32 $0xffff, v33, v33;
	v43, _, _ =	vpop (xrf1)  }
0x3ff: {  	v17 =	vadd.f32 v17, v25;
	v21 =	vadd.f32 v26, v21;
	(xrf1) =	vsort.ascd.msk.f32 $0xffff, v37, v37;
	v45, _, _ =	vpop (xrf1)  }
0x400: {  	(xrf1) =	vsort.ascd.msk.f32 $0xffff, v29, v29;
	v47 =	vsub.f32 v57, v19;
	v28 =	vmin.f32 v58, v45  }
0x401: {  	v38 =	vmin.f32 v63, v60;
	v50 =	vsub.f32 v57, v18;
	v48, _, _ =	vpop (xrf1);
	(xrf1) =	vsort.ascd.msk.f32 $0xffff, v28, v28  }
0x402: {  	v51 =	vmin.f32 v48, v43;
	v19 =	vmul.f32 v47, v47;
	(xrf1) =	vsort.ascd.msk.f32 $0xffff, v39, v39  }
0x403: {  	v46 =	vsub.f32 v57, v16;
	v18 =	vmul.f32 v50, v50;
	(xrf1) =	vsort.dscd.msk.f32 $0xffff, v51, v51  }
0x404: {  	v53 =	vadd.f32 v36, v27;
	v19 =	vadd.f32 v19, v22;
	(xrf1) =	vsort.dscd.msk.f32 $0xffff, v38, v38  }
0x405: {  	v16 =	vmul.f32 v46, v46;
	v18 =	vadd.f32 v18, v21;
	(xrf1) =	vsort.ascd.msk.f32 $0xffff, v52, v52  }
0x406: {  	v20 =	vmul.f32 v61, v61;
	v54 =	vadd.f32 v30, v53;
	(xrf1) =	vsort.dscd.msk.f32 $0xffff, v19, v19  }
0x407: {  	v49 =	vsub.f32 v57, v15;
	v16 =	vadd.f32 v16, v17;
	(xrf1) =	vsort.dscd.msk.f32 $0xffff, v18, v18  }
0x408: {  	v55, _, _ =	vpop (xrf1);
	(xrf1) =	vsort.ascd.msk.f32 $0xffff, v54, v54  }
0x409: {  	v56 =	vadd.f32 v20, v23;
	v15 =	vmul.f32 v49, v49;
	v57, _, _ =	vpop (xrf1);
	(xrf1) =	vsort.dscd.msk.f32 $0xffff, v16, v16  }
0x40a: {  	v17 =	vmin.f32 v55, v57;
	v58, _, _ =	vpop (xrf1)  }
0x40b: {  	v15 =	vadd.f32 v15, v56;
	v59, _, _ =	vpop (xrf1);
	(xrf1) =	vsort.dscd.msk.f32 $0xffff, v17, v17  }
0x40c: {  	v60, _, _ =	vpop (xrf1)  }
0x40d: {  	(xrf1) =	vsort.dscd.msk.f32 $0xffff, v15, v15;
	v61, _, _ =	vpop (xrf1)  }
0x40e: {  	v62, _, _ =	vpop (xrf1)  }
0x40f: {  	v63, _, _ =	vpop (xrf1)  }
0x410: {  	v28, _, _ =	vpop (xrf1)  }
0x411: {  	v29, _, _ =	vpop (xrf1)  }
0x412: {  	v30, _, _ =	vpop (xrf1)  }
0x413: {  	v31, _, _ =	vpop (xrf1)  }
0x414: {  	v16 =	vmin.f32 v58, v60;
	v32, _, _ =	vpop (xrf1)  }
0x415: {  	(xrf1) =	vsort.ascd.msk.f32 $0xffff, v16, v16;
	v33 =	vmin.f32 v62, v32;
	v34, _, _ =	vpop (xrf1)  }
0x416: {  	v35 =	vmin.f32 v28, v29;
	(xrf1) =	vsort.dscd.msk.f32 $0xffff, v33, v33;
	v36, _, _ =	vpop (xrf1)  }
0x417: {  	v15 =	vmin.f32 v61, v30;
	(xrf1) =	vsort.ascd.msk.f32 $0xffff, v35, v35;
	v37, _, _ =	vpop (xrf1)  }
0x418: {  	v16 =	vmin.f32 v31, v37;
	(xrf1) =	vsort.ascd.msk.f32 $0xffff, v15, v15  }
0x419: {  	v7 =	vsub.f32 $0.0e+00, v7;
	v39, _, _ =	vpop (xrf1);
	(xrf1) =	vsort.dscd.msk.f32 $0xffff, v16, v16  }
0x41a: {  	v38 =	vmin.f32 v59, v34  }
0x41b: {  	v42 =	vmul.f32 v7, v0;
	v40 =	vmin.f32 v63, v39;
	v41, _, _ =	vpop (xrf1);
	(xrf1) =	vsort.dscd.msk.f32 $0xffff, v38, v38  }
0x41c: {  	v15 =	vmin.f32 v36, v41;
	(xrf1) =	vsort.ascd.msk.f32 $0xffff, v40, v40  }
0x41d: {  	(xrf1) =	vsort.dscd.msk.f32 $0xffff, v15, v15;
	v15 =	vmul.f32 $1.442695020e+00, v42;
	_ =	sdelay $0x1  }
0x41e: {  	(erf) = vpow2.f32 v15;
	_ =	sdelay $0x3  }
0x41f: {  	v8 =	vsub.f32 $0.0e+00, v8;
	v44, _, _ =	vpop (xrf1)  }
0x420: {  	v9 =	vsub.f32 $0.0e+00, v9;
	v45, _, _ =	vpop (xrf1)  }
0x421: {  	v6 =	vsub.f32 $0.0e+00, v6;
	v43 =	vmul.f32 v8, v0;
	v47, _, _ =	vpop (xrf1)  }
0x422: {  	v46 =	vmul.f32 v9, v0;
	v48, _, _ =	vpop (xrf1)  }
0x423: {  	v51 =	vmul.f32 v6, v0;
	v15 =	vmul.f32 $1.442695020e+00, v43;
	v50, _, _ =	vpop (xrf1)  }
0x424: {  	v13 =	vsub.f32 $0.0e+00, v13;
	v49 =	vmul.f32 $1.442695020e+00, v46;
	v58 =	vpop (erf)  }
0x425: {  	v55 =	vmul.f32 $1.442695020e+00, v51;
	(erf) = vpow2.f32 v15;
	v52, _, _ =	vpop (xrf1);
	v53 =	vmin.f32 v44, v50  }
0x426: {  	v12 =	vsub.f32 $0.0e+00, v12;
	v56 =	vmul.f32 v13, v0;
	(erf) = vpow2.f32 v49;
	v54, _, _ =	vpop (xrf1);
	(xrf1) =	vsort.ascd.msk.f32 $0xffff, v53, v53  }
0x427: {  	(erf) = vpow2.f32 v55;
	v20 =	vmin.f32 v48, v52;
	v57, _, _ =	vpop (xrf1)  }
0x428: {  	v60 =	vmul.f32 v12, v0;
	v59 =	vmul.f32 $1.442695020e+00, v56;
	(xrf1) =	vsort.ascd.msk.f32 $0xffff, v20, v20;
	v15 =	vmin.f32 v54, v57  }
0x429: {  	(xrf1) =	vsort.ascd.msk.f32 $0xffff, v15, v15  }
0x42a: {  	v11 =	vsub.f32 $0.0e+00, v11;
	(erf) = vpow2.f32 v59;
	v15 =	vmul.f32 $1.442695020e+00, v60  }
0x42b: {  	v10 =	vsub.f32 $0.0e+00, v10  }
0x42c: {  	v63 =	vmul.f32 v11, v0;
	v61 =	vmin.f32 v47, v45;
	(erf) = vpow2.f32 v15  }
0x42d: {  	v5 =	vsub.f32 $0.0e+00, v5;
	v4 =	vsub.f32 $0.0e+00, v4;
	v23 =	vmul.f32 v10, v0;
	(xrf1) =	vsort.ascd.msk.f32 $0xffff, v61, v61  }
0x42e: {  	v3 =	vsub.f32 $0.0e+00, v3;
	v22 =	vmul.f32 $1.442695020e+00, v63;
	v7 =	vmul.f32 v58, v7;
	v62 =	vpop (erf)  }
0x42f: {  	v27 =	vmul.f32 $1.442695020e+00, v23;
	v29 =	vmul.f32 v5, v0;
	v20 =	vsub.f32 $0.0e+00, v14;
	v21 =	vpop (erf)  }
0x430: {  	v7 =	vnsel vm0, $0x0, v7;
	v8 =	vmul.f32 v62, v8;
	v26 =	vpop (erf);
	(erf) = vpow2.f32 v22  }
0x431: {  	v32 =	vmul.f32 $1.442695020e+00, v29;
	v2 =	vadd.f32 v7, v2;
	v25 =	vmul.f32 v20, v0  }
0x432: {  	v33 =	vmul.f32 v4, v0;
	v24 =	vmul.f32 v21, v9;
	v8 =	vnsel vm0, $0x0, v8  }
0x433: {  	v2 =	vadd.f32 v8, v2;
	v9 =	vmul.f32 $1.442695020e+00, v25;
	v28 =	vpop (erf);
	(erf) = vpow2.f32 v27  }
0x434: {  	v37 =	vmul.f32 $1.442695020e+00, v33;
	v8 =	vnsel vm0, $0x0, v24;
	v6 =	vmul.f32 v26, v6;
	v31, _, _ =	vpop (xrf1)  }
0x435: {  	v2 =	vadd.f32 v8, v2;
	v30 =	vmul.f32 v28, v13;
	(erf) = vpow2.f32 v9;
	v36 =	vpop (erf)  }
0x436: {  	v39 =	vmul.f32 v3, v0;
	v6 =	vnsel vm0, $0x0, v6;
	(erf) = vpow2.f32 v32;
	v34, _, _ =	vpop (xrf1)  }
0x437: {  	v2 =	vadd.f32 v6, v2;
	v35 =	vnsel vm0, $0x0, v30;
	v9 =	vsub.f32 $0.0e+00, v31;
	v38, _, _ =	vpop (xrf1)  }
0x438: {  	(erf) = vpow2.f32 v37;
	v8 =	vmul.f32 v36, v12;
	v40 =	vsub.f32 $0.0e+00, v38  }
0x439: {  	v2 =	vadd.f32 v35, v2;
	v12 =	vmul.f32 $1.442695020e+00, v39;
	v41 =	vpop (erf);
	v42 =	vmul.f32 v9, v0  }
0x43a: {  	v15 =	vsub.f32 $0.0e+00, v34;
	v44 =	vmul.f32 v41, v11;
	v45 =	vmul.f32 v40, v0  }
0x43b: {  	v8 =	vnsel vm0, $0x0, v8;
	(erf) = vpow2.f32 v12;
	v43, _, _ =	vpop (xrf1);
	v47 =	vmul.f32 $1.442695020e+00, v42  }
0x43c: {  	v46 =	vpop (erf);
	v2 =	vadd.f32 v8, v2;
	v48 =	vsub.f32 $0.0e+00, v43;
	v11 =	vmul.f32 $1.442695020e+00, v45  }
0x43d: {  	v10 =	vmul.f32 v46, v10;
	v8 =	vnsel vm0, $0x0, v44;
	(erf) = vpow2.f32 v47  }
0x43e: {  	v49 =	vpop (erf);
	v2 =	vadd.f32 v8, v2;
	v50 =	vmul.f32 v48, v0;
	(erf) = vpow2.f32 v11  }
0x43f: {  	v7 =	vmul.f32 v49, v20;
	v51 =	vnsel vm0, $0x0, v10  }
0x440: {  	v54 =	vmul.f32 v15, v0;
	v52 =	vpop (erf);
	v2 =	vadd.f32 v51, v2;
	v53 =	vmul.f32 $1.442695020e+00, v50  }
0x441: {  	v5 =	vmul.f32 v52, v5;
	v7 =	vnsel vm0, $0x0, v7  }
0x442: {  	v55 =	vmul.f32 $1.442695020e+00, v54;
	v56 =	vpop (erf);
	v2 =	vadd.f32 v7, v2;
	(erf) = vpow2.f32 v53  }
0x443: {  	v5 =	vnsel vm0, $0x0, v5;
	v4 =	vmul.f32 v56, v4  }
0x444: {  	(erf) = vpow2.f32 v55;
	v57 =	vpop (erf);
	v2 =	vadd.f32 v5, v2  }
0x445: {  	v4 =	vnsel vm0, $0x0, v4;
	v3 =	vmul.f32 v57, v3  }
0x446: {  	v2 =	vadd.f32 v4, v2;
	v58 =	vpop (erf)  }
0x447: {  	v3 =	vnsel vm0, $0x0, v3;
	v59 =	vmul.f32 v58, v9;
	v60 =	vpop (erf)  }
0x448: {  	v2 =	vadd.f32 v3, v2;
	v61 =	vmul.f32 v60, v40  }
0x449: {  	v3 =	vnsel vm0, $0x0, v59  }
0x44a: {  	v2 =	vadd.f32 v3, v2;
	v3 =	vnsel vm0, $0x0, v61  }
0x44b: {  	s12 =	sadd.s32 $0x1, s12;
	v62 =	vpop (erf)  }
0x44c: {  	p0 =	sne.s32 s12, $0xA;
	v63 =	vmul.f32 v62, v48  }
.Ltmp4:
0x44d: {  	v2 =	vadd.f32 v3, v2;
	v3 =	vpop (erf);
	(pc) =	sbr.rel @p0 .LBB2_2-.Ltmp4, $4  }
0x44e: {  	v4 =	vnsel vm0, $0x0, v63;
	v3 =	vmul.f32 v3, v15  }
0x44f: {  	v2 =	vadd.f32 v4, v2  }
0x450: {  	v3 =	vnsel vm0, $0x0, v3  }
0x451: {  	v2 =	vadd.f32 v3, v2  }
0x452: {  	s11 =	sadd.s32 $0x1, s11  }
0x453: {  	p0 =	sne.s32 s11, s6  }
.Ltmp5:
0x454: {  	[tilespmem:$0xC00] =	vst v2;
	(pc) =	sbr.rel @p0 .LBB2_1-.Ltmp5, $4  }
0x455: {  	[hbm4b:s5+s1] =	stream.linear.scatter [tilespmem:s10], [sflag:$0x1], $0x80, $0x38;
	[tilespmem:$0xC80] =	vst v63  }
0x456: {  	_ =	swait.ge [sflag:s9], $0x80  }
0x457: {  	[sflag:s9] =	ssyncset.done $0x0  }
0x458: {  	[sflag:s9] =	ssyncadd.s32 $0xFFFFFF80  }
0x459: {  	_ =	sfence.sel $0x180000  }
0x45a: {  	[bflag:$0x0] =	sbarrier.arrive $0xFFFF  }
0x45b: {  	p0 =	sne.s32 s2, $0x0;
	_ =	strace $0x90000047  }
0x45c: {  	s0 =	sadd.s32 @!p0 $0x100000, s0;
	[bflag:$0x2] =	sbarrier.arrive $0xFFFF  }
0x45d: {  	[sflag:s0] =	ssyncadd.tile.s32 @!p0 $0x1;
	_ =	shalt  }
.Lfunc_end2:
_tile_overlayer_lowered:
.L_overlay_start_2:
0x45e: {  	(tag) =	ssettag $0x2  }
0x45f: {  	s0 =	rddreg [dreg:$0x0];
	s2 =	stileid.u32  }
0x460: {  	s1 =	rddreg [dreg:$0x1];
	p0 =	sne.s32 s2, $0x0  }
0x461: {  	s3 =	rddreg [dreg:$0x2];
	[bflag:$0x3] =	sbarrier.arrive $0xFFFF;
	s2 =	simm.s32 @!p0 $0x1C01  }
0x462: {  	[timem:s3], [sflag:s2] =	dma.local @!p0 [hbm:s0], s1  }
0x463: {  	s0 =	simm.s32 @!p0 $0x1  }
0x464: {  	_ =	swait.ge @!p0 [sflag:s0], s1  }
0x465: {  	s1 =	ssub.s32 @!p0 $0x0, s1;
	[sflag:s0] =	ssyncset.done @!p0 $0x0  }
0x466: {  	[sflag:s0] =	ssyncadd.s32 @!p0 s1  }
0x467: {  	[bflag:$0x3] =	sbarrier.arrive $0xFFFF  }
0x468: {  	_ =	shalt  }

</sc_bundles>
